<compile_context>
chip_gen: v7x
topology: tpu7x:2x2x1
jax: 0.10.2.dev20260603
libtpu: 0.0.44.dev20260713+nightly
codegen_flags: <defaults>
</compile_context>

<pallas_src>
import functools

import jax
import jax.numpy as jnp
from jax import lax
from jax.experimental import pallas as pl
from jax.experimental.pallas import tpu as pltpu
from jax.experimental.pallas import tpu_sc as plsc

N = 10000
E = 320000
F = 128
B = 1024
K = 128
NCHUNK = E // K
NP = 10112
NC = 2
NS = 16
NW = NC * NS
T = 80
EPAD = T * NW * K
ROWS_PER_SUB = NP // NS

_mesh = plsc.VectorSubcoreMesh(core_axis_name="c", subcore_axis_name="s")


def _wid():
    return lax.axis_index("s") * NC + lax.axis_index("c")


@functools.partial(
    pl.kernel,
    out_type=jax.ShapeDtypeStruct((NC, NP, F), jnp.float32),
    mesh=_mesh,
    scratch_types=[
        pltpu.VMEM_SHARED((NP, F), jnp.float32),
        pltpu.VMEM((K, F), jnp.float32),
        pltpu.VMEM((K,), jnp.int32),
        pltpu.VMEM((K,), jnp.int32),
        pltpu.SemaphoreType.DMA,
        pltpu.SemaphoreType.DMA,
    ],
)
def _deg_kernel(dsta, dstb, dstc, zeros_hbm, m0, m1, m2, out,
                shd, mv, dv0, dv1, s0, s1):
    c = lax.axis_index("c")
    s = lax.axis_index("s")
    wid = _wid()
    dsts = [dsta, dstb, dstc]
    ms = [m0, m1, m2]
    dvs = [dv0, dv1]
    sems = [s0, s1]
    for j in range(5):
        cz = s + NS * j

        @pl.when(cz < NP // K)
        def _():
            pltpu.sync_copy(zeros_hbm, shd.at[pl.ds(cz * K, K)])

    plsc.subcore_barrier()
    base = wid * T
    for r in range(3):
        pltpu.sync_copy(ms[r], mv)
        pltpu.sync_copy(dsts[r].at[pl.ds(base * K, K)], dv0)

        def body(j0, carry):
            for b in range(2):
                j = 2 * j0 + b

                @pl.when(j >= 1)
                def _():
                    pltpu.make_async_copy(mv, shd.at[dvs[1 - b]],
                                          sems[1 - b]).wait()

                pltpu.async_copy(mv, shd.at[dvs[b]], sems[b], add=True)

                @pl.when(j + 1 < T)
                def _():
                    pltpu.sync_copy(
                        dsts[r].at[pl.ds((base + j + 1) * K, K)], dvs[1 - b])

            return carry

        lax.fori_loop(0, T // 2, body, 0)
        pltpu.make_async_copy(mv, shd.at[dvs[(T - 1) % 2]],
                              sems[(T - 1) % 2]).wait()
    plsc.subcore_barrier()
    pltpu.sync_copy(shd.at[pl.ds(s * ROWS_PER_SUB, ROWS_PER_SUB)],
                    out.at[c, pl.ds(s * ROWS_PER_SUB, ROWS_PER_SUB)])


@functools.partial(
    pl.kernel,
    out_type=jax.ShapeDtypeStruct((NC, 3, NP, F), jnp.float32),
    mesh=_mesh,
    scratch_types=[
        pltpu.VMEM_SHARED((NP, F), jnp.float32),
        pltpu.VMEM((K, F), jnp.float32),
        pltpu.VMEM((K, F), jnp.float32),
        pltpu.VMEM((T * K,), jnp.int32),
        pltpu.VMEM((K,), jnp.int32),
        pltpu.VMEM((K,), jnp.int32),
        pltpu.SemaphoreType.DMA,
        pltpu.SemaphoreType.DMA,
        pltpu.SemaphoreType.DMA,
        pltpu.SemaphoreType.DMA,
    ],
)
def _scatter_kernel(hp0, hp1, hp2, srca, srcb, srcc, dsta, dstb, dstc,
                    zeros_hbm, out, acc, rows0, rows1, svb, dv0, dv1,
                    sg0, sg1, ss0, ss1):
    c = lax.axis_index("c")
    s = lax.axis_index("s")
    wid = _wid()
    hps = [hp0, hp1, hp2]
    srcs = [srca, srcb, srcc]
    dsts = [dsta, dstb, dstc]
    rows = [rows0, rows1]
    dvs = [dv0, dv1]
    sgs = [sg0, sg1]
    sss = [ss0, ss1]
    base = wid * T
    for r in range(3):
        for j in range(5):
            cz = s + NS * j

            @pl.when(cz < NP // K)
            def _():
                pltpu.sync_copy(zeros_hbm, acc.at[pl.ds(cz * K, K)])

        plsc.subcore_barrier()
        pltpu.sync_copy(srcs[r].at[pl.ds(base * K, T * K)], svb)
        pltpu.sync_copy(dsts[r].at[pl.ds(base * K, K)], dv0)
        pltpu.async_copy(hps[r].at[svb.at[pl.ds(0, K)]], rows0, sg0)

        def body(j0, carry):
            for b in range(2):
                j = 2 * j0 + b
                pltpu.make_async_copy(hps[r].at[svb.at[pl.ds(0, K)]], rows[b],
                                      sgs[b]).wait()

                @pl.when(j >= 1)
                def _():
                    pltpu.make_async_copy(rows[1 - b], acc.at[dvs[1 - b]],
                                          sss[1 - b]).wait()

                pltpu.async_copy(rows[b], acc.at[dvs[b]], sss[b], add=True)

                @pl.when(j + 1 < T)
                def _():
                    pltpu.sync_copy(
                        dsts[r].at[pl.ds((base + j + 1) * K, K)], dvs[1 - b])
                    pltpu.async_copy(
                        hps[r].at[svb.at[pl.ds((j + 1) * K, K)]], rows[1 - b],
                        sgs[1 - b])

            return carry

        lax.fori_loop(0, T // 2, body, 0)
        pltpu.make_async_copy(rows[(T - 1) % 2], acc.at[dvs[(T - 1) % 2]],
                              sss[(T - 1) % 2]).wait()
        plsc.subcore_barrier()
        pltpu.sync_copy(acc.at[pl.ds(s * ROWS_PER_SUB, ROWS_PER_SUB)],
                        out.at[c, r, pl.ds(s * ROWS_PER_SUB, ROWS_PER_SUB)])
        if r < 2:
            plsc.subcore_barrier()


@functools.partial(
    pl.kernel,
    out_type=jax.ShapeDtypeStruct((B, F), jnp.float32),
    mesh=_mesh,
    scratch_types=[
        pltpu.VMEM((B // NW,), jnp.int32),
        pltpu.VMEM((B // NW, F), jnp.float32),
        pltpu.SemaphoreType.DMA,
    ],
)
def _gather_kernel(g_hbm, idx_hbm, out, idx_v, rows_v, sem):
    wid = _wid()
    base = wid * (B // NW)
    pltpu.sync_copy(idx_hbm.at[pl.ds(base, B // NW)], idx_v)
    pltpu.async_copy(g_hbm.at[idx_v], rows_v, sem).wait()
    pltpu.sync_copy(rows_v, out.at[pl.ds(base, B // NW)])


_BR = 1000


def _c1_body(x, dga, dgb, W0, W1, W2,
             hp0, hp1, hp2, dv0, dv1, dv2):
    Ws = [W0, W1, W2]
    hps = [hp0, hp1, hp2]
    dvs = [dv0, dv1, dv2]
    xb = x[...]
    for r in range(3):
        deg = dga[0, :, r:r + 1] + dgb[0, :, r:r + 1] + 1.0
        dinv = lax.rsqrt(deg)
        h = jnp.dot(xb, Ws[r][...], preferred_element_type=jnp.float32)
        hps[r][...] = h * dinv
        dvs[r][...] = dinv


def _c1(x, degp, W1s):
    spec_x = pl.BlockSpec((_BR, F), lambda i: (i, 0))
    spec_deg = [pl.BlockSpec((1, _BR, F), (lambda i, c=c: (c, i, 0)))
                for c in range(2)]
    spec_w = pl.BlockSpec((F, F), lambda i: (0, 0))
    spec_o = pl.BlockSpec((_BR, F), lambda i: (i, 0))
    spec_dv = pl.BlockSpec((_BR, 1), lambda i: (i, 0))
    return pl.pallas_call(
        _c1_body,
        grid=(N // _BR,),
        in_specs=[spec_x] + spec_deg + [spec_w] * 3,
        out_specs=[spec_o] * 3 + [spec_dv] * 3,
        out_shape=[jax.ShapeDtypeStruct((N, F), jnp.float32)] * 3
        + [jax.ShapeDtypeStruct((N, 1), jnp.float32)] * 3,
    )(x, degp, degp, *W1s)


def _ec_body(a00, a01, a10, a11, a20, a21, hp0, hp1, hp2,
             dv0, dv1, dv2, b0, b1, b2, W0, W1, W2, o0, o1, o2):
    accs = [(a00, a01), (a10, a11), (a20, a21)]
    hps = [hp0, hp1, hp2]
    dvs = [dv0, dv1, dv2]
    bs = [b0, b1, b2]
    Ws = [W0, W1, W2]
    outs = [o0, o1, o2]
    h = None
    for r in range(3):
        acc = accs[r][0][0, 0] + accs[r][1][0, 0]
        full = (acc + hps[r][...]) * dvs[r][...] + bs[r][...]
        v = jnp.maximum(full, 0.0)
        h = v if h is None else jnp.maximum(h, v)
    for r in range(3):
        o = jnp.dot(h, Ws[r][...], preferred_element_type=jnp.float32)
        outs[r][...] = o * dvs[r][...]


def _acc_specs():
    return [pl.BlockSpec((1, 1, _BR, F),
                         (lambda i, c=c, r=r: (c, r, i, 0)))
            for r in range(3) for c in range(2)]


def _ec(accp, hps, dvs, bs, W2s):
    spec_h = pl.BlockSpec((_BR, F), lambda i: (i, 0))
    spec_dv = pl.BlockSpec((_BR, 1), lambda i: (i, 0))
    spec_b = pl.BlockSpec((1, F), lambda i: (0, 0))
    spec_w = pl.BlockSpec((F, F), lambda i: (0, 0))
    return pl.pallas_call(
        _ec_body,
        grid=(N // _BR,),
        in_specs=_acc_specs() + [spec_h] * 3 + [spec_dv] * 3
        + [spec_b] * 3 + [spec_w] * 3,
        out_specs=[spec_h] * 3,
        out_shape=[jax.ShapeDtypeStruct((N, F), jnp.float32)] * 3,
    )(accp, accp, accp, accp, accp, accp, *hps, *dvs, *bs, *W2s)


def _e2_body(a00, a01, a10, a11, a20, a21, hp0, hp1, hp2,
             dv0, dv1, dv2, b0, b1, b2, g):
    accs = [(a00, a01), (a10, a11), (a20, a21)]
    hps = [hp0, hp1, hp2]
    dvs = [dv0, dv1, dv2]
    bs = [b0, b1, b2]
    h = None
    for r in range(3):
        acc = accs[r][0][0, 0] + accs[r][1][0, 0]
        full = (acc + hps[r][...]) * dvs[r][...] + bs[r][...]
        v = jnp.maximum(full, 0.0)
        h = v if h is None else jnp.maximum(h, v)
    g[...] = h


def _e2(accp, hps, dvs, bs):
    spec_h = pl.BlockSpec((_BR, F), lambda i: (i, 0))
    spec_dv = pl.BlockSpec((_BR, 1), lambda i: (i, 0))
    spec_b = pl.BlockSpec((1, F), lambda i: (0, 0))
    return pl.pallas_call(
        _e2_body,
        grid=(N // _BR,),
        in_specs=_acc_specs() + [spec_h] * 3 + [spec_dv] * 3 + [spec_b] * 3,
        out_specs=spec_h,
        out_shape=jax.ShapeDtypeStruct((N, F), jnp.float32),
    )(accp, accp, accp, accp, accp, accp, *hps, *dvs, *bs)


def kernel(x, syntactic_edge_index, sequential_edge_index, semantic_edge_index,
           index, W1_syn, b1_syn, W1_seq, b1_seq, W1_sem, b1_sem,
           W2_syn, b2_syn, W2_seq, b2_seq, W2_sem, b2_sem):
    es = [syntactic_edge_index, sequential_edge_index, semantic_edge_index]
    pad_src = jnp.arange(EPAD - E, dtype=jnp.int32) % N
    pad_dst = N + jnp.arange(EPAD - E, dtype=jnp.int32) % (NP - N)
    srcs = [jnp.concatenate([e[0], pad_src]) for e in es]
    dsts = [jnp.concatenate([e[1], pad_dst]) for e in es]
    zeros128 = jnp.zeros((K, F), jnp.float32)
    lane = lax.broadcasted_iota(jnp.int32, (K, F), 1)
    masks = [(lane == r).astype(jnp.float32) for r in range(3)]

    degp = _deg_kernel(dsts[0], dsts[1], dsts[2], zeros128, *masks)

    W1s = [W1_syn, W1_seq, W1_sem]
    b1s = [b1_syn.reshape(1, F), b1_seq.reshape(1, F), b1_sem.reshape(1, F)]
    W2s = [W2_syn, W2_seq, W2_sem]
    b2s = [b2_syn.reshape(1, F), b2_seq.reshape(1, F), b2_sem.reshape(1, F)]

    hp0, hp1, hp2, dv0, dv1, dv2 = _c1(x, degp, W1s)

    acc1 = _scatter_kernel(hp0, hp1, hp2, *srcs, *dsts, zeros128)

    h2p = _ec(acc1, [hp0, hp1, hp2], [dv0, dv1, dv2], b1s, W2s)

    acc2 = _scatter_kernel(h2p[0], h2p[1], h2p[2], *srcs, *dsts, zeros128)

    g = _e2(acc2, h2p, [dv0, dv1, dv2], b2s)
    return _gather_kernel(g, index)

# --- scband reference (transcript-rebuilt; emitter-appended) ---
"""Pipeline reference for scband-graph-model-15015205666995 (READ-ONLY COPY).

The authoritative reference and input builder live on the scoring server;
editing this copy changes nothing except your own understanding.
"""

import jax, jax.numpy as jnp
import numpy as np

N = 10000
E = 320000
F = 128
H = 128
B = 1024


def _gcn_conv(x, edge_index, W, b):
    num_nodes = x.shape[0]
    src = edge_index[0]
    dst = edge_index[1]
    # add self-loops (PyG GCNConv default)
    loop = jnp.arange(num_nodes, dtype=src.dtype)
    src = jnp.concatenate([src, loop])
    dst = jnp.concatenate([dst, loop])
    # symmetric normalization D^{-1/2} A_hat D^{-1/2}
    deg = jnp.zeros((num_nodes,), dtype=x.dtype).at[dst].add(1.0)
    dinv = jnp.where(deg > 0, deg ** -0.5, 0.0)
    norm = dinv[src] * dinv[dst]
    h = x @ W
    msgs = h[src] * norm[:, None]
    out = jnp.zeros((num_nodes, h.shape[1]), dtype=x.dtype).at[dst].add(msgs)
    return out + b


def setup_inputs(seed: int = 0) -> dict:
    key = jax.random.key(seed)
    ks = jax.random.split(key, 20)
    x = jax.random.normal(ks[0], (N, F), dtype=jnp.float32)
    e_syn = jax.random.randint(ks[1], (2, E), 0, N, dtype=jnp.int32)
    e_seq = jax.random.randint(ks[2], (2, E), 0, N, dtype=jnp.int32)
    e_sem = jax.random.randint(ks[3], (2, E), 0, N, dtype=jnp.int32)
    index = jax.random.randint(ks[4], (B,), 0, N, dtype=jnp.int32)
    s1 = 1.0 / np.sqrt(F)
    s2 = 1.0 / np.sqrt(H)
    return {
        'x': x,
        'syntactic_edge_index': e_syn,
        'sequential_edge_index': e_seq,
        'semantic_edge_index': e_sem,
        'index': index,
        'W1_syn': jax.random.normal(ks[5], (F, H), dtype=jnp.float32) * s1,
        'b1_syn': jnp.zeros((H,), dtype=jnp.float32),
        'W1_seq': jax.random.normal(ks[6], (F, H), dtype=jnp.float32) * s1,
        'b1_seq': jnp.zeros((H,), dtype=jnp.float32),
        'W1_sem': jax.random.normal(ks[7], (F, H), dtype=jnp.float32) * s1,
        'b1_sem': jnp.zeros((H,), dtype=jnp.float32),
        'W2_syn': jax.random.normal(ks[8], (H, H), dtype=jnp.float32) * s2,
        'b2_syn': jnp.zeros((H,), dtype=jnp.float32),
        'W2_seq': jax.random.normal(ks[9], (H, H), dtype=jnp.float32) * s2,
        'b2_seq': jnp.zeros((H,), dtype=jnp.float32),
        'W2_sem': jax.random.normal(ks[10], (H, H), dtype=jnp.float32) * s2,
        'b2_sem': jnp.zeros((H,), dtype=jnp.float32),
    }


def reference(x, syntactic_edge_index, sequential_edge_index, semantic_edge_index, index,
              W1_syn, b1_syn, W1_seq, b1_seq, W1_sem, b1_sem,
              W2_syn, b2_syn, W2_seq, b2_seq, W2_sem, b2_sem):
    # layer 1 (dropout is identity in eval mode)
    h_syn = jax.nn.relu(_gcn_conv(x, syntactic_edge_index, W1_syn, b1_syn))
    h_seq = jax.nn.relu(_gcn_conv(x, sequential_edge_index, W1_seq, b1_seq))
    h_sem = jax.nn.relu(_gcn_conv(x, semantic_edge_index, W1_sem, b1_sem))
    h = jnp.maximum(jnp.maximum(h_syn, h_seq), h_sem)
    # layer 2
    g_syn = jax.nn.relu(_gcn_conv(h, syntactic_edge_index, W2_syn, b2_syn))
    g_seq = jax.nn.relu(_gcn_conv(h, sequential_edge_index, W2_seq, b2_seq))
    g_sem = jax.nn.relu(_gcn_conv(h, semantic_edge_index, W2_sem, b2_sem))
    g = jnp.maximum(jnp.maximum(g_syn, g_seq), g_sem)
    return g[index]

if __name__ == "__main__":
    import jax
    _d = setup_inputs()
    print(jax.jit(kernel)(*tuple(_d.values())))

</pallas_src>

<mosaic_0001>
#map = affine_map<(d0, d1) -> (0, 0)>
#map1 = affine_map<(d0, d1) -> (0)>
module attributes {stable_mosaic.version = 14 : i64} {
  func.func @_gather_kernel(%arg0: i32, %arg1: i32, %arg2: memref<10000x128xf32, #tpu.memory_space<hbm>>, %arg3: memref<1024xi32, #tpu.memory_space<hbm>>, %arg4: memref<1024x128xf32, #tpu.memory_space<hbm>>, %arg5: memref<32xi32, #tpu.memory_space<vmem>>, %arg6: memref<32x128xf32, #tpu.memory_space<vmem>>, %arg7: memref<!tpu.dma_semaphore, #tpu.memory_space<semaphore_mem>>) attributes {dimension_semantics = [#tpu.dimension_semantics<core_parallel>, #tpu.dimension_semantics<subcore_parallel>], iteration_bounds = array<i64: 2, 16>, scalar_prefetch = 0 : i64, scratch_operands = 3 : i64, tpu.core_type = #tpu.core_type<sc_vector_subcore>, window_params = [{transform_indices = #map}, {transform_indices = #map1}, {transform_indices = #map}]} {
    %mul3A = arith.constant 2 : i32
    %mul3A_0 = arith.muli %arg1, %mul3A : i32
    %add3A = arith.addi %mul3A_0, %arg0 : i32
    %mul3A_1 = arith.constant 32 : i32
    %mul3A_2 = arith.muli %add3A, %mul3A_1 : i32
    "tpu.region"() ({
      %run_scoped3A = tpu.sem_alloc : memref<!tpu.dma_semaphore, #tpu.memory_space<semaphore_mem>>
      %dma_start3A_7 = tpu.memref_slice %arg3[%mul3A_2] : memref<1024xi32, #tpu.memory_space<hbm>> -> memref<32xi32, #tpu.memory_space<hbm>>
      %dma_start3A_8 = tpu.memref_slice %arg3[%mul3A_2] : memref<1024xi32, #tpu.memory_space<hbm>> -> memref<32xi32, #tpu.memory_space<hbm>>
      tpu.enqueue_dma source(%dma_start3A_8 : memref<32xi32, #tpu.memory_space<hbm>>) target(%arg5 : memref<32xi32, #tpu.memory_space<vmem>>) target_semaphore(%run_scoped3A : memref<!tpu.dma_semaphore, #tpu.memory_space<semaphore_mem>>)
      %dma_wait3A_9 = tpu.memref_slice %arg3[%mul3A_2] : memref<1024xi32, #tpu.memory_space<hbm>> -> memref<32xi32, #tpu.memory_space<hbm>>
      %dma_wait3A_10 = tpu.memref_slice %arg3[%mul3A_2] : memref<1024xi32, #tpu.memory_space<hbm>> -> memref<32xi32, #tpu.memory_space<hbm>>
      tpu.wait_dma2 semaphore(%run_scoped3A : memref<!tpu.dma_semaphore, #tpu.memory_space<semaphore_mem>>) src(%dma_wait3A_10 : memref<32xi32, #tpu.memory_space<hbm>>) dst(%arg5 : memref<32xi32, #tpu.memory_space<vmem>>)
      tpu.yield
    }) : () -> ()
    %dma_start3A = arith.constant 0 : i32
    %dma_start3A_3 = arith.constant 0 : i32
    %dma_start3A_4 = tpu.memref_slice %arg2[%dma_start3A, %dma_start3A_3] : memref<10000x128xf32, #tpu.memory_space<hbm>> -> memref<10000x128xf32, #tpu.memory_space<hbm>>
    tpu.enqueue_indirect_dma source(%dma_start3A_4 : memref<10000x128xf32, #tpu.memory_space<hbm>>) target(%arg6 : memref<32x128xf32, #tpu.memory_space<vmem>>) offsets(%arg5 : memref<32xi32, #tpu.memory_space<vmem>>) semaphore(%arg7 : memref<!tpu.dma_semaphore, #tpu.memory_space<semaphore_mem>>)
    %dma_wait3A = arith.constant 0 : i32
    %dma_wait3A_5 = arith.constant 0 : i32
    %dma_wait3A_6 = tpu.memref_slice %arg2[%dma_wait3A, %dma_wait3A_5] : memref<10000x128xf32, #tpu.memory_space<hbm>> -> memref<10000x128xf32, #tpu.memory_space<hbm>>
    tpu.wait_indirect_dma semaphore(%arg7 : memref<!tpu.dma_semaphore, #tpu.memory_space<semaphore_mem>>) src(%dma_wait3A_6 : memref<10000x128xf32, #tpu.memory_space<hbm>>) dst(%arg6 : memref<32x128xf32, #tpu.memory_space<vmem>>)
    "tpu.region"() ({
      %run_scoped3A = tpu.sem_alloc : memref<!tpu.dma_semaphore, #tpu.memory_space<semaphore_mem>>
      %dma_start3A_7 = arith.constant 0 : i32
      %dma_start3A_8 = tpu.memref_slice %arg4[%mul3A_2, %dma_start3A_7] : memref<1024x128xf32, #tpu.memory_space<hbm>> -> memref<32x128xf32, #tpu.memory_space<hbm>>
      %dma_start3A_9 = arith.constant 0 : i32
      %dma_start3A_10 = tpu.memref_slice %arg4[%mul3A_2, %dma_start3A_9] : memref<1024x128xf32, #tpu.memory_space<hbm>> -> memref<32x128xf32, #tpu.memory_space<hbm>>
      tpu.enqueue_dma source(%arg6 : memref<32x128xf32, #tpu.memory_space<vmem>>) target(%dma_start3A_10 : memref<32x128xf32, #tpu.memory_space<hbm>>) target_semaphore(%run_scoped3A : memref<!tpu.dma_semaphore, #tpu.memory_space<semaphore_mem>>)
      %dma_wait3A_11 = arith.constant 0 : i32
      %dma_wait3A_12 = tpu.memref_slice %arg4[%mul3A_2, %dma_wait3A_11] : memref<1024x128xf32, #tpu.memory_space<hbm>> -> memref<32x128xf32, #tpu.memory_space<hbm>>
      %dma_wait3A_13 = arith.constant 0 : i32
      %dma_wait3A_14 = tpu.memref_slice %arg4[%mul3A_2, %dma_wait3A_13] : memref<1024x128xf32, #tpu.memory_space<hbm>> -> memref<32x128xf32, #tpu.memory_space<hbm>>
      tpu.wait_dma2 semaphore(%run_scoped3A : memref<!tpu.dma_semaphore, #tpu.memory_space<semaphore_mem>>) src(%arg6 : memref<32x128xf32, #tpu.memory_space<vmem>>) dst(%dma_wait3A_14 : memref<32x128xf32, #tpu.memory_space<hbm>>)
      tpu.yield
    }) : () -> ()
    return
  }
}

#map = affine_map<(d0, d1) -> (0)>
#map1 = affine_map<(d0, d1) -> (0, 0)>
#map2 = affine_map<(d0, d1) -> (0, 0, 0)>
module attributes {stable_mosaic.version = 14 : i64} {
  func.func @_deg_kernel(%arg0: i32, %arg1: i32, %arg2: memref<327680xi32, #tpu.memory_space<hbm>>, %arg3: memref<327680xi32, #tpu.memory_space<hbm>>, %arg4: memref<327680xi32, #tpu.memory_space<hbm>>, %arg5: memref<128x128xf32, #tpu.memory_space<hbm>>, %arg6: memref<128x128xf32, #tpu.memory_space<hbm>>, %arg7: memref<128x128xf32, #tpu.memory_space<hbm>>, %arg8: memref<128x128xf32, #tpu.memory_space<hbm>>, %arg9: memref<2x10112x128xf32, #tpu.memory_space<hbm>>, %arg10: memref<10112x128xf32, #tpu.memory_space<vmem_shared>>, %arg11: memref<128x128xf32, #tpu.memory_space<vmem>>, %arg12: memref<128xi32, #tpu.memory_space<vmem>>, %arg13: memref<128xi32, #tpu.memory_space<vmem>>, %arg14: memref<!tpu.dma_semaphore, #tpu.memory_space<semaphore_mem>>, %arg15: memref<!tpu.dma_semaphore, #tpu.memory_space<semaphore_mem>>) attributes {dimension_semantics = [#tpu.dimension_semantics<core_parallel>, #tpu.dimension_semantics<subcore_parallel>], iteration_bounds = array<i64: 2, 16>, scalar_prefetch = 0 : i64, scratch_operands = 6 : i64, tpu.core_type = #tpu.core_type<sc_vector_subcore>, window_params = [{transform_indices = #map}, {transform_indices = #map}, {transform_indices = #map}, {transform_indices = #map1}, {transform_indices = #map1}, {transform_indices = #map1}, {transform_indices = #map1}, {transform_indices = #map2}]} {
    %mul3A = arith.constant 2 : i32
    %mul3A_0 = arith.muli %arg1, %mul3A : i32
    %add3A = arith.addi %mul3A_0, %arg0 : i32
    %add3A_1 = arith.constant 0 : i32
    %add3A_2 = arith.addi %arg1, %add3A_1 : i32
    %lt3A = arith.constant 79 : i32
    %lt3A_3 = arith.cmpi slt, %add3A_2, %lt3A : i32
    %convert_element_type3A = arith.extui %lt3A_3 : i1 to i32
    %cond3A = arith.constant 0 : i32
    %cond3A_4 = arith.cmpi ne, %convert_element_type3A, %cond3A : i32
    scf.if %cond3A_4 {
      %mul3A_71 = arith.constant 128 : i32
      %mul3A_72 = arith.muli %add3A_2, %mul3A_71 : i32
      "tpu.region"() ({
        %run_scoped3A = tpu.sem_alloc : memref<!tpu.dma_semaphore, #tpu.memory_space<semaphore_mem>>
        %dma_start3A = arith.constant 0 : i32
        %dma_start3A_73 = tpu.memref_slice %arg10[%mul3A_72, %dma_start3A] : memref<10112x128xf32, #tpu.memory_space<vmem_shared>> -> memref<128x128xf32, #tpu.memory_space<vmem_shared>>
        tpu.enqueue_dma source(%arg5 : memref<128x128xf32, #tpu.memory_space<hbm>>) target(%dma_start3A_73 : memref<128x128xf32, #tpu.memory_space<vmem_shared>>) target_semaphore(%run_scoped3A : memref<!tpu.dma_semaphore, #tpu.memory_space<semaphore_mem>>)
        %dma_wait3A_74 = arith.constant 0 : i32
        %dma_wait3A_75 = tpu.memref_slice %arg10[%mul3A_72, %dma_wait3A_74] : memref<10112x128xf32, #tpu.memory_space<vmem_shared>> -> memref<128x128xf32, #tpu.memory_space<vmem_shared>>
        tpu.wait_dma2 semaphore(%run_scoped3A : memref<!tpu.dma_semaphore, #tpu.memory_space<semaphore_mem>>) src(%arg5 : memref<128x128xf32, #tpu.memory_space<hbm>>) dst(%dma_wait3A_75 : memref<128x128xf32, #tpu.memory_space<vmem_shared>>)
        tpu.yield
      }) : () -> ()
    } else {
    }
    %add3A_5 = arith.constant 16 : i32
    %add3A_6 = arith.addi %arg1, %add3A_5 : i32
    %lt3A_7 = arith.constant 79 : i32
    %lt3A_8 = arith.cmpi slt, %add3A_6, %lt3A_7 : i32
    %convert_element_type3A_9 = arith.extui %lt3A_8 : i1 to i32
    %cond3A_10 = arith.constant 0 : i32
    %cond3A_11 = arith.cmpi ne, %convert_element_type3A_9, %cond3A_10 : i32
    scf.if %cond3A_11 {
      %mul3A_71 = arith.constant 128 : i32
      %mul3A_72 = arith.muli %add3A_6, %mul3A_71 : i32
      "tpu.region"() ({
        %run_scoped3A = tpu.sem_alloc : memref<!tpu.dma_semaphore, #tpu.memory_space<semaphore_mem>>
        %dma_start3A = arith.constant 0 : i32
        %dma_start3A_73 = tpu.memref_slice %arg10[%mul3A_72, %dma_start3A] : memref<10112x128xf32, #tpu.memory_space<vmem_shared>> -> memref<128x128xf32, #tpu.memory_space<vmem_shared>>
        tpu.enqueue_dma source(%arg5 : memref<128x128xf32, #tpu.memory_space<hbm>>) target(%dma_start3A_73 : memref<128x128xf32, #tpu.memory_space<vmem_shared>>) target_semaphore(%run_scoped3A : memref<!tpu.dma_semaphore, #tpu.memory_space<semaphore_mem>>)
        %dma_wait3A_74 = arith.constant 0 : i32
        %dma_wait3A_75 = tpu.memref_slice %arg10[%mul3A_72, %dma_wait3A_74] : memref<10112x128xf32, #tpu.memory_space<vmem_shared>> -> memref<128x128xf32, #tpu.memory_space<vmem_shared>>
        tpu.wait_dma2 semaphore(%run_scoped3A : memref<!tpu.dma_semaphore, #tpu.memory_space<semaphore_mem>>) src(%arg5 : memref<128x128xf32, #tpu.memory_space<hbm>>) dst(%dma_wait3A_75 : memref<128x128xf32, #tpu.memory_space<vmem_shared>>)
        tpu.yield
      }) : () -> ()
    } else {
    }
    %add3A_12 = arith.constant 32 : i32
    %add3A_13 = arith.addi %arg1, %add3A_12 : i32
    %lt3A_14 = arith.constant 79 : i32
    %lt3A_15 = arith.cmpi slt, %add3A_13, %lt3A_14 : i32
    %convert_element_type3A_16 = arith.extui %lt3A_15 : i1 to i32
    %cond3A_17 = arith.constant 0 : i32
    %cond3A_18 = arith.cmpi ne, %convert_element_type3A_16, %cond3A_17 : i32
    scf.if %cond3A_18 {
      %mul3A_71 = arith.constant 128 : i32
      %mul3A_72 = arith.muli %add3A_13, %mul3A_71 : i32
      "tpu.region"() ({
        %run_scoped3A = tpu.sem_alloc : memref<!tpu.dma_semaphore, #tpu.memory_space<semaphore_mem>>
        %dma_start3A = arith.constant 0 : i32
        %dma_start3A_73 = tpu.memref_slice %arg10[%mul3A_72, %dma_start3A] : memref<10112x128xf32, #tpu.memory_space<vmem_shared>> -> memref<128x128xf32, #tpu.memory_space<vmem_shared>>
        tpu.enqueue_dma source(%arg5 : memref<128x128xf32, #tpu.memory_space<hbm>>) target(%dma_start3A_73 : memref<128x128xf32, #tpu.memory_space<vmem_shared>>) target_semaphore(%run_scoped3A : memref<!tpu.dma_semaphore, #tpu.memory_space<semaphore_mem>>)
        %dma_wait3A_74 = arith.constant 0 : i32
        %dma_wait3A_75 = tpu.memref_slice %arg10[%mul3A_72, %dma_wait3A_74] : memref<10112x128xf32, #tpu.memory_space<vmem_shared>> -> memref<128x128xf32, #tpu.memory_space<vmem_shared>>
        tpu.wait_dma2 semaphore(%run_scoped3A : memref<!tpu.dma_semaphore, #tpu.memory_space<semaphore_mem>>) src(%arg5 : memref<128x128xf32, #tpu.memory_space<hbm>>) dst(%dma_wait3A_75 : memref<128x128xf32, #tpu.memory_space<vmem_shared>>)
        tpu.yield
      }) : () -> ()
    } else {
    }
    %add3A_19 = arith.constant 48 : i32
    %add3A_20 = arith.addi %arg1, %add3A_19 : i32
    %lt3A_21 = arith.constant 79 : i32
    %lt3A_22 = arith.cmpi slt, %add3A_20, %lt3A_21 : i32
    %convert_element_type3A_23 = arith.extui %lt3A_22 : i1 to i32
    %cond3A_24 = arith.constant 0 : i32
    %cond3A_25 = arith.cmpi ne, %convert_element_type3A_23, %cond3A_24 : i32
    scf.if %cond3A_25 {
      %mul3A_71 = arith.constant 128 : i32
      %mul3A_72 = arith.muli %add3A_20, %mul3A_71 : i32
      "tpu.region"() ({
        %run_scoped3A = tpu.sem_alloc : memref<!tpu.dma_semaphore, #tpu.memory_space<semaphore_mem>>
        %dma_start3A = arith.constant 0 : i32
        %dma_start3A_73 = tpu.memref_slice %arg10[%mul3A_72, %dma_start3A] : memref<10112x128xf32, #tpu.memory_space<vmem_shared>> -> memref<128x128xf32, #tpu.memory_space<vmem_shared>>
        tpu.enqueue_dma source(%arg5 : memref<128x128xf32, #tpu.memory_space<hbm>>) target(%dma_start3A_73 : memref<128x128xf32, #tpu.memory_space<vmem_shared>>) target_semaphore(%run_scoped3A : memref<!tpu.dma_semaphore, #tpu.memory_space<semaphore_mem>>)
        %dma_wait3A_74 = arith.constant 0 : i32
        %dma_wait3A_75 = tpu.memref_slice %arg10[%mul3A_72, %dma_wait3A_74] : memref<10112x128xf32, #tpu.memory_space<vmem_shared>> -> memref<128x128xf32, #tpu.memory_space<vmem_shared>>
        tpu.wait_dma2 semaphore(%run_scoped3A : memref<!tpu.dma_semaphore, #tpu.memory_space<semaphore_mem>>) src(%arg5 : memref<128x128xf32, #tpu.memory_space<hbm>>) dst(%dma_wait3A_75 : memref<128x128xf32, #tpu.memory_space<vmem_shared>>)
        tpu.yield
      }) : () -> ()
    } else {
    }
    %add3A_26 = arith.constant 64 : i32
    %add3A_27 = arith.addi %arg1, %add3A_26 : i32
    %lt3A_28 = arith.constant 79 : i32
    %lt3A_29 = arith.cmpi slt, %add3A_27, %lt3A_28 : i32
    %convert_element_type3A_30 = arith.extui %lt3A_29 : i1 to i32
    %cond3A_31 = arith.constant 0 : i32
    %cond3A_32 = arith.cmpi ne, %convert_element_type3A_30, %cond3A_31 : i32
    scf.if %cond3A_32 {
      %mul3A_71 = arith.constant 128 : i32
      %mul3A_72 = arith.muli %add3A_27, %mul3A_71 : i32
      "tpu.region"() ({
        %run_scoped3A = tpu.sem_alloc : memref<!tpu.dma_semaphore, #tpu.memory_space<semaphore_mem>>
        %dma_start3A = arith.constant 0 : i32
        %dma_start3A_73 = tpu.memref_slice %arg10[%mul3A_72, %dma_start3A] : memref<10112x128xf32, #tpu.memory_space<vmem_shared>> -> memref<128x128xf32, #tpu.memory_space<vmem_shared>>
        tpu.enqueue_dma source(%arg5 : memref<128x128xf32, #tpu.memory_space<hbm>>) target(%dma_start3A_73 : memref<128x128xf32, #tpu.memory_space<vmem_shared>>) target_semaphore(%run_scoped3A : memref<!tpu.dma_semaphore, #tpu.memory_space<semaphore_mem>>)
        %dma_wait3A_74 = arith.constant 0 : i32
        %dma_wait3A_75 = tpu.memref_slice %arg10[%mul3A_72, %dma_wait3A_74] : memref<10112x128xf32, #tpu.memory_space<vmem_shared>> -> memref<128x128xf32, #tpu.memory_space<vmem_shared>>
        tpu.wait_dma2 semaphore(%run_scoped3A : memref<!tpu.dma_semaphore, #tpu.memory_space<semaphore_mem>>) src(%arg5 : memref<128x128xf32, #tpu.memory_space<hbm>>) dst(%dma_wait3A_75 : memref<128x128xf32, #tpu.memory_space<vmem_shared>>)
        tpu.yield
      }) : () -> ()
    } else {
    }
    %barrier3A = arith.constant 0 : index
    tpu.barrier barrier_id(%barrier3A)
    %mul3A_33 = arith.constant 80 : i32
    %mul3A_34 = arith.muli %add3A, %mul3A_33 : i32
    "tpu.region"() ({
      %run_scoped3A = tpu.sem_alloc : memref<!tpu.dma_semaphore, #tpu.memory_space<semaphore_mem>>
      tpu.enqueue_dma source(%arg6 : memref<128x128xf32, #tpu.memory_space<hbm>>) target(%arg11 : memref<128x128xf32, #tpu.memory_space<vmem>>) target_semaphore(%run_scoped3A : memref<!tpu.dma_semaphore, #tpu.memory_space<semaphore_mem>>)
      tpu.wait_dma2 semaphore(%run_scoped3A : memref<!tpu.dma_semaphore, #tpu.memory_space<semaphore_mem>>) src(%arg6 : memref<128x128xf32, #tpu.memory_space<hbm>>) dst(%arg11 : memref<128x128xf32, #tpu.memory_space<vmem>>)
      tpu.yield
    }) : () -> ()
    %mul3A_35 = arith.constant 128 : i32
    %mul3A_36 = arith.muli %mul3A_34, %mul3A_35 : i32
    "tpu.region"() ({
      %run_scoped3A = tpu.sem_alloc : memref<!tpu.dma_semaphore, #tpu.memory_space<semaphore_mem>>
      %dma_start3A = tpu.memref_slice %arg2[%mul3A_36] : memref<327680xi32, #tpu.memory_space<hbm>> -> memref<128xi32, #tpu.memory_space<hbm>>
      %dma_start3A_71 = tpu.memref_slice %arg2[%mul3A_36] : memref<327680xi32, #tpu.memory_space<hbm>> -> memref<128xi32, #tpu.memory_space<hbm>>
      tpu.enqueue_dma source(%dma_start3A_71 : memref<128xi32, #tpu.memory_space<hbm>>) target(%arg12 : memref<128xi32, #tpu.memory_space<vmem>>) target_semaphore(%run_scoped3A : memref<!tpu.dma_semaphore, #tpu.memory_space<semaphore_mem>>)
      %dma_wait3A_72 = tpu.memref_slice %arg2[%mul3A_36] : memref<327680xi32, #tpu.memory_space<hbm>> -> memref<128xi32, #tpu.memory_space<hbm>>
      %dma_wait3A_73 = tpu.memref_slice %arg2[%mul3A_36] : memref<327680xi32, #tpu.memory_space<hbm>> -> memref<128xi32, #tpu.memory_space<hbm>>
      tpu.wait_dma2 semaphore(%run_scoped3A : memref<!tpu.dma_semaphore, #tpu.memory_space<semaphore_mem>>) src(%dma_wait3A_73 : memref<128xi32, #tpu.memory_space<hbm>>) dst(%arg12 : memref<128xi32, #tpu.memory_space<vmem>>)
      tpu.yield
    }) : () -> ()
    %scan3A = arith.constant 0 : i32
    %scan3A_37 = arith.constant 0 : i32
    %scan3A_38 = arith.constant 40 : i32
    %scan3A_39 = arith.addi %scan3A_37, %scan3A_38 : i32
    %scan3A_40 = arith.constant 1 : i32
    scf.for %scan3A_71 = %scan3A_37 to %scan3A_39 step %scan3A_40  : i32 {
      %mul3A_72 = arith.constant 2 : i32
      %mul3A_73 = arith.muli %mul3A_72, %scan3A_71 : i32
      %add3A_74 = arith.constant 0 : i32
      %add3A_75 = arith.addi %mul3A_73, %add3A_74 : i32
      %ge3A = arith.constant 1 : i32
      %ge3A_76 = arith.cmpi sge, %add3A_75, %ge3A : i32
      %convert_element_type3A_77 = arith.extui %ge3A_76 : i1 to i32
      %cond3A_78 = arith.constant 0 : i32
      %cond3A_79 = arith.cmpi ne, %convert_element_type3A_77, %cond3A_78 : i32
      scf.if %cond3A_79 {
        %dma_wait3A_108 = arith.constant 0 : i32
        %dma_wait3A_109 = arith.constant 0 : i32
        %dma_wait3A_110 = tpu.memref_slice %arg10[%dma_wait3A_108, %dma_wait3A_109] : memref<10112x128xf32, #tpu.memory_space<vmem_shared>> -> memref<10112x128xf32, #tpu.memory_space<vmem_shared>>
        tpu.wait_indirect_dma semaphore(%arg15 : memref<!tpu.dma_semaphore, #tpu.memory_space<semaphore_mem>>) src(%arg11 : memref<128x128xf32, #tpu.memory_space<vmem>>) dst(%dma_wait3A_110 : memref<10112x128xf32, #tpu.memory_space<vmem_shared>>)
      } else {
      }
      %dma_start3A = arith.constant 0 : i32
      %dma_start3A_80 = arith.constant 0 : i32
      %dma_start3A_81 = tpu.memref_slice %arg10[%dma_start3A, %dma_start3A_80] : memref<10112x128xf32, #tpu.memory_space<vmem_shared>> -> memref<10112x128xf32, #tpu.memory_space<vmem_shared>>
      tpu.enqueue_indirect_dma source(%arg11 : memref<128x128xf32, #tpu.memory_space<vmem>>) target(%dma_start3A_81 : memref<10112x128xf32, #tpu.memory_space<vmem_shared>>) offsets(%arg12 : memref<128xi32, #tpu.memory_space<vmem>>) semaphore(%arg14 : memref<!tpu.dma_semaphore, #tpu.memory_space<semaphore_mem>>) {add = true}
      %add3A_82 = arith.constant 1 : i32
      %add3A_83 = arith.addi %add3A_75, %add3A_82 : i32
      %lt3A_84 = arith.constant 80 : i32
      %lt3A_85 = arith.cmpi slt, %add3A_83, %lt3A_84 : i32
      %convert_element_type3A_86 = arith.extui %lt3A_85 : i1 to i32
      %cond3A_87 = arith.constant 0 : i32
      %cond3A_88 = arith.cmpi ne, %convert_element_type3A_86, %cond3A_87 : i32
      scf.if %cond3A_88 {
        %add3A_108 = arith.addi %mul3A_34, %add3A_75 : i32
        %add3A_109 = arith.constant 1 : i32
        %add3A_110 = arith.addi %add3A_108, %add3A_109 : i32
        %mul3A_111 = arith.constant 128 : i32
        %mul3A_112 = arith.muli %add3A_110, %mul3A_111 : i32
        "tpu.region"() ({
          %run_scoped3A = tpu.sem_alloc : memref<!tpu.dma_semaphore, #tpu.memory_space<semaphore_mem>>
          %dma_start3A_113 = tpu.memref_slice %arg2[%mul3A_112] : memref<327680xi32, #tpu.memory_space<hbm>> -> memref<128xi32, #tpu.memory_space<hbm>>
          %dma_start3A_114 = tpu.memref_slice %arg2[%mul3A_112] : memref<327680xi32, #tpu.memory_space<hbm>> -> memref<128xi32, #tpu.memory_space<hbm>>
          tpu.enqueue_dma source(%dma_start3A_114 : memref<128xi32, #tpu.memory_space<hbm>>) target(%arg13 : memref<128xi32, #tpu.memory_space<vmem>>) target_semaphore(%run_scoped3A : memref<!tpu.dma_semaphore, #tpu.memory_space<semaphore_mem>>)
          %dma_wait3A_115 = tpu.memref_slice %arg2[%mul3A_112] : memref<327680xi32, #tpu.memory_space<hbm>> -> memref<128xi32, #tpu.memory_space<hbm>>
          %dma_wait3A_116 = tpu.memref_slice %arg2[%mul3A_112] : memref<327680xi32, #tpu.memory_space<hbm>> -> memref<128xi32, #tpu.memory_space<hbm>>
          tpu.wait_dma2 semaphore(%run_scoped3A : memref<!tpu.dma_semaphore, #tpu.memory_space<semaphore_mem>>) src(%dma_wait3A_116 : memref<128xi32, #tpu.memory_space<hbm>>) dst(%arg13 : memref<128xi32, #tpu.memory_space<vmem>>)
          tpu.yield
        }) : () -> ()
      } else {
      }
      %mul3A_89 = arith.constant 2 : i32
      %mul3A_90 = arith.muli %mul3A_89, %scan3A_71 : i32
      %add3A_91 = arith.constant 1 : i32
      %add3A_92 = arith.addi %mul3A_90, %add3A_91 : i32
      %ge3A_93 = arith.constant 1 : i32
      %ge3A_94 = arith.cmpi sge, %add3A_92, %ge3A_93 : i32
      %convert_element_type3A_95 = arith.extui %ge3A_94 : i1 to i32
      %cond3A_96 = arith.constant 0 : i32
      %cond3A_97 = arith.cmpi ne, %convert_element_type3A_95, %cond3A_96 : i32
      scf.if %cond3A_97 {
        %dma_wait3A_108 = arith.constant 0 : i32
        %dma_wait3A_109 = arith.constant 0 : i32
        %dma_wait3A_110 = tpu.memref_slice %arg10[%dma_wait3A_108, %dma_wait3A_109] : memref<10112x128xf32, #tpu.memory_space<vmem_shared>> -> memref<10112x128xf32, #tpu.memory_space<vmem_shared>>
        tpu.wait_indirect_dma semaphore(%arg14 : memref<!tpu.dma_semaphore, #tpu.memory_space<semaphore_mem>>) src(%arg11 : memref<128x128xf32, #tpu.memory_space<vmem>>) dst(%dma_wait3A_110 : memref<10112x128xf32, #tpu.memory_space<vmem_shared>>)
      } else {
      }
      %dma_start3A_98 = arith.constant 0 : i32
      %dma_start3A_99 = arith.constant 0 : i32
      %dma_start3A_100 = tpu.memref_slice %arg10[%dma_start3A_98, %dma_start3A_99] : memref<10112x128xf32, #tpu.memory_space<vmem_shared>> -> memref<10112x128xf32, #tpu.memory_space<vmem_shared>>
      tpu.enqueue_indirect_dma source(%arg11 : memref<128x128xf32, #tpu.memory_space<vmem>>) target(%dma_start3A_100 : memref<10112x128xf32, #tpu.memory_space<vmem_shared>>) offsets(%arg13 : memref<128xi32, #tpu.memory_space<vmem>>) semaphore(%arg15 : memref<!tpu.dma_semaphore, #tpu.memory_space<semaphore_mem>>) {add = true}
      %add3A_101 = arith.constant 1 : i32
      %add3A_102 = arith.addi %add3A_92, %add3A_101 : i32
      %lt3A_103 = arith.constant 80 : i32
      %lt3A_104 = arith.cmpi slt, %add3A_102, %lt3A_103 : i32
      %convert_element_type3A_105 = arith.extui %lt3A_104 : i1 to i32
      %cond3A_106 = arith.constant 0 : i32
      %cond3A_107 = arith.cmpi ne, %convert_element_type3A_105, %cond3A_106 : i32
      scf.if %cond3A_107 {
        %add3A_108 = arith.addi %mul3A_34, %add3A_92 : i32
        %add3A_109 = arith.constant 1 : i32
        %add3A_110 = arith.addi %add3A_108, %add3A_109 : i32
        %mul3A_111 = arith.constant 128 : i32
        %mul3A_112 = arith.muli %add3A_110, %mul3A_111 : i32
        "tpu.region"() ({
          %run_scoped3A = tpu.sem_alloc : memref<!tpu.dma_semaphore, #tpu.memory_space<semaphore_mem>>
          %dma_start3A_113 = tpu.memref_slice %arg2[%mul3A_112] : memref<327680xi32, #tpu.memory_space<hbm>> -> memref<128xi32, #tpu.memory_space<hbm>>
          %dma_start3A_114 = tpu.memref_slice %arg2[%mul3A_112] : memref<327680xi32, #tpu.memory_space<hbm>> -> memref<128xi32, #tpu.memory_space<hbm>>
          tpu.enqueue_dma source(%dma_start3A_114 : memref<128xi32, #tpu.memory_space<hbm>>) target(%arg12 : memref<128xi32, #tpu.memory_space<vmem>>) target_semaphore(%run_scoped3A : memref<!tpu.dma_semaphore, #tpu.memory_space<semaphore_mem>>)
          %dma_wait3A_115 = tpu.memref_slice %arg2[%mul3A_112] : memref<327680xi32, #tpu.memory_space<hbm>> -> memref<128xi32, #tpu.memory_space<hbm>>
          %dma_wait3A_116 = tpu.memref_slice %arg2[%mul3A_112] : memref<327680xi32, #tpu.memory_space<hbm>> -> memref<128xi32, #tpu.memory_space<hbm>>
          tpu.wait_dma2 semaphore(%run_scoped3A : memref<!tpu.dma_semaphore, #tpu.memory_space<semaphore_mem>>) src(%dma_wait3A_116 : memref<128xi32, #tpu.memory_space<hbm>>) dst(%arg12 : memref<128xi32, #tpu.memory_space<vmem>>)
          tpu.yield
        }) : () -> ()
      } else {
      }
    }
    %scan3A_41 = arith.constant 40 : i32
    %dma_wait3A = arith.constant 0 : i32
    %dma_wait3A_42 = arith.constant 0 : i32
    %dma_wait3A_43 = tpu.memref_slice %arg10[%dma_wait3A, %dma_wait3A_42] : memref<10112x128xf32, #tpu.memory_space<vmem_shared>> -> memref<10112x128xf32, #tpu.memory_space<vmem_shared>>
    tpu.wait_indirect_dma semaphore(%arg15 : memref<!tpu.dma_semaphore, #tpu.memory_space<semaphore_mem>>) src(%arg11 : memref<128x128xf32, #tpu.memory_space<vmem>>) dst(%dma_wait3A_43 : memref<10112x128xf32, #tpu.memory_space<vmem_shared>>)
    "tpu.region"() ({
      %run_scoped3A = tpu.sem_alloc : memref<!tpu.dma_semaphore, #tpu.memory_space<semaphore_mem>>
      tpu.enqueue_dma source(%arg7 : memref<128x128xf32, #tpu.memory_space<hbm>>) target(%arg11 : memref<128x128xf32, #tpu.memory_space<vmem>>) target_semaphore(%run_scoped3A : memref<!tpu.dma_semaphore, #tpu.memory_space<semaphore_mem>>)
      tpu.wait_dma2 semaphore(%run_scoped3A : memref<!tpu.dma_semaphore, #tpu.memory_space<semaphore_mem>>) src(%arg7 : memref<128x128xf32, #tpu.memory_space<hbm>>) dst(%arg11 : memref<128x128xf32, #tpu.memory_space<vmem>>)
      tpu.yield
    }) : () -> ()
    %mul3A_44 = arith.constant 128 : i32
    %mul3A_45 = arith.muli %mul3A_34, %mul3A_44 : i32
    "tpu.region"() ({
      %run_scoped3A = tpu.sem_alloc : memref<!tpu.dma_semaphore, #tpu.memory_space<semaphore_mem>>
      %dma_start3A = tpu.memref_slice %arg3[%mul3A_45] : memref<327680xi32, #tpu.memory_space<hbm>> -> memref<128xi32, #tpu.memory_space<hbm>>
      %dma_start3A_71 = tpu.memref_slice %arg3[%mul3A_45] : memref<327680xi32, #tpu.memory_space<hbm>> -> memref<128xi32, #tpu.memory_space<hbm>>
      tpu.enqueue_dma source(%dma_start3A_71 : memref<128xi32, #tpu.memory_space<hbm>>) target(%arg12 : memref<128xi32, #tpu.memory_space<vmem>>) target_semaphore(%run_scoped3A : memref<!tpu.dma_semaphore, #tpu.memory_space<semaphore_mem>>)
      %dma_wait3A_72 = tpu.memref_slice %arg3[%mul3A_45] : memref<327680xi32, #tpu.memory_space<hbm>> -> memref<128xi32, #tpu.memory_space<hbm>>
      %dma_wait3A_73 = tpu.memref_slice %arg3[%mul3A_45] : memref<327680xi32, #tpu.memory_space<hbm>> -> memref<128xi32, #tpu.memory_space<hbm>>
      tpu.wait_dma2 semaphore(%run_scoped3A : memref<!tpu.dma_semaphore, #tpu.memory_space<semaphore_mem>>) src(%dma_wait3A_73 : memref<128xi32, #tpu.memory_space<hbm>>) dst(%arg12 : memref<128xi32, #tpu.memory_space<vmem>>)
      tpu.yield
    }) : () -> ()
    %scan3A_46 = arith.constant 0 : i32
    %scan3A_47 = arith.constant 0 : i32
    %scan3A_48 = arith.constant 40 : i32
    %scan3A_49 = arith.addi %scan3A_47, %scan3A_48 : i32
    %scan3A_50 = arith.constant 1 : i32
    scf.for %scan3A_71 = %scan3A_47 to %scan3A_49 step %scan3A_50  : i32 {
      %mul3A_72 = arith.constant 2 : i32
      %mul3A_73 = arith.muli %mul3A_72, %scan3A_71 : i32
      %add3A_74 = arith.constant 0 : i32
      %add3A_75 = arith.addi %mul3A_73, %add3A_74 : i32
      %ge3A = arith.constant 1 : i32
      %ge3A_76 = arith.cmpi sge, %add3A_75, %ge3A : i32
      %convert_element_type3A_77 = arith.extui %ge3A_76 : i1 to i32
      %cond3A_78 = arith.constant 0 : i32
      %cond3A_79 = arith.cmpi ne, %convert_element_type3A_77, %cond3A_78 : i32
      scf.if %cond3A_79 {
        %dma_wait3A_108 = arith.constant 0 : i32
        %dma_wait3A_109 = arith.constant 0 : i32
        %dma_wait3A_110 = tpu.memref_slice %arg10[%dma_wait3A_108, %dma_wait3A_109] : memref<10112x128xf32, #tpu.memory_space<vmem_shared>> -> memref<10112x128xf32, #tpu.memory_space<vmem_shared>>
        tpu.wait_indirect_dma semaphore(%arg15 : memref<!tpu.dma_semaphore, #tpu.memory_space<semaphore_mem>>) src(%arg11 : memref<128x128xf32, #tpu.memory_space<vmem>>) dst(%dma_wait3A_110 : memref<10112x128xf32, #tpu.memory_space<vmem_shared>>)
      } else {
      }
      %dma_start3A = arith.constant 0 : i32
      %dma_start3A_80 = arith.constant 0 : i32
      %dma_start3A_81 = tpu.memref_slice %arg10[%dma_start3A, %dma_start3A_80] : memref<10112x128xf32, #tpu.memory_space<vmem_shared>> -> memref<10112x128xf32, #tpu.memory_space<vmem_shared>>
      tpu.enqueue_indirect_dma source(%arg11 : memref<128x128xf32, #tpu.memory_space<vmem>>) target(%dma_start3A_81 : memref<10112x128xf32, #tpu.memory_space<vmem_shared>>) offsets(%arg12 : memref<128xi32, #tpu.memory_space<vmem>>) semaphore(%arg14 : memref<!tpu.dma_semaphore, #tpu.memory_space<semaphore_mem>>) {add = true}
      %add3A_82 = arith.constant 1 : i32
      %add3A_83 = arith.addi %add3A_75, %add3A_82 : i32
      %lt3A_84 = arith.constant 80 : i32
      %lt3A_85 = arith.cmpi slt, %add3A_83, %lt3A_84 : i32
      %convert_element_type3A_86 = arith.extui %lt3A_85 : i1 to i32
      %cond3A_87 = arith.constant 0 : i32
      %cond3A_88 = arith.cmpi ne, %convert_element_type3A_86, %cond3A_87 : i32
      scf.if %cond3A_88 {
        %add3A_108 = arith.addi %mul3A_34, %add3A_75 : i32
        %add3A_109 = arith.constant 1 : i32
        %add3A_110 = arith.addi %add3A_108, %add3A_109 : i32
        %mul3A_111 = arith.constant 128 : i32
        %mul3A_112 = arith.muli %add3A_110, %mul3A_111 : i32
        "tpu.region"() ({
          %run_scoped3A = tpu.sem_alloc : memref<!tpu.dma_semaphore, #tpu.memory_space<semaphore_mem>>
          %dma_start3A_113 = tpu.memref_slice %arg3[%mul3A_112] : memref<327680xi32, #tpu.memory_space<hbm>> -> memref<128xi32, #tpu.memory_space<hbm>>
          %dma_start3A_114 = tpu.memref_slice %arg3[%mul3A_112] : memref<327680xi32, #tpu.memory_space<hbm>> -> memref<128xi32, #tpu.memory_space<hbm>>
          tpu.enqueue_dma source(%dma_start3A_114 : memref<128xi32, #tpu.memory_space<hbm>>) target(%arg13 : memref<128xi32, #tpu.memory_space<vmem>>) target_semaphore(%run_scoped3A : memref<!tpu.dma_semaphore, #tpu.memory_space<semaphore_mem>>)
          %dma_wait3A_115 = tpu.memref_slice %arg3[%mul3A_112] : memref<327680xi32, #tpu.memory_space<hbm>> -> memref<128xi32, #tpu.memory_space<hbm>>
          %dma_wait3A_116 = tpu.memref_slice %arg3[%mul3A_112] : memref<327680xi32, #tpu.memory_space<hbm>> -> memref<128xi32, #tpu.memory_space<hbm>>
          tpu.wait_dma2 semaphore(%run_scoped3A : memref<!tpu.dma_semaphore, #tpu.memory_space<semaphore_mem>>) src(%dma_wait3A_116 : memref<128xi32, #tpu.memory_space<hbm>>) dst(%arg13 : memref<128xi32, #tpu.memory_space<vmem>>)
          tpu.yield
        }) : () -> ()
      } else {
      }
      %mul3A_89 = arith.constant 2 : i32
      %mul3A_90 = arith.muli %mul3A_89, %scan3A_71 : i32
      %add3A_91 = arith.constant 1 : i32
      %add3A_92 = arith.addi %mul3A_90, %add3A_91 : i32
      %ge3A_93 = arith.constant 1 : i32
      %ge3A_94 = arith.cmpi sge, %add3A_92, %ge3A_93 : i32
      %convert_element_type3A_95 = arith.extui %ge3A_94 : i1 to i32
      %cond3A_96 = arith.constant 0 : i32
      %cond3A_97 = arith.cmpi ne, %convert_element_type3A_95, %cond3A_96 : i32
      scf.if %cond3A_97 {
        %dma_wait3A_108 = arith.constant 0 : i32
        %dma_wait3A_109 = arith.constant 0 : i32
        %dma_wait3A_110 = tpu.memref_slice %arg10[%dma_wait3A_108, %dma_wait3A_109] : memref<10112x128xf32, #tpu.memory_space<vmem_shared>> -> memref<10112x128xf32, #tpu.memory_space<vmem_shared>>
        tpu.wait_indirect_dma semaphore(%arg14 : memref<!tpu.dma_semaphore, #tpu.memory_space<semaphore_mem>>) src(%arg11 : memref<128x128xf32, #tpu.memory_space<vmem>>) dst(%dma_wait3A_110 : memref<10112x128xf32, #tpu.memory_space<vmem_shared>>)
      } else {
      }
      %dma_start3A_98 = arith.constant 0 : i32
      %dma_start3A_99 = arith.constant 0 : i32
      %dma_start3A_100 = tpu.memref_slice %arg10[%dma_start3A_98, %dma_start3A_99] : memref<10112x128xf32, #tpu.memory_space<vmem_shared>> -> memref<10112x128xf32, #tpu.memory_space<vmem_shared>>
      tpu.enqueue_indirect_dma source(%arg11 : memref<128x128xf32, #tpu.memory_space<vmem>>) target(%dma_start3A_100 : memref<10112x128xf32, #tpu.memory_space<vmem_shared>>) offsets(%arg13 : memref<128xi32, #tpu.memory_space<vmem>>) semaphore(%arg15 : memref<!tpu.dma_semaphore, #tpu.memory_space<semaphore_mem>>) {add = true}
      %add3A_101 = arith.constant 1 : i32
      %add3A_102 = arith.addi %add3A_92, %add3A_101 : i32
      %lt3A_103 = arith.constant 80 : i32
      %lt3A_104 = arith.cmpi slt, %add3A_102, %lt3A_103 : i32
      %convert_element_type3A_105 = arith.extui %lt3A_104 : i1 to i32
      %cond3A_106 = arith.constant 0 : i32
      %cond3A_107 = arith.cmpi ne, %convert_element_type3A_105, %cond3A_106 : i32
      scf.if %cond3A_107 {
        %add3A_108 = arith.addi %mul3A_34, %add3A_92 : i32
        %add3A_109 = arith.constant 1 : i32
        %add3A_110 = arith.addi %add3A_108, %add3A_109 : i32
        %mul3A_111 = arith.constant 128 : i32
        %mul3A_112 = arith.muli %add3A_110, %mul3A_111 : i32
        "tpu.region"() ({
          %run_scoped3A = tpu.sem_alloc : memref<!tpu.dma_semaphore, #tpu.memory_space<semaphore_mem>>
          %dma_start3A_113 = tpu.memref_slice %arg3[%mul3A_112] : memref<327680xi32, #tpu.memory_space<hbm>> -> memref<128xi32, #tpu.memory_space<hbm>>
          %dma_start3A_114 = tpu.memref_slice %arg3[%mul3A_112] : memref<327680xi32, #tpu.memory_space<hbm>> -> memref<128xi32, #tpu.memory_space<hbm>>
          tpu.enqueue_dma source(%dma_start3A_114 : memref<128xi32, #tpu.memory_space<hbm>>) target(%arg12 : memref<128xi32, #tpu.memory_space<vmem>>) target_semaphore(%run_scoped3A : memref<!tpu.dma_semaphore, #tpu.memory_space<semaphore_mem>>)
          %dma_wait3A_115 = tpu.memref_slice %arg3[%mul3A_112] : memref<327680xi32, #tpu.memory_space<hbm>> -> memref<128xi32, #tpu.memory_space<hbm>>
          %dma_wait3A_116 = tpu.memref_slice %arg3[%mul3A_112] : memref<327680xi32, #tpu.memory_space<hbm>> -> memref<128xi32, #tpu.memory_space<hbm>>
          tpu.wait_dma2 semaphore(%run_scoped3A : memref<!tpu.dma_semaphore, #tpu.memory_space<semaphore_mem>>) src(%dma_wait3A_116 : memref<128xi32, #tpu.memory_space<hbm>>) dst(%arg12 : memref<128xi32, #tpu.memory_space<vmem>>)
          tpu.yield
        }) : () -> ()
      } else {
      }
    }
    %scan3A_51 = arith.constant 40 : i32
    %dma_wait3A_52 = arith.constant 0 : i32
    %dma_wait3A_53 = arith.constant 0 : i32
    %dma_wait3A_54 = tpu.memref_slice %arg10[%dma_wait3A_52, %dma_wait3A_53] : memref<10112x128xf32, #tpu.memory_space<vmem_shared>> -> memref<10112x128xf32, #tpu.memory_space<vmem_shared>>
    tpu.wait_indirect_dma semaphore(%arg15 : memref<!tpu.dma_semaphore, #tpu.memory_space<semaphore_mem>>) src(%arg11 : memref<128x128xf32, #tpu.memory_space<vmem>>) dst(%dma_wait3A_54 : memref<10112x128xf32, #tpu.memory_space<vmem_shared>>)
    "tpu.region"() ({
      %run_scoped3A = tpu.sem_alloc : memref<!tpu.dma_semaphore, #tpu.memory_space<semaphore_mem>>
      tpu.enqueue_dma source(%arg8 : memref<128x128xf32, #tpu.memory_space<hbm>>) target(%arg11 : memref<128x128xf32, #tpu.memory_space<vmem>>) target_semaphore(%run_scoped3A : memref<!tpu.dma_semaphore, #tpu.memory_space<semaphore_mem>>)
      tpu.wait_dma2 semaphore(%run_scoped3A : memref<!tpu.dma_semaphore, #tpu.memory_space<semaphore_mem>>) src(%arg8 : memref<128x128xf32, #tpu.memory_space<hbm>>) dst(%arg11 : memref<128x128xf32, #tpu.memory_space<vmem>>)
      tpu.yield
    }) : () -> ()
    %mul3A_55 = arith.constant 128 : i32
    %mul3A_56 = arith.muli %mul3A_34, %mul3A_55 : i32
    "tpu.region"() ({
      %run_scoped3A = tpu.sem_alloc : memref<!tpu.dma_semaphore, #tpu.memory_space<semaphore_mem>>
      %dma_start3A = tpu.memref_slice %arg4[%mul3A_56] : memref<327680xi32, #tpu.memory_space<hbm>> -> memref<128xi32, #tpu.memory_space<hbm>>
      %dma_start3A_71 = tpu.memref_slice %arg4[%mul3A_56] : memref<327680xi32, #tpu.memory_space<hbm>> -> memref<128xi32, #tpu.memory_space<hbm>>
      tpu.enqueue_dma source(%dma_start3A_71 : memref<128xi32, #tpu.memory_space<hbm>>) target(%arg12 : memref<128xi32, #tpu.memory_space<vmem>>) target_semaphore(%run_scoped3A : memref<!tpu.dma_semaphore, #tpu.memory_space<semaphore_mem>>)
      %dma_wait3A_72 = tpu.memref_slice %arg4[%mul3A_56] : memref<327680xi32, #tpu.memory_space<hbm>> -> memref<128xi32, #tpu.memory_space<hbm>>
      %dma_wait3A_73 = tpu.memref_slice %arg4[%mul3A_56] : memref<327680xi32, #tpu.memory_space<hbm>> -> memref<128xi32, #tpu.memory_space<hbm>>
      tpu.wait_dma2 semaphore(%run_scoped3A : memref<!tpu.dma_semaphore, #tpu.memory_space<semaphore_mem>>) src(%dma_wait3A_73 : memref<128xi32, #tpu.memory_space<hbm>>) dst(%arg12 : memref<128xi32, #tpu.memory_space<vmem>>)
      tpu.yield
    }) : () -> ()
    %scan3A_57 = arith.constant 0 : i32
    %scan3A_58 = arith.constant 0 : i32
    %scan3A_59 = arith.constant 40 : i32
    %scan3A_60 = arith.addi %scan3A_58, %scan3A_59 : i32
    %scan3A_61 = arith.constant 1 : i32
    scf.for %scan3A_71 = %scan3A_58 to %scan3A_60 step %scan3A_61  : i32 {
      %mul3A_72 = arith.constant 2 : i32
      %mul3A_73 = arith.muli %mul3A_72, %scan3A_71 : i32
      %add3A_74 = arith.constant 0 : i32
      %add3A_75 = arith.addi %mul3A_73, %add3A_74 : i32
      %ge3A = arith.constant 1 : i32
      %ge3A_76 = arith.cmpi sge, %add3A_75, %ge3A : i32
      %convert_element_type3A_77 = arith.extui %ge3A_76 : i1 to i32
      %cond3A_78 = arith.constant 0 : i32
      %cond3A_79 = arith.cmpi ne, %convert_element_type3A_77, %cond3A_78 : i32
      scf.if %cond3A_79 {
        %dma_wait3A_108 = arith.constant 0 : i32
        %dma_wait3A_109 = arith.constant 0 : i32
        %dma_wait3A_110 = tpu.memref_slice %arg10[%dma_wait3A_108, %dma_wait3A_109] : memref<10112x128xf32, #tpu.memory_space<vmem_shared>> -> memref<10112x128xf32, #tpu.memory_space<vmem_shared>>
        tpu.wait_indirect_dma semaphore(%arg15 : memref<!tpu.dma_semaphore, #tpu.memory_space<semaphore_mem>>) src(%arg11 : memref<128x128xf32, #tpu.memory_space<vmem>>) dst(%dma_wait3A_110 : memref<10112x128xf32, #tpu.memory_space<vmem_shared>>)
      } else {
      }
      %dma_start3A = arith.constant 0 : i32
      %dma_start3A_80 = arith.constant 0 : i32
      %dma_start3A_81 = tpu.memref_slice %arg10[%dma_start3A, %dma_start3A_80] : memref<10112x128xf32, #tpu.memory_space<vmem_shared>> -> memref<10112x128xf32, #tpu.memory_space<vmem_shared>>
      tpu.enqueue_indirect_dma source(%arg11 : memref<128x128xf32, #tpu.memory_space<vmem>>) target(%dma_start3A_81 : memref<10112x128xf32, #tpu.memory_space<vmem_shared>>) offsets(%arg12 : memref<128xi32, #tpu.memory_space<vmem>>) semaphore(%arg14 : memref<!tpu.dma_semaphore, #tpu.memory_space<semaphore_mem>>) {add = true}
      %add3A_82 = arith.constant 1 : i32
      %add3A_83 = arith.addi %add3A_75, %add3A_82 : i32
      %lt3A_84 = arith.constant 80 : i32
      %lt3A_85 = arith.cmpi slt, %add3A_83, %lt3A_84 : i32
      %convert_element_type3A_86 = arith.extui %lt3A_85 : i1 to i32
      %cond3A_87 = arith.constant 0 : i32
      %cond3A_88 = arith.cmpi ne, %convert_element_type3A_86, %cond3A_87 : i32
      scf.if %cond3A_88 {
        %add3A_108 = arith.addi %mul3A_34, %add3A_75 : i32
        %add3A_109 = arith.constant 1 : i32
        %add3A_110 = arith.addi %add3A_108, %add3A_109 : i32
        %mul3A_111 = arith.constant 128 : i32
        %mul3A_112 = arith.muli %add3A_110, %mul3A_111 : i32
        "tpu.region"() ({
          %run_scoped3A = tpu.sem_alloc : memref<!tpu.dma_semaphore, #tpu.memory_space<semaphore_mem>>
          %dma_start3A_113 = tpu.memref_slice %arg4[%mul3A_112] : memref<327680xi32, #tpu.memory_space<hbm>> -> memref<128xi32, #tpu.memory_space<hbm>>
          %dma_start3A_114 = tpu.memref_slice %arg4[%mul3A_112] : memref<327680xi32, #tpu.memory_space<hbm>> -> memref<128xi32, #tpu.memory_space<hbm>>
          tpu.enqueue_dma source(%dma_start3A_114 : memref<128xi32, #tpu.memory_space<hbm>>) target(%arg13 : memref<128xi32, #tpu.memory_space<vmem>>) target_semaphore(%run_scoped3A : memref<!tpu.dma_semaphore, #tpu.memory_space<semaphore_mem>>)
          %dma_wait3A_115 = tpu.memref_slice %arg4[%mul3A_112] : memref<327680xi32, #tpu.memory_space<hbm>> -> memref<128xi32, #tpu.memory_space<hbm>>
          %dma_wait3A_116 = tpu.memref_slice %arg4[%mul3A_112] : memref<327680xi32, #tpu.memory_space<hbm>> -> memref<128xi32, #tpu.memory_space<hbm>>
          tpu.wait_dma2 semaphore(%run_scoped3A : memref<!tpu.dma_semaphore, #tpu.memory_space<semaphore_mem>>) src(%dma_wait3A_116 : memref<128xi32, #tpu.memory_space<hbm>>) dst(%arg13 : memref<128xi32, #tpu.memory_space<vmem>>)
          tpu.yield
        }) : () -> ()
      } else {
      }
      %mul3A_89 = arith.constant 2 : i32
      %mul3A_90 = arith.muli %mul3A_89, %scan3A_71 : i32
      %add3A_91 = arith.constant 1 : i32
      %add3A_92 = arith.addi %mul3A_90, %add3A_91 : i32
      %ge3A_93 = arith.constant 1 : i32
      %ge3A_94 = arith.cmpi sge, %add3A_92, %ge3A_93 : i32
      %convert_element_type3A_95 = arith.extui %ge3A_94 : i1 to i32
      %cond3A_96 = arith.constant 0 : i32
      %cond3A_97 = arith.cmpi ne, %convert_element_type3A_95, %cond3A_96 : i32
      scf.if %cond3A_97 {
        %dma_wait3A_108 = arith.constant 0 : i32
        %dma_wait3A_109 = arith.constant 0 : i32
        %dma_wait3A_110 = tpu.memref_slice %arg10[%dma_wait3A_108, %dma_wait3A_109] : memref<10112x128xf32, #tpu.memory_space<vmem_shared>> -> memref<10112x128xf32, #tpu.memory_space<vmem_shared>>
        tpu.wait_indirect_dma semaphore(%arg14 : memref<!tpu.dma_semaphore, #tpu.memory_space<semaphore_mem>>) src(%arg11 : memref<128x128xf32, #tpu.memory_space<vmem>>) dst(%dma_wait3A_110 : memref<10112x128xf32, #tpu.memory_space<vmem_shared>>)
      } else {
      }
      %dma_start3A_98 = arith.constant 0 : i32
      %dma_start3A_99 = arith.constant 0 : i32
      %dma_start3A_100 = tpu.memref_slice %arg10[%dma_start3A_98, %dma_start3A_99] : memref<10112x128xf32, #tpu.memory_space<vmem_shared>> -> memref<10112x128xf32, #tpu.memory_space<vmem_shared>>
      tpu.enqueue_indirect_dma source(%arg11 : memref<128x128xf32, #tpu.memory_space<vmem>>) target(%dma_start3A_100 : memref<10112x128xf32, #tpu.memory_space<vmem_shared>>) offsets(%arg13 : memref<128xi32, #tpu.memory_space<vmem>>) semaphore(%arg15 : memref<!tpu.dma_semaphore, #tpu.memory_space<semaphore_mem>>) {add = true}
      %add3A_101 = arith.constant 1 : i32
      %add3A_102 = arith.addi %add3A_92, %add3A_101 : i32
      %lt3A_103 = arith.constant 80 : i32
      %lt3A_104 = arith.cmpi slt, %add3A_102, %lt3A_103 : i32
      %convert_element_type3A_105 = arith.extui %lt3A_104 : i1 to i32
      %cond3A_106 = arith.constant 0 : i32
      %cond3A_107 = arith.cmpi ne, %convert_element_type3A_105, %cond3A_106 : i32
      scf.if %cond3A_107 {
        %add3A_108 = arith.addi %mul3A_34, %add3A_92 : i32
        %add3A_109 = arith.constant 1 : i32
        %add3A_110 = arith.addi %add3A_108, %add3A_109 : i32
        %mul3A_111 = arith.constant 128 : i32
        %mul3A_112 = arith.muli %add3A_110, %mul3A_111 : i32
        "tpu.region"() ({
          %run_scoped3A = tpu.sem_alloc : memref<!tpu.dma_semaphore, #tpu.memory_space<semaphore_mem>>
          %dma_start3A_113 = tpu.memref_slice %arg4[%mul3A_112] : memref<327680xi32, #tpu.memory_space<hbm>> -> memref<128xi32, #tpu.memory_space<hbm>>
          %dma_start3A_114 = tpu.memref_slice %arg4[%mul3A_112] : memref<327680xi32, #tpu.memory_space<hbm>> -> memref<128xi32, #tpu.memory_space<hbm>>
          tpu.enqueue_dma source(%dma_start3A_114 : memref<128xi32, #tpu.memory_space<hbm>>) target(%arg12 : memref<128xi32, #tpu.memory_space<vmem>>) target_semaphore(%run_scoped3A : memref<!tpu.dma_semaphore, #tpu.memory_space<semaphore_mem>>)
          %dma_wait3A_115 = tpu.memref_slice %arg4[%mul3A_112] : memref<327680xi32, #tpu.memory_space<hbm>> -> memref<128xi32, #tpu.memory_space<hbm>>
          %dma_wait3A_116 = tpu.memref_slice %arg4[%mul3A_112] : memref<327680xi32, #tpu.memory_space<hbm>> -> memref<128xi32, #tpu.memory_space<hbm>>
          tpu.wait_dma2 semaphore(%run_scoped3A : memref<!tpu.dma_semaphore, #tpu.memory_space<semaphore_mem>>) src(%dma_wait3A_116 : memref<128xi32, #tpu.memory_space<hbm>>) dst(%arg12 : memref<128xi32, #tpu.memory_space<vmem>>)
          tpu.yield
        }) : () -> ()
      } else {
      }
    }
    %scan3A_62 = arith.constant 40 : i32
    %dma_wait3A_63 = arith.constant 0 : i32
    %dma_wait3A_64 = arith.constant 0 : i32
    %dma_wait3A_65 = tpu.memref_slice %arg10[%dma_wait3A_63, %dma_wait3A_64] : memref<10112x128xf32, #tpu.memory_space<vmem_shared>> -> memref<10112x128xf32, #tpu.memory_space<vmem_shared>>
    tpu.wait_indirect_dma semaphore(%arg15 : memref<!tpu.dma_semaphore, #tpu.memory_space<semaphore_mem>>) src(%arg11 : memref<128x128xf32, #tpu.memory_space<vmem>>) dst(%dma_wait3A_65 : memref<10112x128xf32, #tpu.memory_space<vmem_shared>>)
    %barrier3A_66 = arith.constant 0 : index
    tpu.barrier barrier_id(%barrier3A_66)
    %mul3A_67 = arith.constant 632 : i32
    %mul3A_68 = arith.muli %arg1, %mul3A_67 : i32
    %mul3A_69 = arith.constant 632 : i32
    %mul3A_70 = arith.muli %arg1, %mul3A_69 : i32
    "tpu.region"() ({
      %run_scoped3A = tpu.sem_alloc : memref<!tpu.dma_semaphore, #tpu.memory_space<semaphore_mem>>
      %dma_start3A = arith.constant 0 : i32
      %dma_start3A_71 = tpu.memref_slice %arg9[%arg0, %mul3A_70, %dma_start3A] : memref<2x10112x128xf32, #tpu.memory_space<hbm>> -> memref<1x632x128xf32, #tpu.memory_space<hbm>>
      %dma_start3A_72 = tpu.memref_squeeze %dma_start3A_71 : memref<1x632x128xf32, #tpu.memory_space<hbm>> -> memref<632x128xf32, #tpu.memory_space<hbm>>
      %dma_start3A_73 = arith.constant 0 : i32
      %dma_start3A_74 = tpu.memref_slice %arg10[%mul3A_68, %dma_start3A_73] : memref<10112x128xf32, #tpu.memory_space<vmem_shared>> -> memref<632x128xf32, #tpu.memory_space<vmem_shared>>
      tpu.enqueue_dma source(%dma_start3A_74 : memref<632x128xf32, #tpu.memory_space<vmem_shared>>) target(%dma_start3A_72 : memref<632x128xf32, #tpu.memory_space<hbm>>) target_semaphore(%run_scoped3A : memref<!tpu.dma_semaphore, #tpu.memory_space<semaphore_mem>>)
      %dma_wait3A_75 = arith.constant 0 : i32
      %dma_wait3A_76 = tpu.memref_slice %arg9[%arg0, %mul3A_70, %dma_wait3A_75] : memref<2x10112x128xf32, #tpu.memory_space<hbm>> -> memref<1x632x128xf32, #tpu.memory_space<hbm>>
      %dma_wait3A_77 = tpu.memref_squeeze %dma_wait3A_76 : memref<1x632x128xf32, #tpu.memory_space<hbm>> -> memref<632x128xf32, #tpu.memory_space<hbm>>
      %dma_wait3A_78 = arith.constant 0 : i32
      %dma_wait3A_79 = tpu.memref_slice %arg10[%mul3A_68, %dma_wait3A_78] : memref<10112x128xf32, #tpu.memory_space<vmem_shared>> -> memref<632x128xf32, #tpu.memory_space<vmem_shared>>
      tpu.wait_dma2 semaphore(%run_scoped3A : memref<!tpu.dma_semaphore, #tpu.memory_space<semaphore_mem>>) src(%dma_wait3A_79 : memref<632x128xf32, #tpu.memory_space<vmem_shared>>) dst(%dma_wait3A_77 : memref<632x128xf32, #tpu.memory_space<hbm>>)
      tpu.yield
    }) : () -> ()
    return
  }
}

#map = affine_map<(d0, d1) -> (0, 0)>
#map1 = affine_map<(d0, d1) -> (0)>
#map2 = affine_map<(d0, d1) -> (0, 0, 0, 0)>
module attributes {stable_mosaic.version = 14 : i64} {
  func.func @_scatter_kernel(%arg0: i32, %arg1: i32, %arg2: memref<10000x128xf32, #tpu.memory_space<hbm>>, %arg3: memref<10000x128xf32, #tpu.memory_space<hbm>>, %arg4: memref<10000x128xf32, #tpu.memory_space<hbm>>, %arg5: memref<327680xi32, #tpu.memory_space<hbm>>, %arg6: memref<327680xi32, #tpu.memory_space<hbm>>, %arg7: memref<327680xi32, #tpu.memory_space<hbm>>, %arg8: memref<327680xi32, #tpu.memory_space<hbm>>, %arg9: memref<327680xi32, #tpu.memory_space<hbm>>, %arg10: memref<327680xi32, #tpu.memory_space<hbm>>, %arg11: memref<128x128xf32, #tpu.memory_space<hbm>>, %arg12: memref<2x3x10112x128xf32, #tpu.memory_space<hbm>>, %arg13: memref<10112x128xf32, #tpu.memory_space<vmem_shared>>, %arg14: memref<128x128xf32, #tpu.memory_space<vmem>>, %arg15: memref<128x128xf32, #tpu.memory_space<vmem>>, %arg16: memref<10240xi32, #tpu.memory_space<vmem>>, %arg17: memref<128xi32, #tpu.memory_space<vmem>>, %arg18: memref<128xi32, #tpu.memory_space<vmem>>, %arg19: memref<!tpu.dma_semaphore, #tpu.memory_space<semaphore_mem>>, %arg20: memref<!tpu.dma_semaphore, #tpu.memory_space<semaphore_mem>>, %arg21: memref<!tpu.dma_semaphore, #tpu.memory_space<semaphore_mem>>, %arg22: memref<!tpu.dma_semaphore, #tpu.memory_space<semaphore_mem>>) attributes {dimension_semantics = [#tpu.dimension_semantics<core_parallel>, #tpu.dimension_semantics<subcore_parallel>], iteration_bounds = array<i64: 2, 16>, scalar_prefetch = 0 : i64, scratch_operands = 10 : i64, tpu.core_type = #tpu.core_type<sc_vector_subcore>, window_params = [{transform_indices = #map}, {transform_indices = #map}, {transform_indices = #map}, {transform_indices = #map1}, {transform_indices = #map1}, {transform_indices = #map1}, {transform_indices = #map1}, {transform_indices = #map1}, {transform_indices = #map1}, {transform_indices = #map}, {transform_indices = #map2}]} {
    %mul3A = arith.constant 2 : i32
    %mul3A_0 = arith.muli %arg1, %mul3A : i32
    %add3A = arith.addi %mul3A_0, %arg0 : i32
    %mul3A_1 = arith.constant 80 : i32
    %mul3A_2 = arith.muli %add3A, %mul3A_1 : i32
    %add3A_3 = arith.constant 0 : i32
    %add3A_4 = arith.addi %arg1, %add3A_3 : i32
    %lt3A = arith.constant 79 : i32
    %lt3A_5 = arith.cmpi slt, %add3A_4, %lt3A : i32
    %convert_element_type3A = arith.extui %lt3A_5 : i1 to i32
    %cond3A = arith.constant 0 : i32
    %cond3A_6 = arith.cmpi ne, %convert_element_type3A, %cond3A : i32
    scf.if %cond3A_6 {
      %mul3A_177 = arith.constant 128 : i32
      %mul3A_178 = arith.muli %add3A_4, %mul3A_177 : i32
      "tpu.region"() ({
        %run_scoped3A_179 = tpu.sem_alloc : memref<!tpu.dma_semaphore, #tpu.memory_space<semaphore_mem>>
        %dma_start3A_180 = arith.constant 0 : i32
        %dma_start3A_181 = tpu.memref_slice %arg13[%mul3A_178, %dma_start3A_180] : memref<10112x128xf32, #tpu.memory_space<vmem_shared>> -> memref<128x128xf32, #tpu.memory_space<vmem_shared>>
        tpu.enqueue_dma source(%arg11 : memref<128x128xf32, #tpu.memory_space<hbm>>) target(%dma_start3A_181 : memref<128x128xf32, #tpu.memory_space<vmem_shared>>) target_semaphore(%run_scoped3A_179 : memref<!tpu.dma_semaphore, #tpu.memory_space<semaphore_mem>>)
        %dma_wait3A_182 = arith.constant 0 : i32
        %dma_wait3A_183 = tpu.memref_slice %arg13[%mul3A_178, %dma_wait3A_182] : memref<10112x128xf32, #tpu.memory_space<vmem_shared>> -> memref<128x128xf32, #tpu.memory_space<vmem_shared>>
        tpu.wait_dma2 semaphore(%run_scoped3A_179 : memref<!tpu.dma_semaphore, #tpu.memory_space<semaphore_mem>>) src(%arg11 : memref<128x128xf32, #tpu.memory_space<hbm>>) dst(%dma_wait3A_183 : memref<128x128xf32, #tpu.memory_space<vmem_shared>>)
        tpu.yield
      }) : () -> ()
    } else {
    }
    %add3A_7 = arith.constant 16 : i32
    %add3A_8 = arith.addi %arg1, %add3A_7 : i32
    %lt3A_9 = arith.constant 79 : i32
    %lt3A_10 = arith.cmpi slt, %add3A_8, %lt3A_9 : i32
    %convert_element_type3A_11 = arith.extui %lt3A_10 : i1 to i32
    %cond3A_12 = arith.constant 0 : i32
    %cond3A_13 = arith.cmpi ne, %convert_element_type3A_11, %cond3A_12 : i32
    scf.if %cond3A_13 {
      %mul3A_177 = arith.constant 128 : i32
      %mul3A_178 = arith.muli %add3A_8, %mul3A_177 : i32
      "tpu.region"() ({
        %run_scoped3A_179 = tpu.sem_alloc : memref<!tpu.dma_semaphore, #tpu.memory_space<semaphore_mem>>
        %dma_start3A_180 = arith.constant 0 : i32
        %dma_start3A_181 = tpu.memref_slice %arg13[%mul3A_178, %dma_start3A_180] : memref<10112x128xf32, #tpu.memory_space<vmem_shared>> -> memref<128x128xf32, #tpu.memory_space<vmem_shared>>
        tpu.enqueue_dma source(%arg11 : memref<128x128xf32, #tpu.memory_space<hbm>>) target(%dma_start3A_181 : memref<128x128xf32, #tpu.memory_space<vmem_shared>>) target_semaphore(%run_scoped3A_179 : memref<!tpu.dma_semaphore, #tpu.memory_space<semaphore_mem>>)
        %dma_wait3A_182 = arith.constant 0 : i32
        %dma_wait3A_183 = tpu.memref_slice %arg13[%mul3A_178, %dma_wait3A_182] : memref<10112x128xf32, #tpu.memory_space<vmem_shared>> -> memref<128x128xf32, #tpu.memory_space<vmem_shared>>
        tpu.wait_dma2 semaphore(%run_scoped3A_179 : memref<!tpu.dma_semaphore, #tpu.memory_space<semaphore_mem>>) src(%arg11 : memref<128x128xf32, #tpu.memory_space<hbm>>) dst(%dma_wait3A_183 : memref<128x128xf32, #tpu.memory_space<vmem_shared>>)
        tpu.yield
      }) : () -> ()
    } else {
    }
    %add3A_14 = arith.constant 32 : i32
    %add3A_15 = arith.addi %arg1, %add3A_14 : i32
    %lt3A_16 = arith.constant 79 : i32
    %lt3A_17 = arith.cmpi slt, %add3A_15, %lt3A_16 : i32
    %convert_element_type3A_18 = arith.extui %lt3A_17 : i1 to i32
    %cond3A_19 = arith.constant 0 : i32
    %cond3A_20 = arith.cmpi ne, %convert_element_type3A_18, %cond3A_19 : i32
    scf.if %cond3A_20 {
      %mul3A_177 = arith.constant 128 : i32
      %mul3A_178 = arith.muli %add3A_15, %mul3A_177 : i32
      "tpu.region"() ({
        %run_scoped3A_179 = tpu.sem_alloc : memref<!tpu.dma_semaphore, #tpu.memory_space<semaphore_mem>>
        %dma_start3A_180 = arith.constant 0 : i32
        %dma_start3A_181 = tpu.memref_slice %arg13[%mul3A_178, %dma_start3A_180] : memref<10112x128xf32, #tpu.memory_space<vmem_shared>> -> memref<128x128xf32, #tpu.memory_space<vmem_shared>>
        tpu.enqueue_dma source(%arg11 : memref<128x128xf32, #tpu.memory_space<hbm>>) target(%dma_start3A_181 : memref<128x128xf32, #tpu.memory_space<vmem_shared>>) target_semaphore(%run_scoped3A_179 : memref<!tpu.dma_semaphore, #tpu.memory_space<semaphore_mem>>)
        %dma_wait3A_182 = arith.constant 0 : i32
        %dma_wait3A_183 = tpu.memref_slice %arg13[%mul3A_178, %dma_wait3A_182] : memref<10112x128xf32, #tpu.memory_space<vmem_shared>> -> memref<128x128xf32, #tpu.memory_space<vmem_shared>>
        tpu.wait_dma2 semaphore(%run_scoped3A_179 : memref<!tpu.dma_semaphore, #tpu.memory_space<semaphore_mem>>) src(%arg11 : memref<128x128xf32, #tpu.memory_space<hbm>>) dst(%dma_wait3A_183 : memref<128x128xf32, #tpu.memory_space<vmem_shared>>)
        tpu.yield
      }) : () -> ()
    } else {
    }
    %add3A_21 = arith.constant 48 : i32
    %add3A_22 = arith.addi %arg1, %add3A_21 : i32
    %lt3A_23 = arith.constant 79 : i32
    %lt3A_24 = arith.cmpi slt, %add3A_22, %lt3A_23 : i32
    %convert_element_type3A_25 = arith.extui %lt3A_24 : i1 to i32
    %cond3A_26 = arith.constant 0 : i32
    %cond3A_27 = arith.cmpi ne, %convert_element_type3A_25, %cond3A_26 : i32
    scf.if %cond3A_27 {
      %mul3A_177 = arith.constant 128 : i32
      %mul3A_178 = arith.muli %add3A_22, %mul3A_177 : i32
      "tpu.region"() ({
        %run_scoped3A_179 = tpu.sem_alloc : memref<!tpu.dma_semaphore, #tpu.memory_space<semaphore_mem>>
        %dma_start3A_180 = arith.constant 0 : i32
        %dma_start3A_181 = tpu.memref_slice %arg13[%mul3A_178, %dma_start3A_180] : memref<10112x128xf32, #tpu.memory_space<vmem_shared>> -> memref<128x128xf32, #tpu.memory_space<vmem_shared>>
        tpu.enqueue_dma source(%arg11 : memref<128x128xf32, #tpu.memory_space<hbm>>) target(%dma_start3A_181 : memref<128x128xf32, #tpu.memory_space<vmem_shared>>) target_semaphore(%run_scoped3A_179 : memref<!tpu.dma_semaphore, #tpu.memory_space<semaphore_mem>>)
        %dma_wait3A_182 = arith.constant 0 : i32
        %dma_wait3A_183 = tpu.memref_slice %arg13[%mul3A_178, %dma_wait3A_182] : memref<10112x128xf32, #tpu.memory_space<vmem_shared>> -> memref<128x128xf32, #tpu.memory_space<vmem_shared>>
        tpu.wait_dma2 semaphore(%run_scoped3A_179 : memref<!tpu.dma_semaphore, #tpu.memory_space<semaphore_mem>>) src(%arg11 : memref<128x128xf32, #tpu.memory_space<hbm>>) dst(%dma_wait3A_183 : memref<128x128xf32, #tpu.memory_space<vmem_shared>>)
        tpu.yield
      }) : () -> ()
    } else {
    }
    %add3A_28 = arith.constant 64 : i32
    %add3A_29 = arith.addi %arg1, %add3A_28 : i32
    %lt3A_30 = arith.constant 79 : i32
    %lt3A_31 = arith.cmpi slt, %add3A_29, %lt3A_30 : i32
    %convert_element_type3A_32 = arith.extui %lt3A_31 : i1 to i32
    %cond3A_33 = arith.constant 0 : i32
    %cond3A_34 = arith.cmpi ne, %convert_element_type3A_32, %cond3A_33 : i32
    scf.if %cond3A_34 {
      %mul3A_177 = arith.constant 128 : i32
      %mul3A_178 = arith.muli %add3A_29, %mul3A_177 : i32
      "tpu.region"() ({
        %run_scoped3A_179 = tpu.sem_alloc : memref<!tpu.dma_semaphore, #tpu.memory_space<semaphore_mem>>
        %dma_start3A_180 = arith.constant 0 : i32
        %dma_start3A_181 = tpu.memref_slice %arg13[%mul3A_178, %dma_start3A_180] : memref<10112x128xf32, #tpu.memory_space<vmem_shared>> -> memref<128x128xf32, #tpu.memory_space<vmem_shared>>
        tpu.enqueue_dma source(%arg11 : memref<128x128xf32, #tpu.memory_space<hbm>>) target(%dma_start3A_181 : memref<128x128xf32, #tpu.memory_space<vmem_shared>>) target_semaphore(%run_scoped3A_179 : memref<!tpu.dma_semaphore, #tpu.memory_space<semaphore_mem>>)
        %dma_wait3A_182 = arith.constant 0 : i32
        %dma_wait3A_183 = tpu.memref_slice %arg13[%mul3A_178, %dma_wait3A_182] : memref<10112x128xf32, #tpu.memory_space<vmem_shared>> -> memref<128x128xf32, #tpu.memory_space<vmem_shared>>
        tpu.wait_dma2 semaphore(%run_scoped3A_179 : memref<!tpu.dma_semaphore, #tpu.memory_space<semaphore_mem>>) src(%arg11 : memref<128x128xf32, #tpu.memory_space<hbm>>) dst(%dma_wait3A_183 : memref<128x128xf32, #tpu.memory_space<vmem_shared>>)
        tpu.yield
      }) : () -> ()
    } else {
    }
    %barrier3A = arith.constant 0 : index
    tpu.barrier barrier_id(%barrier3A)
    %mul3A_35 = arith.constant 128 : i32
    %mul3A_36 = arith.muli %mul3A_2, %mul3A_35 : i32
    "tpu.region"() ({
      %run_scoped3A_177 = tpu.sem_alloc : memref<!tpu.dma_semaphore, #tpu.memory_space<semaphore_mem>>
      %dma_start3A_178 = tpu.memref_slice %arg5[%mul3A_36] : memref<327680xi32, #tpu.memory_space<hbm>> -> memref<10240xi32, #tpu.memory_space<hbm>>
      %dma_start3A_179 = tpu.memref_slice %arg5[%mul3A_36] : memref<327680xi32, #tpu.memory_space<hbm>> -> memref<10240xi32, #tpu.memory_space<hbm>>
      tpu.enqueue_dma source(%dma_start3A_179 : memref<10240xi32, #tpu.memory_space<hbm>>) target(%arg16 : memref<10240xi32, #tpu.memory_space<vmem>>) target_semaphore(%run_scoped3A_177 : memref<!tpu.dma_semaphore, #tpu.memory_space<semaphore_mem>>)
      %dma_wait3A_180 = tpu.memref_slice %arg5[%mul3A_36] : memref<327680xi32, #tpu.memory_space<hbm>> -> memref<10240xi32, #tpu.memory_space<hbm>>
      %dma_wait3A_181 = tpu.memref_slice %arg5[%mul3A_36] : memref<327680xi32, #tpu.memory_space<hbm>> -> memref<10240xi32, #tpu.memory_space<hbm>>
      tpu.wait_dma2 semaphore(%run_scoped3A_177 : memref<!tpu.dma_semaphore, #tpu.memory_space<semaphore_mem>>) src(%dma_wait3A_181 : memref<10240xi32, #tpu.memory_space<hbm>>) dst(%arg16 : memref<10240xi32, #tpu.memory_space<vmem>>)
      tpu.yield
    }) : () -> ()
    %mul3A_37 = arith.constant 128 : i32
    %mul3A_38 = arith.muli %mul3A_2, %mul3A_37 : i32
    "tpu.region"() ({
      %run_scoped3A_177 = tpu.sem_alloc : memref<!tpu.dma_semaphore, #tpu.memory_space<semaphore_mem>>
      %dma_start3A_178 = tpu.memref_slice %arg8[%mul3A_38] : memref<327680xi32, #tpu.memory_space<hbm>> -> memref<128xi32, #tpu.memory_space<hbm>>
      %dma_start3A_179 = tpu.memref_slice %arg8[%mul3A_38] : memref<327680xi32, #tpu.memory_space<hbm>> -> memref<128xi32, #tpu.memory_space<hbm>>
      tpu.enqueue_dma source(%dma_start3A_179 : memref<128xi32, #tpu.memory_space<hbm>>) target(%arg17 : memref<128xi32, #tpu.memory_space<vmem>>) target_semaphore(%run_scoped3A_177 : memref<!tpu.dma_semaphore, #tpu.memory_space<semaphore_mem>>)
      %dma_wait3A_180 = tpu.memref_slice %arg8[%mul3A_38] : memref<327680xi32, #tpu.memory_space<hbm>> -> memref<128xi32, #tpu.memory_space<hbm>>
      %dma_wait3A_181 = tpu.memref_slice %arg8[%mul3A_38] : memref<327680xi32, #tpu.memory_space<hbm>> -> memref<128xi32, #tpu.memory_space<hbm>>
      tpu.wait_dma2 semaphore(%run_scoped3A_177 : memref<!tpu.dma_semaphore, #tpu.memory_space<semaphore_mem>>) src(%dma_wait3A_181 : memref<128xi32, #tpu.memory_space<hbm>>) dst(%arg17 : memref<128xi32, #tpu.memory_space<vmem>>)
      tpu.yield
    }) : () -> ()
    %dma_start3A = arith.constant 0 : i32
    %dma_start3A_39 = tpu.memref_slice %arg16[%dma_start3A] : memref<10240xi32, #tpu.memory_space<vmem>> -> memref<128xi32, #tpu.memory_space<vmem>>
    %dma_start3A_40 = arith.constant 0 : i32
    %dma_start3A_41 = arith.constant 0 : i32
    %dma_start3A_42 = tpu.memref_slice %arg2[%dma_start3A_40, %dma_start3A_41] : memref<10000x128xf32, #tpu.memory_space<hbm>> -> memref<10000x128xf32, #tpu.memory_space<hbm>>
    tpu.enqueue_indirect_dma source(%dma_start3A_42 : memref<10000x128xf32, #tpu.memory_space<hbm>>) target(%arg14 : memref<128x128xf32, #tpu.memory_space<vmem>>) offsets(%dma_start3A_39 : memref<128xi32, #tpu.memory_space<vmem>>) semaphore(%arg19 : memref<!tpu.dma_semaphore, #tpu.memory_space<semaphore_mem>>)
    %scan3A = arith.constant 0 : i32
    %scan3A_43 = arith.constant 0 : i32
    %scan3A_44 = arith.constant 40 : i32
    %scan3A_45 = arith.addi %scan3A_43, %scan3A_44 : i32
    %scan3A_46 = arith.constant 1 : i32
    scf.for %scan3A_177 = %scan3A_43 to %scan3A_45 step %scan3A_46  : i32 {
      %mul3A_178 = arith.constant 2 : i32
      %mul3A_179 = arith.muli %mul3A_178, %scan3A_177 : i32
      %add3A_180 = arith.constant 0 : i32
      %add3A_181 = arith.addi %mul3A_179, %add3A_180 : i32
      %dma_wait3A_182 = arith.constant 0 : i32
      %dma_wait3A_183 = tpu.memref_slice %arg16[%dma_wait3A_182] : memref<10240xi32, #tpu.memory_space<vmem>> -> memref<128xi32, #tpu.memory_space<vmem>>
      %dma_wait3A_184 = arith.constant 0 : i32
      %dma_wait3A_185 = arith.constant 0 : i32
      %dma_wait3A_186 = tpu.memref_slice %arg2[%dma_wait3A_184, %dma_wait3A_185] : memref<10000x128xf32, #tpu.memory_space<hbm>> -> memref<10000x128xf32, #tpu.memory_space<hbm>>
      tpu.wait_indirect_dma semaphore(%arg19 : memref<!tpu.dma_semaphore, #tpu.memory_space<semaphore_mem>>) src(%dma_wait3A_186 : memref<10000x128xf32, #tpu.memory_space<hbm>>) dst(%arg14 : memref<128x128xf32, #tpu.memory_space<vmem>>)
      %ge3A = arith.constant 1 : i32
      %ge3A_187 = arith.cmpi sge, %add3A_181, %ge3A : i32
      %convert_element_type3A_188 = arith.extui %ge3A_187 : i1 to i32
      %cond3A_189 = arith.constant 0 : i32
      %cond3A_190 = arith.cmpi ne, %convert_element_type3A_188, %cond3A_189 : i32
      scf.if %cond3A_190 {
        %dma_wait3A_225 = arith.constant 0 : i32
        %dma_wait3A_226 = arith.constant 0 : i32
        %dma_wait3A_227 = tpu.memref_slice %arg13[%dma_wait3A_225, %dma_wait3A_226] : memref<10112x128xf32, #tpu.memory_space<vmem_shared>> -> memref<10112x128xf32, #tpu.memory_space<vmem_shared>>
        tpu.wait_indirect_dma semaphore(%arg22 : memref<!tpu.dma_semaphore, #tpu.memory_space<semaphore_mem>>) src(%arg15 : memref<128x128xf32, #tpu.memory_space<vmem>>) dst(%dma_wait3A_227 : memref<10112x128xf32, #tpu.memory_space<vmem_shared>>)
      } else {
      }
      %dma_start3A_191 = arith.constant 0 : i32
      %dma_start3A_192 = arith.constant 0 : i32
      %dma_start3A_193 = tpu.memref_slice %arg13[%dma_start3A_191, %dma_start3A_192] : memref<10112x128xf32, #tpu.memory_space<vmem_shared>> -> memref<10112x128xf32, #tpu.memory_space<vmem_shared>>
      tpu.enqueue_indirect_dma source(%arg14 : memref<128x128xf32, #tpu.memory_space<vmem>>) target(%dma_start3A_193 : memref<10112x128xf32, #tpu.memory_space<vmem_shared>>) offsets(%arg17 : memref<128xi32, #tpu.memory_space<vmem>>) semaphore(%arg21 : memref<!tpu.dma_semaphore, #tpu.memory_space<semaphore_mem>>) {add = true}
      %add3A_194 = arith.constant 1 : i32
      %add3A_195 = arith.addi %add3A_181, %add3A_194 : i32
      %lt3A_196 = arith.constant 80 : i32
      %lt3A_197 = arith.cmpi slt, %add3A_195, %lt3A_196 : i32
      %convert_element_type3A_198 = arith.extui %lt3A_197 : i1 to i32
      %cond3A_199 = arith.constant 0 : i32
      %cond3A_200 = arith.cmpi ne, %convert_element_type3A_198, %cond3A_199 : i32
      scf.if %cond3A_200 {
        %add3A_225 = arith.addi %mul3A_2, %add3A_181 : i32
        %add3A_226 = arith.constant 1 : i32
        %add3A_227 = arith.addi %add3A_225, %add3A_226 : i32
        %mul3A_228 = arith.constant 128 : i32
        %mul3A_229 = arith.muli %add3A_227, %mul3A_228 : i32
        "tpu.region"() ({
          %run_scoped3A_238 = tpu.sem_alloc : memref<!tpu.dma_semaphore, #tpu.memory_space<semaphore_mem>>
          %dma_start3A_239 = tpu.memref_slice %arg8[%mul3A_229] : memref<327680xi32, #tpu.memory_space<hbm>> -> memref<128xi32, #tpu.memory_space<hbm>>
          %dma_start3A_240 = tpu.memref_slice %arg8[%mul3A_229] : memref<327680xi32, #tpu.memory_space<hbm>> -> memref<128xi32, #tpu.memory_space<hbm>>
          tpu.enqueue_dma source(%dma_start3A_240 : memref<128xi32, #tpu.memory_space<hbm>>) target(%arg18 : memref<128xi32, #tpu.memory_space<vmem>>) target_semaphore(%run_scoped3A_238 : memref<!tpu.dma_semaphore, #tpu.memory_space<semaphore_mem>>)
          %dma_wait3A_241 = tpu.memref_slice %arg8[%mul3A_229] : memref<327680xi32, #tpu.memory_space<hbm>> -> memref<128xi32, #tpu.memory_space<hbm>>
          %dma_wait3A_242 = tpu.memref_slice %arg8[%mul3A_229] : memref<327680xi32, #tpu.memory_space<hbm>> -> memref<128xi32, #tpu.memory_space<hbm>>
          tpu.wait_dma2 semaphore(%run_scoped3A_238 : memref<!tpu.dma_semaphore, #tpu.memory_space<semaphore_mem>>) src(%dma_wait3A_242 : memref<128xi32, #tpu.memory_space<hbm>>) dst(%arg18 : memref<128xi32, #tpu.memory_space<vmem>>)
          tpu.yield
        }) : () -> ()
        %add3A_230 = arith.constant 1 : i32
        %add3A_231 = arith.addi %add3A_181, %add3A_230 : i32
        %mul3A_232 = arith.constant 128 : i32
        %mul3A_233 = arith.muli %add3A_231, %mul3A_232 : i32
        %dma_start3A_234 = tpu.memref_slice %arg16[%mul3A_233] : memref<10240xi32, #tpu.memory_space<vmem>> -> memref<128xi32, #tpu.memory_space<vmem>>
        %dma_start3A_235 = arith.constant 0 : i32
        %dma_start3A_236 = arith.constant 0 : i32
        %dma_start3A_237 = tpu.memref_slice %arg2[%dma_start3A_235, %dma_start3A_236] : memref<10000x128xf32, #tpu.memory_space<hbm>> -> memref<10000x128xf32, #tpu.memory_space<hbm>>
        tpu.enqueue_indirect_dma source(%dma_start3A_237 : memref<10000x128xf32, #tpu.memory_space<hbm>>) target(%arg15 : memref<128x128xf32, #tpu.memory_space<vmem>>) offsets(%dma_start3A_234 : memref<128xi32, #tpu.memory_space<vmem>>) semaphore(%arg20 : memref<!tpu.dma_semaphore, #tpu.memory_space<semaphore_mem>>)
      } else {
      }
      %mul3A_201 = arith.constant 2 : i32
      %mul3A_202 = arith.muli %mul3A_201, %scan3A_177 : i32
      %add3A_203 = arith.constant 1 : i32
      %add3A_204 = arith.addi %mul3A_202, %add3A_203 : i32
      %dma_wait3A_205 = arith.constant 0 : i32
      %dma_wait3A_206 = tpu.memref_slice %arg16[%dma_wait3A_205] : memref<10240xi32, #tpu.memory_space<vmem>> -> memref<128xi32, #tpu.memory_space<vmem>>
      %dma_wait3A_207 = arith.constant 0 : i32
      %dma_wait3A_208 = arith.constant 0 : i32
      %dma_wait3A_209 = tpu.memref_slice %arg2[%dma_wait3A_207, %dma_wait3A_208] : memref<10000x128xf32, #tpu.memory_space<hbm>> -> memref<10000x128xf32, #tpu.memory_space<hbm>>
      tpu.wait_indirect_dma semaphore(%arg20 : memref<!tpu.dma_semaphore, #tpu.memory_space<semaphore_mem>>) src(%dma_wait3A_209 : memref<10000x128xf32, #tpu.memory_space<hbm>>) dst(%arg15 : memref<128x128xf32, #tpu.memory_space<vmem>>)
      %ge3A_210 = arith.constant 1 : i32
      %ge3A_211 = arith.cmpi sge, %add3A_204, %ge3A_210 : i32
      %convert_element_type3A_212 = arith.extui %ge3A_211 : i1 to i32
      %cond3A_213 = arith.constant 0 : i32
      %cond3A_214 = arith.cmpi ne, %convert_element_type3A_212, %cond3A_213 : i32
      scf.if %cond3A_214 {
        %dma_wait3A_225 = arith.constant 0 : i32
        %dma_wait3A_226 = arith.constant 0 : i32
        %dma_wait3A_227 = tpu.memref_slice %arg13[%dma_wait3A_225, %dma_wait3A_226] : memref<10112x128xf32, #tpu.memory_space<vmem_shared>> -> memref<10112x128xf32, #tpu.memory_space<vmem_shared>>
        tpu.wait_indirect_dma semaphore(%arg21 : memref<!tpu.dma_semaphore, #tpu.memory_space<semaphore_mem>>) src(%arg14 : memref<128x128xf32, #tpu.memory_space<vmem>>) dst(%dma_wait3A_227 : memref<10112x128xf32, #tpu.memory_space<vmem_shared>>)
      } else {
      }
      %dma_start3A_215 = arith.constant 0 : i32
      %dma_start3A_216 = arith.constant 0 : i32
      %dma_start3A_217 = tpu.memref_slice %arg13[%dma_start3A_215, %dma_start3A_216] : memref<10112x128xf32, #tpu.memory_space<vmem_shared>> -> memref<10112x128xf32, #tpu.memory_space<vmem_shared>>
      tpu.enqueue_indirect_dma source(%arg15 : memref<128x128xf32, #tpu.memory_space<vmem>>) target(%dma_start3A_217 : memref<10112x128xf32, #tpu.memory_space<vmem_shared>>) offsets(%arg18 : memref<128xi32, #tpu.memory_space<vmem>>) semaphore(%arg22 : memref<!tpu.dma_semaphore, #tpu.memory_space<semaphore_mem>>) {add = true}
      %add3A_218 = arith.constant 1 : i32
      %add3A_219 = arith.addi %add3A_204, %add3A_218 : i32
      %lt3A_220 = arith.constant 80 : i32
      %lt3A_221 = arith.cmpi slt, %add3A_219, %lt3A_220 : i32
      %convert_element_type3A_222 = arith.extui %lt3A_221 : i1 to i32
      %cond3A_223 = arith.constant 0 : i32
      %cond3A_224 = arith.cmpi ne, %convert_element_type3A_222, %cond3A_223 : i32
      scf.if %cond3A_224 {
        %add3A_225 = arith.addi %mul3A_2, %add3A_204 : i32
        %add3A_226 = arith.constant 1 : i32
        %add3A_227 = arith.addi %add3A_225, %add3A_226 : i32
        %mul3A_228 = arith.constant 128 : i32
        %mul3A_229 = arith.muli %add3A_227, %mul3A_228 : i32
        "tpu.region"() ({
          %run_scoped3A_238 = tpu.sem_alloc : memref<!tpu.dma_semaphore, #tpu.memory_space<semaphore_mem>>
          %dma_start3A_239 = tpu.memref_slice %arg8[%mul3A_229] : memref<327680xi32, #tpu.memory_space<hbm>> -> memref<128xi32, #tpu.memory_space<hbm>>
          %dma_start3A_240 = tpu.memref_slice %arg8[%mul3A_229] : memref<327680xi32, #tpu.memory_space<hbm>> -> memref<128xi32, #tpu.memory_space<hbm>>
          tpu.enqueue_dma source(%dma_start3A_240 : memref<128xi32, #tpu.memory_space<hbm>>) target(%arg17 : memref<128xi32, #tpu.memory_space<vmem>>) target_semaphore(%run_scoped3A_238 : memref<!tpu.dma_semaphore, #tpu.memory_space<semaphore_mem>>)
          %dma_wait3A_241 = tpu.memref_slice %arg8[%mul3A_229] : memref<327680xi32, #tpu.memory_space<hbm>> -> memref<128xi32, #tpu.memory_space<hbm>>
          %dma_wait3A_242 = tpu.memref_slice %arg8[%mul3A_229] : memref<327680xi32, #tpu.memory_space<hbm>> -> memref<128xi32, #tpu.memory_space<hbm>>
          tpu.wait_dma2 semaphore(%run_scoped3A_238 : memref<!tpu.dma_semaphore, #tpu.memory_space<semaphore_mem>>) src(%dma_wait3A_242 : memref<128xi32, #tpu.memory_space<hbm>>) dst(%arg17 : memref<128xi32, #tpu.memory_space<vmem>>)
          tpu.yield
        }) : () -> ()
        %add3A_230 = arith.constant 1 : i32
        %add3A_231 = arith.addi %add3A_204, %add3A_230 : i32
        %mul3A_232 = arith.constant 128 : i32
        %mul3A_233 = arith.muli %add3A_231, %mul3A_232 : i32
        %dma_start3A_234 = tpu.memref_slice %arg16[%mul3A_233] : memref<10240xi32, #tpu.memory_space<vmem>> -> memref<128xi32, #tpu.memory_space<vmem>>
        %dma_start3A_235 = arith.constant 0 : i32
        %dma_start3A_236 = arith.constant 0 : i32
        %dma_start3A_237 = tpu.memref_slice %arg2[%dma_start3A_235, %dma_start3A_236] : memref<10000x128xf32, #tpu.memory_space<hbm>> -> memref<10000x128xf32, #tpu.memory_space<hbm>>
        tpu.enqueue_indirect_dma source(%dma_start3A_237 : memref<10000x128xf32, #tpu.memory_space<hbm>>) target(%arg14 : memref<128x128xf32, #tpu.memory_space<vmem>>) offsets(%dma_start3A_234 : memref<128xi32, #tpu.memory_space<vmem>>) semaphore(%arg19 : memref<!tpu.dma_semaphore, #tpu.memory_space<semaphore_mem>>)
      } else {
      }
    }
    %scan3A_47 = arith.constant 40 : i32
    %dma_wait3A = arith.constant 0 : i32
    %dma_wait3A_48 = arith.constant 0 : i32
    %dma_wait3A_49 = tpu.memref_slice %arg13[%dma_wait3A, %dma_wait3A_48] : memref<10112x128xf32, #tpu.memory_space<vmem_shared>> -> memref<10112x128xf32, #tpu.memory_space<vmem_shared>>
    tpu.wait_indirect_dma semaphore(%arg22 : memref<!tpu.dma_semaphore, #tpu.memory_space<semaphore_mem>>) src(%arg15 : memref<128x128xf32, #tpu.memory_space<vmem>>) dst(%dma_wait3A_49 : memref<10112x128xf32, #tpu.memory_space<vmem_shared>>)
    %barrier3A_50 = arith.constant 0 : index
    tpu.barrier barrier_id(%barrier3A_50)
    %mul3A_51 = arith.constant 632 : i32
    %mul3A_52 = arith.muli %arg1, %mul3A_51 : i32
    %mul3A_53 = arith.constant 632 : i32
    %mul3A_54 = arith.muli %arg1, %mul3A_53 : i32
    %run_scoped3A = arith.constant 0 : i32
    "tpu.region"() ({
      %run_scoped3A_177 = tpu.sem_alloc : memref<!tpu.dma_semaphore, #tpu.memory_space<semaphore_mem>>
      %dma_start3A_178 = arith.constant 0 : i32
      %dma_start3A_179 = tpu.memref_slice %arg12[%arg0, %run_scoped3A, %mul3A_54, %dma_start3A_178] : memref<2x3x10112x128xf32, #tpu.memory_space<hbm>> -> memref<1x1x632x128xf32, #tpu.memory_space<hbm>>
      %dma_start3A_180 = tpu.memref_squeeze %dma_start3A_179 : memref<1x1x632x128xf32, #tpu.memory_space<hbm>> -> memref<632x128xf32, #tpu.memory_space<hbm>>
      %dma_start3A_181 = arith.constant 0 : i32
      %dma_start3A_182 = tpu.memref_slice %arg13[%mul3A_52, %dma_start3A_181] : memref<10112x128xf32, #tpu.memory_space<vmem_shared>> -> memref<632x128xf32, #tpu.memory_space<vmem_shared>>
      tpu.enqueue_dma source(%dma_start3A_182 : memref<632x128xf32, #tpu.memory_space<vmem_shared>>) target(%dma_start3A_180 : memref<632x128xf32, #tpu.memory_space<hbm>>) target_semaphore(%run_scoped3A_177 : memref<!tpu.dma_semaphore, #tpu.memory_space<semaphore_mem>>)
      %dma_wait3A_183 = arith.constant 0 : i32
      %dma_wait3A_184 = tpu.memref_slice %arg12[%arg0, %run_scoped3A, %mul3A_54, %dma_wait3A_183] : memref<2x3x10112x128xf32, #tpu.memory_space<hbm>> -> memref<1x1x632x128xf32, #tpu.memory_space<hbm>>
      %dma_wait3A_185 = tpu.memref_squeeze %dma_wait3A_184 : memref<1x1x632x128xf32, #tpu.memory_space<hbm>> -> memref<632x128xf32, #tpu.memory_space<hbm>>
      %dma_wait3A_186 = arith.constant 0 : i32
      %dma_wait3A_187 = tpu.memref_slice %arg13[%mul3A_52, %dma_wait3A_186] : memref<10112x128xf32, #tpu.memory_space<vmem_shared>> -> memref<632x128xf32, #tpu.memory_space<vmem_shared>>
      tpu.wait_dma2 semaphore(%run_scoped3A_177 : memref<!tpu.dma_semaphore, #tpu.memory_space<semaphore_mem>>) src(%dma_wait3A_187 : memref<632x128xf32, #tpu.memory_space<vmem_shared>>) dst(%dma_wait3A_185 : memref<632x128xf32, #tpu.memory_space<hbm>>)
      tpu.yield
    }) : () -> ()
    %barrier3A_55 = arith.constant 0 : index
    tpu.barrier barrier_id(%barrier3A_55)
    %add3A_56 = arith.constant 0 : i32
    %add3A_57 = arith.addi %arg1, %add3A_56 : i32
    %lt3A_58 = arith.constant 79 : i32
    %lt3A_59 = arith.cmpi slt, %add3A_57, %lt3A_58 : i32
    %convert_element_type3A_60 = arith.extui %lt3A_59 : i1 to i32
    %cond3A_61 = arith.constant 0 : i32
    %cond3A_62 = arith.cmpi ne, %convert_element_type3A_60, %cond3A_61 : i32
    scf.if %cond3A_62 {
      %mul3A_177 = arith.constant 128 : i32
      %mul3A_178 = arith.muli %add3A_57, %mul3A_177 : i32
      "tpu.region"() ({
        %run_scoped3A_179 = tpu.sem_alloc : memref<!tpu.dma_semaphore, #tpu.memory_space<semaphore_mem>>
        %dma_start3A_180 = arith.constant 0 : i32
        %dma_start3A_181 = tpu.memref_slice %arg13[%mul3A_178, %dma_start3A_180] : memref<10112x128xf32, #tpu.memory_space<vmem_shared>> -> memref<128x128xf32, #tpu.memory_space<vmem_shared>>
        tpu.enqueue_dma source(%arg11 : memref<128x128xf32, #tpu.memory_space<hbm>>) target(%dma_start3A_181 : memref<128x128xf32, #tpu.memory_space<vmem_shared>>) target_semaphore(%run_scoped3A_179 : memref<!tpu.dma_semaphore, #tpu.memory_space<semaphore_mem>>)
        %dma_wait3A_182 = arith.constant 0 : i32
        %dma_wait3A_183 = tpu.memref_slice %arg13[%mul3A_178, %dma_wait3A_182] : memref<10112x128xf32, #tpu.memory_space<vmem_shared>> -> memref<128x128xf32, #tpu.memory_space<vmem_shared>>
        tpu.wait_dma2 semaphore(%run_scoped3A_179 : memref<!tpu.dma_semaphore, #tpu.memory_space<semaphore_mem>>) src(%arg11 : memref<128x128xf32, #tpu.memory_space<hbm>>) dst(%dma_wait3A_183 : memref<128x128xf32, #tpu.memory_space<vmem_shared>>)
        tpu.yield
      }) : () -> ()
    } else {
    }
    %add3A_63 = arith.constant 16 : i32
    %add3A_64 = arith.addi %arg1, %add3A_63 : i32
    %lt3A_65 = arith.constant 79 : i32
    %lt3A_66 = arith.cmpi slt, %add3A_64, %lt3A_65 : i32
    %convert_element_type3A_67 = arith.extui %lt3A_66 : i1 to i32
    %cond3A_68 = arith.constant 0 : i32
    %cond3A_69 = arith.cmpi ne, %convert_element_type3A_67, %cond3A_68 : i32
    scf.if %cond3A_69 {
      %mul3A_177 = arith.constant 128 : i32
      %mul3A_178 = arith.muli %add3A_64, %mul3A_177 : i32
      "tpu.region"() ({
        %run_scoped3A_179 = tpu.sem_alloc : memref<!tpu.dma_semaphore, #tpu.memory_space<semaphore_mem>>
        %dma_start3A_180 = arith.constant 0 : i32
        %dma_start3A_181 = tpu.memref_slice %arg13[%mul3A_178, %dma_start3A_180] : memref<10112x128xf32, #tpu.memory_space<vmem_shared>> -> memref<128x128xf32, #tpu.memory_space<vmem_shared>>
        tpu.enqueue_dma source(%arg11 : memref<128x128xf32, #tpu.memory_space<hbm>>) target(%dma_start3A_181 : memref<128x128xf32, #tpu.memory_space<vmem_shared>>) target_semaphore(%run_scoped3A_179 : memref<!tpu.dma_semaphore, #tpu.memory_space<semaphore_mem>>)
        %dma_wait3A_182 = arith.constant 0 : i32
        %dma_wait3A_183 = tpu.memref_slice %arg13[%mul3A_178, %dma_wait3A_182] : memref<10112x128xf32, #tpu.memory_space<vmem_shared>> -> memref<128x128xf32, #tpu.memory_space<vmem_shared>>
        tpu.wait_dma2 semaphore(%run_scoped3A_179 : memref<!tpu.dma_semaphore, #tpu.memory_space<semaphore_mem>>) src(%arg11 : memref<128x128xf32, #tpu.memory_space<hbm>>) dst(%dma_wait3A_183 : memref<128x128xf32, #tpu.memory_space<vmem_shared>>)
        tpu.yield
      }) : () -> ()
    } else {
    }
    %add3A_70 = arith.constant 32 : i32
    %add3A_71 = arith.addi %arg1, %add3A_70 : i32
    %lt3A_72 = arith.constant 79 : i32
    %lt3A_73 = arith.cmpi slt, %add3A_71, %lt3A_72 : i32
    %convert_element_type3A_74 = arith.extui %lt3A_73 : i1 to i32
    %cond3A_75 = arith.constant 0 : i32
    %cond3A_76 = arith.cmpi ne, %convert_element_type3A_74, %cond3A_75 : i32
    scf.if %cond3A_76 {
      %mul3A_177 = arith.constant 128 : i32
      %mul3A_178 = arith.muli %add3A_71, %mul3A_177 : i32
      "tpu.region"() ({
        %run_scoped3A_179 = tpu.sem_alloc : memref<!tpu.dma_semaphore, #tpu.memory_space<semaphore_mem>>
        %dma_start3A_180 = arith.constant 0 : i32
        %dma_start3A_181 = tpu.memref_slice %arg13[%mul3A_178, %dma_start3A_180] : memref<10112x128xf32, #tpu.memory_space<vmem_shared>> -> memref<128x128xf32, #tpu.memory_space<vmem_shared>>
        tpu.enqueue_dma source(%arg11 : memref<128x128xf32, #tpu.memory_space<hbm>>) target(%dma_start3A_181 : memref<128x128xf32, #tpu.memory_space<vmem_shared>>) target_semaphore(%run_scoped3A_179 : memref<!tpu.dma_semaphore, #tpu.memory_space<semaphore_mem>>)
        %dma_wait3A_182 = arith.constant 0 : i32
        %dma_wait3A_183 = tpu.memref_slice %arg13[%mul3A_178, %dma_wait3A_182] : memref<10112x128xf32, #tpu.memory_space<vmem_shared>> -> memref<128x128xf32, #tpu.memory_space<vmem_shared>>
        tpu.wait_dma2 semaphore(%run_scoped3A_179 : memref<!tpu.dma_semaphore, #tpu.memory_space<semaphore_mem>>) src(%arg11 : memref<128x128xf32, #tpu.memory_space<hbm>>) dst(%dma_wait3A_183 : memref<128x128xf32, #tpu.memory_space<vmem_shared>>)
        tpu.yield
      }) : () -> ()
    } else {
    }
    %add3A_77 = arith.constant 48 : i32
    %add3A_78 = arith.addi %arg1, %add3A_77 : i32
    %lt3A_79 = arith.constant 79 : i32
    %lt3A_80 = arith.cmpi slt, %add3A_78, %lt3A_79 : i32
    %convert_element_type3A_81 = arith.extui %lt3A_80 : i1 to i32
    %cond3A_82 = arith.constant 0 : i32
    %cond3A_83 = arith.cmpi ne, %convert_element_type3A_81, %cond3A_82 : i32
    scf.if %cond3A_83 {
      %mul3A_177 = arith.constant 128 : i32
      %mul3A_178 = arith.muli %add3A_78, %mul3A_177 : i32
      "tpu.region"() ({
        %run_scoped3A_179 = tpu.sem_alloc : memref<!tpu.dma_semaphore, #tpu.memory_space<semaphore_mem>>
        %dma_start3A_180 = arith.constant 0 : i32
        %dma_start3A_181 = tpu.memref_slice %arg13[%mul3A_178, %dma_start3A_180] : memref<10112x128xf32, #tpu.memory_space<vmem_shared>> -> memref<128x128xf32, #tpu.memory_space<vmem_shared>>
        tpu.enqueue_dma source(%arg11 : memref<128x128xf32, #tpu.memory_space<hbm>>) target(%dma_start3A_181 : memref<128x128xf32, #tpu.memory_space<vmem_shared>>) target_semaphore(%run_scoped3A_179 : memref<!tpu.dma_semaphore, #tpu.memory_space<semaphore_mem>>)
        %dma_wait3A_182 = arith.constant 0 : i32
        %dma_wait3A_183 = tpu.memref_slice %arg13[%mul3A_178, %dma_wait3A_182] : memref<10112x128xf32, #tpu.memory_space<vmem_shared>> -> memref<128x128xf32, #tpu.memory_space<vmem_shared>>
        tpu.wait_dma2 semaphore(%run_scoped3A_179 : memref<!tpu.dma_semaphore, #tpu.memory_space<semaphore_mem>>) src(%arg11 : memref<128x128xf32, #tpu.memory_space<hbm>>) dst(%dma_wait3A_183 : memref<128x128xf32, #tpu.memory_space<vmem_shared>>)
        tpu.yield
      }) : () -> ()
    } else {
    }
    %add3A_84 = arith.constant 64 : i32
    %add3A_85 = arith.addi %arg1, %add3A_84 : i32
    %lt3A_86 = arith.constant 79 : i32
    %lt3A_87 = arith.cmpi slt, %add3A_85, %lt3A_86 : i32
    %convert_element_type3A_88 = arith.extui %lt3A_87 : i1 to i32
    %cond3A_89 = arith.constant 0 : i32
    %cond3A_90 = arith.cmpi ne, %convert_element_type3A_88, %cond3A_89 : i32
    scf.if %cond3A_90 {
      %mul3A_177 = arith.constant 128 : i32
      %mul3A_178 = arith.muli %add3A_85, %mul3A_177 : i32
      "tpu.region"() ({
        %run_scoped3A_179 = tpu.sem_alloc : memref<!tpu.dma_semaphore, #tpu.memory_space<semaphore_mem>>
        %dma_start3A_180 = arith.constant 0 : i32
        %dma_start3A_181 = tpu.memref_slice %arg13[%mul3A_178, %dma_start3A_180] : memref<10112x128xf32, #tpu.memory_space<vmem_shared>> -> memref<128x128xf32, #tpu.memory_space<vmem_shared>>
        tpu.enqueue_dma source(%arg11 : memref<128x128xf32, #tpu.memory_space<hbm>>) target(%dma_start3A_181 : memref<128x128xf32, #tpu.memory_space<vmem_shared>>) target_semaphore(%run_scoped3A_179 : memref<!tpu.dma_semaphore, #tpu.memory_space<semaphore_mem>>)
        %dma_wait3A_182 = arith.constant 0 : i32
        %dma_wait3A_183 = tpu.memref_slice %arg13[%mul3A_178, %dma_wait3A_182] : memref<10112x128xf32, #tpu.memory_space<vmem_shared>> -> memref<128x128xf32, #tpu.memory_space<vmem_shared>>
        tpu.wait_dma2 semaphore(%run_scoped3A_179 : memref<!tpu.dma_semaphore, #tpu.memory_space<semaphore_mem>>) src(%arg11 : memref<128x128xf32, #tpu.memory_space<hbm>>) dst(%dma_wait3A_183 : memref<128x128xf32, #tpu.memory_space<vmem_shared>>)
        tpu.yield
      }) : () -> ()
    } else {
    }
    %barrier3A_91 = arith.constant 0 : index
    tpu.barrier barrier_id(%barrier3A_91)
    %mul3A_92 = arith.constant 128 : i32
    %mul3A_93 = arith.muli %mul3A_2, %mul3A_92 : i32
    "tpu.region"() ({
      %run_scoped3A_177 = tpu.sem_alloc : memref<!tpu.dma_semaphore, #tpu.memory_space<semaphore_mem>>
      %dma_start3A_178 = tpu.memref_slice %arg6[%mul3A_93] : memref<327680xi32, #tpu.memory_space<hbm>> -> memref<10240xi32, #tpu.memory_space<hbm>>
      %dma_start3A_179 = tpu.memref_slice %arg6[%mul3A_93] : memref<327680xi32, #tpu.memory_space<hbm>> -> memref<10240xi32, #tpu.memory_space<hbm>>
      tpu.enqueue_dma source(%dma_start3A_179 : memref<10240xi32, #tpu.memory_space<hbm>>) target(%arg16 : memref<10240xi32, #tpu.memory_space<vmem>>) target_semaphore(%run_scoped3A_177 : memref<!tpu.dma_semaphore, #tpu.memory_space<semaphore_mem>>)
      %dma_wait3A_180 = tpu.memref_slice %arg6[%mul3A_93] : memref<327680xi32, #tpu.memory_space<hbm>> -> memref<10240xi32, #tpu.memory_space<hbm>>
      %dma_wait3A_181 = tpu.memref_slice %arg6[%mul3A_93] : memref<327680xi32, #tpu.memory_space<hbm>> -> memref<10240xi32, #tpu.memory_space<hbm>>
      tpu.wait_dma2 semaphore(%run_scoped3A_177 : memref<!tpu.dma_semaphore, #tpu.memory_space<semaphore_mem>>) src(%dma_wait3A_181 : memref<10240xi32, #tpu.memory_space<hbm>>) dst(%arg16 : memref<10240xi32, #tpu.memory_space<vmem>>)
      tpu.yield
    }) : () -> ()
    %mul3A_94 = arith.constant 128 : i32
    %mul3A_95 = arith.muli %mul3A_2, %mul3A_94 : i32
    "tpu.region"() ({
      %run_scoped3A_177 = tpu.sem_alloc : memref<!tpu.dma_semaphore, #tpu.memory_space<semaphore_mem>>
      %dma_start3A_178 = tpu.memref_slice %arg9[%mul3A_95] : memref<327680xi32, #tpu.memory_space<hbm>> -> memref<128xi32, #tpu.memory_space<hbm>>
      %dma_start3A_179 = tpu.memref_slice %arg9[%mul3A_95] : memref<327680xi32, #tpu.memory_space<hbm>> -> memref<128xi32, #tpu.memory_space<hbm>>
      tpu.enqueue_dma source(%dma_start3A_179 : memref<128xi32, #tpu.memory_space<hbm>>) target(%arg17 : memref<128xi32, #tpu.memory_space<vmem>>) target_semaphore(%run_scoped3A_177 : memref<!tpu.dma_semaphore, #tpu.memory_space<semaphore_mem>>)
      %dma_wait3A_180 = tpu.memref_slice %arg9[%mul3A_95] : memref<327680xi32, #tpu.memory_space<hbm>> -> memref<128xi32, #tpu.memory_space<hbm>>
      %dma_wait3A_181 = tpu.memref_slice %arg9[%mul3A_95] : memref<327680xi32, #tpu.memory_space<hbm>> -> memref<128xi32, #tpu.memory_space<hbm>>
      tpu.wait_dma2 semaphore(%run_scoped3A_177 : memref<!tpu.dma_semaphore, #tpu.memory_space<semaphore_mem>>) src(%dma_wait3A_181 : memref<128xi32, #tpu.memory_space<hbm>>) dst(%arg17 : memref<128xi32, #tpu.memory_space<vmem>>)
      tpu.yield
    }) : () -> ()
    %dma_start3A_96 = arith.constant 0 : i32
    %dma_start3A_97 = tpu.memref_slice %arg16[%dma_start3A_96] : memref<10240xi32, #tpu.memory_space<vmem>> -> memref<128xi32, #tpu.memory_space<vmem>>
    %dma_start3A_98 = arith.constant 0 : i32
    %dma_start3A_99 = arith.constant 0 : i32
    %dma_start3A_100 = tpu.memref_slice %arg3[%dma_start3A_98, %dma_start3A_99] : memref<10000x128xf32, #tpu.memory_space<hbm>> -> memref<10000x128xf32, #tpu.memory_space<hbm>>
    tpu.enqueue_indirect_dma source(%dma_start3A_100 : memref<10000x128xf32, #tpu.memory_space<hbm>>) target(%arg14 : memref<128x128xf32, #tpu.memory_space<vmem>>) offsets(%dma_start3A_97 : memref<128xi32, #tpu.memory_space<vmem>>) semaphore(%arg19 : memref<!tpu.dma_semaphore, #tpu.memory_space<semaphore_mem>>)
    %scan3A_101 = arith.constant 0 : i32
    %scan3A_102 = arith.constant 0 : i32
    %scan3A_103 = arith.constant 40 : i32
    %scan3A_104 = arith.addi %scan3A_102, %scan3A_103 : i32
    %scan3A_105 = arith.constant 1 : i32
    scf.for %scan3A_177 = %scan3A_102 to %scan3A_104 step %scan3A_105  : i32 {
      %mul3A_178 = arith.constant 2 : i32
      %mul3A_179 = arith.muli %mul3A_178, %scan3A_177 : i32
      %add3A_180 = arith.constant 0 : i32
      %add3A_181 = arith.addi %mul3A_179, %add3A_180 : i32
      %dma_wait3A_182 = arith.constant 0 : i32
      %dma_wait3A_183 = tpu.memref_slice %arg16[%dma_wait3A_182] : memref<10240xi32, #tpu.memory_space<vmem>> -> memref<128xi32, #tpu.memory_space<vmem>>
      %dma_wait3A_184 = arith.constant 0 : i32
      %dma_wait3A_185 = arith.constant 0 : i32
      %dma_wait3A_186 = tpu.memref_slice %arg3[%dma_wait3A_184, %dma_wait3A_185] : memref<10000x128xf32, #tpu.memory_space<hbm>> -> memref<10000x128xf32, #tpu.memory_space<hbm>>
      tpu.wait_indirect_dma semaphore(%arg19 : memref<!tpu.dma_semaphore, #tpu.memory_space<semaphore_mem>>) src(%dma_wait3A_186 : memref<10000x128xf32, #tpu.memory_space<hbm>>) dst(%arg14 : memref<128x128xf32, #tpu.memory_space<vmem>>)
      %ge3A = arith.constant 1 : i32
      %ge3A_187 = arith.cmpi sge, %add3A_181, %ge3A : i32
      %convert_element_type3A_188 = arith.extui %ge3A_187 : i1 to i32
      %cond3A_189 = arith.constant 0 : i32
      %cond3A_190 = arith.cmpi ne, %convert_element_type3A_188, %cond3A_189 : i32
      scf.if %cond3A_190 {
        %dma_wait3A_225 = arith.constant 0 : i32
        %dma_wait3A_226 = arith.constant 0 : i32
        %dma_wait3A_227 = tpu.memref_slice %arg13[%dma_wait3A_225, %dma_wait3A_226] : memref<10112x128xf32, #tpu.memory_space<vmem_shared>> -> memref<10112x128xf32, #tpu.memory_space<vmem_shared>>
        tpu.wait_indirect_dma semaphore(%arg22 : memref<!tpu.dma_semaphore, #tpu.memory_space<semaphore_mem>>) src(%arg15 : memref<128x128xf32, #tpu.memory_space<vmem>>) dst(%dma_wait3A_227 : memref<10112x128xf32, #tpu.memory_space<vmem_shared>>)
      } else {
      }
      %dma_start3A_191 = arith.constant 0 : i32
      %dma_start3A_192 = arith.constant 0 : i32
      %dma_start3A_193 = tpu.memref_slice %arg13[%dma_start3A_191, %dma_start3A_192] : memref<10112x128xf32, #tpu.memory_space<vmem_shared>> -> memref<10112x128xf32, #tpu.memory_space<vmem_shared>>
      tpu.enqueue_indirect_dma source(%arg14 : memref<128x128xf32, #tpu.memory_space<vmem>>) target(%dma_start3A_193 : memref<10112x128xf32, #tpu.memory_space<vmem_shared>>) offsets(%arg17 : memref<128xi32, #tpu.memory_space<vmem>>) semaphore(%arg21 : memref<!tpu.dma_semaphore, #tpu.memory_space<semaphore_mem>>) {add = true}
      %add3A_194 = arith.constant 1 : i32
      %add3A_195 = arith.addi %add3A_181, %add3A_194 : i32
      %lt3A_196 = arith.constant 80 : i32
      %lt3A_197 = arith.cmpi slt, %add3A_195, %lt3A_196 : i32
      %convert_element_type3A_198 = arith.extui %lt3A_197 : i1 to i32
      %cond3A_199 = arith.constant 0 : i32
      %cond3A_200 = arith.cmpi ne, %convert_element_type3A_198, %cond3A_199 : i32
      scf.if %cond3A_200 {
        %add3A_225 = arith.addi %mul3A_2, %add3A_181 : i32
        %add3A_226 = arith.constant 1 : i32
        %add3A_227 = arith.addi %add3A_225, %add3A_226 : i32
        %mul3A_228 = arith.constant 128 : i32
        %mul3A_229 = arith.muli %add3A_227, %mul3A_228 : i32
        "tpu.region"() ({
          %run_scoped3A_238 = tpu.sem_alloc : memref<!tpu.dma_semaphore, #tpu.memory_space<semaphore_mem>>
          %dma_start3A_239 = tpu.memref_slice %arg9[%mul3A_229] : memref<327680xi32, #tpu.memory_space<hbm>> -> memref<128xi32, #tpu.memory_space<hbm>>
          %dma_start3A_240 = tpu.memref_slice %arg9[%mul3A_229] : memref<327680xi32, #tpu.memory_space<hbm>> -> memref<128xi32, #tpu.memory_space<hbm>>
          tpu.enqueue_dma source(%dma_start3A_240 : memref<128xi32, #tpu.memory_space<hbm>>) target(%arg18 : memref<128xi32, #tpu.memory_space<vmem>>) target_semaphore(%run_scoped3A_238 : memref<!tpu.dma_semaphore, #tpu.memory_space<semaphore_mem>>)
          %dma_wait3A_241 = tpu.memref_slice %arg9[%mul3A_229] : memref<327680xi32, #tpu.memory_space<hbm>> -> memref<128xi32, #tpu.memory_space<hbm>>
          %dma_wait3A_242 = tpu.memref_slice %arg9[%mul3A_229] : memref<327680xi32, #tpu.memory_space<hbm>> -> memref<128xi32, #tpu.memory_space<hbm>>
          tpu.wait_dma2 semaphore(%run_scoped3A_238 : memref<!tpu.dma_semaphore, #tpu.memory_space<semaphore_mem>>) src(%dma_wait3A_242 : memref<128xi32, #tpu.memory_space<hbm>>) dst(%arg18 : memref<128xi32, #tpu.memory_space<vmem>>)
          tpu.yield
        }) : () -> ()
        %add3A_230 = arith.constant 1 : i32
        %add3A_231 = arith.addi %add3A_181, %add3A_230 : i32
        %mul3A_232 = arith.constant 128 : i32
        %mul3A_233 = arith.muli %add3A_231, %mul3A_232 : i32
        %dma_start3A_234 = tpu.memref_slice %arg16[%mul3A_233] : memref<10240xi32, #tpu.memory_space<vmem>> -> memref<128xi32, #tpu.memory_space<vmem>>
        %dma_start3A_235 = arith.constant 0 : i32
        %dma_start3A_236 = arith.constant 0 : i32
        %dma_start3A_237 = tpu.memref_slice %arg3[%dma_start3A_235, %dma_start3A_236] : memref<10000x128xf32, #tpu.memory_space<hbm>> -> memref<10000x128xf32, #tpu.memory_space<hbm>>
        tpu.enqueue_indirect_dma source(%dma_start3A_237 : memref<10000x128xf32, #tpu.memory_space<hbm>>) target(%arg15 : memref<128x128xf32, #tpu.memory_space<vmem>>) offsets(%dma_start3A_234 : memref<128xi32, #tpu.memory_space<vmem>>) semaphore(%arg20 : memref<!tpu.dma_semaphore, #tpu.memory_space<semaphore_mem>>)
      } else {
      }
      %mul3A_201 = arith.constant 2 : i32
      %mul3A_202 = arith.muli %mul3A_201, %scan3A_177 : i32
      %add3A_203 = arith.constant 1 : i32
      %add3A_204 = arith.addi %mul3A_202, %add3A_203 : i32
      %dma_wait3A_205 = arith.constant 0 : i32
      %dma_wait3A_206 = tpu.memref_slice %arg16[%dma_wait3A_205] : memref<10240xi32, #tpu.memory_space<vmem>> -> memref<128xi32, #tpu.memory_space<vmem>>
      %dma_wait3A_207 = arith.constant 0 : i32
      %dma_wait3A_208 = arith.constant 0 : i32
      %dma_wait3A_209 = tpu.memref_slice %arg3[%dma_wait3A_207, %dma_wait3A_208] : memref<10000x128xf32, #tpu.memory_space<hbm>> -> memref<10000x128xf32, #tpu.memory_space<hbm>>
      tpu.wait_indirect_dma semaphore(%arg20 : memref<!tpu.dma_semaphore, #tpu.memory_space<semaphore_mem>>) src(%dma_wait3A_209 : memref<10000x128xf32, #tpu.memory_space<hbm>>) dst(%arg15 : memref<128x128xf32, #tpu.memory_space<vmem>>)
      %ge3A_210 = arith.constant 1 : i32
      %ge3A_211 = arith.cmpi sge, %add3A_204, %ge3A_210 : i32
      %convert_element_type3A_212 = arith.extui %ge3A_211 : i1 to i32
      %cond3A_213 = arith.constant 0 : i32
      %cond3A_214 = arith.cmpi ne, %convert_element_type3A_212, %cond3A_213 : i32
      scf.if %cond3A_214 {
        %dma_wait3A_225 = arith.constant 0 : i32
        %dma_wait3A_226 = arith.constant 0 : i32
        %dma_wait3A_227 = tpu.memref_slice %arg13[%dma_wait3A_225, %dma_wait3A_226] : memref<10112x128xf32, #tpu.memory_space<vmem_shared>> -> memref<10112x128xf32, #tpu.memory_space<vmem_shared>>
        tpu.wait_indirect_dma semaphore(%arg21 : memref<!tpu.dma_semaphore, #tpu.memory_space<semaphore_mem>>) src(%arg14 : memref<128x128xf32, #tpu.memory_space<vmem>>) dst(%dma_wait3A_227 : memref<10112x128xf32, #tpu.memory_space<vmem_shared>>)
      } else {
      }
      %dma_start3A_215 = arith.constant 0 : i32
      %dma_start3A_216 = arith.constant 0 : i32
      %dma_start3A_217 = tpu.memref_slice %arg13[%dma_start3A_215, %dma_start3A_216] : memref<10112x128xf32, #tpu.memory_space<vmem_shared>> -> memref<10112x128xf32, #tpu.memory_space<vmem_shared>>
      tpu.enqueue_indirect_dma source(%arg15 : memref<128x128xf32, #tpu.memory_space<vmem>>) target(%dma_start3A_217 : memref<10112x128xf32, #tpu.memory_space<vmem_shared>>) offsets(%arg18 : memref<128xi32, #tpu.memory_space<vmem>>) semaphore(%arg22 : memref<!tpu.dma_semaphore, #tpu.memory_space<semaphore_mem>>) {add = true}
      %add3A_218 = arith.constant 1 : i32
      %add3A_219 = arith.addi %add3A_204, %add3A_218 : i32
      %lt3A_220 = arith.constant 80 : i32
      %lt3A_221 = arith.cmpi slt, %add3A_219, %lt3A_220 : i32
      %convert_element_type3A_222 = arith.extui %lt3A_221 : i1 to i32
      %cond3A_223 = arith.constant 0 : i32
      %cond3A_224 = arith.cmpi ne, %convert_element_type3A_222, %cond3A_223 : i32
      scf.if %cond3A_224 {
        %add3A_225 = arith.addi %mul3A_2, %add3A_204 : i32
        %add3A_226 = arith.constant 1 : i32
        %add3A_227 = arith.addi %add3A_225, %add3A_226 : i32
        %mul3A_228 = arith.constant 128 : i32
        %mul3A_229 = arith.muli %add3A_227, %mul3A_228 : i32
        "tpu.region"() ({
          %run_scoped3A_238 = tpu.sem_alloc : memref<!tpu.dma_semaphore, #tpu.memory_space<semaphore_mem>>
          %dma_start3A_239 = tpu.memref_slice %arg9[%mul3A_229] : memref<327680xi32, #tpu.memory_space<hbm>> -> memref<128xi32, #tpu.memory_space<hbm>>
          %dma_start3A_240 = tpu.memref_slice %arg9[%mul3A_229] : memref<327680xi32, #tpu.memory_space<hbm>> -> memref<128xi32, #tpu.memory_space<hbm>>
          tpu.enqueue_dma source(%dma_start3A_240 : memref<128xi32, #tpu.memory_space<hbm>>) target(%arg17 : memref<128xi32, #tpu.memory_space<vmem>>) target_semaphore(%run_scoped3A_238 : memref<!tpu.dma_semaphore, #tpu.memory_space<semaphore_mem>>)
          %dma_wait3A_241 = tpu.memref_slice %arg9[%mul3A_229] : memref<327680xi32, #tpu.memory_space<hbm>> -> memref<128xi32, #tpu.memory_space<hbm>>
          %dma_wait3A_242 = tpu.memref_slice %arg9[%mul3A_229] : memref<327680xi32, #tpu.memory_space<hbm>> -> memref<128xi32, #tpu.memory_space<hbm>>
          tpu.wait_dma2 semaphore(%run_scoped3A_238 : memref<!tpu.dma_semaphore, #tpu.memory_space<semaphore_mem>>) src(%dma_wait3A_242 : memref<128xi32, #tpu.memory_space<hbm>>) dst(%arg17 : memref<128xi32, #tpu.memory_space<vmem>>)
          tpu.yield
        }) : () -> ()
        %add3A_230 = arith.constant 1 : i32
        %add3A_231 = arith.addi %add3A_204, %add3A_230 : i32
        %mul3A_232 = arith.constant 128 : i32
        %mul3A_233 = arith.muli %add3A_231, %mul3A_232 : i32
        %dma_start3A_234 = tpu.memref_slice %arg16[%mul3A_233] : memref<10240xi32, #tpu.memory_space<vmem>> -> memref<128xi32, #tpu.memory_space<vmem>>
        %dma_start3A_235 = arith.constant 0 : i32
        %dma_start3A_236 = arith.constant 0 : i32
        %dma_start3A_237 = tpu.memref_slice %arg3[%dma_start3A_235, %dma_start3A_236] : memref<10000x128xf32, #tpu.memory_space<hbm>> -> memref<10000x128xf32, #tpu.memory_space<hbm>>
        tpu.enqueue_indirect_dma source(%dma_start3A_237 : memref<10000x128xf32, #tpu.memory_space<hbm>>) target(%arg14 : memref<128x128xf32, #tpu.memory_space<vmem>>) offsets(%dma_start3A_234 : memref<128xi32, #tpu.memory_space<vmem>>) semaphore(%arg19 : memref<!tpu.dma_semaphore, #tpu.memory_space<semaphore_mem>>)
      } else {
      }
    }
    %scan3A_106 = arith.constant 40 : i32
    %dma_wait3A_107 = arith.constant 0 : i32
    %dma_wait3A_108 = arith.constant 0 : i32
    %dma_wait3A_109 = tpu.memref_slice %arg13[%dma_wait3A_107, %dma_wait3A_108] : memref<10112x128xf32, #tpu.memory_space<vmem_shared>> -> memref<10112x128xf32, #tpu.memory_space<vmem_shared>>
    tpu.wait_indirect_dma semaphore(%arg22 : memref<!tpu.dma_semaphore, #tpu.memory_space<semaphore_mem>>) src(%arg15 : memref<128x128xf32, #tpu.memory_space<vmem>>) dst(%dma_wait3A_109 : memref<10112x128xf32, #tpu.memory_space<vmem_shared>>)
    %barrier3A_110 = arith.constant 0 : index
    tpu.barrier barrier_id(%barrier3A_110)
    %mul3A_111 = arith.constant 632 : i32
    %mul3A_112 = arith.muli %arg1, %mul3A_111 : i32
    %mul3A_113 = arith.constant 632 : i32
    %mul3A_114 = arith.muli %arg1, %mul3A_113 : i32
    %run_scoped3A_115 = arith.constant 1 : i32
    "tpu.region"() ({
      %run_scoped3A_177 = tpu.sem_alloc : memref<!tpu.dma_semaphore, #tpu.memory_space<semaphore_mem>>
      %dma_start3A_178 = arith.constant 0 : i32
      %dma_start3A_179 = tpu.memref_slice %arg12[%arg0, %run_scoped3A_115, %mul3A_114, %dma_start3A_178] : memref<2x3x10112x128xf32, #tpu.memory_space<hbm>> -> memref<1x1x632x128xf32, #tpu.memory_space<hbm>>
      %dma_start3A_180 = tpu.memref_squeeze %dma_start3A_179 : memref<1x1x632x128xf32, #tpu.memory_space<hbm>> -> memref<632x128xf32, #tpu.memory_space<hbm>>
      %dma_start3A_181 = arith.constant 0 : i32
      %dma_start3A_182 = tpu.memref_slice %arg13[%mul3A_112, %dma_start3A_181] : memref<10112x128xf32, #tpu.memory_space<vmem_shared>> -> memref<632x128xf32, #tpu.memory_space<vmem_shared>>
      tpu.enqueue_dma source(%dma_start3A_182 : memref<632x128xf32, #tpu.memory_space<vmem_shared>>) target(%dma_start3A_180 : memref<632x128xf32, #tpu.memory_space<hbm>>) target_semaphore(%run_scoped3A_177 : memref<!tpu.dma_semaphore, #tpu.memory_space<semaphore_mem>>)
      %dma_wait3A_183 = arith.constant 0 : i32
      %dma_wait3A_184 = tpu.memref_slice %arg12[%arg0, %run_scoped3A_115, %mul3A_114, %dma_wait3A_183] : memref<2x3x10112x128xf32, #tpu.memory_space<hbm>> -> memref<1x1x632x128xf32, #tpu.memory_space<hbm>>
      %dma_wait3A_185 = tpu.memref_squeeze %dma_wait3A_184 : memref<1x1x632x128xf32, #tpu.memory_space<hbm>> -> memref<632x128xf32, #tpu.memory_space<hbm>>
      %dma_wait3A_186 = arith.constant 0 : i32
      %dma_wait3A_187 = tpu.memref_slice %arg13[%mul3A_112, %dma_wait3A_186] : memref<10112x128xf32, #tpu.memory_space<vmem_shared>> -> memref<632x128xf32, #tpu.memory_space<vmem_shared>>
      tpu.wait_dma2 semaphore(%run_scoped3A_177 : memref<!tpu.dma_semaphore, #tpu.memory_space<semaphore_mem>>) src(%dma_wait3A_187 : memref<632x128xf32, #tpu.memory_space<vmem_shared>>) dst(%dma_wait3A_185 : memref<632x128xf32, #tpu.memory_space<hbm>>)
      tpu.yield
    }) : () -> ()
    %barrier3A_116 = arith.constant 0 : index
    tpu.barrier barrier_id(%barrier3A_116)
    %add3A_117 = arith.constant 0 : i32
    %add3A_118 = arith.addi %arg1, %add3A_117 : i32
    %lt3A_119 = arith.constant 79 : i32
    %lt3A_120 = arith.cmpi slt, %add3A_118, %lt3A_119 : i32
    %convert_element_type3A_121 = arith.extui %lt3A_120 : i1 to i32
    %cond3A_122 = arith.constant 0 : i32
    %cond3A_123 = arith.cmpi ne, %convert_element_type3A_121, %cond3A_122 : i32
    scf.if %cond3A_123 {
      %mul3A_177 = arith.constant 128 : i32
      %mul3A_178 = arith.muli %add3A_118, %mul3A_177 : i32
      "tpu.region"() ({
        %run_scoped3A_179 = tpu.sem_alloc : memref<!tpu.dma_semaphore, #tpu.memory_space<semaphore_mem>>
        %dma_start3A_180 = arith.constant 0 : i32
        %dma_start3A_181 = tpu.memref_slice %arg13[%mul3A_178, %dma_start3A_180] : memref<10112x128xf32, #tpu.memory_space<vmem_shared>> -> memref<128x128xf32, #tpu.memory_space<vmem_shared>>
        tpu.enqueue_dma source(%arg11 : memref<128x128xf32, #tpu.memory_space<hbm>>) target(%dma_start3A_181 : memref<128x128xf32, #tpu.memory_space<vmem_shared>>) target_semaphore(%run_scoped3A_179 : memref<!tpu.dma_semaphore, #tpu.memory_space<semaphore_mem>>)
        %dma_wait3A_182 = arith.constant 0 : i32
        %dma_wait3A_183 = tpu.memref_slice %arg13[%mul3A_178, %dma_wait3A_182] : memref<10112x128xf32, #tpu.memory_space<vmem_shared>> -> memref<128x128xf32, #tpu.memory_space<vmem_shared>>
        tpu.wait_dma2 semaphore(%run_scoped3A_179 : memref<!tpu.dma_semaphore, #tpu.memory_space<semaphore_mem>>) src(%arg11 : memref<128x128xf32, #tpu.memory_space<hbm>>) dst(%dma_wait3A_183 : memref<128x128xf32, #tpu.memory_space<vmem_shared>>)
        tpu.yield
      }) : () -> ()
    } else {
    }
    %add3A_124 = arith.constant 16 : i32
    %add3A_125 = arith.addi %arg1, %add3A_124 : i32
    %lt3A_126 = arith.constant 79 : i32
    %lt3A_127 = arith.cmpi slt, %add3A_125, %lt3A_126 : i32
    %convert_element_type3A_128 = arith.extui %lt3A_127 : i1 to i32
    %cond3A_129 = arith.constant 0 : i32
    %cond3A_130 = arith.cmpi ne, %convert_element_type3A_128, %cond3A_129 : i32
    scf.if %cond3A_130 {
      %mul3A_177 = arith.constant 128 : i32
      %mul3A_178 = arith.muli %add3A_125, %mul3A_177 : i32
      "tpu.region"() ({
        %run_scoped3A_179 = tpu.sem_alloc : memref<!tpu.dma_semaphore, #tpu.memory_space<semaphore_mem>>
        %dma_start3A_180 = arith.constant 0 : i32
        %dma_start3A_181 = tpu.memref_slice %arg13[%mul3A_178, %dma_start3A_180] : memref<10112x128xf32, #tpu.memory_space<vmem_shared>> -> memref<128x128xf32, #tpu.memory_space<vmem_shared>>
        tpu.enqueue_dma source(%arg11 : memref<128x128xf32, #tpu.memory_space<hbm>>) target(%dma_start3A_181 : memref<128x128xf32, #tpu.memory_space<vmem_shared>>) target_semaphore(%run_scoped3A_179 : memref<!tpu.dma_semaphore, #tpu.memory_space<semaphore_mem>>)
        %dma_wait3A_182 = arith.constant 0 : i32
        %dma_wait3A_183 = tpu.memref_slice %arg13[%mul3A_178, %dma_wait3A_182] : memref<10112x128xf32, #tpu.memory_space<vmem_shared>> -> memref<128x128xf32, #tpu.memory_space<vmem_shared>>
        tpu.wait_dma2 semaphore(%run_scoped3A_179 : memref<!tpu.dma_semaphore, #tpu.memory_space<semaphore_mem>>) src(%arg11 : memref<128x128xf32, #tpu.memory_space<hbm>>) dst(%dma_wait3A_183 : memref<128x128xf32, #tpu.memory_space<vmem_shared>>)
        tpu.yield
      }) : () -> ()
    } else {
    }
    %add3A_131 = arith.constant 32 : i32
    %add3A_132 = arith.addi %arg1, %add3A_131 : i32
    %lt3A_133 = arith.constant 79 : i32
    %lt3A_134 = arith.cmpi slt, %add3A_132, %lt3A_133 : i32
    %convert_element_type3A_135 = arith.extui %lt3A_134 : i1 to i32
    %cond3A_136 = arith.constant 0 : i32
    %cond3A_137 = arith.cmpi ne, %convert_element_type3A_135, %cond3A_136 : i32
    scf.if %cond3A_137 {
      %mul3A_177 = arith.constant 128 : i32
      %mul3A_178 = arith.muli %add3A_132, %mul3A_177 : i32
      "tpu.region"() ({
        %run_scoped3A_179 = tpu.sem_alloc : memref<!tpu.dma_semaphore, #tpu.memory_space<semaphore_mem>>
        %dma_start3A_180 = arith.constant 0 : i32
        %dma_start3A_181 = tpu.memref_slice %arg13[%mul3A_178, %dma_start3A_180] : memref<10112x128xf32, #tpu.memory_space<vmem_shared>> -> memref<128x128xf32, #tpu.memory_space<vmem_shared>>
        tpu.enqueue_dma source(%arg11 : memref<128x128xf32, #tpu.memory_space<hbm>>) target(%dma_start3A_181 : memref<128x128xf32, #tpu.memory_space<vmem_shared>>) target_semaphore(%run_scoped3A_179 : memref<!tpu.dma_semaphore, #tpu.memory_space<semaphore_mem>>)
        %dma_wait3A_182 = arith.constant 0 : i32
        %dma_wait3A_183 = tpu.memref_slice %arg13[%mul3A_178, %dma_wait3A_182] : memref<10112x128xf32, #tpu.memory_space<vmem_shared>> -> memref<128x128xf32, #tpu.memory_space<vmem_shared>>
        tpu.wait_dma2 semaphore(%run_scoped3A_179 : memref<!tpu.dma_semaphore, #tpu.memory_space<semaphore_mem>>) src(%arg11 : memref<128x128xf32, #tpu.memory_space<hbm>>) dst(%dma_wait3A_183 : memref<128x128xf32, #tpu.memory_space<vmem_shared>>)
        tpu.yield
      }) : () -> ()
    } else {
    }
    %add3A_138 = arith.constant 48 : i32
    %add3A_139 = arith.addi %arg1, %add3A_138 : i32
    %lt3A_140 = arith.constant 79 : i32
    %lt3A_141 = arith.cmpi slt, %add3A_139, %lt3A_140 : i32
    %convert_element_type3A_142 = arith.extui %lt3A_141 : i1 to i32
    %cond3A_143 = arith.constant 0 : i32
    %cond3A_144 = arith.cmpi ne, %convert_element_type3A_142, %cond3A_143 : i32
    scf.if %cond3A_144 {
      %mul3A_177 = arith.constant 128 : i32
      %mul3A_178 = arith.muli %add3A_139, %mul3A_177 : i32
      "tpu.region"() ({
        %run_scoped3A_179 = tpu.sem_alloc : memref<!tpu.dma_semaphore, #tpu.memory_space<semaphore_mem>>
        %dma_start3A_180 = arith.constant 0 : i32
        %dma_start3A_181 = tpu.memref_slice %arg13[%mul3A_178, %dma_start3A_180] : memref<10112x128xf32, #tpu.memory_space<vmem_shared>> -> memref<128x128xf32, #tpu.memory_space<vmem_shared>>
        tpu.enqueue_dma source(%arg11 : memref<128x128xf32, #tpu.memory_space<hbm>>) target(%dma_start3A_181 : memref<128x128xf32, #tpu.memory_space<vmem_shared>>) target_semaphore(%run_scoped3A_179 : memref<!tpu.dma_semaphore, #tpu.memory_space<semaphore_mem>>)
        %dma_wait3A_182 = arith.constant 0 : i32
        %dma_wait3A_183 = tpu.memref_slice %arg13[%mul3A_178, %dma_wait3A_182] : memref<10112x128xf32, #tpu.memory_space<vmem_shared>> -> memref<128x128xf32, #tpu.memory_space<vmem_shared>>
        tpu.wait_dma2 semaphore(%run_scoped3A_179 : memref<!tpu.dma_semaphore, #tpu.memory_space<semaphore_mem>>) src(%arg11 : memref<128x128xf32, #tpu.memory_space<hbm>>) dst(%dma_wait3A_183 : memref<128x128xf32, #tpu.memory_space<vmem_shared>>)
        tpu.yield
      }) : () -> ()
    } else {
    }
    %add3A_145 = arith.constant 64 : i32
    %add3A_146 = arith.addi %arg1, %add3A_145 : i32
    %lt3A_147 = arith.constant 79 : i32
    %lt3A_148 = arith.cmpi slt, %add3A_146, %lt3A_147 : i32
    %convert_element_type3A_149 = arith.extui %lt3A_148 : i1 to i32
    %cond3A_150 = arith.constant 0 : i32
    %cond3A_151 = arith.cmpi ne, %convert_element_type3A_149, %cond3A_150 : i32
    scf.if %cond3A_151 {
      %mul3A_177 = arith.constant 128 : i32
      %mul3A_178 = arith.muli %add3A_146, %mul3A_177 : i32
      "tpu.region"() ({
        %run_scoped3A_179 = tpu.sem_alloc : memref<!tpu.dma_semaphore, #tpu.memory_space<semaphore_mem>>
        %dma_start3A_180 = arith.constant 0 : i32
        %dma_start3A_181 = tpu.memref_slice %arg13[%mul3A_178, %dma_start3A_180] : memref<10112x128xf32, #tpu.memory_space<vmem_shared>> -> memref<128x128xf32, #tpu.memory_space<vmem_shared>>
        tpu.enqueue_dma source(%arg11 : memref<128x128xf32, #tpu.memory_space<hbm>>) target(%dma_start3A_181 : memref<128x128xf32, #tpu.memory_space<vmem_shared>>) target_semaphore(%run_scoped3A_179 : memref<!tpu.dma_semaphore, #tpu.memory_space<semaphore_mem>>)
        %dma_wait3A_182 = arith.constant 0 : i32
        %dma_wait3A_183 = tpu.memref_slice %arg13[%mul3A_178, %dma_wait3A_182] : memref<10112x128xf32, #tpu.memory_space<vmem_shared>> -> memref<128x128xf32, #tpu.memory_space<vmem_shared>>
        tpu.wait_dma2 semaphore(%run_scoped3A_179 : memref<!tpu.dma_semaphore, #tpu.memory_space<semaphore_mem>>) src(%arg11 : memref<128x128xf32, #tpu.memory_space<hbm>>) dst(%dma_wait3A_183 : memref<128x128xf32, #tpu.memory_space<vmem_shared>>)
        tpu.yield
      }) : () -> ()
    } else {
    }
    %barrier3A_152 = arith.constant 0 : index
    tpu.barrier barrier_id(%barrier3A_152)
    %mul3A_153 = arith.constant 128 : i32
    %mul3A_154 = arith.muli %mul3A_2, %mul3A_153 : i32
    "tpu.region"() ({
      %run_scoped3A_177 = tpu.sem_alloc : memref<!tpu.dma_semaphore, #tpu.memory_space<semaphore_mem>>
      %dma_start3A_178 = tpu.memref_slice %arg7[%mul3A_154] : memref<327680xi32, #tpu.memory_space<hbm>> -> memref<10240xi32, #tpu.memory_space<hbm>>
      %dma_start3A_179 = tpu.memref_slice %arg7[%mul3A_154] : memref<327680xi32, #tpu.memory_space<hbm>> -> memref<10240xi32, #tpu.memory_space<hbm>>
      tpu.enqueue_dma source(%dma_start3A_179 : memref<10240xi32, #tpu.memory_space<hbm>>) target(%arg16 : memref<10240xi32, #tpu.memory_space<vmem>>) target_semaphore(%run_scoped3A_177 : memref<!tpu.dma_semaphore, #tpu.memory_space<semaphore_mem>>)
      %dma_wait3A_180 = tpu.memref_slice %arg7[%mul3A_154] : memref<327680xi32, #tpu.memory_space<hbm>> -> memref<10240xi32, #tpu.memory_space<hbm>>
      %dma_wait3A_181 = tpu.memref_slice %arg7[%mul3A_154] : memref<327680xi32, #tpu.memory_space<hbm>> -> memref<10240xi32, #tpu.memory_space<hbm>>
      tpu.wait_dma2 semaphore(%run_scoped3A_177 : memref<!tpu.dma_semaphore, #tpu.memory_space<semaphore_mem>>) src(%dma_wait3A_181 : memref<10240xi32, #tpu.memory_space<hbm>>) dst(%arg16 : memref<10240xi32, #tpu.memory_space<vmem>>)
      tpu.yield
    }) : () -> ()
    %mul3A_155 = arith.constant 128 : i32
    %mul3A_156 = arith.muli %mul3A_2, %mul3A_155 : i32
    "tpu.region"() ({
      %run_scoped3A_177 = tpu.sem_alloc : memref<!tpu.dma_semaphore, #tpu.memory_space<semaphore_mem>>
      %dma_start3A_178 = tpu.memref_slice %arg10[%mul3A_156] : memref<327680xi32, #tpu.memory_space<hbm>> -> memref<128xi32, #tpu.memory_space<hbm>>
      %dma_start3A_179 = tpu.memref_slice %arg10[%mul3A_156] : memref<327680xi32, #tpu.memory_space<hbm>> -> memref<128xi32, #tpu.memory_space<hbm>>
      tpu.enqueue_dma source(%dma_start3A_179 : memref<128xi32, #tpu.memory_space<hbm>>) target(%arg17 : memref<128xi32, #tpu.memory_space<vmem>>) target_semaphore(%run_scoped3A_177 : memref<!tpu.dma_semaphore, #tpu.memory_space<semaphore_mem>>)
      %dma_wait3A_180 = tpu.memref_slice %arg10[%mul3A_156] : memref<327680xi32, #tpu.memory_space<hbm>> -> memref<128xi32, #tpu.memory_space<hbm>>
      %dma_wait3A_181 = tpu.memref_slice %arg10[%mul3A_156] : memref<327680xi32, #tpu.memory_space<hbm>> -> memref<128xi32, #tpu.memory_space<hbm>>
      tpu.wait_dma2 semaphore(%run_scoped3A_177 : memref<!tpu.dma_semaphore, #tpu.memory_space<semaphore_mem>>) src(%dma_wait3A_181 : memref<128xi32, #tpu.memory_space<hbm>>) dst(%arg17 : memref<128xi32, #tpu.memory_space<vmem>>)
      tpu.yield
    }) : () -> ()
    %dma_start3A_157 = arith.constant 0 : i32
    %dma_start3A_158 = tpu.memref_slice %arg16[%dma_start3A_157] : memref<10240xi32, #tpu.memory_space<vmem>> -> memref<128xi32, #tpu.memory_space<vmem>>
    %dma_start3A_159 = arith.constant 0 : i32
    %dma_start3A_160 = arith.constant 0 : i32
    %dma_start3A_161 = tpu.memref_slice %arg4[%dma_start3A_159, %dma_start3A_160] : memref<10000x128xf32, #tpu.memory_space<hbm>> -> memref<10000x128xf32, #tpu.memory_space<hbm>>
    tpu.enqueue_indirect_dma source(%dma_start3A_161 : memref<10000x128xf32, #tpu.memory_space<hbm>>) target(%arg14 : memref<128x128xf32, #tpu.memory_space<vmem>>) offsets(%dma_start3A_158 : memref<128xi32, #tpu.memory_space<vmem>>) semaphore(%arg19 : memref<!tpu.dma_semaphore, #tpu.memory_space<semaphore_mem>>)
    %scan3A_162 = arith.constant 0 : i32
    %scan3A_163 = arith.constant 0 : i32
    %scan3A_164 = arith.constant 40 : i32
    %scan3A_165 = arith.addi %scan3A_163, %scan3A_164 : i32
    %scan3A_166 = arith.constant 1 : i32
    scf.for %scan3A_177 = %scan3A_163 to %scan3A_165 step %scan3A_166  : i32 {
      %mul3A_178 = arith.constant 2 : i32
      %mul3A_179 = arith.muli %mul3A_178, %scan3A_177 : i32
      %add3A_180 = arith.constant 0 : i32
      %add3A_181 = arith.addi %mul3A_179, %add3A_180 : i32
      %dma_wait3A_182 = arith.constant 0 : i32
      %dma_wait3A_183 = tpu.memref_slice %arg16[%dma_wait3A_182] : memref<10240xi32, #tpu.memory_space<vmem>> -> memref<128xi32, #tpu.memory_space<vmem>>
      %dma_wait3A_184 = arith.constant 0 : i32
      %dma_wait3A_185 = arith.constant 0 : i32
      %dma_wait3A_186 = tpu.memref_slice %arg4[%dma_wait3A_184, %dma_wait3A_185] : memref<10000x128xf32, #tpu.memory_space<hbm>> -> memref<10000x128xf32, #tpu.memory_space<hbm>>
      tpu.wait_indirect_dma semaphore(%arg19 : memref<!tpu.dma_semaphore, #tpu.memory_space<semaphore_mem>>) src(%dma_wait3A_186 : memref<10000x128xf32, #tpu.memory_space<hbm>>) dst(%arg14 : memref<128x128xf32, #tpu.memory_space<vmem>>)
      %ge3A = arith.constant 1 : i32
      %ge3A_187 = arith.cmpi sge, %add3A_181, %ge3A : i32
      %convert_element_type3A_188 = arith.extui %ge3A_187 : i1 to i32
      %cond3A_189 = arith.constant 0 : i32
      %cond3A_190 = arith.cmpi ne, %convert_element_type3A_188, %cond3A_189 : i32
      scf.if %cond3A_190 {
        %dma_wait3A_225 = arith.constant 0 : i32
        %dma_wait3A_226 = arith.constant 0 : i32
        %dma_wait3A_227 = tpu.memref_slice %arg13[%dma_wait3A_225, %dma_wait3A_226] : memref<10112x128xf32, #tpu.memory_space<vmem_shared>> -> memref<10112x128xf32, #tpu.memory_space<vmem_shared>>
        tpu.wait_indirect_dma semaphore(%arg22 : memref<!tpu.dma_semaphore, #tpu.memory_space<semaphore_mem>>) src(%arg15 : memref<128x128xf32, #tpu.memory_space<vmem>>) dst(%dma_wait3A_227 : memref<10112x128xf32, #tpu.memory_space<vmem_shared>>)
      } else {
      }
      %dma_start3A_191 = arith.constant 0 : i32
      %dma_start3A_192 = arith.constant 0 : i32
      %dma_start3A_193 = tpu.memref_slice %arg13[%dma_start3A_191, %dma_start3A_192] : memref<10112x128xf32, #tpu.memory_space<vmem_shared>> -> memref<10112x128xf32, #tpu.memory_space<vmem_shared>>
      tpu.enqueue_indirect_dma source(%arg14 : memref<128x128xf32, #tpu.memory_space<vmem>>) target(%dma_start3A_193 : memref<10112x128xf32, #tpu.memory_space<vmem_shared>>) offsets(%arg17 : memref<128xi32, #tpu.memory_space<vmem>>) semaphore(%arg21 : memref<!tpu.dma_semaphore, #tpu.memory_space<semaphore_mem>>) {add = true}
      %add3A_194 = arith.constant 1 : i32
      %add3A_195 = arith.addi %add3A_181, %add3A_194 : i32
      %lt3A_196 = arith.constant 80 : i32
      %lt3A_197 = arith.cmpi slt, %add3A_195, %lt3A_196 : i32
      %convert_element_type3A_198 = arith.extui %lt3A_197 : i1 to i32
      %cond3A_199 = arith.constant 0 : i32
      %cond3A_200 = arith.cmpi ne, %convert_element_type3A_198, %cond3A_199 : i32
      scf.if %cond3A_200 {
        %add3A_225 = arith.addi %mul3A_2, %add3A_181 : i32
        %add3A_226 = arith.constant 1 : i32
        %add3A_227 = arith.addi %add3A_225, %add3A_226 : i32
        %mul3A_228 = arith.constant 128 : i32
        %mul3A_229 = arith.muli %add3A_227, %mul3A_228 : i32
        "tpu.region"() ({
          %run_scoped3A_238 = tpu.sem_alloc : memref<!tpu.dma_semaphore, #tpu.memory_space<semaphore_mem>>
          %dma_start3A_239 = tpu.memref_slice %arg10[%mul3A_229] : memref<327680xi32, #tpu.memory_space<hbm>> -> memref<128xi32, #tpu.memory_space<hbm>>
          %dma_start3A_240 = tpu.memref_slice %arg10[%mul3A_229] : memref<327680xi32, #tpu.memory_space<hbm>> -> memref<128xi32, #tpu.memory_space<hbm>>
          tpu.enqueue_dma source(%dma_start3A_240 : memref<128xi32, #tpu.memory_space<hbm>>) target(%arg18 : memref<128xi32, #tpu.memory_space<vmem>>) target_semaphore(%run_scoped3A_238 : memref<!tpu.dma_semaphore, #tpu.memory_space<semaphore_mem>>)
          %dma_wait3A_241 = tpu.memref_slice %arg10[%mul3A_229] : memref<327680xi32, #tpu.memory_space<hbm>> -> memref<128xi32, #tpu.memory_space<hbm>>
          %dma_wait3A_242 = tpu.memref_slice %arg10[%mul3A_229] : memref<327680xi32, #tpu.memory_space<hbm>> -> memref<128xi32, #tpu.memory_space<hbm>>
          tpu.wait_dma2 semaphore(%run_scoped3A_238 : memref<!tpu.dma_semaphore, #tpu.memory_space<semaphore_mem>>) src(%dma_wait3A_242 : memref<128xi32, #tpu.memory_space<hbm>>) dst(%arg18 : memref<128xi32, #tpu.memory_space<vmem>>)
          tpu.yield
        }) : () -> ()
        %add3A_230 = arith.constant 1 : i32
        %add3A_231 = arith.addi %add3A_181, %add3A_230 : i32
        %mul3A_232 = arith.constant 128 : i32
        %mul3A_233 = arith.muli %add3A_231, %mul3A_232 : i32
        %dma_start3A_234 = tpu.memref_slice %arg16[%mul3A_233] : memref<10240xi32, #tpu.memory_space<vmem>> -> memref<128xi32, #tpu.memory_space<vmem>>
        %dma_start3A_235 = arith.constant 0 : i32
        %dma_start3A_236 = arith.constant 0 : i32
        %dma_start3A_237 = tpu.memref_slice %arg4[%dma_start3A_235, %dma_start3A_236] : memref<10000x128xf32, #tpu.memory_space<hbm>> -> memref<10000x128xf32, #tpu.memory_space<hbm>>
        tpu.enqueue_indirect_dma source(%dma_start3A_237 : memref<10000x128xf32, #tpu.memory_space<hbm>>) target(%arg15 : memref<128x128xf32, #tpu.memory_space<vmem>>) offsets(%dma_start3A_234 : memref<128xi32, #tpu.memory_space<vmem>>) semaphore(%arg20 : memref<!tpu.dma_semaphore, #tpu.memory_space<semaphore_mem>>)
      } else {
      }
      %mul3A_201 = arith.constant 2 : i32
      %mul3A_202 = arith.muli %mul3A_201, %scan3A_177 : i32
      %add3A_203 = arith.constant 1 : i32
      %add3A_204 = arith.addi %mul3A_202, %add3A_203 : i32
      %dma_wait3A_205 = arith.constant 0 : i32
      %dma_wait3A_206 = tpu.memref_slice %arg16[%dma_wait3A_205] : memref<10240xi32, #tpu.memory_space<vmem>> -> memref<128xi32, #tpu.memory_space<vmem>>
      %dma_wait3A_207 = arith.constant 0 : i32
      %dma_wait3A_208 = arith.constant 0 : i32
      %dma_wait3A_209 = tpu.memref_slice %arg4[%dma_wait3A_207, %dma_wait3A_208] : memref<10000x128xf32, #tpu.memory_space<hbm>> -> memref<10000x128xf32, #tpu.memory_space<hbm>>
      tpu.wait_indirect_dma semaphore(%arg20 : memref<!tpu.dma_semaphore, #tpu.memory_space<semaphore_mem>>) src(%dma_wait3A_209 : memref<10000x128xf32, #tpu.memory_space<hbm>>) dst(%arg15 : memref<128x128xf32, #tpu.memory_space<vmem>>)
      %ge3A_210 = arith.constant 1 : i32
      %ge3A_211 = arith.cmpi sge, %add3A_204, %ge3A_210 : i32
      %convert_element_type3A_212 = arith.extui %ge3A_211 : i1 to i32
      %cond3A_213 = arith.constant 0 : i32
      %cond3A_214 = arith.cmpi ne, %convert_element_type3A_212, %cond3A_213 : i32
      scf.if %cond3A_214 {
        %dma_wait3A_225 = arith.constant 0 : i32
        %dma_wait3A_226 = arith.constant 0 : i32
        %dma_wait3A_227 = tpu.memref_slice %arg13[%dma_wait3A_225, %dma_wait3A_226] : memref<10112x128xf32, #tpu.memory_space<vmem_shared>> -> memref<10112x128xf32, #tpu.memory_space<vmem_shared>>
        tpu.wait_indirect_dma semaphore(%arg21 : memref<!tpu.dma_semaphore, #tpu.memory_space<semaphore_mem>>) src(%arg14 : memref<128x128xf32, #tpu.memory_space<vmem>>) dst(%dma_wait3A_227 : memref<10112x128xf32, #tpu.memory_space<vmem_shared>>)
      } else {
      }
      %dma_start3A_215 = arith.constant 0 : i32
      %dma_start3A_216 = arith.constant 0 : i32
      %dma_start3A_217 = tpu.memref_slice %arg13[%dma_start3A_215, %dma_start3A_216] : memref<10112x128xf32, #tpu.memory_space<vmem_shared>> -> memref<10112x128xf32, #tpu.memory_space<vmem_shared>>
      tpu.enqueue_indirect_dma source(%arg15 : memref<128x128xf32, #tpu.memory_space<vmem>>) target(%dma_start3A_217 : memref<10112x128xf32, #tpu.memory_space<vmem_shared>>) offsets(%arg18 : memref<128xi32, #tpu.memory_space<vmem>>) semaphore(%arg22 : memref<!tpu.dma_semaphore, #tpu.memory_space<semaphore_mem>>) {add = true}
      %add3A_218 = arith.constant 1 : i32
      %add3A_219 = arith.addi %add3A_204, %add3A_218 : i32
      %lt3A_220 = arith.constant 80 : i32
      %lt3A_221 = arith.cmpi slt, %add3A_219, %lt3A_220 : i32
      %convert_element_type3A_222 = arith.extui %lt3A_221 : i1 to i32
      %cond3A_223 = arith.constant 0 : i32
      %cond3A_224 = arith.cmpi ne, %convert_element_type3A_222, %cond3A_223 : i32
      scf.if %cond3A_224 {
        %add3A_225 = arith.addi %mul3A_2, %add3A_204 : i32
        %add3A_226 = arith.constant 1 : i32
        %add3A_227 = arith.addi %add3A_225, %add3A_226 : i32
        %mul3A_228 = arith.constant 128 : i32
        %mul3A_229 = arith.muli %add3A_227, %mul3A_228 : i32
        "tpu.region"() ({
          %run_scoped3A_238 = tpu.sem_alloc : memref<!tpu.dma_semaphore, #tpu.memory_space<semaphore_mem>>
          %dma_start3A_239 = tpu.memref_slice %arg10[%mul3A_229] : memref<327680xi32, #tpu.memory_space<hbm>> -> memref<128xi32, #tpu.memory_space<hbm>>
          %dma_start3A_240 = tpu.memref_slice %arg10[%mul3A_229] : memref<327680xi32, #tpu.memory_space<hbm>> -> memref<128xi32, #tpu.memory_space<hbm>>
          tpu.enqueue_dma source(%dma_start3A_240 : memref<128xi32, #tpu.memory_space<hbm>>) target(%arg17 : memref<128xi32, #tpu.memory_space<vmem>>) target_semaphore(%run_scoped3A_238 : memref<!tpu.dma_semaphore, #tpu.memory_space<semaphore_mem>>)
          %dma_wait3A_241 = tpu.memref_slice %arg10[%mul3A_229] : memref<327680xi32, #tpu.memory_space<hbm>> -> memref<128xi32, #tpu.memory_space<hbm>>
          %dma_wait3A_242 = tpu.memref_slice %arg10[%mul3A_229] : memref<327680xi32, #tpu.memory_space<hbm>> -> memref<128xi32, #tpu.memory_space<hbm>>
          tpu.wait_dma2 semaphore(%run_scoped3A_238 : memref<!tpu.dma_semaphore, #tpu.memory_space<semaphore_mem>>) src(%dma_wait3A_242 : memref<128xi32, #tpu.memory_space<hbm>>) dst(%arg17 : memref<128xi32, #tpu.memory_space<vmem>>)
          tpu.yield
        }) : () -> ()
        %add3A_230 = arith.constant 1 : i32
        %add3A_231 = arith.addi %add3A_204, %add3A_230 : i32
        %mul3A_232 = arith.constant 128 : i32
        %mul3A_233 = arith.muli %add3A_231, %mul3A_232 : i32
        %dma_start3A_234 = tpu.memref_slice %arg16[%mul3A_233] : memref<10240xi32, #tpu.memory_space<vmem>> -> memref<128xi32, #tpu.memory_space<vmem>>
        %dma_start3A_235 = arith.constant 0 : i32
        %dma_start3A_236 = arith.constant 0 : i32
        %dma_start3A_237 = tpu.memref_slice %arg4[%dma_start3A_235, %dma_start3A_236] : memref<10000x128xf32, #tpu.memory_space<hbm>> -> memref<10000x128xf32, #tpu.memory_space<hbm>>
        tpu.enqueue_indirect_dma source(%dma_start3A_237 : memref<10000x128xf32, #tpu.memory_space<hbm>>) target(%arg14 : memref<128x128xf32, #tpu.memory_space<vmem>>) offsets(%dma_start3A_234 : memref<128xi32, #tpu.memory_space<vmem>>) semaphore(%arg19 : memref<!tpu.dma_semaphore, #tpu.memory_space<semaphore_mem>>)
      } else {
      }
    }
    %scan3A_167 = arith.constant 40 : i32
    %dma_wait3A_168 = arith.constant 0 : i32
    %dma_wait3A_169 = arith.constant 0 : i32
    %dma_wait3A_170 = tpu.memref_slice %arg13[%dma_wait3A_168, %dma_wait3A_169] : memref<10112x128xf32, #tpu.memory_space<vmem_shared>> -> memref<10112x128xf32, #tpu.memory_space<vmem_shared>>
    tpu.wait_indirect_dma semaphore(%arg22 : memref<!tpu.dma_semaphore, #tpu.memory_space<semaphore_mem>>) src(%arg15 : memref<128x128xf32, #tpu.memory_space<vmem>>) dst(%dma_wait3A_170 : memref<10112x128xf32, #tpu.memory_space<vmem_shared>>)
    %barrier3A_171 = arith.constant 0 : index
    tpu.barrier barrier_id(%barrier3A_171)
    %mul3A_172 = arith.constant 632 : i32
    %mul3A_173 = arith.muli %arg1, %mul3A_172 : i32
    %mul3A_174 = arith.constant 632 : i32
    %mul3A_175 = arith.muli %arg1, %mul3A_174 : i32
    %run_scoped3A_176 = arith.constant 2 : i32
    "tpu.region"() ({
      %run_scoped3A_177 = tpu.sem_alloc : memref<!tpu.dma_semaphore, #tpu.memory_space<semaphore_mem>>
      %dma_start3A_178 = arith.constant 0 : i32
      %dma_start3A_179 = tpu.memref_slice %arg12[%arg0, %run_scoped3A_176, %mul3A_175, %dma_start3A_178] : memref<2x3x10112x128xf32, #tpu.memory_space<hbm>> -> memref<1x1x632x128xf32, #tpu.memory_space<hbm>>
      %dma_start3A_180 = tpu.memref_squeeze %dma_start3A_179 : memref<1x1x632x128xf32, #tpu.memory_space<hbm>> -> memref<632x128xf32, #tpu.memory_space<hbm>>
      %dma_start3A_181 = arith.constant 0 : i32
      %dma_start3A_182 = tpu.memref_slice %arg13[%mul3A_173, %dma_start3A_181] : memref<10112x128xf32, #tpu.memory_space<vmem_shared>> -> memref<632x128xf32, #tpu.memory_space<vmem_shared>>
      tpu.enqueue_dma source(%dma_start3A_182 : memref<632x128xf32, #tpu.memory_space<vmem_shared>>) target(%dma_start3A_180 : memref<632x128xf32, #tpu.memory_space<hbm>>) target_semaphore(%run_scoped3A_177 : memref<!tpu.dma_semaphore, #tpu.memory_space<semaphore_mem>>)
      %dma_wait3A_183 = arith.constant 0 : i32
      %dma_wait3A_184 = tpu.memref_slice %arg12[%arg0, %run_scoped3A_176, %mul3A_175, %dma_wait3A_183] : memref<2x3x10112x128xf32, #tpu.memory_space<hbm>> -> memref<1x1x632x128xf32, #tpu.memory_space<hbm>>
      %dma_wait3A_185 = tpu.memref_squeeze %dma_wait3A_184 : memref<1x1x632x128xf32, #tpu.memory_space<hbm>> -> memref<632x128xf32, #tpu.memory_space<hbm>>
      %dma_wait3A_186 = arith.constant 0 : i32
      %dma_wait3A_187 = tpu.memref_slice %arg13[%mul3A_173, %dma_wait3A_186] : memref<10112x128xf32, #tpu.memory_space<vmem_shared>> -> memref<632x128xf32, #tpu.memory_space<vmem_shared>>
      tpu.wait_dma2 semaphore(%run_scoped3A_177 : memref<!tpu.dma_semaphore, #tpu.memory_space<semaphore_mem>>) src(%dma_wait3A_187 : memref<632x128xf32, #tpu.memory_space<vmem_shared>>) dst(%dma_wait3A_185 : memref<632x128xf32, #tpu.memory_space<hbm>>)
      tpu.yield
    }) : () -> ()
    return
  }
}

#map = affine_map<(d0, d1) -> (0, 0)>
#map1 = affine_map<(d0, d1) -> (0)>
#map2 = affine_map<(d0, d1) -> (0, 0, 0, 0)>
module attributes {stable_mosaic.version = 14 : i64} {
  func.func @_scatter_kernel(%arg0: i32, %arg1: i32, %arg2: memref<10000x128xf32, #tpu.memory_space<hbm>>, %arg3: memref<10000x128xf32, #tpu.memory_space<hbm>>, %arg4: memref<10000x128xf32, #tpu.memory_space<hbm>>, %arg5: memref<327680xi32, #tpu.memory_space<hbm>>, %arg6: memref<327680xi32, #tpu.memory_space<hbm>>, %arg7: memref<327680xi32, #tpu.memory_space<hbm>>, %arg8: memref<327680xi32, #tpu.memory_space<hbm>>, %arg9: memref<327680xi32, #tpu.memory_space<hbm>>, %arg10: memref<327680xi32, #tpu.memory_space<hbm>>, %arg11: memref<128x128xf32, #tpu.memory_space<hbm>>, %arg12: memref<2x3x10112x128xf32, #tpu.memory_space<hbm>>, %arg13: memref<10112x128xf32, #tpu.memory_space<vmem_shared>>, %arg14: memref<128x128xf32, #tpu.memory_space<vmem>>, %arg15: memref<128x128xf32, #tpu.memory_space<vmem>>, %arg16: memref<10240xi32, #tpu.memory_space<vmem>>, %arg17: memref<128xi32, #tpu.memory_space<vmem>>, %arg18: memref<128xi32, #tpu.memory_space<vmem>>, %arg19: memref<!tpu.dma_semaphore, #tpu.memory_space<semaphore_mem>>, %arg20: memref<!tpu.dma_semaphore, #tpu.memory_space<semaphore_mem>>, %arg21: memref<!tpu.dma_semaphore, #tpu.memory_space<semaphore_mem>>, %arg22: memref<!tpu.dma_semaphore, #tpu.memory_space<semaphore_mem>>) attributes {dimension_semantics = [#tpu.dimension_semantics<core_parallel>, #tpu.dimension_semantics<subcore_parallel>], iteration_bounds = array<i64: 2, 16>, scalar_prefetch = 0 : i64, scratch_operands = 10 : i64, tpu.core_type = #tpu.core_type<sc_vector_subcore>, window_params = [{transform_indices = #map}, {transform_indices = #map}, {transform_indices = #map}, {transform_indices = #map1}, {transform_indices = #map1}, {transform_indices = #map1}, {transform_indices = #map1}, {transform_indices = #map1}, {transform_indices = #map1}, {transform_indices = #map}, {transform_indices = #map2}]} {
    %mul3A = arith.constant 2 : i32
    %mul3A_0 = arith.muli %arg1, %mul3A : i32
    %add3A = arith.addi %mul3A_0, %arg0 : i32
    %mul3A_1 = arith.constant 80 : i32
    %mul3A_2 = arith.muli %add3A, %mul3A_1 : i32
    %add3A_3 = arith.constant 0 : i32
    %add3A_4 = arith.addi %arg1, %add3A_3 : i32
    %lt3A = arith.constant 79 : i32
    %lt3A_5 = arith.cmpi slt, %add3A_4, %lt3A : i32
    %convert_element_type3A = arith.extui %lt3A_5 : i1 to i32
    %cond3A = arith.constant 0 : i32
    %cond3A_6 = arith.cmpi ne, %convert_element_type3A, %cond3A : i32
    scf.if %cond3A_6 {
      %mul3A_177 = arith.constant 128 : i32
      %mul3A_178 = arith.muli %add3A_4, %mul3A_177 : i32
      "tpu.region"() ({
        %run_scoped3A_179 = tpu.sem_alloc : memref<!tpu.dma_semaphore, #tpu.memory_space<semaphore_mem>>
        %dma_start3A_180 = arith.constant 0 : i32
        %dma_start3A_181 = tpu.memref_slice %arg13[%mul3A_178, %dma_start3A_180] : memref<10112x128xf32, #tpu.memory_space<vmem_shared>> -> memref<128x128xf32, #tpu.memory_space<vmem_shared>>
        tpu.enqueue_dma source(%arg11 : memref<128x128xf32, #tpu.memory_space<hbm>>) target(%dma_start3A_181 : memref<128x128xf32, #tpu.memory_space<vmem_shared>>) target_semaphore(%run_scoped3A_179 : memref<!tpu.dma_semaphore, #tpu.memory_space<semaphore_mem>>)
        %dma_wait3A_182 = arith.constant 0 : i32
        %dma_wait3A_183 = tpu.memref_slice %arg13[%mul3A_178, %dma_wait3A_182] : memref<10112x128xf32, #tpu.memory_space<vmem_shared>> -> memref<128x128xf32, #tpu.memory_space<vmem_shared>>
        tpu.wait_dma2 semaphore(%run_scoped3A_179 : memref<!tpu.dma_semaphore, #tpu.memory_space<semaphore_mem>>) src(%arg11 : memref<128x128xf32, #tpu.memory_space<hbm>>) dst(%dma_wait3A_183 : memref<128x128xf32, #tpu.memory_space<vmem_shared>>)
        tpu.yield
      }) : () -> ()
    } else {
    }
    %add3A_7 = arith.constant 16 : i32
    %add3A_8 = arith.addi %arg1, %add3A_7 : i32
    %lt3A_9 = arith.constant 79 : i32
    %lt3A_10 = arith.cmpi slt, %add3A_8, %lt3A_9 : i32
    %convert_element_type3A_11 = arith.extui %lt3A_10 : i1 to i32
    %cond3A_12 = arith.constant 0 : i32
    %cond3A_13 = arith.cmpi ne, %convert_element_type3A_11, %cond3A_12 : i32
    scf.if %cond3A_13 {
      %mul3A_177 = arith.constant 128 : i32
      %mul3A_178 = arith.muli %add3A_8, %mul3A_177 : i32
      "tpu.region"() ({
        %run_scoped3A_179 = tpu.sem_alloc : memref<!tpu.dma_semaphore, #tpu.memory_space<semaphore_mem>>
        %dma_start3A_180 = arith.constant 0 : i32
        %dma_start3A_181 = tpu.memref_slice %arg13[%mul3A_178, %dma_start3A_180] : memref<10112x128xf32, #tpu.memory_space<vmem_shared>> -> memref<128x128xf32, #tpu.memory_space<vmem_shared>>
        tpu.enqueue_dma source(%arg11 : memref<128x128xf32, #tpu.memory_space<hbm>>) target(%dma_start3A_181 : memref<128x128xf32, #tpu.memory_space<vmem_shared>>) target_semaphore(%run_scoped3A_179 : memref<!tpu.dma_semaphore, #tpu.memory_space<semaphore_mem>>)
        %dma_wait3A_182 = arith.constant 0 : i32
        %dma_wait3A_183 = tpu.memref_slice %arg13[%mul3A_178, %dma_wait3A_182] : memref<10112x128xf32, #tpu.memory_space<vmem_shared>> -> memref<128x128xf32, #tpu.memory_space<vmem_shared>>
        tpu.wait_dma2 semaphore(%run_scoped3A_179 : memref<!tpu.dma_semaphore, #tpu.memory_space<semaphore_mem>>) src(%arg11 : memref<128x128xf32, #tpu.memory_space<hbm>>) dst(%dma_wait3A_183 : memref<128x128xf32, #tpu.memory_space<vmem_shared>>)
        tpu.yield
      }) : () -> ()
    } else {
    }
    %add3A_14 = arith.constant 32 : i32
    %add3A_15 = arith.addi %arg1, %add3A_14 : i32
    %lt3A_16 = arith.constant 79 : i32
    %lt3A_17 = arith.cmpi slt, %add3A_15, %lt3A_16 : i32
    %convert_element_type3A_18 = arith.extui %lt3A_17 : i1 to i32
    %cond3A_19 = arith.constant 0 : i32
    %cond3A_20 = arith.cmpi ne, %convert_element_type3A_18, %cond3A_19 : i32
    scf.if %cond3A_20 {
      %mul3A_177 = arith.constant 128 : i32
      %mul3A_178 = arith.muli %add3A_15, %mul3A_177 : i32
      "tpu.region"() ({
        %run_scoped3A_179 = tpu.sem_alloc : memref<!tpu.dma_semaphore, #tpu.memory_space<semaphore_mem>>
        %dma_start3A_180 = arith.constant 0 : i32
        %dma_start3A_181 = tpu.memref_slice %arg13[%mul3A_178, %dma_start3A_180] : memref<10112x128xf32, #tpu.memory_space<vmem_shared>> -> memref<128x128xf32, #tpu.memory_space<vmem_shared>>
        tpu.enqueue_dma source(%arg11 : memref<128x128xf32, #tpu.memory_space<hbm>>) target(%dma_start3A_181 : memref<128x128xf32, #tpu.memory_space<vmem_shared>>) target_semaphore(%run_scoped3A_179 : memref<!tpu.dma_semaphore, #tpu.memory_space<semaphore_mem>>)
        %dma_wait3A_182 = arith.constant 0 : i32
        %dma_wait3A_183 = tpu.memref_slice %arg13[%mul3A_178, %dma_wait3A_182] : memref<10112x128xf32, #tpu.memory_space<vmem_shared>> -> memref<128x128xf32, #tpu.memory_space<vmem_shared>>
        tpu.wait_dma2 semaphore(%run_scoped3A_179 : memref<!tpu.dma_semaphore, #tpu.memory_space<semaphore_mem>>) src(%arg11 : memref<128x128xf32, #tpu.memory_space<hbm>>) dst(%dma_wait3A_183 : memref<128x128xf32, #tpu.memory_space<vmem_shared>>)
        tpu.yield
      }) : () -> ()
    } else {
    }
    %add3A_21 = arith.constant 48 : i32
    %add3A_22 = arith.addi %arg1, %add3A_21 : i32
    %lt3A_23 = arith.constant 79 : i32
    %lt3A_24 = arith.cmpi slt, %add3A_22, %lt3A_23 : i32
    %convert_element_type3A_25 = arith.extui %lt3A_24 : i1 to i32
    %cond3A_26 = arith.constant 0 : i32
    %cond3A_27 = arith.cmpi ne, %convert_element_type3A_25, %cond3A_26 : i32
    scf.if %cond3A_27 {
      %mul3A_177 = arith.constant 128 : i32
      %mul3A_178 = arith.muli %add3A_22, %mul3A_177 : i32
      "tpu.region"() ({
        %run_scoped3A_179 = tpu.sem_alloc : memref<!tpu.dma_semaphore, #tpu.memory_space<semaphore_mem>>
        %dma_start3A_180 = arith.constant 0 : i32
        %dma_start3A_181 = tpu.memref_slice %arg13[%mul3A_178, %dma_start3A_180] : memref<10112x128xf32, #tpu.memory_space<vmem_shared>> -> memref<128x128xf32, #tpu.memory_space<vmem_shared>>
        tpu.enqueue_dma source(%arg11 : memref<128x128xf32, #tpu.memory_space<hbm>>) target(%dma_start3A_181 : memref<128x128xf32, #tpu.memory_space<vmem_shared>>) target_semaphore(%run_scoped3A_179 : memref<!tpu.dma_semaphore, #tpu.memory_space<semaphore_mem>>)
        %dma_wait3A_182 = arith.constant 0 : i32
        %dma_wait3A_183 = tpu.memref_slice %arg13[%mul3A_178, %dma_wait3A_182] : memref<10112x128xf32, #tpu.memory_space<vmem_shared>> -> memref<128x128xf32, #tpu.memory_space<vmem_shared>>
        tpu.wait_dma2 semaphore(%run_scoped3A_179 : memref<!tpu.dma_semaphore, #tpu.memory_space<semaphore_mem>>) src(%arg11 : memref<128x128xf32, #tpu.memory_space<hbm>>) dst(%dma_wait3A_183 : memref<128x128xf32, #tpu.memory_space<vmem_shared>>)
        tpu.yield
      }) : () -> ()
    } else {
    }
    %add3A_28 = arith.constant 64 : i32
    %add3A_29 = arith.addi %arg1, %add3A_28 : i32
    %lt3A_30 = arith.constant 79 : i32
    %lt3A_31 = arith.cmpi slt, %add3A_29, %lt3A_30 : i32
    %convert_element_type3A_32 = arith.extui %lt3A_31 : i1 to i32
    %cond3A_33 = arith.constant 0 : i32
    %cond3A_34 = arith.cmpi ne, %convert_element_type3A_32, %cond3A_33 : i32
    scf.if %cond3A_34 {
      %mul3A_177 = arith.constant 128 : i32
      %mul3A_178 = arith.muli %add3A_29, %mul3A_177 : i32
      "tpu.region"() ({
        %run_scoped3A_179 = tpu.sem_alloc : memref<!tpu.dma_semaphore, #tpu.memory_space<semaphore_mem>>
        %dma_start3A_180 = arith.constant 0 : i32
        %dma_start3A_181 = tpu.memref_slice %arg13[%mul3A_178, %dma_start3A_180] : memref<10112x128xf32, #tpu.memory_space<vmem_shared>> -> memref<128x128xf32, #tpu.memory_space<vmem_shared>>
        tpu.enqueue_dma source(%arg11 : memref<128x128xf32, #tpu.memory_space<hbm>>) target(%dma_start3A_181 : memref<128x128xf32, #tpu.memory_space<vmem_shared>>) target_semaphore(%run_scoped3A_179 : memref<!tpu.dma_semaphore, #tpu.memory_space<semaphore_mem>>)
        %dma_wait3A_182 = arith.constant 0 : i32
        %dma_wait3A_183 = tpu.memref_slice %arg13[%mul3A_178, %dma_wait3A_182] : memref<10112x128xf32, #tpu.memory_space<vmem_shared>> -> memref<128x128xf32, #tpu.memory_space<vmem_shared>>
        tpu.wait_dma2 semaphore(%run_scoped3A_179 : memref<!tpu.dma_semaphore, #tpu.memory_space<semaphore_mem>>) src(%arg11 : memref<128x128xf32, #tpu.memory_space<hbm>>) dst(%dma_wait3A_183 : memref<128x128xf32, #tpu.memory_space<vmem_shared>>)
        tpu.yield
      }) : () -> ()
    } else {
    }
    %barrier3A = arith.constant 0 : index
    tpu.barrier barrier_id(%barrier3A)
    %mul3A_35 = arith.constant 128 : i32
    %mul3A_36 = arith.muli %mul3A_2, %mul3A_35 : i32
    "tpu.region"() ({
      %run_scoped3A_177 = tpu.sem_alloc : memref<!tpu.dma_semaphore, #tpu.memory_space<semaphore_mem>>
      %dma_start3A_178 = tpu.memref_slice %arg5[%mul3A_36] : memref<327680xi32, #tpu.memory_space<hbm>> -> memref<10240xi32, #tpu.memory_space<hbm>>
      %dma_start3A_179 = tpu.memref_slice %arg5[%mul3A_36] : memref<327680xi32, #tpu.memory_space<hbm>> -> memref<10240xi32, #tpu.memory_space<hbm>>
      tpu.enqueue_dma source(%dma_start3A_179 : memref<10240xi32, #tpu.memory_space<hbm>>) target(%arg16 : memref<10240xi32, #tpu.memory_space<vmem>>) target_semaphore(%run_scoped3A_177 : memref<!tpu.dma_semaphore, #tpu.memory_space<semaphore_mem>>)
      %dma_wait3A_180 = tpu.memref_slice %arg5[%mul3A_36] : memref<327680xi32, #tpu.memory_space<hbm>> -> memref<10240xi32, #tpu.memory_space<hbm>>
      %dma_wait3A_181 = tpu.memref_slice %arg5[%mul3A_36] : memref<327680xi32, #tpu.memory_space<hbm>> -> memref<10240xi32, #tpu.memory_space<hbm>>
      tpu.wait_dma2 semaphore(%run_scoped3A_177 : memref<!tpu.dma_semaphore, #tpu.memory_space<semaphore_mem>>) src(%dma_wait3A_181 : memref<10240xi32, #tpu.memory_space<hbm>>) dst(%arg16 : memref<10240xi32, #tpu.memory_space<vmem>>)
      tpu.yield
    }) : () -> ()
    %mul3A_37 = arith.constant 128 : i32
    %mul3A_38 = arith.muli %mul3A_2, %mul3A_37 : i32
    "tpu.region"() ({
      %run_scoped3A_177 = tpu.sem_alloc : memref<!tpu.dma_semaphore, #tpu.memory_space<semaphore_mem>>
      %dma_start3A_178 = tpu.memref_slice %arg8[%mul3A_38] : memref<327680xi32, #tpu.memory_space<hbm>> -> memref<128xi32, #tpu.memory_space<hbm>>
      %dma_start3A_179 = tpu.memref_slice %arg8[%mul3A_38] : memref<327680xi32, #tpu.memory_space<hbm>> -> memref<128xi32, #tpu.memory_space<hbm>>
      tpu.enqueue_dma source(%dma_start3A_179 : memref<128xi32, #tpu.memory_space<hbm>>) target(%arg17 : memref<128xi32, #tpu.memory_space<vmem>>) target_semaphore(%run_scoped3A_177 : memref<!tpu.dma_semaphore, #tpu.memory_space<semaphore_mem>>)
      %dma_wait3A_180 = tpu.memref_slice %arg8[%mul3A_38] : memref<327680xi32, #tpu.memory_space<hbm>> -> memref<128xi32, #tpu.memory_space<hbm>>
      %dma_wait3A_181 = tpu.memref_slice %arg8[%mul3A_38] : memref<327680xi32, #tpu.memory_space<hbm>> -> memref<128xi32, #tpu.memory_space<hbm>>
      tpu.wait_dma2 semaphore(%run_scoped3A_177 : memref<!tpu.dma_semaphore, #tpu.memory_space<semaphore_mem>>) src(%dma_wait3A_181 : memref<128xi32, #tpu.memory_space<hbm>>) dst(%arg17 : memref<128xi32, #tpu.memory_space<vmem>>)
      tpu.yield
    }) : () -> ()
    %dma_start3A = arith.constant 0 : i32
    %dma_start3A_39 = tpu.memref_slice %arg16[%dma_start3A] : memref<10240xi32, #tpu.memory_space<vmem>> -> memref<128xi32, #tpu.memory_space<vmem>>
    %dma_start3A_40 = arith.constant 0 : i32
    %dma_start3A_41 = arith.constant 0 : i32
    %dma_start3A_42 = tpu.memref_slice %arg2[%dma_start3A_40, %dma_start3A_41] : memref<10000x128xf32, #tpu.memory_space<hbm>> -> memref<10000x128xf32, #tpu.memory_space<hbm>>
    tpu.enqueue_indirect_dma source(%dma_start3A_42 : memref<10000x128xf32, #tpu.memory_space<hbm>>) target(%arg14 : memref<128x128xf32, #tpu.memory_space<vmem>>) offsets(%dma_start3A_39 : memref<128xi32, #tpu.memory_space<vmem>>) semaphore(%arg19 : memref<!tpu.dma_semaphore, #tpu.memory_space<semaphore_mem>>)
    %scan3A = arith.constant 0 : i32
    %scan3A_43 = arith.constant 0 : i32
    %scan3A_44 = arith.constant 40 : i32
    %scan3A_45 = arith.addi %scan3A_43, %scan3A_44 : i32
    %scan3A_46 = arith.constant 1 : i32
    scf.for %scan3A_177 = %scan3A_43 to %scan3A_45 step %scan3A_46  : i32 {
      %mul3A_178 = arith.constant 2 : i32
      %mul3A_179 = arith.muli %mul3A_178, %scan3A_177 : i32
      %add3A_180 = arith.constant 0 : i32
      %add3A_181 = arith.addi %mul3A_179, %add3A_180 : i32
      %dma_wait3A_182 = arith.constant 0 : i32
      %dma_wait3A_183 = tpu.memref_slice %arg16[%dma_wait3A_182] : memref<10240xi32, #tpu.memory_space<vmem>> -> memref<128xi32, #tpu.memory_space<vmem>>
      %dma_wait3A_184 = arith.constant 0 : i32
      %dma_wait3A_185 = arith.constant 0 : i32
      %dma_wait3A_186 = tpu.memref_slice %arg2[%dma_wait3A_184, %dma_wait3A_185] : memref<10000x128xf32, #tpu.memory_space<hbm>> -> memref<10000x128xf32, #tpu.memory_space<hbm>>
      tpu.wait_indirect_dma semaphore(%arg19 : memref<!tpu.dma_semaphore, #tpu.memory_space<semaphore_mem>>) src(%dma_wait3A_186 : memref<10000x128xf32, #tpu.memory_space<hbm>>) dst(%arg14 : memref<128x128xf32, #tpu.memory_space<vmem>>)
      %ge3A = arith.constant 1 : i32
      %ge3A_187 = arith.cmpi sge, %add3A_181, %ge3A : i32
      %convert_element_type3A_188 = arith.extui %ge3A_187 : i1 to i32
      %cond3A_189 = arith.constant 0 : i32
      %cond3A_190 = arith.cmpi ne, %convert_element_type3A_188, %cond3A_189 : i32
      scf.if %cond3A_190 {
        %dma_wait3A_225 = arith.constant 0 : i32
        %dma_wait3A_226 = arith.constant 0 : i32
        %dma_wait3A_227 = tpu.memref_slice %arg13[%dma_wait3A_225, %dma_wait3A_226] : memref<10112x128xf32, #tpu.memory_space<vmem_shared>> -> memref<10112x128xf32, #tpu.memory_space<vmem_shared>>
        tpu.wait_indirect_dma semaphore(%arg22 : memref<!tpu.dma_semaphore, #tpu.memory_space<semaphore_mem>>) src(%arg15 : memref<128x128xf32, #tpu.memory_space<vmem>>) dst(%dma_wait3A_227 : memref<10112x128xf32, #tpu.memory_space<vmem_shared>>)
      } else {
      }
      %dma_start3A_191 = arith.constant 0 : i32
      %dma_start3A_192 = arith.constant 0 : i32
      %dma_start3A_193 = tpu.memref_slice %arg13[%dma_start3A_191, %dma_start3A_192] : memref<10112x128xf32, #tpu.memory_space<vmem_shared>> -> memref<10112x128xf32, #tpu.memory_space<vmem_shared>>
      tpu.enqueue_indirect_dma source(%arg14 : memref<128x128xf32, #tpu.memory_space<vmem>>) target(%dma_start3A_193 : memref<10112x128xf32, #tpu.memory_space<vmem_shared>>) offsets(%arg17 : memref<128xi32, #tpu.memory_space<vmem>>) semaphore(%arg21 : memref<!tpu.dma_semaphore, #tpu.memory_space<semaphore_mem>>) {add = true}
      %add3A_194 = arith.constant 1 : i32
      %add3A_195 = arith.addi %add3A_181, %add3A_194 : i32
      %lt3A_196 = arith.constant 80 : i32
      %lt3A_197 = arith.cmpi slt, %add3A_195, %lt3A_196 : i32
      %convert_element_type3A_198 = arith.extui %lt3A_197 : i1 to i32
      %cond3A_199 = arith.constant 0 : i32
      %cond3A_200 = arith.cmpi ne, %convert_element_type3A_198, %cond3A_199 : i32
      scf.if %cond3A_200 {
        %add3A_225 = arith.addi %mul3A_2, %add3A_181 : i32
        %add3A_226 = arith.constant 1 : i32
        %add3A_227 = arith.addi %add3A_225, %add3A_226 : i32
        %mul3A_228 = arith.constant 128 : i32
        %mul3A_229 = arith.muli %add3A_227, %mul3A_228 : i32
        "tpu.region"() ({
          %run_scoped3A_238 = tpu.sem_alloc : memref<!tpu.dma_semaphore, #tpu.memory_space<semaphore_mem>>
          %dma_start3A_239 = tpu.memref_slice %arg8[%mul3A_229] : memref<327680xi32, #tpu.memory_space<hbm>> -> memref<128xi32, #tpu.memory_space<hbm>>
          %dma_start3A_240 = tpu.memref_slice %arg8[%mul3A_229] : memref<327680xi32, #tpu.memory_space<hbm>> -> memref<128xi32, #tpu.memory_space<hbm>>
          tpu.enqueue_dma source(%dma_start3A_240 : memref<128xi32, #tpu.memory_space<hbm>>) target(%arg18 : memref<128xi32, #tpu.memory_space<vmem>>) target_semaphore(%run_scoped3A_238 : memref<!tpu.dma_semaphore, #tpu.memory_space<semaphore_mem>>)
          %dma_wait3A_241 = tpu.memref_slice %arg8[%mul3A_229] : memref<327680xi32, #tpu.memory_space<hbm>> -> memref<128xi32, #tpu.memory_space<hbm>>
          %dma_wait3A_242 = tpu.memref_slice %arg8[%mul3A_229] : memref<327680xi32, #tpu.memory_space<hbm>> -> memref<128xi32, #tpu.memory_space<hbm>>
          tpu.wait_dma2 semaphore(%run_scoped3A_238 : memref<!tpu.dma_semaphore, #tpu.memory_space<semaphore_mem>>) src(%dma_wait3A_242 : memref<128xi32, #tpu.memory_space<hbm>>) dst(%arg18 : memref<128xi32, #tpu.memory_space<vmem>>)
          tpu.yield
        }) : () -> ()
        %add3A_230 = arith.constant 1 : i32
        %add3A_231 = arith.addi %add3A_181, %add3A_230 : i32
        %mul3A_232 = arith.constant 128 : i32
        %mul3A_233 = arith.muli %add3A_231, %mul3A_232 : i32
        %dma_start3A_234 = tpu.memref_slice %arg16[%mul3A_233] : memref<10240xi32, #tpu.memory_space<vmem>> -> memref<128xi32, #tpu.memory_space<vmem>>
        %dma_start3A_235 = arith.constant 0 : i32
        %dma_start3A_236 = arith.constant 0 : i32
        %dma_start3A_237 = tpu.memref_slice %arg2[%dma_start3A_235, %dma_start3A_236] : memref<10000x128xf32, #tpu.memory_space<hbm>> -> memref<10000x128xf32, #tpu.memory_space<hbm>>
        tpu.enqueue_indirect_dma source(%dma_start3A_237 : memref<10000x128xf32, #tpu.memory_space<hbm>>) target(%arg15 : memref<128x128xf32, #tpu.memory_space<vmem>>) offsets(%dma_start3A_234 : memref<128xi32, #tpu.memory_space<vmem>>) semaphore(%arg20 : memref<!tpu.dma_semaphore, #tpu.memory_space<semaphore_mem>>)
      } else {
      }
      %mul3A_201 = arith.constant 2 : i32
      %mul3A_202 = arith.muli %mul3A_201, %scan3A_177 : i32
      %add3A_203 = arith.constant 1 : i32
      %add3A_204 = arith.addi %mul3A_202, %add3A_203 : i32
      %dma_wait3A_205 = arith.constant 0 : i32
      %dma_wait3A_206 = tpu.memref_slice %arg16[%dma_wait3A_205] : memref<10240xi32, #tpu.memory_space<vmem>> -> memref<128xi32, #tpu.memory_space<vmem>>
      %dma_wait3A_207 = arith.constant 0 : i32
      %dma_wait3A_208 = arith.constant 0 : i32
      %dma_wait3A_209 = tpu.memref_slice %arg2[%dma_wait3A_207, %dma_wait3A_208] : memref<10000x128xf32, #tpu.memory_space<hbm>> -> memref<10000x128xf32, #tpu.memory_space<hbm>>
      tpu.wait_indirect_dma semaphore(%arg20 : memref<!tpu.dma_semaphore, #tpu.memory_space<semaphore_mem>>) src(%dma_wait3A_209 : memref<10000x128xf32, #tpu.memory_space<hbm>>) dst(%arg15 : memref<128x128xf32, #tpu.memory_space<vmem>>)
      %ge3A_210 = arith.constant 1 : i32
      %ge3A_211 = arith.cmpi sge, %add3A_204, %ge3A_210 : i32
      %convert_element_type3A_212 = arith.extui %ge3A_211 : i1 to i32
      %cond3A_213 = arith.constant 0 : i32
      %cond3A_214 = arith.cmpi ne, %convert_element_type3A_212, %cond3A_213 : i32
      scf.if %cond3A_214 {
        %dma_wait3A_225 = arith.constant 0 : i32
        %dma_wait3A_226 = arith.constant 0 : i32
        %dma_wait3A_227 = tpu.memref_slice %arg13[%dma_wait3A_225, %dma_wait3A_226] : memref<10112x128xf32, #tpu.memory_space<vmem_shared>> -> memref<10112x128xf32, #tpu.memory_space<vmem_shared>>
        tpu.wait_indirect_dma semaphore(%arg21 : memref<!tpu.dma_semaphore, #tpu.memory_space<semaphore_mem>>) src(%arg14 : memref<128x128xf32, #tpu.memory_space<vmem>>) dst(%dma_wait3A_227 : memref<10112x128xf32, #tpu.memory_space<vmem_shared>>)
      } else {
      }
      %dma_start3A_215 = arith.constant 0 : i32
      %dma_start3A_216 = arith.constant 0 : i32
      %dma_start3A_217 = tpu.memref_slice %arg13[%dma_start3A_215, %dma_start3A_216] : memref<10112x128xf32, #tpu.memory_space<vmem_shared>> -> memref<10112x128xf32, #tpu.memory_space<vmem_shared>>
      tpu.enqueue_indirect_dma source(%arg15 : memref<128x128xf32, #tpu.memory_space<vmem>>) target(%dma_start3A_217 : memref<10112x128xf32, #tpu.memory_space<vmem_shared>>) offsets(%arg18 : memref<128xi32, #tpu.memory_space<vmem>>) semaphore(%arg22 : memref<!tpu.dma_semaphore, #tpu.memory_space<semaphore_mem>>) {add = true}
      %add3A_218 = arith.constant 1 : i32
      %add3A_219 = arith.addi %add3A_204, %add3A_218 : i32
      %lt3A_220 = arith.constant 80 : i32
      %lt3A_221 = arith.cmpi slt, %add3A_219, %lt3A_220 : i32
      %convert_element_type3A_222 = arith.extui %lt3A_221 : i1 to i32
      %cond3A_223 = arith.constant 0 : i32
      %cond3A_224 = arith.cmpi ne, %convert_element_type3A_222, %cond3A_223 : i32
      scf.if %cond3A_224 {
        %add3A_225 = arith.addi %mul3A_2, %add3A_204 : i32
        %add3A_226 = arith.constant 1 : i32
        %add3A_227 = arith.addi %add3A_225, %add3A_226 : i32
        %mul3A_228 = arith.constant 128 : i32
        %mul3A_229 = arith.muli %add3A_227, %mul3A_228 : i32
        "tpu.region"() ({
          %run_scoped3A_238 = tpu.sem_alloc : memref<!tpu.dma_semaphore, #tpu.memory_space<semaphore_mem>>
          %dma_start3A_239 = tpu.memref_slice %arg8[%mul3A_229] : memref<327680xi32, #tpu.memory_space<hbm>> -> memref<128xi32, #tpu.memory_space<hbm>>
          %dma_start3A_240 = tpu.memref_slice %arg8[%mul3A_229] : memref<327680xi32, #tpu.memory_space<hbm>> -> memref<128xi32, #tpu.memory_space<hbm>>
          tpu.enqueue_dma source(%dma_start3A_240 : memref<128xi32, #tpu.memory_space<hbm>>) target(%arg17 : memref<128xi32, #tpu.memory_space<vmem>>) target_semaphore(%run_scoped3A_238 : memref<!tpu.dma_semaphore, #tpu.memory_space<semaphore_mem>>)
          %dma_wait3A_241 = tpu.memref_slice %arg8[%mul3A_229] : memref<327680xi32, #tpu.memory_space<hbm>> -> memref<128xi32, #tpu.memory_space<hbm>>
          %dma_wait3A_242 = tpu.memref_slice %arg8[%mul3A_229] : memref<327680xi32, #tpu.memory_space<hbm>> -> memref<128xi32, #tpu.memory_space<hbm>>
          tpu.wait_dma2 semaphore(%run_scoped3A_238 : memref<!tpu.dma_semaphore, #tpu.memory_space<semaphore_mem>>) src(%dma_wait3A_242 : memref<128xi32, #tpu.memory_space<hbm>>) dst(%arg17 : memref<128xi32, #tpu.memory_space<vmem>>)
          tpu.yield
        }) : () -> ()
        %add3A_230 = arith.constant 1 : i32
        %add3A_231 = arith.addi %add3A_204, %add3A_230 : i32
        %mul3A_232 = arith.constant 128 : i32
        %mul3A_233 = arith.muli %add3A_231, %mul3A_232 : i32
        %dma_start3A_234 = tpu.memref_slice %arg16[%mul3A_233] : memref<10240xi32, #tpu.memory_space<vmem>> -> memref<128xi32, #tpu.memory_space<vmem>>
        %dma_start3A_235 = arith.constant 0 : i32
        %dma_start3A_236 = arith.constant 0 : i32
        %dma_start3A_237 = tpu.memref_slice %arg2[%dma_start3A_235, %dma_start3A_236] : memref<10000x128xf32, #tpu.memory_space<hbm>> -> memref<10000x128xf32, #tpu.memory_space<hbm>>
        tpu.enqueue_indirect_dma source(%dma_start3A_237 : memref<10000x128xf32, #tpu.memory_space<hbm>>) target(%arg14 : memref<128x128xf32, #tpu.memory_space<vmem>>) offsets(%dma_start3A_234 : memref<128xi32, #tpu.memory_space<vmem>>) semaphore(%arg19 : memref<!tpu.dma_semaphore, #tpu.memory_space<semaphore_mem>>)
      } else {
      }
    }
    %scan3A_47 = arith.constant 40 : i32
    %dma_wait3A = arith.constant 0 : i32
    %dma_wait3A_48 = arith.constant 0 : i32
    %dma_wait3A_49 = tpu.memref_slice %arg13[%dma_wait3A, %dma_wait3A_48] : memref<10112x128xf32, #tpu.memory_space<vmem_shared>> -> memref<10112x128xf32, #tpu.memory_space<vmem_shared>>
    tpu.wait_indirect_dma semaphore(%arg22 : memref<!tpu.dma_semaphore, #tpu.memory_space<semaphore_mem>>) src(%arg15 : memref<128x128xf32, #tpu.memory_space<vmem>>) dst(%dma_wait3A_49 : memref<10112x128xf32, #tpu.memory_space<vmem_shared>>)
    %barrier3A_50 = arith.constant 0 : index
    tpu.barrier barrier_id(%barrier3A_50)
    %mul3A_51 = arith.constant 632 : i32
    %mul3A_52 = arith.muli %arg1, %mul3A_51 : i32
    %mul3A_53 = arith.constant 632 : i32
    %mul3A_54 = arith.muli %arg1, %mul3A_53 : i32
    %run_scoped3A = arith.constant 0 : i32
    "tpu.region"() ({
      %run_scoped3A_177 = tpu.sem_alloc : memref<!tpu.dma_semaphore, #tpu.memory_space<semaphore_mem>>
      %dma_start3A_178 = arith.constant 0 : i32
      %dma_start3A_179 = tpu.memref_slice %arg12[%arg0, %run_scoped3A, %mul3A_54, %dma_start3A_178] : memref<2x3x10112x128xf32, #tpu.memory_space<hbm>> -> memref<1x1x632x128xf32, #tpu.memory_space<hbm>>
      %dma_start3A_180 = tpu.memref_squeeze %dma_start3A_179 : memref<1x1x632x128xf32, #tpu.memory_space<hbm>> -> memref<632x128xf32, #tpu.memory_space<hbm>>
      %dma_start3A_181 = arith.constant 0 : i32
      %dma_start3A_182 = tpu.memref_slice %arg13[%mul3A_52, %dma_start3A_181] : memref<10112x128xf32, #tpu.memory_space<vmem_shared>> -> memref<632x128xf32, #tpu.memory_space<vmem_shared>>
      tpu.enqueue_dma source(%dma_start3A_182 : memref<632x128xf32, #tpu.memory_space<vmem_shared>>) target(%dma_start3A_180 : memref<632x128xf32, #tpu.memory_space<hbm>>) target_semaphore(%run_scoped3A_177 : memref<!tpu.dma_semaphore, #tpu.memory_space<semaphore_mem>>)
      %dma_wait3A_183 = arith.constant 0 : i32
      %dma_wait3A_184 = tpu.memref_slice %arg12[%arg0, %run_scoped3A, %mul3A_54, %dma_wait3A_183] : memref<2x3x10112x128xf32, #tpu.memory_space<hbm>> -> memref<1x1x632x128xf32, #tpu.memory_space<hbm>>
      %dma_wait3A_185 = tpu.memref_squeeze %dma_wait3A_184 : memref<1x1x632x128xf32, #tpu.memory_space<hbm>> -> memref<632x128xf32, #tpu.memory_space<hbm>>
      %dma_wait3A_186 = arith.constant 0 : i32
      %dma_wait3A_187 = tpu.memref_slice %arg13[%mul3A_52, %dma_wait3A_186] : memref<10112x128xf32, #tpu.memory_space<vmem_shared>> -> memref<632x128xf32, #tpu.memory_space<vmem_shared>>
      tpu.wait_dma2 semaphore(%run_scoped3A_177 : memref<!tpu.dma_semaphore, #tpu.memory_space<semaphore_mem>>) src(%dma_wait3A_187 : memref<632x128xf32, #tpu.memory_space<vmem_shared>>) dst(%dma_wait3A_185 : memref<632x128xf32, #tpu.memory_space<hbm>>)
      tpu.yield
    }) : () -> ()
    %barrier3A_55 = arith.constant 0 : index
    tpu.barrier barrier_id(%barrier3A_55)
    %add3A_56 = arith.constant 0 : i32
    %add3A_57 = arith.addi %arg1, %add3A_56 : i32
    %lt3A_58 = arith.constant 79 : i32
    %lt3A_59 = arith.cmpi slt, %add3A_57, %lt3A_58 : i32
    %convert_element_type3A_60 = arith.extui %lt3A_59 : i1 to i32
    %cond3A_61 = arith.constant 0 : i32
    %cond3A_62 = arith.cmpi ne, %convert_element_type3A_60, %cond3A_61 : i32
    scf.if %cond3A_62 {
      %mul3A_177 = arith.constant 128 : i32
      %mul3A_178 = arith.muli %add3A_57, %mul3A_177 : i32
      "tpu.region"() ({
        %run_scoped3A_179 = tpu.sem_alloc : memref<!tpu.dma_semaphore, #tpu.memory_space<semaphore_mem>>
        %dma_start3A_180 = arith.constant 0 : i32
        %dma_start3A_181 = tpu.memref_slice %arg13[%mul3A_178, %dma_start3A_180] : memref<10112x128xf32, #tpu.memory_space<vmem_shared>> -> memref<128x128xf32, #tpu.memory_space<vmem_shared>>
        tpu.enqueue_dma source(%arg11 : memref<128x128xf32, #tpu.memory_space<hbm>>) target(%dma_start3A_181 : memref<128x128xf32, #tpu.memory_space<vmem_shared>>) target_semaphore(%run_scoped3A_179 : memref<!tpu.dma_semaphore, #tpu.memory_space<semaphore_mem>>)
        %dma_wait3A_182 = arith.constant 0 : i32
        %dma_wait3A_183 = tpu.memref_slice %arg13[%mul3A_178, %dma_wait3A_182] : memref<10112x128xf32, #tpu.memory_space<vmem_shared>> -> memref<128x128xf32, #tpu.memory_space<vmem_shared>>
        tpu.wait_dma2 semaphore(%run_scoped3A_179 : memref<!tpu.dma_semaphore, #tpu.memory_space<semaphore_mem>>) src(%arg11 : memref<128x128xf32, #tpu.memory_space<hbm>>) dst(%dma_wait3A_183 : memref<128x128xf32, #tpu.memory_space<vmem_shared>>)
        tpu.yield
      }) : () -> ()
    } else {
    }
    %add3A_63 = arith.constant 16 : i32
    %add3A_64 = arith.addi %arg1, %add3A_63 : i32
    %lt3A_65 = arith.constant 79 : i32
    %lt3A_66 = arith.cmpi slt, %add3A_64, %lt3A_65 : i32
    %convert_element_type3A_67 = arith.extui %lt3A_66 : i1 to i32
    %cond3A_68 = arith.constant 0 : i32
    %cond3A_69 = arith.cmpi ne, %convert_element_type3A_67, %cond3A_68 : i32
    scf.if %cond3A_69 {
      %mul3A_177 = arith.constant 128 : i32
      %mul3A_178 = arith.muli %add3A_64, %mul3A_177 : i32
      "tpu.region"() ({
        %run_scoped3A_179 = tpu.sem_alloc : memref<!tpu.dma_semaphore, #tpu.memory_space<semaphore_mem>>
        %dma_start3A_180 = arith.constant 0 : i32
        %dma_start3A_181 = tpu.memref_slice %arg13[%mul3A_178, %dma_start3A_180] : memref<10112x128xf32, #tpu.memory_space<vmem_shared>> -> memref<128x128xf32, #tpu.memory_space<vmem_shared>>
        tpu.enqueue_dma source(%arg11 : memref<128x128xf32, #tpu.memory_space<hbm>>) target(%dma_start3A_181 : memref<128x128xf32, #tpu.memory_space<vmem_shared>>) target_semaphore(%run_scoped3A_179 : memref<!tpu.dma_semaphore, #tpu.memory_space<semaphore_mem>>)
        %dma_wait3A_182 = arith.constant 0 : i32
        %dma_wait3A_183 = tpu.memref_slice %arg13[%mul3A_178, %dma_wait3A_182] : memref<10112x128xf32, #tpu.memory_space<vmem_shared>> -> memref<128x128xf32, #tpu.memory_space<vmem_shared>>
        tpu.wait_dma2 semaphore(%run_scoped3A_179 : memref<!tpu.dma_semaphore, #tpu.memory_space<semaphore_mem>>) src(%arg11 : memref<128x128xf32, #tpu.memory_space<hbm>>) dst(%dma_wait3A_183 : memref<128x128xf32, #tpu.memory_space<vmem_shared>>)
        tpu.yield
      }) : () -> ()
    } else {
    }
    %add3A_70 = arith.constant 32 : i32
    %add3A_71 = arith.addi %arg1, %add3A_70 : i32
    %lt3A_72 = arith.constant 79 : i32
    %lt3A_73 = arith.cmpi slt, %add3A_71, %lt3A_72 : i32
    %convert_element_type3A_74 = arith.extui %lt3A_73 : i1 to i32
    %cond3A_75 = arith.constant 0 : i32
    %cond3A_76 = arith.cmpi ne, %convert_element_type3A_74, %cond3A_75 : i32
    scf.if %cond3A_76 {
      %mul3A_177 = arith.constant 128 : i32
      %mul3A_178 = arith.muli %add3A_71, %mul3A_177 : i32
      "tpu.region"() ({
        %run_scoped3A_179 = tpu.sem_alloc : memref<!tpu.dma_semaphore, #tpu.memory_space<semaphore_mem>>
        %dma_start3A_180 = arith.constant 0 : i32
        %dma_start3A_181 = tpu.memref_slice %arg13[%mul3A_178, %dma_start3A_180] : memref<10112x128xf32, #tpu.memory_space<vmem_shared>> -> memref<128x128xf32, #tpu.memory_space<vmem_shared>>
        tpu.enqueue_dma source(%arg11 : memref<128x128xf32, #tpu.memory_space<hbm>>) target(%dma_start3A_181 : memref<128x128xf32, #tpu.memory_space<vmem_shared>>) target_semaphore(%run_scoped3A_179 : memref<!tpu.dma_semaphore, #tpu.memory_space<semaphore_mem>>)
        %dma_wait3A_182 = arith.constant 0 : i32
        %dma_wait3A_183 = tpu.memref_slice %arg13[%mul3A_178, %dma_wait3A_182] : memref<10112x128xf32, #tpu.memory_space<vmem_shared>> -> memref<128x128xf32, #tpu.memory_space<vmem_shared>>
        tpu.wait_dma2 semaphore(%run_scoped3A_179 : memref<!tpu.dma_semaphore, #tpu.memory_space<semaphore_mem>>) src(%arg11 : memref<128x128xf32, #tpu.memory_space<hbm>>) dst(%dma_wait3A_183 : memref<128x128xf32, #tpu.memory_space<vmem_shared>>)
        tpu.yield
      }) : () -> ()
    } else {
    }
    %add3A_77 = arith.constant 48 : i32
    %add3A_78 = arith.addi %arg1, %add3A_77 : i32
    %lt3A_79 = arith.constant 79 : i32
    %lt3A_80 = arith.cmpi slt, %add3A_78, %lt3A_79 : i32
    %convert_element_type3A_81 = arith.extui %lt3A_80 : i1 to i32
    %cond3A_82 = arith.constant 0 : i32
    %cond3A_83 = arith.cmpi ne, %convert_element_type3A_81, %cond3A_82 : i32
    scf.if %cond3A_83 {
      %mul3A_177 = arith.constant 128 : i32
      %mul3A_178 = arith.muli %add3A_78, %mul3A_177 : i32
      "tpu.region"() ({
        %run_scoped3A_179 = tpu.sem_alloc : memref<!tpu.dma_semaphore, #tpu.memory_space<semaphore_mem>>
        %dma_start3A_180 = arith.constant 0 : i32
        %dma_start3A_181 = tpu.memref_slice %arg13[%mul3A_178, %dma_start3A_180] : memref<10112x128xf32, #tpu.memory_space<vmem_shared>> -> memref<128x128xf32, #tpu.memory_space<vmem_shared>>
        tpu.enqueue_dma source(%arg11 : memref<128x128xf32, #tpu.memory_space<hbm>>) target(%dma_start3A_181 : memref<128x128xf32, #tpu.memory_space<vmem_shared>>) target_semaphore(%run_scoped3A_179 : memref<!tpu.dma_semaphore, #tpu.memory_space<semaphore_mem>>)
        %dma_wait3A_182 = arith.constant 0 : i32
        %dma_wait3A_183 = tpu.memref_slice %arg13[%mul3A_178, %dma_wait3A_182] : memref<10112x128xf32, #tpu.memory_space<vmem_shared>> -> memref<128x128xf32, #tpu.memory_space<vmem_shared>>
        tpu.wait_dma2 semaphore(%run_scoped3A_179 : memref<!tpu.dma_semaphore, #tpu.memory_space<semaphore_mem>>) src(%arg11 : memref<128x128xf32, #tpu.memory_space<hbm>>) dst(%dma_wait3A_183 : memref<128x128xf32, #tpu.memory_space<vmem_shared>>)
        tpu.yield
      }) : () -> ()
    } else {
    }
    %add3A_84 = arith.constant 64 : i32
    %add3A_85 = arith.addi %arg1, %add3A_84 : i32
    %lt3A_86 = arith.constant 79 : i32
    %lt3A_87 = arith.cmpi slt, %add3A_85, %lt3A_86 : i32
    %convert_element_type3A_88 = arith.extui %lt3A_87 : i1 to i32
    %cond3A_89 = arith.constant 0 : i32
    %cond3A_90 = arith.cmpi ne, %convert_element_type3A_88, %cond3A_89 : i32
    scf.if %cond3A_90 {
      %mul3A_177 = arith.constant 128 : i32
      %mul3A_178 = arith.muli %add3A_85, %mul3A_177 : i32
      "tpu.region"() ({
        %run_scoped3A_179 = tpu.sem_alloc : memref<!tpu.dma_semaphore, #tpu.memory_space<semaphore_mem>>
        %dma_start3A_180 = arith.constant 0 : i32
        %dma_start3A_181 = tpu.memref_slice %arg13[%mul3A_178, %dma_start3A_180] : memref<10112x128xf32, #tpu.memory_space<vmem_shared>> -> memref<128x128xf32, #tpu.memory_space<vmem_shared>>
        tpu.enqueue_dma source(%arg11 : memref<128x128xf32, #tpu.memory_space<hbm>>) target(%dma_start3A_181 : memref<128x128xf32, #tpu.memory_space<vmem_shared>>) target_semaphore(%run_scoped3A_179 : memref<!tpu.dma_semaphore, #tpu.memory_space<semaphore_mem>>)
        %dma_wait3A_182 = arith.constant 0 : i32
        %dma_wait3A_183 = tpu.memref_slice %arg13[%mul3A_178, %dma_wait3A_182] : memref<10112x128xf32, #tpu.memory_space<vmem_shared>> -> memref<128x128xf32, #tpu.memory_space<vmem_shared>>
        tpu.wait_dma2 semaphore(%run_scoped3A_179 : memref<!tpu.dma_semaphore, #tpu.memory_space<semaphore_mem>>) src(%arg11 : memref<128x128xf32, #tpu.memory_space<hbm>>) dst(%dma_wait3A_183 : memref<128x128xf32, #tpu.memory_space<vmem_shared>>)
        tpu.yield
      }) : () -> ()
    } else {
    }
    %barrier3A_91 = arith.constant 0 : index
    tpu.barrier barrier_id(%barrier3A_91)
    %mul3A_92 = arith.constant 128 : i32
    %mul3A_93 = arith.muli %mul3A_2, %mul3A_92 : i32
    "tpu.region"() ({
      %run_scoped3A_177 = tpu.sem_alloc : memref<!tpu.dma_semaphore, #tpu.memory_space<semaphore_mem>>
      %dma_start3A_178 = tpu.memref_slice %arg6[%mul3A_93] : memref<327680xi32, #tpu.memory_space<hbm>> -> memref<10240xi32, #tpu.memory_space<hbm>>
      %dma_start3A_179 = tpu.memref_slice %arg6[%mul3A_93] : memref<327680xi32, #tpu.memory_space<hbm>> -> memref<10240xi32, #tpu.memory_space<hbm>>
      tpu.enqueue_dma source(%dma_start3A_179 : memref<10240xi32, #tpu.memory_space<hbm>>) target(%arg16 : memref<10240xi32, #tpu.memory_space<vmem>>) target_semaphore(%run_scoped3A_177 : memref<!tpu.dma_semaphore, #tpu.memory_space<semaphore_mem>>)
      %dma_wait3A_180 = tpu.memref_slice %arg6[%mul3A_93] : memref<327680xi32, #tpu.memory_space<hbm>> -> memref<10240xi32, #tpu.memory_space<hbm>>
      %dma_wait3A_181 = tpu.memref_slice %arg6[%mul3A_93] : memref<327680xi32, #tpu.memory_space<hbm>> -> memref<10240xi32, #tpu.memory_space<hbm>>
      tpu.wait_dma2 semaphore(%run_scoped3A_177 : memref<!tpu.dma_semaphore, #tpu.memory_space<semaphore_mem>>) src(%dma_wait3A_181 : memref<10240xi32, #tpu.memory_space<hbm>>) dst(%arg16 : memref<10240xi32, #tpu.memory_space<vmem>>)
      tpu.yield
    }) : () -> ()
    %mul3A_94 = arith.constant 128 : i32
    %mul3A_95 = arith.muli %mul3A_2, %mul3A_94 : i32
    "tpu.region"() ({
      %run_scoped3A_177 = tpu.sem_alloc : memref<!tpu.dma_semaphore, #tpu.memory_space<semaphore_mem>>
      %dma_start3A_178 = tpu.memref_slice %arg9[%mul3A_95] : memref<327680xi32, #tpu.memory_space<hbm>> -> memref<128xi32, #tpu.memory_space<hbm>>
      %dma_start3A_179 = tpu.memref_slice %arg9[%mul3A_95] : memref<327680xi32, #tpu.memory_space<hbm>> -> memref<128xi32, #tpu.memory_space<hbm>>
      tpu.enqueue_dma source(%dma_start3A_179 : memref<128xi32, #tpu.memory_space<hbm>>) target(%arg17 : memref<128xi32, #tpu.memory_space<vmem>>) target_semaphore(%run_scoped3A_177 : memref<!tpu.dma_semaphore, #tpu.memory_space<semaphore_mem>>)
      %dma_wait3A_180 = tpu.memref_slice %arg9[%mul3A_95] : memref<327680xi32, #tpu.memory_space<hbm>> -> memref<128xi32, #tpu.memory_space<hbm>>
      %dma_wait3A_181 = tpu.memref_slice %arg9[%mul3A_95] : memref<327680xi32, #tpu.memory_space<hbm>> -> memref<128xi32, #tpu.memory_space<hbm>>
      tpu.wait_dma2 semaphore(%run_scoped3A_177 : memref<!tpu.dma_semaphore, #tpu.memory_space<semaphore_mem>>) src(%dma_wait3A_181 : memref<128xi32, #tpu.memory_space<hbm>>) dst(%arg17 : memref<128xi32, #tpu.memory_space<vmem>>)
      tpu.yield
    }) : () -> ()
    %dma_start3A_96 = arith.constant 0 : i32
    %dma_start3A_97 = tpu.memref_slice %arg16[%dma_start3A_96] : memref<10240xi32, #tpu.memory_space<vmem>> -> memref<128xi32, #tpu.memory_space<vmem>>
    %dma_start3A_98 = arith.constant 0 : i32
    %dma_start3A_99 = arith.constant 0 : i32
    %dma_start3A_100 = tpu.memref_slice %arg3[%dma_start3A_98, %dma_start3A_99] : memref<10000x128xf32, #tpu.memory_space<hbm>> -> memref<10000x128xf32, #tpu.memory_space<hbm>>
    tpu.enqueue_indirect_dma source(%dma_start3A_100 : memref<10000x128xf32, #tpu.memory_space<hbm>>) target(%arg14 : memref<128x128xf32, #tpu.memory_space<vmem>>) offsets(%dma_start3A_97 : memref<128xi32, #tpu.memory_space<vmem>>) semaphore(%arg19 : memref<!tpu.dma_semaphore, #tpu.memory_space<semaphore_mem>>)
    %scan3A_101 = arith.constant 0 : i32
    %scan3A_102 = arith.constant 0 : i32
    %scan3A_103 = arith.constant 40 : i32
    %scan3A_104 = arith.addi %scan3A_102, %scan3A_103 : i32
    %scan3A_105 = arith.constant 1 : i32
    scf.for %scan3A_177 = %scan3A_102 to %scan3A_104 step %scan3A_105  : i32 {
      %mul3A_178 = arith.constant 2 : i32
      %mul3A_179 = arith.muli %mul3A_178, %scan3A_177 : i32
      %add3A_180 = arith.constant 0 : i32
      %add3A_181 = arith.addi %mul3A_179, %add3A_180 : i32
      %dma_wait3A_182 = arith.constant 0 : i32
      %dma_wait3A_183 = tpu.memref_slice %arg16[%dma_wait3A_182] : memref<10240xi32, #tpu.memory_space<vmem>> -> memref<128xi32, #tpu.memory_space<vmem>>
      %dma_wait3A_184 = arith.constant 0 : i32
      %dma_wait3A_185 = arith.constant 0 : i32
      %dma_wait3A_186 = tpu.memref_slice %arg3[%dma_wait3A_184, %dma_wait3A_185] : memref<10000x128xf32, #tpu.memory_space<hbm>> -> memref<10000x128xf32, #tpu.memory_space<hbm>>
      tpu.wait_indirect_dma semaphore(%arg19 : memref<!tpu.dma_semaphore, #tpu.memory_space<semaphore_mem>>) src(%dma_wait3A_186 : memref<10000x128xf32, #tpu.memory_space<hbm>>) dst(%arg14 : memref<128x128xf32, #tpu.memory_space<vmem>>)
      %ge3A = arith.constant 1 : i32
      %ge3A_187 = arith.cmpi sge, %add3A_181, %ge3A : i32
      %convert_element_type3A_188 = arith.extui %ge3A_187 : i1 to i32
      %cond3A_189 = arith.constant 0 : i32
      %cond3A_190 = arith.cmpi ne, %convert_element_type3A_188, %cond3A_189 : i32
      scf.if %cond3A_190 {
        %dma_wait3A_225 = arith.constant 0 : i32
        %dma_wait3A_226 = arith.constant 0 : i32
        %dma_wait3A_227 = tpu.memref_slice %arg13[%dma_wait3A_225, %dma_wait3A_226] : memref<10112x128xf32, #tpu.memory_space<vmem_shared>> -> memref<10112x128xf32, #tpu.memory_space<vmem_shared>>
        tpu.wait_indirect_dma semaphore(%arg22 : memref<!tpu.dma_semaphore, #tpu.memory_space<semaphore_mem>>) src(%arg15 : memref<128x128xf32, #tpu.memory_space<vmem>>) dst(%dma_wait3A_227 : memref<10112x128xf32, #tpu.memory_space<vmem_shared>>)
      } else {
      }
      %dma_start3A_191 = arith.constant 0 : i32
      %dma_start3A_192 = arith.constant 0 : i32
      %dma_start3A_193 = tpu.memref_slice %arg13[%dma_start3A_191, %dma_start3A_192] : memref<10112x128xf32, #tpu.memory_space<vmem_shared>> -> memref<10112x128xf32, #tpu.memory_space<vmem_shared>>
      tpu.enqueue_indirect_dma source(%arg14 : memref<128x128xf32, #tpu.memory_space<vmem>>) target(%dma_start3A_193 : memref<10112x128xf32, #tpu.memory_space<vmem_shared>>) offsets(%arg17 : memref<128xi32, #tpu.memory_space<vmem>>) semaphore(%arg21 : memref<!tpu.dma_semaphore, #tpu.memory_space<semaphore_mem>>) {add = true}
      %add3A_194 = arith.constant 1 : i32
      %add3A_195 = arith.addi %add3A_181, %add3A_194 : i32
      %lt3A_196 = arith.constant 80 : i32
      %lt3A_197 = arith.cmpi slt, %add3A_195, %lt3A_196 : i32
      %convert_element_type3A_198 = arith.extui %lt3A_197 : i1 to i32
      %cond3A_199 = arith.constant 0 : i32
      %cond3A_200 = arith.cmpi ne, %convert_element_type3A_198, %cond3A_199 : i32
      scf.if %cond3A_200 {
        %add3A_225 = arith.addi %mul3A_2, %add3A_181 : i32
        %add3A_226 = arith.constant 1 : i32
        %add3A_227 = arith.addi %add3A_225, %add3A_226 : i32
        %mul3A_228 = arith.constant 128 : i32
        %mul3A_229 = arith.muli %add3A_227, %mul3A_228 : i32
        "tpu.region"() ({
          %run_scoped3A_238 = tpu.sem_alloc : memref<!tpu.dma_semaphore, #tpu.memory_space<semaphore_mem>>
          %dma_start3A_239 = tpu.memref_slice %arg9[%mul3A_229] : memref<327680xi32, #tpu.memory_space<hbm>> -> memref<128xi32, #tpu.memory_space<hbm>>
          %dma_start3A_240 = tpu.memref_slice %arg9[%mul3A_229] : memref<327680xi32, #tpu.memory_space<hbm>> -> memref<128xi32, #tpu.memory_space<hbm>>
          tpu.enqueue_dma source(%dma_start3A_240 : memref<128xi32, #tpu.memory_space<hbm>>) target(%arg18 : memref<128xi32, #tpu.memory_space<vmem>>) target_semaphore(%run_scoped3A_238 : memref<!tpu.dma_semaphore, #tpu.memory_space<semaphore_mem>>)
          %dma_wait3A_241 = tpu.memref_slice %arg9[%mul3A_229] : memref<327680xi32, #tpu.memory_space<hbm>> -> memref<128xi32, #tpu.memory_space<hbm>>
          %dma_wait3A_242 = tpu.memref_slice %arg9[%mul3A_229] : memref<327680xi32, #tpu.memory_space<hbm>> -> memref<128xi32, #tpu.memory_space<hbm>>
          tpu.wait_dma2 semaphore(%run_scoped3A_238 : memref<!tpu.dma_semaphore, #tpu.memory_space<semaphore_mem>>) src(%dma_wait3A_242 : memref<128xi32, #tpu.memory_space<hbm>>) dst(%arg18 : memref<128xi32, #tpu.memory_space<vmem>>)
          tpu.yield
        }) : () -> ()
        %add3A_230 = arith.constant 1 : i32
        %add3A_231 = arith.addi %add3A_181, %add3A_230 : i32
        %mul3A_232 = arith.constant 128 : i32
        %mul3A_233 = arith.muli %add3A_231, %mul3A_232 : i32
        %dma_start3A_234 = tpu.memref_slice %arg16[%mul3A_233] : memref<10240xi32, #tpu.memory_space<vmem>> -> memref<128xi32, #tpu.memory_space<vmem>>
        %dma_start3A_235 = arith.constant 0 : i32
        %dma_start3A_236 = arith.constant 0 : i32
        %dma_start3A_237 = tpu.memref_slice %arg3[%dma_start3A_235, %dma_start3A_236] : memref<10000x128xf32, #tpu.memory_space<hbm>> -> memref<10000x128xf32, #tpu.memory_space<hbm>>
        tpu.enqueue_indirect_dma source(%dma_start3A_237 : memref<10000x128xf32, #tpu.memory_space<hbm>>) target(%arg15 : memref<128x128xf32, #tpu.memory_space<vmem>>) offsets(%dma_start3A_234 : memref<128xi32, #tpu.memory_space<vmem>>) semaphore(%arg20 : memref<!tpu.dma_semaphore, #tpu.memory_space<semaphore_mem>>)
      } else {
      }
      %mul3A_201 = arith.constant 2 : i32
      %mul3A_202 = arith.muli %mul3A_201, %scan3A_177 : i32
      %add3A_203 = arith.constant 1 : i32
      %add3A_204 = arith.addi %mul3A_202, %add3A_203 : i32
      %dma_wait3A_205 = arith.constant 0 : i32
      %dma_wait3A_206 = tpu.memref_slice %arg16[%dma_wait3A_205] : memref<10240xi32, #tpu.memory_space<vmem>> -> memref<128xi32, #tpu.memory_space<vmem>>
      %dma_wait3A_207 = arith.constant 0 : i32
      %dma_wait3A_208 = arith.constant 0 : i32
      %dma_wait3A_209 = tpu.memref_slice %arg3[%dma_wait3A_207, %dma_wait3A_208] : memref<10000x128xf32, #tpu.memory_space<hbm>> -> memref<10000x128xf32, #tpu.memory_space<hbm>>
      tpu.wait_indirect_dma semaphore(%arg20 : memref<!tpu.dma_semaphore, #tpu.memory_space<semaphore_mem>>) src(%dma_wait3A_209 : memref<10000x128xf32, #tpu.memory_space<hbm>>) dst(%arg15 : memref<128x128xf32, #tpu.memory_space<vmem>>)
      %ge3A_210 = arith.constant 1 : i32
      %ge3A_211 = arith.cmpi sge, %add3A_204, %ge3A_210 : i32
      %convert_element_type3A_212 = arith.extui %ge3A_211 : i1 to i32
      %cond3A_213 = arith.constant 0 : i32
      %cond3A_214 = arith.cmpi ne, %convert_element_type3A_212, %cond3A_213 : i32
      scf.if %cond3A_214 {
        %dma_wait3A_225 = arith.constant 0 : i32
        %dma_wait3A_226 = arith.constant 0 : i32
        %dma_wait3A_227 = tpu.memref_slice %arg13[%dma_wait3A_225, %dma_wait3A_226] : memref<10112x128xf32, #tpu.memory_space<vmem_shared>> -> memref<10112x128xf32, #tpu.memory_space<vmem_shared>>
        tpu.wait_indirect_dma semaphore(%arg21 : memref<!tpu.dma_semaphore, #tpu.memory_space<semaphore_mem>>) src(%arg14 : memref<128x128xf32, #tpu.memory_space<vmem>>) dst(%dma_wait3A_227 : memref<10112x128xf32, #tpu.memory_space<vmem_shared>>)
      } else {
      }
      %dma_start3A_215 = arith.constant 0 : i32
      %dma_start3A_216 = arith.constant 0 : i32
      %dma_start3A_217 = tpu.memref_slice %arg13[%dma_start3A_215, %dma_start3A_216] : memref<10112x128xf32, #tpu.memory_space<vmem_shared>> -> memref<10112x128xf32, #tpu.memory_space<vmem_shared>>
      tpu.enqueue_indirect_dma source(%arg15 : memref<128x128xf32, #tpu.memory_space<vmem>>) target(%dma_start3A_217 : memref<10112x128xf32, #tpu.memory_space<vmem_shared>>) offsets(%arg18 : memref<128xi32, #tpu.memory_space<vmem>>) semaphore(%arg22 : memref<!tpu.dma_semaphore, #tpu.memory_space<semaphore_mem>>) {add = true}
      %add3A_218 = arith.constant 1 : i32
      %add3A_219 = arith.addi %add3A_204, %add3A_218 : i32
      %lt3A_220 = arith.constant 80 : i32
      %lt3A_221 = arith.cmpi slt, %add3A_219, %lt3A_220 : i32
      %convert_element_type3A_222 = arith.extui %lt3A_221 : i1 to i32
      %cond3A_223 = arith.constant 0 : i32
      %cond3A_224 = arith.cmpi ne, %convert_element_type3A_222, %cond3A_223 : i32
      scf.if %cond3A_224 {
        %add3A_225 = arith.addi %mul3A_2, %add3A_204 : i32
        %add3A_226 = arith.constant 1 : i32
        %add3A_227 = arith.addi %add3A_225, %add3A_226 : i32
        %mul3A_228 = arith.constant 128 : i32
        %mul3A_229 = arith.muli %add3A_227, %mul3A_228 : i32
        "tpu.region"() ({
          %run_scoped3A_238 = tpu.sem_alloc : memref<!tpu.dma_semaphore, #tpu.memory_space<semaphore_mem>>
          %dma_start3A_239 = tpu.memref_slice %arg9[%mul3A_229] : memref<327680xi32, #tpu.memory_space<hbm>> -> memref<128xi32, #tpu.memory_space<hbm>>
          %dma_start3A_240 = tpu.memref_slice %arg9[%mul3A_229] : memref<327680xi32, #tpu.memory_space<hbm>> -> memref<128xi32, #tpu.memory_space<hbm>>
          tpu.enqueue_dma source(%dma_start3A_240 : memref<128xi32, #tpu.memory_space<hbm>>) target(%arg17 : memref<128xi32, #tpu.memory_space<vmem>>) target_semaphore(%run_scoped3A_238 : memref<!tpu.dma_semaphore, #tpu.memory_space<semaphore_mem>>)
          %dma_wait3A_241 = tpu.memref_slice %arg9[%mul3A_229] : memref<327680xi32, #tpu.memory_space<hbm>> -> memref<128xi32, #tpu.memory_space<hbm>>
          %dma_wait3A_242 = tpu.memref_slice %arg9[%mul3A_229] : memref<327680xi32, #tpu.memory_space<hbm>> -> memref<128xi32, #tpu.memory_space<hbm>>
          tpu.wait_dma2 semaphore(%run_scoped3A_238 : memref<!tpu.dma_semaphore, #tpu.memory_space<semaphore_mem>>) src(%dma_wait3A_242 : memref<128xi32, #tpu.memory_space<hbm>>) dst(%arg17 : memref<128xi32, #tpu.memory_space<vmem>>)
          tpu.yield
        }) : () -> ()
        %add3A_230 = arith.constant 1 : i32
        %add3A_231 = arith.addi %add3A_204, %add3A_230 : i32
        %mul3A_232 = arith.constant 128 : i32
        %mul3A_233 = arith.muli %add3A_231, %mul3A_232 : i32
        %dma_start3A_234 = tpu.memref_slice %arg16[%mul3A_233] : memref<10240xi32, #tpu.memory_space<vmem>> -> memref<128xi32, #tpu.memory_space<vmem>>
        %dma_start3A_235 = arith.constant 0 : i32
        %dma_start3A_236 = arith.constant 0 : i32
        %dma_start3A_237 = tpu.memref_slice %arg3[%dma_start3A_235, %dma_start3A_236] : memref<10000x128xf32, #tpu.memory_space<hbm>> -> memref<10000x128xf32, #tpu.memory_space<hbm>>
        tpu.enqueue_indirect_dma source(%dma_start3A_237 : memref<10000x128xf32, #tpu.memory_space<hbm>>) target(%arg14 : memref<128x128xf32, #tpu.memory_space<vmem>>) offsets(%dma_start3A_234 : memref<128xi32, #tpu.memory_space<vmem>>) semaphore(%arg19 : memref<!tpu.dma_semaphore, #tpu.memory_space<semaphore_mem>>)
      } else {
      }
    }
    %scan3A_106 = arith.constant 40 : i32
    %dma_wait3A_107 = arith.constant 0 : i32
    %dma_wait3A_108 = arith.constant 0 : i32
    %dma_wait3A_109 = tpu.memref_slice %arg13[%dma_wait3A_107, %dma_wait3A_108] : memref<10112x128xf32, #tpu.memory_space<vmem_shared>> -> memref<10112x128xf32, #tpu.memory_space<vmem_shared>>
    tpu.wait_indirect_dma semaphore(%arg22 : memref<!tpu.dma_semaphore, #tpu.memory_space<semaphore_mem>>) src(%arg15 : memref<128x128xf32, #tpu.memory_space<vmem>>) dst(%dma_wait3A_109 : memref<10112x128xf32, #tpu.memory_space<vmem_shared>>)
    %barrier3A_110 = arith.constant 0 : index
    tpu.barrier barrier_id(%barrier3A_110)
    %mul3A_111 = arith.constant 632 : i32
    %mul3A_112 = arith.muli %arg1, %mul3A_111 : i32
    %mul3A_113 = arith.constant 632 : i32
    %mul3A_114 = arith.muli %arg1, %mul3A_113 : i32
    %run_scoped3A_115 = arith.constant 1 : i32
    "tpu.region"() ({
      %run_scoped3A_177 = tpu.sem_alloc : memref<!tpu.dma_semaphore, #tpu.memory_space<semaphore_mem>>
      %dma_start3A_178 = arith.constant 0 : i32
      %dma_start3A_179 = tpu.memref_slice %arg12[%arg0, %run_scoped3A_115, %mul3A_114, %dma_start3A_178] : memref<2x3x10112x128xf32, #tpu.memory_space<hbm>> -> memref<1x1x632x128xf32, #tpu.memory_space<hbm>>
      %dma_start3A_180 = tpu.memref_squeeze %dma_start3A_179 : memref<1x1x632x128xf32, #tpu.memory_space<hbm>> -> memref<632x128xf32, #tpu.memory_space<hbm>>
      %dma_start3A_181 = arith.constant 0 : i32
      %dma_start3A_182 = tpu.memref_slice %arg13[%mul3A_112, %dma_start3A_181] : memref<10112x128xf32, #tpu.memory_space<vmem_shared>> -> memref<632x128xf32, #tpu.memory_space<vmem_shared>>
      tpu.enqueue_dma source(%dma_start3A_182 : memref<632x128xf32, #tpu.memory_space<vmem_shared>>) target(%dma_start3A_180 : memref<632x128xf32, #tpu.memory_space<hbm>>) target_semaphore(%run_scoped3A_177 : memref<!tpu.dma_semaphore, #tpu.memory_space<semaphore_mem>>)
      %dma_wait3A_183 = arith.constant 0 : i32
      %dma_wait3A_184 = tpu.memref_slice %arg12[%arg0, %run_scoped3A_115, %mul3A_114, %dma_wait3A_183] : memref<2x3x10112x128xf32, #tpu.memory_space<hbm>> -> memref<1x1x632x128xf32, #tpu.memory_space<hbm>>
      %dma_wait3A_185 = tpu.memref_squeeze %dma_wait3A_184 : memref<1x1x632x128xf32, #tpu.memory_space<hbm>> -> memref<632x128xf32, #tpu.memory_space<hbm>>
      %dma_wait3A_186 = arith.constant 0 : i32
      %dma_wait3A_187 = tpu.memref_slice %arg13[%mul3A_112, %dma_wait3A_186] : memref<10112x128xf32, #tpu.memory_space<vmem_shared>> -> memref<632x128xf32, #tpu.memory_space<vmem_shared>>
      tpu.wait_dma2 semaphore(%run_scoped3A_177 : memref<!tpu.dma_semaphore, #tpu.memory_space<semaphore_mem>>) src(%dma_wait3A_187 : memref<632x128xf32, #tpu.memory_space<vmem_shared>>) dst(%dma_wait3A_185 : memref<632x128xf32, #tpu.memory_space<hbm>>)
      tpu.yield
    }) : () -> ()
    %barrier3A_116 = arith.constant 0 : index
    tpu.barrier barrier_id(%barrier3A_116)
    %add3A_117 = arith.constant 0 : i32
    %add3A_118 = arith.addi %arg1, %add3A_117 : i32
    %lt3A_119 = arith.constant 79 : i32
    %lt3A_120 = arith.cmpi slt, %add3A_118, %lt3A_119 : i32
    %convert_element_type3A_121 = arith.extui %lt3A_120 : i1 to i32
    %cond3A_122 = arith.constant 0 : i32
    %cond3A_123 = arith.cmpi ne, %convert_element_type3A_121, %cond3A_122 : i32
    scf.if %cond3A_123 {
      %mul3A_177 = arith.constant 128 : i32
      %mul3A_178 = arith.muli %add3A_118, %mul3A_177 : i32
      "tpu.region"() ({
        %run_scoped3A_179 = tpu.sem_alloc : memref<!tpu.dma_semaphore, #tpu.memory_space<semaphore_mem>>
        %dma_start3A_180 = arith.constant 0 : i32
        %dma_start3A_181 = tpu.memref_slice %arg13[%mul3A_178, %dma_start3A_180] : memref<10112x128xf32, #tpu.memory_space<vmem_shared>> -> memref<128x128xf32, #tpu.memory_space<vmem_shared>>
        tpu.enqueue_dma source(%arg11 : memref<128x128xf32, #tpu.memory_space<hbm>>) target(%dma_start3A_181 : memref<128x128xf32, #tpu.memory_space<vmem_shared>>) target_semaphore(%run_scoped3A_179 : memref<!tpu.dma_semaphore, #tpu.memory_space<semaphore_mem>>)
        %dma_wait3A_182 = arith.constant 0 : i32
        %dma_wait3A_183 = tpu.memref_slice %arg13[%mul3A_178, %dma_wait3A_182] : memref<10112x128xf32, #tpu.memory_space<vmem_shared>> -> memref<128x128xf32, #tpu.memory_space<vmem_shared>>
        tpu.wait_dma2 semaphore(%run_scoped3A_179 : memref<!tpu.dma_semaphore, #tpu.memory_space<semaphore_mem>>) src(%arg11 : memref<128x128xf32, #tpu.memory_space<hbm>>) dst(%dma_wait3A_183 : memref<128x128xf32, #tpu.memory_space<vmem_shared>>)
        tpu.yield
      }) : () -> ()
    } else {
    }
    %add3A_124 = arith.constant 16 : i32
    %add3A_125 = arith.addi %arg1, %add3A_124 : i32
    %lt3A_126 = arith.constant 79 : i32
    %lt3A_127 = arith.cmpi slt, %add3A_125, %lt3A_126 : i32
    %convert_element_type3A_128 = arith.extui %lt3A_127 : i1 to i32
    %cond3A_129 = arith.constant 0 : i32
    %cond3A_130 = arith.cmpi ne, %convert_element_type3A_128, %cond3A_129 : i32
    scf.if %cond3A_130 {
      %mul3A_177 = arith.constant 128 : i32
      %mul3A_178 = arith.muli %add3A_125, %mul3A_177 : i32
      "tpu.region"() ({
        %run_scoped3A_179 = tpu.sem_alloc : memref<!tpu.dma_semaphore, #tpu.memory_space<semaphore_mem>>
        %dma_start3A_180 = arith.constant 0 : i32
        %dma_start3A_181 = tpu.memref_slice %arg13[%mul3A_178, %dma_start3A_180] : memref<10112x128xf32, #tpu.memory_space<vmem_shared>> -> memref<128x128xf32, #tpu.memory_space<vmem_shared>>
        tpu.enqueue_dma source(%arg11 : memref<128x128xf32, #tpu.memory_space<hbm>>) target(%dma_start3A_181 : memref<128x128xf32, #tpu.memory_space<vmem_shared>>) target_semaphore(%run_scoped3A_179 : memref<!tpu.dma_semaphore, #tpu.memory_space<semaphore_mem>>)
        %dma_wait3A_182 = arith.constant 0 : i32
        %dma_wait3A_183 = tpu.memref_slice %arg13[%mul3A_178, %dma_wait3A_182] : memref<10112x128xf32, #tpu.memory_space<vmem_shared>> -> memref<128x128xf32, #tpu.memory_space<vmem_shared>>
        tpu.wait_dma2 semaphore(%run_scoped3A_179 : memref<!tpu.dma_semaphore, #tpu.memory_space<semaphore_mem>>) src(%arg11 : memref<128x128xf32, #tpu.memory_space<hbm>>) dst(%dma_wait3A_183 : memref<128x128xf32, #tpu.memory_space<vmem_shared>>)
        tpu.yield
      }) : () -> ()
    } else {
    }
    %add3A_131 = arith.constant 32 : i32
    %add3A_132 = arith.addi %arg1, %add3A_131 : i32
    %lt3A_133 = arith.constant 79 : i32
    %lt3A_134 = arith.cmpi slt, %add3A_132, %lt3A_133 : i32
    %convert_element_type3A_135 = arith.extui %lt3A_134 : i1 to i32
    %cond3A_136 = arith.constant 0 : i32
    %cond3A_137 = arith.cmpi ne, %convert_element_type3A_135, %cond3A_136 : i32
    scf.if %cond3A_137 {
      %mul3A_177 = arith.constant 128 : i32
      %mul3A_178 = arith.muli %add3A_132, %mul3A_177 : i32
      "tpu.region"() ({
        %run_scoped3A_179 = tpu.sem_alloc : memref<!tpu.dma_semaphore, #tpu.memory_space<semaphore_mem>>
        %dma_start3A_180 = arith.constant 0 : i32
        %dma_start3A_181 = tpu.memref_slice %arg13[%mul3A_178, %dma_start3A_180] : memref<10112x128xf32, #tpu.memory_space<vmem_shared>> -> memref<128x128xf32, #tpu.memory_space<vmem_shared>>
        tpu.enqueue_dma source(%arg11 : memref<128x128xf32, #tpu.memory_space<hbm>>) target(%dma_start3A_181 : memref<128x128xf32, #tpu.memory_space<vmem_shared>>) target_semaphore(%run_scoped3A_179 : memref<!tpu.dma_semaphore, #tpu.memory_space<semaphore_mem>>)
        %dma_wait3A_182 = arith.constant 0 : i32
        %dma_wait3A_183 = tpu.memref_slice %arg13[%mul3A_178, %dma_wait3A_182] : memref<10112x128xf32, #tpu.memory_space<vmem_shared>> -> memref<128x128xf32, #tpu.memory_space<vmem_shared>>
        tpu.wait_dma2 semaphore(%run_scoped3A_179 : memref<!tpu.dma_semaphore, #tpu.memory_space<semaphore_mem>>) src(%arg11 : memref<128x128xf32, #tpu.memory_space<hbm>>) dst(%dma_wait3A_183 : memref<128x128xf32, #tpu.memory_space<vmem_shared>>)
        tpu.yield
      }) : () -> ()
    } else {
    }
    %add3A_138 = arith.constant 48 : i32
    %add3A_139 = arith.addi %arg1, %add3A_138 : i32
    %lt3A_140 = arith.constant 79 : i32
    %lt3A_141 = arith.cmpi slt, %add3A_139, %lt3A_140 : i32
    %convert_element_type3A_142 = arith.extui %lt3A_141 : i1 to i32
    %cond3A_143 = arith.constant 0 : i32
    %cond3A_144 = arith.cmpi ne, %convert_element_type3A_142, %cond3A_143 : i32
    scf.if %cond3A_144 {
      %mul3A_177 = arith.constant 128 : i32
      %mul3A_178 = arith.muli %add3A_139, %mul3A_177 : i32
      "tpu.region"() ({
        %run_scoped3A_179 = tpu.sem_alloc : memref<!tpu.dma_semaphore, #tpu.memory_space<semaphore_mem>>
        %dma_start3A_180 = arith.constant 0 : i32
        %dma_start3A_181 = tpu.memref_slice %arg13[%mul3A_178, %dma_start3A_180] : memref<10112x128xf32, #tpu.memory_space<vmem_shared>> -> memref<128x128xf32, #tpu.memory_space<vmem_shared>>
        tpu.enqueue_dma source(%arg11 : memref<128x128xf32, #tpu.memory_space<hbm>>) target(%dma_start3A_181 : memref<128x128xf32, #tpu.memory_space<vmem_shared>>) target_semaphore(%run_scoped3A_179 : memref<!tpu.dma_semaphore, #tpu.memory_space<semaphore_mem>>)
        %dma_wait3A_182 = arith.constant 0 : i32
        %dma_wait3A_183 = tpu.memref_slice %arg13[%mul3A_178, %dma_wait3A_182] : memref<10112x128xf32, #tpu.memory_space<vmem_shared>> -> memref<128x128xf32, #tpu.memory_space<vmem_shared>>
        tpu.wait_dma2 semaphore(%run_scoped3A_179 : memref<!tpu.dma_semaphore, #tpu.memory_space<semaphore_mem>>) src(%arg11 : memref<128x128xf32, #tpu.memory_space<hbm>>) dst(%dma_wait3A_183 : memref<128x128xf32, #tpu.memory_space<vmem_shared>>)
        tpu.yield
      }) : () -> ()
    } else {
    }
    %add3A_145 = arith.constant 64 : i32
    %add3A_146 = arith.addi %arg1, %add3A_145 : i32
    %lt3A_147 = arith.constant 79 : i32
    %lt3A_148 = arith.cmpi slt, %add3A_146, %lt3A_147 : i32
    %convert_element_type3A_149 = arith.extui %lt3A_148 : i1 to i32
    %cond3A_150 = arith.constant 0 : i32
    %cond3A_151 = arith.cmpi ne, %convert_element_type3A_149, %cond3A_150 : i32
    scf.if %cond3A_151 {
      %mul3A_177 = arith.constant 128 : i32
      %mul3A_178 = arith.muli %add3A_146, %mul3A_177 : i32
      "tpu.region"() ({
        %run_scoped3A_179 = tpu.sem_alloc : memref<!tpu.dma_semaphore, #tpu.memory_space<semaphore_mem>>
        %dma_start3A_180 = arith.constant 0 : i32
        %dma_start3A_181 = tpu.memref_slice %arg13[%mul3A_178, %dma_start3A_180] : memref<10112x128xf32, #tpu.memory_space<vmem_shared>> -> memref<128x128xf32, #tpu.memory_space<vmem_shared>>
        tpu.enqueue_dma source(%arg11 : memref<128x128xf32, #tpu.memory_space<hbm>>) target(%dma_start3A_181 : memref<128x128xf32, #tpu.memory_space<vmem_shared>>) target_semaphore(%run_scoped3A_179 : memref<!tpu.dma_semaphore, #tpu.memory_space<semaphore_mem>>)
        %dma_wait3A_182 = arith.constant 0 : i32
        %dma_wait3A_183 = tpu.memref_slice %arg13[%mul3A_178, %dma_wait3A_182] : memref<10112x128xf32, #tpu.memory_space<vmem_shared>> -> memref<128x128xf32, #tpu.memory_space<vmem_shared>>
        tpu.wait_dma2 semaphore(%run_scoped3A_179 : memref<!tpu.dma_semaphore, #tpu.memory_space<semaphore_mem>>) src(%arg11 : memref<128x128xf32, #tpu.memory_space<hbm>>) dst(%dma_wait3A_183 : memref<128x128xf32, #tpu.memory_space<vmem_shared>>)
        tpu.yield
      }) : () -> ()
    } else {
    }
    %barrier3A_152 = arith.constant 0 : index
    tpu.barrier barrier_id(%barrier3A_152)
    %mul3A_153 = arith.constant 128 : i32
    %mul3A_154 = arith.muli %mul3A_2, %mul3A_153 : i32
    "tpu.region"() ({
      %run_scoped3A_177 = tpu.sem_alloc : memref<!tpu.dma_semaphore, #tpu.memory_space<semaphore_mem>>
      %dma_start3A_178 = tpu.memref_slice %arg7[%mul3A_154] : memref<327680xi32, #tpu.memory_space<hbm>> -> memref<10240xi32, #tpu.memory_space<hbm>>
      %dma_start3A_179 = tpu.memref_slice %arg7[%mul3A_154] : memref<327680xi32, #tpu.memory_space<hbm>> -> memref<10240xi32, #tpu.memory_space<hbm>>
      tpu.enqueue_dma source(%dma_start3A_179 : memref<10240xi32, #tpu.memory_space<hbm>>) target(%arg16 : memref<10240xi32, #tpu.memory_space<vmem>>) target_semaphore(%run_scoped3A_177 : memref<!tpu.dma_semaphore, #tpu.memory_space<semaphore_mem>>)
      %dma_wait3A_180 = tpu.memref_slice %arg7[%mul3A_154] : memref<327680xi32, #tpu.memory_space<hbm>> -> memref<10240xi32, #tpu.memory_space<hbm>>
      %dma_wait3A_181 = tpu.memref_slice %arg7[%mul3A_154] : memref<327680xi32, #tpu.memory_space<hbm>> -> memref<10240xi32, #tpu.memory_space<hbm>>
      tpu.wait_dma2 semaphore(%run_scoped3A_177 : memref<!tpu.dma_semaphore, #tpu.memory_space<semaphore_mem>>) src(%dma_wait3A_181 : memref<10240xi32, #tpu.memory_space<hbm>>) dst(%arg16 : memref<10240xi32, #tpu.memory_space<vmem>>)
      tpu.yield
    }) : () -> ()
    %mul3A_155 = arith.constant 128 : i32
    %mul3A_156 = arith.muli %mul3A_2, %mul3A_155 : i32
    "tpu.region"() ({
      %run_scoped3A_177 = tpu.sem_alloc : memref<!tpu.dma_semaphore, #tpu.memory_space<semaphore_mem>>
      %dma_start3A_178 = tpu.memref_slice %arg10[%mul3A_156] : memref<327680xi32, #tpu.memory_space<hbm>> -> memref<128xi32, #tpu.memory_space<hbm>>
      %dma_start3A_179 = tpu.memref_slice %arg10[%mul3A_156] : memref<327680xi32, #tpu.memory_space<hbm>> -> memref<128xi32, #tpu.memory_space<hbm>>
      tpu.enqueue_dma source(%dma_start3A_179 : memref<128xi32, #tpu.memory_space<hbm>>) target(%arg17 : memref<128xi32, #tpu.memory_space<vmem>>) target_semaphore(%run_scoped3A_177 : memref<!tpu.dma_semaphore, #tpu.memory_space<semaphore_mem>>)
      %dma_wait3A_180 = tpu.memref_slice %arg10[%mul3A_156] : memref<327680xi32, #tpu.memory_space<hbm>> -> memref<128xi32, #tpu.memory_space<hbm>>
      %dma_wait3A_181 = tpu.memref_slice %arg10[%mul3A_156] : memref<327680xi32, #tpu.memory_space<hbm>> -> memref<128xi32, #tpu.memory_space<hbm>>
      tpu.wait_dma2 semaphore(%run_scoped3A_177 : memref<!tpu.dma_semaphore, #tpu.memory_space<semaphore_mem>>) src(%dma_wait3A_181 : memref<128xi32, #tpu.memory_space<hbm>>) dst(%arg17 : memref<128xi32, #tpu.memory_space<vmem>>)
      tpu.yield
    }) : () -> ()
    %dma_start3A_157 = arith.constant 0 : i32
    %dma_start3A_158 = tpu.memref_slice %arg16[%dma_start3A_157] : memref<10240xi32, #tpu.memory_space<vmem>> -> memref<128xi32, #tpu.memory_space<vmem>>
    %dma_start3A_159 = arith.constant 0 : i32
    %dma_start3A_160 = arith.constant 0 : i32
    %dma_start3A_161 = tpu.memref_slice %arg4[%dma_start3A_159, %dma_start3A_160] : memref<10000x128xf32, #tpu.memory_space<hbm>> -> memref<10000x128xf32, #tpu.memory_space<hbm>>
    tpu.enqueue_indirect_dma source(%dma_start3A_161 : memref<10000x128xf32, #tpu.memory_space<hbm>>) target(%arg14 : memref<128x128xf32, #tpu.memory_space<vmem>>) offsets(%dma_start3A_158 : memref<128xi32, #tpu.memory_space<vmem>>) semaphore(%arg19 : memref<!tpu.dma_semaphore, #tpu.memory_space<semaphore_mem>>)
    %scan3A_162 = arith.constant 0 : i32
    %scan3A_163 = arith.constant 0 : i32
    %scan3A_164 = arith.constant 40 : i32
    %scan3A_165 = arith.addi %scan3A_163, %scan3A_164 : i32
    %scan3A_166 = arith.constant 1 : i32
    scf.for %scan3A_177 = %scan3A_163 to %scan3A_165 step %scan3A_166  : i32 {
      %mul3A_178 = arith.constant 2 : i32
      %mul3A_179 = arith.muli %mul3A_178, %scan3A_177 : i32
      %add3A_180 = arith.constant 0 : i32
      %add3A_181 = arith.addi %mul3A_179, %add3A_180 : i32
      %dma_wait3A_182 = arith.constant 0 : i32
      %dma_wait3A_183 = tpu.memref_slice %arg16[%dma_wait3A_182] : memref<10240xi32, #tpu.memory_space<vmem>> -> memref<128xi32, #tpu.memory_space<vmem>>
      %dma_wait3A_184 = arith.constant 0 : i32
      %dma_wait3A_185 = arith.constant 0 : i32
      %dma_wait3A_186 = tpu.memref_slice %arg4[%dma_wait3A_184, %dma_wait3A_185] : memref<10000x128xf32, #tpu.memory_space<hbm>> -> memref<10000x128xf32, #tpu.memory_space<hbm>>
      tpu.wait_indirect_dma semaphore(%arg19 : memref<!tpu.dma_semaphore, #tpu.memory_space<semaphore_mem>>) src(%dma_wait3A_186 : memref<10000x128xf32, #tpu.memory_space<hbm>>) dst(%arg14 : memref<128x128xf32, #tpu.memory_space<vmem>>)
      %ge3A = arith.constant 1 : i32
      %ge3A_187 = arith.cmpi sge, %add3A_181, %ge3A : i32
      %convert_element_type3A_188 = arith.extui %ge3A_187 : i1 to i32
      %cond3A_189 = arith.constant 0 : i32
      %cond3A_190 = arith.cmpi ne, %convert_element_type3A_188, %cond3A_189 : i32
      scf.if %cond3A_190 {
        %dma_wait3A_225 = arith.constant 0 : i32
        %dma_wait3A_226 = arith.constant 0 : i32
        %dma_wait3A_227 = tpu.memref_slice %arg13[%dma_wait3A_225, %dma_wait3A_226] : memref<10112x128xf32, #tpu.memory_space<vmem_shared>> -> memref<10112x128xf32, #tpu.memory_space<vmem_shared>>
        tpu.wait_indirect_dma semaphore(%arg22 : memref<!tpu.dma_semaphore, #tpu.memory_space<semaphore_mem>>) src(%arg15 : memref<128x128xf32, #tpu.memory_space<vmem>>) dst(%dma_wait3A_227 : memref<10112x128xf32, #tpu.memory_space<vmem_shared>>)
      } else {
      }
      %dma_start3A_191 = arith.constant 0 : i32
      %dma_start3A_192 = arith.constant 0 : i32
      %dma_start3A_193 = tpu.memref_slice %arg13[%dma_start3A_191, %dma_start3A_192] : memref<10112x128xf32, #tpu.memory_space<vmem_shared>> -> memref<10112x128xf32, #tpu.memory_space<vmem_shared>>
      tpu.enqueue_indirect_dma source(%arg14 : memref<128x128xf32, #tpu.memory_space<vmem>>) target(%dma_start3A_193 : memref<10112x128xf32, #tpu.memory_space<vmem_shared>>) offsets(%arg17 : memref<128xi32, #tpu.memory_space<vmem>>) semaphore(%arg21 : memref<!tpu.dma_semaphore, #tpu.memory_space<semaphore_mem>>) {add = true}
      %add3A_194 = arith.constant 1 : i32
      %add3A_195 = arith.addi %add3A_181, %add3A_194 : i32
      %lt3A_196 = arith.constant 80 : i32
      %lt3A_197 = arith.cmpi slt, %add3A_195, %lt3A_196 : i32
      %convert_element_type3A_198 = arith.extui %lt3A_197 : i1 to i32
      %cond3A_199 = arith.constant 0 : i32
      %cond3A_200 = arith.cmpi ne, %convert_element_type3A_198, %cond3A_199 : i32
      scf.if %cond3A_200 {
        %add3A_225 = arith.addi %mul3A_2, %add3A_181 : i32
        %add3A_226 = arith.constant 1 : i32
        %add3A_227 = arith.addi %add3A_225, %add3A_226 : i32
        %mul3A_228 = arith.constant 128 : i32
        %mul3A_229 = arith.muli %add3A_227, %mul3A_228 : i32
        "tpu.region"() ({
          %run_scoped3A_238 = tpu.sem_alloc : memref<!tpu.dma_semaphore, #tpu.memory_space<semaphore_mem>>
          %dma_start3A_239 = tpu.memref_slice %arg10[%mul3A_229] : memref<327680xi32, #tpu.memory_space<hbm>> -> memref<128xi32, #tpu.memory_space<hbm>>
          %dma_start3A_240 = tpu.memref_slice %arg10[%mul3A_229] : memref<327680xi32, #tpu.memory_space<hbm>> -> memref<128xi32, #tpu.memory_space<hbm>>
          tpu.enqueue_dma source(%dma_start3A_240 : memref<128xi32, #tpu.memory_space<hbm>>) target(%arg18 : memref<128xi32, #tpu.memory_space<vmem>>) target_semaphore(%run_scoped3A_238 : memref<!tpu.dma_semaphore, #tpu.memory_space<semaphore_mem>>)
          %dma_wait3A_241 = tpu.memref_slice %arg10[%mul3A_229] : memref<327680xi32, #tpu.memory_space<hbm>> -> memref<128xi32, #tpu.memory_space<hbm>>
          %dma_wait3A_242 = tpu.memref_slice %arg10[%mul3A_229] : memref<327680xi32, #tpu.memory_space<hbm>> -> memref<128xi32, #tpu.memory_space<hbm>>
          tpu.wait_dma2 semaphore(%run_scoped3A_238 : memref<!tpu.dma_semaphore, #tpu.memory_space<semaphore_mem>>) src(%dma_wait3A_242 : memref<128xi32, #tpu.memory_space<hbm>>) dst(%arg18 : memref<128xi32, #tpu.memory_space<vmem>>)
          tpu.yield
        }) : () -> ()
        %add3A_230 = arith.constant 1 : i32
        %add3A_231 = arith.addi %add3A_181, %add3A_230 : i32
        %mul3A_232 = arith.constant 128 : i32
        %mul3A_233 = arith.muli %add3A_231, %mul3A_232 : i32
        %dma_start3A_234 = tpu.memref_slice %arg16[%mul3A_233] : memref<10240xi32, #tpu.memory_space<vmem>> -> memref<128xi32, #tpu.memory_space<vmem>>
        %dma_start3A_235 = arith.constant 0 : i32
        %dma_start3A_236 = arith.constant 0 : i32
        %dma_start3A_237 = tpu.memref_slice %arg4[%dma_start3A_235, %dma_start3A_236] : memref<10000x128xf32, #tpu.memory_space<hbm>> -> memref<10000x128xf32, #tpu.memory_space<hbm>>
        tpu.enqueue_indirect_dma source(%dma_start3A_237 : memref<10000x128xf32, #tpu.memory_space<hbm>>) target(%arg15 : memref<128x128xf32, #tpu.memory_space<vmem>>) offsets(%dma_start3A_234 : memref<128xi32, #tpu.memory_space<vmem>>) semaphore(%arg20 : memref<!tpu.dma_semaphore, #tpu.memory_space<semaphore_mem>>)
      } else {
      }
      %mul3A_201 = arith.constant 2 : i32
      %mul3A_202 = arith.muli %mul3A_201, %scan3A_177 : i32
      %add3A_203 = arith.constant 1 : i32
      %add3A_204 = arith.addi %mul3A_202, %add3A_203 : i32
      %dma_wait3A_205 = arith.constant 0 : i32
      %dma_wait3A_206 = tpu.memref_slice %arg16[%dma_wait3A_205] : memref<10240xi32, #tpu.memory_space<vmem>> -> memref<128xi32, #tpu.memory_space<vmem>>
      %dma_wait3A_207 = arith.constant 0 : i32
      %dma_wait3A_208 = arith.constant 0 : i32
      %dma_wait3A_209 = tpu.memref_slice %arg4[%dma_wait3A_207, %dma_wait3A_208] : memref<10000x128xf32, #tpu.memory_space<hbm>> -> memref<10000x128xf32, #tpu.memory_space<hbm>>
      tpu.wait_indirect_dma semaphore(%arg20 : memref<!tpu.dma_semaphore, #tpu.memory_space<semaphore_mem>>) src(%dma_wait3A_209 : memref<10000x128xf32, #tpu.memory_space<hbm>>) dst(%arg15 : memref<128x128xf32, #tpu.memory_space<vmem>>)
      %ge3A_210 = arith.constant 1 : i32
      %ge3A_211 = arith.cmpi sge, %add3A_204, %ge3A_210 : i32
      %convert_element_type3A_212 = arith.extui %ge3A_211 : i1 to i32
      %cond3A_213 = arith.constant 0 : i32
      %cond3A_214 = arith.cmpi ne, %convert_element_type3A_212, %cond3A_213 : i32
      scf.if %cond3A_214 {
        %dma_wait3A_225 = arith.constant 0 : i32
        %dma_wait3A_226 = arith.constant 0 : i32
        %dma_wait3A_227 = tpu.memref_slice %arg13[%dma_wait3A_225, %dma_wait3A_226] : memref<10112x128xf32, #tpu.memory_space<vmem_shared>> -> memref<10112x128xf32, #tpu.memory_space<vmem_shared>>
        tpu.wait_indirect_dma semaphore(%arg21 : memref<!tpu.dma_semaphore, #tpu.memory_space<semaphore_mem>>) src(%arg14 : memref<128x128xf32, #tpu.memory_space<vmem>>) dst(%dma_wait3A_227 : memref<10112x128xf32, #tpu.memory_space<vmem_shared>>)
      } else {
      }
      %dma_start3A_215 = arith.constant 0 : i32
      %dma_start3A_216 = arith.constant 0 : i32
      %dma_start3A_217 = tpu.memref_slice %arg13[%dma_start3A_215, %dma_start3A_216] : memref<10112x128xf32, #tpu.memory_space<vmem_shared>> -> memref<10112x128xf32, #tpu.memory_space<vmem_shared>>
      tpu.enqueue_indirect_dma source(%arg15 : memref<128x128xf32, #tpu.memory_space<vmem>>) target(%dma_start3A_217 : memref<10112x128xf32, #tpu.memory_space<vmem_shared>>) offsets(%arg18 : memref<128xi32, #tpu.memory_space<vmem>>) semaphore(%arg22 : memref<!tpu.dma_semaphore, #tpu.memory_space<semaphore_mem>>) {add = true}
      %add3A_218 = arith.constant 1 : i32
      %add3A_219 = arith.addi %add3A_204, %add3A_218 : i32
      %lt3A_220 = arith.constant 80 : i32
      %lt3A_221 = arith.cmpi slt, %add3A_219, %lt3A_220 : i32
      %convert_element_type3A_222 = arith.extui %lt3A_221 : i1 to i32
      %cond3A_223 = arith.constant 0 : i32
      %cond3A_224 = arith.cmpi ne, %convert_element_type3A_222, %cond3A_223 : i32
      scf.if %cond3A_224 {
        %add3A_225 = arith.addi %mul3A_2, %add3A_204 : i32
        %add3A_226 = arith.constant 1 : i32
        %add3A_227 = arith.addi %add3A_225, %add3A_226 : i32
        %mul3A_228 = arith.constant 128 : i32
        %mul3A_229 = arith.muli %add3A_227, %mul3A_228 : i32
        "tpu.region"() ({
          %run_scoped3A_238 = tpu.sem_alloc : memref<!tpu.dma_semaphore, #tpu.memory_space<semaphore_mem>>
          %dma_start3A_239 = tpu.memref_slice %arg10[%mul3A_229] : memref<327680xi32, #tpu.memory_space<hbm>> -> memref<128xi32, #tpu.memory_space<hbm>>
          %dma_start3A_240 = tpu.memref_slice %arg10[%mul3A_229] : memref<327680xi32, #tpu.memory_space<hbm>> -> memref<128xi32, #tpu.memory_space<hbm>>
          tpu.enqueue_dma source(%dma_start3A_240 : memref<128xi32, #tpu.memory_space<hbm>>) target(%arg17 : memref<128xi32, #tpu.memory_space<vmem>>) target_semaphore(%run_scoped3A_238 : memref<!tpu.dma_semaphore, #tpu.memory_space<semaphore_mem>>)
          %dma_wait3A_241 = tpu.memref_slice %arg10[%mul3A_229] : memref<327680xi32, #tpu.memory_space<hbm>> -> memref<128xi32, #tpu.memory_space<hbm>>
          %dma_wait3A_242 = tpu.memref_slice %arg10[%mul3A_229] : memref<327680xi32, #tpu.memory_space<hbm>> -> memref<128xi32, #tpu.memory_space<hbm>>
          tpu.wait_dma2 semaphore(%run_scoped3A_238 : memref<!tpu.dma_semaphore, #tpu.memory_space<semaphore_mem>>) src(%dma_wait3A_242 : memref<128xi32, #tpu.memory_space<hbm>>) dst(%arg17 : memref<128xi32, #tpu.memory_space<vmem>>)
          tpu.yield
        }) : () -> ()
        %add3A_230 = arith.constant 1 : i32
        %add3A_231 = arith.addi %add3A_204, %add3A_230 : i32
        %mul3A_232 = arith.constant 128 : i32
        %mul3A_233 = arith.muli %add3A_231, %mul3A_232 : i32
        %dma_start3A_234 = tpu.memref_slice %arg16[%mul3A_233] : memref<10240xi32, #tpu.memory_space<vmem>> -> memref<128xi32, #tpu.memory_space<vmem>>
        %dma_start3A_235 = arith.constant 0 : i32
        %dma_start3A_236 = arith.constant 0 : i32
        %dma_start3A_237 = tpu.memref_slice %arg4[%dma_start3A_235, %dma_start3A_236] : memref<10000x128xf32, #tpu.memory_space<hbm>> -> memref<10000x128xf32, #tpu.memory_space<hbm>>
        tpu.enqueue_indirect_dma source(%dma_start3A_237 : memref<10000x128xf32, #tpu.memory_space<hbm>>) target(%arg14 : memref<128x128xf32, #tpu.memory_space<vmem>>) offsets(%dma_start3A_234 : memref<128xi32, #tpu.memory_space<vmem>>) semaphore(%arg19 : memref<!tpu.dma_semaphore, #tpu.memory_space<semaphore_mem>>)
      } else {
      }
    }
    %scan3A_167 = arith.constant 40 : i32
    %dma_wait3A_168 = arith.constant 0 : i32
    %dma_wait3A_169 = arith.constant 0 : i32
    %dma_wait3A_170 = tpu.memref_slice %arg13[%dma_wait3A_168, %dma_wait3A_169] : memref<10112x128xf32, #tpu.memory_space<vmem_shared>> -> memref<10112x128xf32, #tpu.memory_space<vmem_shared>>
    tpu.wait_indirect_dma semaphore(%arg22 : memref<!tpu.dma_semaphore, #tpu.memory_space<semaphore_mem>>) src(%arg15 : memref<128x128xf32, #tpu.memory_space<vmem>>) dst(%dma_wait3A_170 : memref<10112x128xf32, #tpu.memory_space<vmem_shared>>)
    %barrier3A_171 = arith.constant 0 : index
    tpu.barrier barrier_id(%barrier3A_171)
    %mul3A_172 = arith.constant 632 : i32
    %mul3A_173 = arith.muli %arg1, %mul3A_172 : i32
    %mul3A_174 = arith.constant 632 : i32
    %mul3A_175 = arith.muli %arg1, %mul3A_174 : i32
    %run_scoped3A_176 = arith.constant 2 : i32
    "tpu.region"() ({
      %run_scoped3A_177 = tpu.sem_alloc : memref<!tpu.dma_semaphore, #tpu.memory_space<semaphore_mem>>
      %dma_start3A_178 = arith.constant 0 : i32
      %dma_start3A_179 = tpu.memref_slice %arg12[%arg0, %run_scoped3A_176, %mul3A_175, %dma_start3A_178] : memref<2x3x10112x128xf32, #tpu.memory_space<hbm>> -> memref<1x1x632x128xf32, #tpu.memory_space<hbm>>
      %dma_start3A_180 = tpu.memref_squeeze %dma_start3A_179 : memref<1x1x632x128xf32, #tpu.memory_space<hbm>> -> memref<632x128xf32, #tpu.memory_space<hbm>>
      %dma_start3A_181 = arith.constant 0 : i32
      %dma_start3A_182 = tpu.memref_slice %arg13[%mul3A_173, %dma_start3A_181] : memref<10112x128xf32, #tpu.memory_space<vmem_shared>> -> memref<632x128xf32, #tpu.memory_space<vmem_shared>>
      tpu.enqueue_dma source(%dma_start3A_182 : memref<632x128xf32, #tpu.memory_space<vmem_shared>>) target(%dma_start3A_180 : memref<632x128xf32, #tpu.memory_space<hbm>>) target_semaphore(%run_scoped3A_177 : memref<!tpu.dma_semaphore, #tpu.memory_space<semaphore_mem>>)
      %dma_wait3A_183 = arith.constant 0 : i32
      %dma_wait3A_184 = tpu.memref_slice %arg12[%arg0, %run_scoped3A_176, %mul3A_175, %dma_wait3A_183] : memref<2x3x10112x128xf32, #tpu.memory_space<hbm>> -> memref<1x1x632x128xf32, #tpu.memory_space<hbm>>
      %dma_wait3A_185 = tpu.memref_squeeze %dma_wait3A_184 : memref<1x1x632x128xf32, #tpu.memory_space<hbm>> -> memref<632x128xf32, #tpu.memory_space<hbm>>
      %dma_wait3A_186 = arith.constant 0 : i32
      %dma_wait3A_187 = tpu.memref_slice %arg13[%mul3A_173, %dma_wait3A_186] : memref<10112x128xf32, #tpu.memory_space<vmem_shared>> -> memref<632x128xf32, #tpu.memory_space<vmem_shared>>
      tpu.wait_dma2 semaphore(%run_scoped3A_177 : memref<!tpu.dma_semaphore, #tpu.memory_space<semaphore_mem>>) src(%dma_wait3A_187 : memref<632x128xf32, #tpu.memory_space<vmem_shared>>) dst(%dma_wait3A_185 : memref<632x128xf32, #tpu.memory_space<hbm>>)
      tpu.yield
    }) : () -> ()
    return
  }
}

module attributes {stable_mosaic.version = 14 : i64} {
  func.func @_c1_body(%arg0: i32, %arg1: memref<1000x128xf32, #tpu.memory_space<vmem>>, %arg2: memref<1x1000x128xf32, #tpu.memory_space<vmem>>, %arg3: memref<1x1000x128xf32, #tpu.memory_space<vmem>>, %arg4: memref<128x128xf32, #tpu.memory_space<vmem>>, %arg5: memref<128x128xf32, #tpu.memory_space<vmem>>, %arg6: memref<128x128xf32, #tpu.memory_space<vmem>>, %arg7: memref<1000x128xf32, #tpu.memory_space<vmem>>, %arg8: memref<1000x128xf32, #tpu.memory_space<vmem>>, %arg9: memref<1000x128xf32, #tpu.memory_space<vmem>>, %arg10: memref<1000x1xf32, #tpu.memory_space<vmem>>, %arg11: memref<1000x1xf32, #tpu.memory_space<vmem>>, %arg12: memref<1000x1xf32, #tpu.memory_space<vmem>>) attributes {dimension_semantics = [#tpu.dimension_semantics<arbitrary>], iteration_bounds = array<i64: 10>, scalar_prefetch = 0 : i64, scratch_operands = 0 : i64, tpu.core_type = #tpu.core_type<tc>, window_params = [{transform_indices = @transform_0, window_bounds = array<i64: 1000, 128>}, {transform_indices = @transform_1, window_bounds = array<i64: 1, 1000, 128>}, {transform_indices = @transform_2, window_bounds = array<i64: 1, 1000, 128>}, {pipeline_mode = #tpu.pipeline_mode<synchronous>, transform_indices = @transform_3, window_bounds = array<i64: 128, 128>}, {pipeline_mode = #tpu.pipeline_mode<synchronous>, transform_indices = @transform_4, window_bounds = array<i64: 128, 128>}, {pipeline_mode = #tpu.pipeline_mode<synchronous>, transform_indices = @transform_5, window_bounds = array<i64: 128, 128>}, {transform_indices = @transform_6, window_bounds = array<i64: 1000, 128>}, {transform_indices = @transform_7, window_bounds = array<i64: 1000, 128>}, {transform_indices = @transform_8, window_bounds = array<i64: 1000, 128>}, {transform_indices = @transform_9, window_bounds = array<i64: 1000, 1>}, {transform_indices = @transform_10, window_bounds = array<i64: 1000, 1>}, {transform_indices = @transform_11, window_bounds = array<i64: 1000, 1>}]} {
    %get3A = arith.constant 0 : index
    %get3A_0 = arith.constant 0 : index
    %get3A_1 = vector.load %arg1[%get3A, %get3A_0] : memref<1000x128xf32, #tpu.memory_space<vmem>>, vector<1000x128xf32>
    %get3A_2 = arith.constant 0 : index
    %get3A_3 = arith.constant 0 : index
    %get3A_4 = arith.constant 0 : index
    %get3A_5 = vector.load %arg2[%get3A_2, %get3A_3, %get3A_4] : memref<1x1000x128xf32, #tpu.memory_space<vmem>>, vector<1x1000x1xf32>
    %get3A_6 = vector.shape_cast %get3A_5 : vector<1x1000x1xf32> to vector<1000x1xf32>
    %get3A_7 = arith.constant 0 : index
    %get3A_8 = arith.constant 0 : index
    %get3A_9 = arith.constant 0 : index
    %get3A_10 = vector.load %arg3[%get3A_7, %get3A_8, %get3A_9] : memref<1x1000x128xf32, #tpu.memory_space<vmem>>, vector<1x1000x1xf32>
    %get3A_11 = vector.shape_cast %get3A_10 : vector<1x1000x1xf32> to vector<1000x1xf32>
    %add3A = arith.addf %get3A_6, %get3A_11 : vector<1000x1xf32>
    %add3A_12 = arith.constant 1.000000e+00 : f32
    %add3A_13 = vector.broadcast %add3A_12 : f32 to vector<1000x1xf32>
    %add3A_14 = arith.addf %add3A, %add3A_13 : vector<1000x1xf32>
    %rsqrt3A = math.rsqrt %add3A_14 : vector<1000x1xf32>
    %get3A_15 = arith.constant 0 : index
    %get3A_16 = arith.constant 0 : index
    %get3A_17 = vector.load %arg4[%get3A_15, %get3A_16] : memref<128x128xf32, #tpu.memory_space<vmem>>, vector<128x128xf32>
    %dot_general3A = arith.constant dense<0.000000e+00> : vector<1000x128xf32>
    %dot_general3A_18 = tpu.matmul %get3A_1, %get3A_17, %dot_general3A {dimension_numbers = #tpu.dot_dimension_numbers<[1], [0], [0], [1], [0, 0, 1, 1], [], []>, transpose_lhs_hint = false} : vector<1000x128xf32>, vector<128x128xf32>, vector<1000x128xf32> -> vector<1000x128xf32>
    %mul3A = vector.broadcast %rsqrt3A : vector<1000x1xf32> to vector<1000x128xf32>
    %mul3A_19 = arith.mulf %dot_general3A_18, %mul3A : vector<1000x128xf32>
    %swap3A = arith.constant 0 : index
    %swap3A_20 = arith.constant 0 : index
    %swap3A_21 = vector.load %arg7[%swap3A, %swap3A_20] : memref<1000x128xf32, #tpu.memory_space<vmem>>, vector<1000x128xf32>
    tpu.vector_store %arg7[%swap3A, %swap3A_20], %mul3A_19 {strides = array<i32>} : memref<1000x128xf32, #tpu.memory_space<vmem>>, vector<1000x128xf32>,
    %swap3A_22 = arith.constant 0 : index
    %swap3A_23 = arith.constant 0 : index
    %swap3A_24 = vector.load %arg10[%swap3A_22, %swap3A_23] : memref<1000x1xf32, #tpu.memory_space<vmem>>, vector<1000x1xf32>
    tpu.vector_store %arg10[%swap3A_22, %swap3A_23], %rsqrt3A {strides = array<i32>} : memref<1000x1xf32, #tpu.memory_space<vmem>>, vector<1000x1xf32>,
    %get3A_25 = arith.constant 0 : index
    %get3A_26 = arith.constant 0 : index
    %get3A_27 = arith.constant 1 : index
    %get3A_28 = vector.load %arg2[%get3A_25, %get3A_26, %get3A_27] : memref<1x1000x128xf32, #tpu.memory_space<vmem>>, vector<1x1000x1xf32>
    %get3A_29 = vector.shape_cast %get3A_28 : vector<1x1000x1xf32> to vector<1000x1xf32>
    %get3A_30 = arith.constant 0 : index
    %get3A_31 = arith.constant 0 : index
    %get3A_32 = arith.constant 1 : index
    %get3A_33 = vector.load %arg3[%get3A_30, %get3A_31, %get3A_32] : memref<1x1000x128xf32, #tpu.memory_space<vmem>>, vector<1x1000x1xf32>
    %get3A_34 = vector.shape_cast %get3A_33 : vector<1x1000x1xf32> to vector<1000x1xf32>
    %add3A_35 = arith.addf %get3A_29, %get3A_34 : vector<1000x1xf32>
    %add3A_36 = arith.constant 1.000000e+00 : f32
    %add3A_37 = vector.broadcast %add3A_36 : f32 to vector<1000x1xf32>
    %add3A_38 = arith.addf %add3A_35, %add3A_37 : vector<1000x1xf32>
    %rsqrt3A_39 = math.rsqrt %add3A_38 : vector<1000x1xf32>
    %get3A_40 = arith.constant 0 : index
    %get3A_41 = arith.constant 0 : index
    %get3A_42 = vector.load %arg5[%get3A_40, %get3A_41] : memref<128x128xf32, #tpu.memory_space<vmem>>, vector<128x128xf32>
    %dot_general3A_43 = arith.constant dense<0.000000e+00> : vector<1000x128xf32>
    %dot_general3A_44 = tpu.matmul %get3A_1, %get3A_42, %dot_general3A_43 {dimension_numbers = #tpu.dot_dimension_numbers<[1], [0], [0], [1], [0, 0, 1, 1], [], []>, transpose_lhs_hint = false} : vector<1000x128xf32>, vector<128x128xf32>, vector<1000x128xf32> -> vector<1000x128xf32>
    %mul3A_45 = vector.broadcast %rsqrt3A_39 : vector<1000x1xf32> to vector<1000x128xf32>
    %mul3A_46 = arith.mulf %dot_general3A_44, %mul3A_45 : vector<1000x128xf32>
    %swap3A_47 = arith.constant 0 : index
    %swap3A_48 = arith.constant 0 : index
    %swap3A_49 = vector.load %arg8[%swap3A_47, %swap3A_48] : memref<1000x128xf32, #tpu.memory_space<vmem>>, vector<1000x128xf32>
    tpu.vector_store %arg8[%swap3A_47, %swap3A_48], %mul3A_46 {strides = array<i32>} : memref<1000x128xf32, #tpu.memory_space<vmem>>, vector<1000x128xf32>,
    %swap3A_50 = arith.constant 0 : index
    %swap3A_51 = arith.constant 0 : index
    %swap3A_52 = vector.load %arg11[%swap3A_50, %swap3A_51] : memref<1000x1xf32, #tpu.memory_space<vmem>>, vector<1000x1xf32>
    tpu.vector_store %arg11[%swap3A_50, %swap3A_51], %rsqrt3A_39 {strides = array<i32>} : memref<1000x1xf32, #tpu.memory_space<vmem>>, vector<1000x1xf32>,
    %get3A_53 = arith.constant 0 : index
    %get3A_54 = arith.constant 0 : index
    %get3A_55 = arith.constant 2 : index
    %get3A_56 = vector.load %arg2[%get3A_53, %get3A_54, %get3A_55] : memref<1x1000x128xf32, #tpu.memory_space<vmem>>, vector<1x1000x1xf32>
    %get3A_57 = vector.shape_cast %get3A_56 : vector<1x1000x1xf32> to vector<1000x1xf32>
    %get3A_58 = arith.constant 0 : index
    %get3A_59 = arith.constant 0 : index
    %get3A_60 = arith.constant 2 : index
    %get3A_61 = vector.load %arg3[%get3A_58, %get3A_59, %get3A_60] : memref<1x1000x128xf32, #tpu.memory_space<vmem>>, vector<1x1000x1xf32>
    %get3A_62 = vector.shape_cast %get3A_61 : vector<1x1000x1xf32> to vector<1000x1xf32>
    %add3A_63 = arith.addf %get3A_57, %get3A_62 : vector<1000x1xf32>
    %add3A_64 = arith.constant 1.000000e+00 : f32
    %add3A_65 = vector.broadcast %add3A_64 : f32 to vector<1000x1xf32>
    %add3A_66 = arith.addf %add3A_63, %add3A_65 : vector<1000x1xf32>
    %rsqrt3A_67 = math.rsqrt %add3A_66 : vector<1000x1xf32>
    %get3A_68 = arith.constant 0 : index
    %get3A_69 = arith.constant 0 : index
    %get3A_70 = vector.load %arg6[%get3A_68, %get3A_69] : memref<128x128xf32, #tpu.memory_space<vmem>>, vector<128x128xf32>
    %dot_general3A_71 = arith.constant dense<0.000000e+00> : vector<1000x128xf32>
    %dot_general3A_72 = tpu.matmul %get3A_1, %get3A_70, %dot_general3A_71 {dimension_numbers = #tpu.dot_dimension_numbers<[1], [0], [0], [1], [0, 0, 1, 1], [], []>, transpose_lhs_hint = false} : vector<1000x128xf32>, vector<128x128xf32>, vector<1000x128xf32> -> vector<1000x128xf32>
    %mul3A_73 = vector.broadcast %rsqrt3A_67 : vector<1000x1xf32> to vector<1000x128xf32>
    %mul3A_74 = arith.mulf %dot_general3A_72, %mul3A_73 : vector<1000x128xf32>
    %swap3A_75 = arith.constant 0 : index
    %swap3A_76 = arith.constant 0 : index
    %swap3A_77 = vector.load %arg9[%swap3A_75, %swap3A_76] : memref<1000x128xf32, #tpu.memory_space<vmem>>, vector<1000x128xf32>
    tpu.vector_store %arg9[%swap3A_75, %swap3A_76], %mul3A_74 {strides = array<i32>} : memref<1000x128xf32, #tpu.memory_space<vmem>>, vector<1000x128xf32>,
    %swap3A_78 = arith.constant 0 : index
    %swap3A_79 = arith.constant 0 : index
    %swap3A_80 = vector.load %arg12[%swap3A_78, %swap3A_79] : memref<1000x1xf32, #tpu.memory_space<vmem>>, vector<1000x1xf32>
    tpu.vector_store %arg12[%swap3A_78, %swap3A_79], %rsqrt3A_67 {strides = array<i32>} : memref<1000x1xf32, #tpu.memory_space<vmem>>, vector<1000x1xf32>,
    return
  }
  func.func @transform_0(%arg0: i32) -> (i32, i32) {
    %c0_i32 = arith.constant 0 : i32
    %c0_i32_0 = arith.constant 0 : i32
    return %arg0, %c0_i32 : i32, i32
  }
  func.func @transform_1(%arg0: i32) -> (i32, i32, i32) {
    %c0_i32 = arith.constant 0 : i32
    %c0_i32_0 = arith.constant 0 : i32
    %c0_i32_1 = arith.constant 0 : i32
    return %c0_i32, %arg0, %c0_i32_0 : i32, i32, i32
  }
  func.func @transform_2(%arg0: i32) -> (i32, i32, i32) {
    %c1_i32 = arith.constant 1 : i32
    %c0_i32 = arith.constant 0 : i32
    %c0_i32_0 = arith.constant 0 : i32
    return %c1_i32, %arg0, %c0_i32 : i32, i32, i32
  }
  func.func @transform_3(%arg0: i32) -> (i32, i32) {
    %c0_i32 = arith.constant 0 : i32
    %c0_i32_0 = arith.constant 0 : i32
    %c0_i32_1 = arith.constant 0 : i32
    return %c0_i32, %c0_i32_0 : i32, i32
  }
  func.func @transform_4(%arg0: i32) -> (i32, i32) {
    %c0_i32 = arith.constant 0 : i32
    %c0_i32_0 = arith.constant 0 : i32
    %c0_i32_1 = arith.constant 0 : i32
    return %c0_i32, %c0_i32_0 : i32, i32
  }
  func.func @transform_5(%arg0: i32) -> (i32, i32) {
    %c0_i32 = arith.constant 0 : i32
    %c0_i32_0 = arith.constant 0 : i32
    %c0_i32_1 = arith.constant 0 : i32
    return %c0_i32, %c0_i32_0 : i32, i32
  }
  func.func @transform_6(%arg0: i32) -> (i32, i32) {
    %c0_i32 = arith.constant 0 : i32
    %c0_i32_0 = arith.constant 0 : i32
    return %arg0, %c0_i32 : i32, i32
  }
  func.func @transform_7(%arg0: i32) -> (i32, i32) {
    %c0_i32 = arith.constant 0 : i32
    %c0_i32_0 = arith.constant 0 : i32
    return %arg0, %c0_i32 : i32, i32
  }
  func.func @transform_8(%arg0: i32) -> (i32, i32) {
    %c0_i32 = arith.constant 0 : i32
    %c0_i32_0 = arith.constant 0 : i32
    return %arg0, %c0_i32 : i32, i32
  }
  func.func @transform_9(%arg0: i32) -> (i32, i32) {
    %c0_i32 = arith.constant 0 : i32
    %c0_i32_0 = arith.constant 0 : i32
    return %arg0, %c0_i32 : i32, i32
  }
  func.func @transform_10(%arg0: i32) -> (i32, i32) {
    %c0_i32 = arith.constant 0 : i32
    %c0_i32_0 = arith.constant 0 : i32
    return %arg0, %c0_i32 : i32, i32
  }
  func.func @transform_11(%arg0: i32) -> (i32, i32) {
    %c0_i32 = arith.constant 0 : i32
    %c0_i32_0 = arith.constant 0 : i32
    return %arg0, %c0_i32 : i32, i32
  }
}

module attributes {stable_mosaic.version = 14 : i64} {
  func.func @_ec_body(%arg0: i32, %arg1: memref<1x1x1000x128xf32, #tpu.memory_space<vmem>>, %arg2: memref<1x1x1000x128xf32, #tpu.memory_space<vmem>>, %arg3: memref<1x1x1000x128xf32, #tpu.memory_space<vmem>>, %arg4: memref<1x1x1000x128xf32, #tpu.memory_space<vmem>>, %arg5: memref<1x1x1000x128xf32, #tpu.memory_space<vmem>>, %arg6: memref<1x1x1000x128xf32, #tpu.memory_space<vmem>>, %arg7: memref<1000x128xf32, #tpu.memory_space<vmem>>, %arg8: memref<1000x128xf32, #tpu.memory_space<vmem>>, %arg9: memref<1000x128xf32, #tpu.memory_space<vmem>>, %arg10: memref<1000x1xf32, #tpu.memory_space<vmem>>, %arg11: memref<1000x1xf32, #tpu.memory_space<vmem>>, %arg12: memref<1000x1xf32, #tpu.memory_space<vmem>>, %arg13: memref<1x128xf32, #tpu.memory_space<vmem>>, %arg14: memref<1x128xf32, #tpu.memory_space<vmem>>, %arg15: memref<1x128xf32, #tpu.memory_space<vmem>>, %arg16: memref<128x128xf32, #tpu.memory_space<vmem>>, %arg17: memref<128x128xf32, #tpu.memory_space<vmem>>, %arg18: memref<128x128xf32, #tpu.memory_space<vmem>>, %arg19: memref<1000x128xf32, #tpu.memory_space<vmem>>, %arg20: memref<1000x128xf32, #tpu.memory_space<vmem>>, %arg21: memref<1000x128xf32, #tpu.memory_space<vmem>>) attributes {dimension_semantics = [#tpu.dimension_semantics<arbitrary>], iteration_bounds = array<i64: 10>, scalar_prefetch = 0 : i64, scratch_operands = 0 : i64, tpu.core_type = #tpu.core_type<tc>, window_params = [{transform_indices = @transform_0, window_bounds = array<i64: 1, 1, 1000, 128>}, {transform_indices = @transform_1, window_bounds = array<i64: 1, 1, 1000, 128>}, {transform_indices = @transform_2, window_bounds = array<i64: 1, 1, 1000, 128>}, {transform_indices = @transform_3, window_bounds = array<i64: 1, 1, 1000, 128>}, {transform_indices = @transform_4, window_bounds = array<i64: 1, 1, 1000, 128>}, {transform_indices = @transform_5, window_bounds = array<i64: 1, 1, 1000, 128>}, {transform_indices = @transform_6, window_bounds = array<i64: 1000, 128>}, {transform_indices = @transform_7, window_bounds = array<i64: 1000, 128>}, {transform_indices = @transform_8, window_bounds = array<i64: 1000, 128>}, {transform_indices = @transform_9, window_bounds = array<i64: 1000, 1>}, {transform_indices = @transform_10, window_bounds = array<i64: 1000, 1>}, {transform_indices = @transform_11, window_bounds = array<i64: 1000, 1>}, {pipeline_mode = #tpu.pipeline_mode<synchronous>, transform_indices = @transform_12, window_bounds = array<i64: 1, 128>}, {pipeline_mode = #tpu.pipeline_mode<synchronous>, transform_indices = @transform_13, window_bounds = array<i64: 1, 128>}, {pipeline_mode = #tpu.pipeline_mode<synchronous>, transform_indices = @transform_14, window_bounds = array<i64: 1, 128>}, {pipeline_mode = #tpu.pipeline_mode<synchronous>, transform_indices = @transform_15, window_bounds = array<i64: 128, 128>}, {pipeline_mode = #tpu.pipeline_mode<synchronous>, transform_indices = @transform_16, window_bounds = array<i64: 128, 128>}, {pipeline_mode = #tpu.pipeline_mode<synchronous>, transform_indices = @transform_17, window_bounds = array<i64: 128, 128>}, {transform_indices = @transform_18, window_bounds = array<i64: 1000, 128>}, {transform_indices = @transform_19, window_bounds = array<i64: 1000, 128>}, {transform_indices = @transform_20, window_bounds = array<i64: 1000, 128>}]} {
    %get3A = arith.constant 0 : index
    %get3A_0 = arith.constant 0 : index
    %get3A_1 = arith.constant 0 : index
    %get3A_2 = arith.constant 0 : index
    %get3A_3 = vector.load %arg1[%get3A, %get3A_0, %get3A_1, %get3A_2] : memref<1x1x1000x128xf32, #tpu.memory_space<vmem>>, vector<1x1x1000x128xf32>
    %get3A_4 = vector.shape_cast %get3A_3 : vector<1x1x1000x128xf32> to vector<1000x128xf32>
    %get3A_5 = arith.constant 0 : index
    %get3A_6 = arith.constant 0 : index
    %get3A_7 = arith.constant 0 : index
    %get3A_8 = arith.constant 0 : index
    %get3A_9 = vector.load %arg2[%get3A_5, %get3A_6, %get3A_7, %get3A_8] : memref<1x1x1000x128xf32, #tpu.memory_space<vmem>>, vector<1x1x1000x128xf32>
    %get3A_10 = vector.shape_cast %get3A_9 : vector<1x1x1000x128xf32> to vector<1000x128xf32>
    %add3A = arith.addf %get3A_4, %get3A_10 : vector<1000x128xf32>
    %get3A_11 = arith.constant 0 : index
    %get3A_12 = arith.constant 0 : index
    %get3A_13 = vector.load %arg7[%get3A_11, %get3A_12] : memref<1000x128xf32, #tpu.memory_space<vmem>>, vector<1000x128xf32>
    %add3A_14 = arith.addf %add3A, %get3A_13 : vector<1000x128xf32>
    %get3A_15 = arith.constant 0 : index
    %get3A_16 = arith.constant 0 : index
    %get3A_17 = vector.load %arg10[%get3A_15, %get3A_16] : memref<1000x1xf32, #tpu.memory_space<vmem>>, vector<1000x1xf32>
    %mul3A = vector.broadcast %get3A_17 : vector<1000x1xf32> to vector<1000x128xf32>
    %mul3A_18 = arith.mulf %add3A_14, %mul3A : vector<1000x128xf32>
    %get3A_19 = arith.constant 0 : index
    %get3A_20 = arith.constant 0 : index
    %get3A_21 = vector.load %arg13[%get3A_19, %get3A_20] : memref<1x128xf32, #tpu.memory_space<vmem>>, vector<1x128xf32>
    %add3A_22 = vector.broadcast %get3A_21 : vector<1x128xf32> to vector<1000x128xf32>
    %add3A_23 = arith.addf %mul3A_18, %add3A_22 : vector<1000x128xf32>
    %max3A = arith.constant 0.000000e+00 : f32
    %max3A_24 = vector.broadcast %max3A : f32 to vector<1000x128xf32>
    %max3A_25 = arith.maximumf %add3A_23, %max3A_24 : vector<1000x128xf32>
    %get3A_26 = arith.constant 0 : index
    %get3A_27 = arith.constant 0 : index
    %get3A_28 = arith.constant 0 : index
    %get3A_29 = arith.constant 0 : index
    %get3A_30 = vector.load %arg3[%get3A_26, %get3A_27, %get3A_28, %get3A_29] : memref<1x1x1000x128xf32, #tpu.memory_space<vmem>>, vector<1x1x1000x128xf32>
    %get3A_31 = vector.shape_cast %get3A_30 : vector<1x1x1000x128xf32> to vector<1000x128xf32>
    %get3A_32 = arith.constant 0 : index
    %get3A_33 = arith.constant 0 : index
    %get3A_34 = arith.constant 0 : index
    %get3A_35 = arith.constant 0 : index
    %get3A_36 = vector.load %arg4[%get3A_32, %get3A_33, %get3A_34, %get3A_35] : memref<1x1x1000x128xf32, #tpu.memory_space<vmem>>, vector<1x1x1000x128xf32>
    %get3A_37 = vector.shape_cast %get3A_36 : vector<1x1x1000x128xf32> to vector<1000x128xf32>
    %add3A_38 = arith.addf %get3A_31, %get3A_37 : vector<1000x128xf32>
    %get3A_39 = arith.constant 0 : index
    %get3A_40 = arith.constant 0 : index
    %get3A_41 = vector.load %arg8[%get3A_39, %get3A_40] : memref<1000x128xf32, #tpu.memory_space<vmem>>, vector<1000x128xf32>
    %add3A_42 = arith.addf %add3A_38, %get3A_41 : vector<1000x128xf32>
    %get3A_43 = arith.constant 0 : index
    %get3A_44 = arith.constant 0 : index
    %get3A_45 = vector.load %arg11[%get3A_43, %get3A_44] : memref<1000x1xf32, #tpu.memory_space<vmem>>, vector<1000x1xf32>
    %mul3A_46 = vector.broadcast %get3A_45 : vector<1000x1xf32> to vector<1000x128xf32>
    %mul3A_47 = arith.mulf %add3A_42, %mul3A_46 : vector<1000x128xf32>
    %get3A_48 = arith.constant 0 : index
    %get3A_49 = arith.constant 0 : index
    %get3A_50 = vector.load %arg14[%get3A_48, %get3A_49] : memref<1x128xf32, #tpu.memory_space<vmem>>, vector<1x128xf32>
    %add3A_51 = vector.broadcast %get3A_50 : vector<1x128xf32> to vector<1000x128xf32>
    %add3A_52 = arith.addf %mul3A_47, %add3A_51 : vector<1000x128xf32>
    %max3A_53 = arith.constant 0.000000e+00 : f32
    %max3A_54 = vector.broadcast %max3A_53 : f32 to vector<1000x128xf32>
    %max3A_55 = arith.maximumf %add3A_52, %max3A_54 : vector<1000x128xf32>
    %max3A_56 = arith.maximumf %max3A_25, %max3A_55 : vector<1000x128xf32>
    %get3A_57 = arith.constant 0 : index
    %get3A_58 = arith.constant 0 : index
    %get3A_59 = arith.constant 0 : index
    %get3A_60 = arith.constant 0 : index
    %get3A_61 = vector.load %arg5[%get3A_57, %get3A_58, %get3A_59, %get3A_60] : memref<1x1x1000x128xf32, #tpu.memory_space<vmem>>, vector<1x1x1000x128xf32>
    %get3A_62 = vector.shape_cast %get3A_61 : vector<1x1x1000x128xf32> to vector<1000x128xf32>
    %get3A_63 = arith.constant 0 : index
    %get3A_64 = arith.constant 0 : index
    %get3A_65 = arith.constant 0 : index
    %get3A_66 = arith.constant 0 : index
    %get3A_67 = vector.load %arg6[%get3A_63, %get3A_64, %get3A_65, %get3A_66] : memref<1x1x1000x128xf32, #tpu.memory_space<vmem>>, vector<1x1x1000x128xf32>
    %get3A_68 = vector.shape_cast %get3A_67 : vector<1x1x1000x128xf32> to vector<1000x128xf32>
    %add3A_69 = arith.addf %get3A_62, %get3A_68 : vector<1000x128xf32>
    %get3A_70 = arith.constant 0 : index
    %get3A_71 = arith.constant 0 : index
    %get3A_72 = vector.load %arg9[%get3A_70, %get3A_71] : memref<1000x128xf32, #tpu.memory_space<vmem>>, vector<1000x128xf32>
    %add3A_73 = arith.addf %add3A_69, %get3A_72 : vector<1000x128xf32>
    %get3A_74 = arith.constant 0 : index
    %get3A_75 = arith.constant 0 : index
    %get3A_76 = vector.load %arg12[%get3A_74, %get3A_75] : memref<1000x1xf32, #tpu.memory_space<vmem>>, vector<1000x1xf32>
    %mul3A_77 = vector.broadcast %get3A_76 : vector<1000x1xf32> to vector<1000x128xf32>
    %mul3A_78 = arith.mulf %add3A_73, %mul3A_77 : vector<1000x128xf32>
    %get3A_79 = arith.constant 0 : index
    %get3A_80 = arith.constant 0 : index
    %get3A_81 = vector.load %arg15[%get3A_79, %get3A_80] : memref<1x128xf32, #tpu.memory_space<vmem>>, vector<1x128xf32>
    %add3A_82 = vector.broadcast %get3A_81 : vector<1x128xf32> to vector<1000x128xf32>
    %add3A_83 = arith.addf %mul3A_78, %add3A_82 : vector<1000x128xf32>
    %max3A_84 = arith.constant 0.000000e+00 : f32
    %max3A_85 = vector.broadcast %max3A_84 : f32 to vector<1000x128xf32>
    %max3A_86 = arith.maximumf %add3A_83, %max3A_85 : vector<1000x128xf32>
    %max3A_87 = arith.maximumf %max3A_56, %max3A_86 : vector<1000x128xf32>
    %get3A_88 = arith.constant 0 : index
    %get3A_89 = arith.constant 0 : index
    %get3A_90 = vector.load %arg16[%get3A_88, %get3A_89] : memref<128x128xf32, #tpu.memory_space<vmem>>, vector<128x128xf32>
    %dot_general3A = arith.constant dense<0.000000e+00> : vector<1000x128xf32>
    %dot_general3A_91 = tpu.matmul %max3A_87, %get3A_90, %dot_general3A {dimension_numbers = #tpu.dot_dimension_numbers<[1], [0], [0], [1], [0, 0, 1, 1], [], []>, transpose_lhs_hint = false} : vector<1000x128xf32>, vector<128x128xf32>, vector<1000x128xf32> -> vector<1000x128xf32>
    %get3A_92 = arith.constant 0 : index
    %get3A_93 = arith.constant 0 : index
    %get3A_94 = vector.load %arg10[%get3A_92, %get3A_93] : memref<1000x1xf32, #tpu.memory_space<vmem>>, vector<1000x1xf32>
    %mul3A_95 = vector.broadcast %get3A_94 : vector<1000x1xf32> to vector<1000x128xf32>
    %mul3A_96 = arith.mulf %dot_general3A_91, %mul3A_95 : vector<1000x128xf32>
    %swap3A = arith.constant 0 : index
    %swap3A_97 = arith.constant 0 : index
    %swap3A_98 = vector.load %arg19[%swap3A, %swap3A_97] : memref<1000x128xf32, #tpu.memory_space<vmem>>, vector<1000x128xf32>
    tpu.vector_store %arg19[%swap3A, %swap3A_97], %mul3A_96 {strides = array<i32>} : memref<1000x128xf32, #tpu.memory_space<vmem>>, vector<1000x128xf32>,
    %get3A_99 = arith.constant 0 : index
    %get3A_100 = arith.constant 0 : index
    %get3A_101 = vector.load %arg17[%get3A_99, %get3A_100] : memref<128x128xf32, #tpu.memory_space<vmem>>, vector<128x128xf32>
    %dot_general3A_102 = arith.constant dense<0.000000e+00> : vector<1000x128xf32>
    %dot_general3A_103 = tpu.matmul %max3A_87, %get3A_101, %dot_general3A_102 {dimension_numbers = #tpu.dot_dimension_numbers<[1], [0], [0], [1], [0, 0, 1, 1], [], []>, transpose_lhs_hint = false} : vector<1000x128xf32>, vector<128x128xf32>, vector<1000x128xf32> -> vector<1000x128xf32>
    %get3A_104 = arith.constant 0 : index
    %get3A_105 = arith.constant 0 : index
    %get3A_106 = vector.load %arg11[%get3A_104, %get3A_105] : memref<1000x1xf32, #tpu.memory_space<vmem>>, vector<1000x1xf32>
    %mul3A_107 = vector.broadcast %get3A_106 : vector<1000x1xf32> to vector<1000x128xf32>
    %mul3A_108 = arith.mulf %dot_general3A_103, %mul3A_107 : vector<1000x128xf32>
    %swap3A_109 = arith.constant 0 : index
    %swap3A_110 = arith.constant 0 : index
    %swap3A_111 = vector.load %arg20[%swap3A_109, %swap3A_110] : memref<1000x128xf32, #tpu.memory_space<vmem>>, vector<1000x128xf32>
    tpu.vector_store %arg20[%swap3A_109, %swap3A_110], %mul3A_108 {strides = array<i32>} : memref<1000x128xf32, #tpu.memory_space<vmem>>, vector<1000x128xf32>,
    %get3A_112 = arith.constant 0 : index
    %get3A_113 = arith.constant 0 : index
    %get3A_114 = vector.load %arg18[%get3A_112, %get3A_113] : memref<128x128xf32, #tpu.memory_space<vmem>>, vector<128x128xf32>
    %dot_general3A_115 = arith.constant dense<0.000000e+00> : vector<1000x128xf32>
    %dot_general3A_116 = tpu.matmul %max3A_87, %get3A_114, %dot_general3A_115 {dimension_numbers = #tpu.dot_dimension_numbers<[1], [0], [0], [1], [0, 0, 1, 1], [], []>, transpose_lhs_hint = false} : vector<1000x128xf32>, vector<128x128xf32>, vector<1000x128xf32> -> vector<1000x128xf32>
    %get3A_117 = arith.constant 0 : index
    %get3A_118 = arith.constant 0 : index
    %get3A_119 = vector.load %arg12[%get3A_117, %get3A_118] : memref<1000x1xf32, #tpu.memory_space<vmem>>, vector<1000x1xf32>
    %mul3A_120 = vector.broadcast %get3A_119 : vector<1000x1xf32> to vector<1000x128xf32>
    %mul3A_121 = arith.mulf %dot_general3A_116, %mul3A_120 : vector<1000x128xf32>
    %swap3A_122 = arith.constant 0 : index
    %swap3A_123 = arith.constant 0 : index
    %swap3A_124 = vector.load %arg21[%swap3A_122, %swap3A_123] : memref<1000x128xf32, #tpu.memory_space<vmem>>, vector<1000x128xf32>
    tpu.vector_store %arg21[%swap3A_122, %swap3A_123], %mul3A_121 {strides = array<i32>} : memref<1000x128xf32, #tpu.memory_space<vmem>>, vector<1000x128xf32>,
    return
  }
  func.func @transform_0(%arg0: i32) -> (i32, i32, i32, i32) {
    %c0_i32 = arith.constant 0 : i32
    %c0_i32_0 = arith.constant 0 : i32
    %c0_i32_1 = arith.constant 0 : i32
    %c0_i32_2 = arith.constant 0 : i32
    return %c0_i32, %c0_i32_0, %arg0, %c0_i32_1 : i32, i32, i32, i32
  }
  func.func @transform_1(%arg0: i32) -> (i32, i32, i32, i32) {
    %c1_i32 = arith.constant 1 : i32
    %c0_i32 = arith.constant 0 : i32
    %c0_i32_0 = arith.constant 0 : i32
    %c0_i32_1 = arith.constant 0 : i32
    return %c1_i32, %c0_i32, %arg0, %c0_i32_0 : i32, i32, i32, i32
  }
  func.func @transform_2(%arg0: i32) -> (i32, i32, i32, i32) {
    %c0_i32 = arith.constant 0 : i32
    %c1_i32 = arith.constant 1 : i32
    %c0_i32_0 = arith.constant 0 : i32
    %c0_i32_1 = arith.constant 0 : i32
    return %c0_i32, %c1_i32, %arg0, %c0_i32_0 : i32, i32, i32, i32
  }
  func.func @transform_3(%arg0: i32) -> (i32, i32, i32, i32) {
    %c1_i32 = arith.constant 1 : i32
    %c1_i32_0 = arith.constant 1 : i32
    %c0_i32 = arith.constant 0 : i32
    %c0_i32_1 = arith.constant 0 : i32
    return %c1_i32, %c1_i32_0, %arg0, %c0_i32 : i32, i32, i32, i32
  }
  func.func @transform_4(%arg0: i32) -> (i32, i32, i32, i32) {
    %c0_i32 = arith.constant 0 : i32
    %c2_i32 = arith.constant 2 : i32
    %c0_i32_0 = arith.constant 0 : i32
    %c0_i32_1 = arith.constant 0 : i32
    return %c0_i32, %c2_i32, %arg0, %c0_i32_0 : i32, i32, i32, i32
  }
  func.func @transform_5(%arg0: i32) -> (i32, i32, i32, i32) {
    %c1_i32 = arith.constant 1 : i32
    %c2_i32 = arith.constant 2 : i32
    %c0_i32 = arith.constant 0 : i32
    %c0_i32_0 = arith.constant 0 : i32
    return %c1_i32, %c2_i32, %arg0, %c0_i32 : i32, i32, i32, i32
  }
  func.func @transform_6(%arg0: i32) -> (i32, i32) {
    %c0_i32 = arith.constant 0 : i32
    %c0_i32_0 = arith.constant 0 : i32
    return %arg0, %c0_i32 : i32, i32
  }
  func.func @transform_7(%arg0: i32) -> (i32, i32) {
    %c0_i32 = arith.constant 0 : i32
    %c0_i32_0 = arith.constant 0 : i32
    return %arg0, %c0_i32 : i32, i32
  }
  func.func @transform_8(%arg0: i32) -> (i32, i32) {
    %c0_i32 = arith.constant 0 : i32
    %c0_i32_0 = arith.constant 0 : i32
    return %arg0, %c0_i32 : i32, i32
  }
  func.func @transform_9(%arg0: i32) -> (i32, i32) {
    %c0_i32 = arith.constant 0 : i32
    %c0_i32_0 = arith.constant 0 : i32
    return %arg0, %c0_i32 : i32, i32
  }
  func.func @transform_10(%arg0: i32) -> (i32, i32) {
    %c0_i32 = arith.constant 0 : i32
    %c0_i32_0 = arith.constant 0 : i32
    return %arg0, %c0_i32 : i32, i32
  }
  func.func @transform_11(%arg0: i32) -> (i32, i32) {
    %c0_i32 = arith.constant 0 : i32
    %c0_i32_0 = arith.constant 0 : i32
    return %arg0, %c0_i32 : i32, i32
  }
  func.func @transform_12(%arg0: i32) -> (i32, i32) {
    %c0_i32 = arith.constant 0 : i32
    %c0_i32_0 = arith.constant 0 : i32
    %c0_i32_1 = arith.constant 0 : i32
    return %c0_i32, %c0_i32_0 : i32, i32
  }
  func.func @transform_13(%arg0: i32) -> (i32, i32) {
    %c0_i32 = arith.constant 0 : i32
    %c0_i32_0 = arith.constant 0 : i32
    %c0_i32_1 = arith.constant 0 : i32
    return %c0_i32, %c0_i32_0 : i32, i32
  }
  func.func @transform_14(%arg0: i32) -> (i32, i32) {
    %c0_i32 = arith.constant 0 : i32
    %c0_i32_0 = arith.constant 0 : i32
    %c0_i32_1 = arith.constant 0 : i32
    return %c0_i32, %c0_i32_0 : i32, i32
  }
  func.func @transform_15(%arg0: i32) -> (i32, i32) {
    %c0_i32 = arith.constant 0 : i32
    %c0_i32_0 = arith.constant 0 : i32
    %c0_i32_1 = arith.constant 0 : i32
    return %c0_i32, %c0_i32_0 : i32, i32
  }
  func.func @transform_16(%arg0: i32) -> (i32, i32) {
    %c0_i32 = arith.constant 0 : i32
    %c0_i32_0 = arith.constant 0 : i32
    %c0_i32_1 = arith.constant 0 : i32
    return %c0_i32, %c0_i32_0 : i32, i32
  }
  func.func @transform_17(%arg0: i32) -> (i32, i32) {
    %c0_i32 = arith.constant 0 : i32
    %c0_i32_0 = arith.constant 0 : i32
    %c0_i32_1 = arith.constant 0 : i32
    return %c0_i32, %c0_i32_0 : i32, i32
  }
  func.func @transform_18(%arg0: i32) -> (i32, i32) {
    %c0_i32 = arith.constant 0 : i32
    %c0_i32_0 = arith.constant 0 : i32
    return %arg0, %c0_i32 : i32, i32
  }
  func.func @transform_19(%arg0: i32) -> (i32, i32) {
    %c0_i32 = arith.constant 0 : i32
    %c0_i32_0 = arith.constant 0 : i32
    return %arg0, %c0_i32 : i32, i32
  }
  func.func @transform_20(%arg0: i32) -> (i32, i32) {
    %c0_i32 = arith.constant 0 : i32
    %c0_i32_0 = arith.constant 0 : i32
    return %arg0, %c0_i32 : i32, i32
  }
}

module attributes {stable_mosaic.version = 14 : i64} {
  func.func @_e2_body(%arg0: i32, %arg1: memref<1x1x1000x128xf32, #tpu.memory_space<vmem>>, %arg2: memref<1x1x1000x128xf32, #tpu.memory_space<vmem>>, %arg3: memref<1x1x1000x128xf32, #tpu.memory_space<vmem>>, %arg4: memref<1x1x1000x128xf32, #tpu.memory_space<vmem>>, %arg5: memref<1x1x1000x128xf32, #tpu.memory_space<vmem>>, %arg6: memref<1x1x1000x128xf32, #tpu.memory_space<vmem>>, %arg7: memref<1000x128xf32, #tpu.memory_space<vmem>>, %arg8: memref<1000x128xf32, #tpu.memory_space<vmem>>, %arg9: memref<1000x128xf32, #tpu.memory_space<vmem>>, %arg10: memref<1000x1xf32, #tpu.memory_space<vmem>>, %arg11: memref<1000x1xf32, #tpu.memory_space<vmem>>, %arg12: memref<1000x1xf32, #tpu.memory_space<vmem>>, %arg13: memref<1x128xf32, #tpu.memory_space<vmem>>, %arg14: memref<1x128xf32, #tpu.memory_space<vmem>>, %arg15: memref<1x128xf32, #tpu.memory_space<vmem>>, %arg16: memref<1000x128xf32, #tpu.memory_space<vmem>>) attributes {dimension_semantics = [#tpu.dimension_semantics<arbitrary>], iteration_bounds = array<i64: 10>, scalar_prefetch = 0 : i64, scratch_operands = 0 : i64, tpu.core_type = #tpu.core_type<tc>, window_params = [{transform_indices = @transform_0, window_bounds = array<i64: 1, 1, 1000, 128>}, {transform_indices = @transform_1, window_bounds = array<i64: 1, 1, 1000, 128>}, {transform_indices = @transform_2, window_bounds = array<i64: 1, 1, 1000, 128>}, {transform_indices = @transform_3, window_bounds = array<i64: 1, 1, 1000, 128>}, {transform_indices = @transform_4, window_bounds = array<i64: 1, 1, 1000, 128>}, {transform_indices = @transform_5, window_bounds = array<i64: 1, 1, 1000, 128>}, {transform_indices = @transform_6, window_bounds = array<i64: 1000, 128>}, {transform_indices = @transform_7, window_bounds = array<i64: 1000, 128>}, {transform_indices = @transform_8, window_bounds = array<i64: 1000, 128>}, {transform_indices = @transform_9, window_bounds = array<i64: 1000, 1>}, {transform_indices = @transform_10, window_bounds = array<i64: 1000, 1>}, {transform_indices = @transform_11, window_bounds = array<i64: 1000, 1>}, {pipeline_mode = #tpu.pipeline_mode<synchronous>, transform_indices = @transform_12, window_bounds = array<i64: 1, 128>}, {pipeline_mode = #tpu.pipeline_mode<synchronous>, transform_indices = @transform_13, window_bounds = array<i64: 1, 128>}, {pipeline_mode = #tpu.pipeline_mode<synchronous>, transform_indices = @transform_14, window_bounds = array<i64: 1, 128>}, {transform_indices = @transform_15, window_bounds = array<i64: 1000, 128>}]} {
    %get3A = arith.constant 0 : index
    %get3A_0 = arith.constant 0 : index
    %get3A_1 = arith.constant 0 : index
    %get3A_2 = arith.constant 0 : index
    %get3A_3 = vector.load %arg1[%get3A, %get3A_0, %get3A_1, %get3A_2] : memref<1x1x1000x128xf32, #tpu.memory_space<vmem>>, vector<1x1x1000x128xf32>
    %get3A_4 = vector.shape_cast %get3A_3 : vector<1x1x1000x128xf32> to vector<1000x128xf32>
    %get3A_5 = arith.constant 0 : index
    %get3A_6 = arith.constant 0 : index
    %get3A_7 = arith.constant 0 : index
    %get3A_8 = arith.constant 0 : index
    %get3A_9 = vector.load %arg2[%get3A_5, %get3A_6, %get3A_7, %get3A_8] : memref<1x1x1000x128xf32, #tpu.memory_space<vmem>>, vector<1x1x1000x128xf32>
    %get3A_10 = vector.shape_cast %get3A_9 : vector<1x1x1000x128xf32> to vector<1000x128xf32>
    %add3A = arith.addf %get3A_4, %get3A_10 : vector<1000x128xf32>
    %get3A_11 = arith.constant 0 : index
    %get3A_12 = arith.constant 0 : index
    %get3A_13 = vector.load %arg7[%get3A_11, %get3A_12] : memref<1000x128xf32, #tpu.memory_space<vmem>>, vector<1000x128xf32>
    %add3A_14 = arith.addf %add3A, %get3A_13 : vector<1000x128xf32>
    %get3A_15 = arith.constant 0 : index
    %get3A_16 = arith.constant 0 : index
    %get3A_17 = vector.load %arg10[%get3A_15, %get3A_16] : memref<1000x1xf32, #tpu.memory_space<vmem>>, vector<1000x1xf32>
    %mul3A = vector.broadcast %get3A_17 : vector<1000x1xf32> to vector<1000x128xf32>
    %mul3A_18 = arith.mulf %add3A_14, %mul3A : vector<1000x128xf32>
    %get3A_19 = arith.constant 0 : index
    %get3A_20 = arith.constant 0 : index
    %get3A_21 = vector.load %arg13[%get3A_19, %get3A_20] : memref<1x128xf32, #tpu.memory_space<vmem>>, vector<1x128xf32>
    %add3A_22 = vector.broadcast %get3A_21 : vector<1x128xf32> to vector<1000x128xf32>
    %add3A_23 = arith.addf %mul3A_18, %add3A_22 : vector<1000x128xf32>
    %max3A = arith.constant 0.000000e+00 : f32
    %max3A_24 = vector.broadcast %max3A : f32 to vector<1000x128xf32>
    %max3A_25 = arith.maximumf %add3A_23, %max3A_24 : vector<1000x128xf32>
    %get3A_26 = arith.constant 0 : index
    %get3A_27 = arith.constant 0 : index
    %get3A_28 = arith.constant 0 : index
    %get3A_29 = arith.constant 0 : index
    %get3A_30 = vector.load %arg3[%get3A_26, %get3A_27, %get3A_28, %get3A_29] : memref<1x1x1000x128xf32, #tpu.memory_space<vmem>>, vector<1x1x1000x128xf32>
    %get3A_31 = vector.shape_cast %get3A_30 : vector<1x1x1000x128xf32> to vector<1000x128xf32>
    %get3A_32 = arith.constant 0 : index
    %get3A_33 = arith.constant 0 : index
    %get3A_34 = arith.constant 0 : index
    %get3A_35 = arith.constant 0 : index
    %get3A_36 = vector.load %arg4[%get3A_32, %get3A_33, %get3A_34, %get3A_35] : memref<1x1x1000x128xf32, #tpu.memory_space<vmem>>, vector<1x1x1000x128xf32>
    %get3A_37 = vector.shape_cast %get3A_36 : vector<1x1x1000x128xf32> to vector<1000x128xf32>
    %add3A_38 = arith.addf %get3A_31, %get3A_37 : vector<1000x128xf32>
    %get3A_39 = arith.constant 0 : index
    %get3A_40 = arith.constant 0 : index
    %get3A_41 = vector.load %arg8[%get3A_39, %get3A_40] : memref<1000x128xf32, #tpu.memory_space<vmem>>, vector<1000x128xf32>
    %add3A_42 = arith.addf %add3A_38, %get3A_41 : vector<1000x128xf32>
    %get3A_43 = arith.constant 0 : index
    %get3A_44 = arith.constant 0 : index
    %get3A_45 = vector.load %arg11[%get3A_43, %get3A_44] : memref<1000x1xf32, #tpu.memory_space<vmem>>, vector<1000x1xf32>
    %mul3A_46 = vector.broadcast %get3A_45 : vector<1000x1xf32> to vector<1000x128xf32>
    %mul3A_47 = arith.mulf %add3A_42, %mul3A_46 : vector<1000x128xf32>
    %get3A_48 = arith.constant 0 : index
    %get3A_49 = arith.constant 0 : index
    %get3A_50 = vector.load %arg14[%get3A_48, %get3A_49] : memref<1x128xf32, #tpu.memory_space<vmem>>, vector<1x128xf32>
    %add3A_51 = vector.broadcast %get3A_50 : vector<1x128xf32> to vector<1000x128xf32>
    %add3A_52 = arith.addf %mul3A_47, %add3A_51 : vector<1000x128xf32>
    %max3A_53 = arith.constant 0.000000e+00 : f32
    %max3A_54 = vector.broadcast %max3A_53 : f32 to vector<1000x128xf32>
    %max3A_55 = arith.maximumf %add3A_52, %max3A_54 : vector<1000x128xf32>
    %max3A_56 = arith.maximumf %max3A_25, %max3A_55 : vector<1000x128xf32>
    %get3A_57 = arith.constant 0 : index
    %get3A_58 = arith.constant 0 : index
    %get3A_59 = arith.constant 0 : index
    %get3A_60 = arith.constant 0 : index
    %get3A_61 = vector.load %arg5[%get3A_57, %get3A_58, %get3A_59, %get3A_60] : memref<1x1x1000x128xf32, #tpu.memory_space<vmem>>, vector<1x1x1000x128xf32>
    %get3A_62 = vector.shape_cast %get3A_61 : vector<1x1x1000x128xf32> to vector<1000x128xf32>
    %get3A_63 = arith.constant 0 : index
    %get3A_64 = arith.constant 0 : index
    %get3A_65 = arith.constant 0 : index
    %get3A_66 = arith.constant 0 : index
    %get3A_67 = vector.load %arg6[%get3A_63, %get3A_64, %get3A_65, %get3A_66] : memref<1x1x1000x128xf32, #tpu.memory_space<vmem>>, vector<1x1x1000x128xf32>
    %get3A_68 = vector.shape_cast %get3A_67 : vector<1x1x1000x128xf32> to vector<1000x128xf32>
    %add3A_69 = arith.addf %get3A_62, %get3A_68 : vector<1000x128xf32>
    %get3A_70 = arith.constant 0 : index
    %get3A_71 = arith.constant 0 : index
    %get3A_72 = vector.load %arg9[%get3A_70, %get3A_71] : memref<1000x128xf32, #tpu.memory_space<vmem>>, vector<1000x128xf32>
    %add3A_73 = arith.addf %add3A_69, %get3A_72 : vector<1000x128xf32>
    %get3A_74 = arith.constant 0 : index
    %get3A_75 = arith.constant 0 : index
    %get3A_76 = vector.load %arg12[%get3A_74, %get3A_75] : memref<1000x1xf32, #tpu.memory_space<vmem>>, vector<1000x1xf32>
    %mul3A_77 = vector.broadcast %get3A_76 : vector<1000x1xf32> to vector<1000x128xf32>
    %mul3A_78 = arith.mulf %add3A_73, %mul3A_77 : vector<1000x128xf32>
    %get3A_79 = arith.constant 0 : index
    %get3A_80 = arith.constant 0 : index
    %get3A_81 = vector.load %arg15[%get3A_79, %get3A_80] : memref<1x128xf32, #tpu.memory_space<vmem>>, vector<1x128xf32>
    %add3A_82 = vector.broadcast %get3A_81 : vector<1x128xf32> to vector<1000x128xf32>
    %add3A_83 = arith.addf %mul3A_78, %add3A_82 : vector<1000x128xf32>
    %max3A_84 = arith.constant 0.000000e+00 : f32
    %max3A_85 = vector.broadcast %max3A_84 : f32 to vector<1000x128xf32>
    %max3A_86 = arith.maximumf %add3A_83, %max3A_85 : vector<1000x128xf32>
    %max3A_87 = arith.maximumf %max3A_56, %max3A_86 : vector<1000x128xf32>
    %swap3A = arith.constant 0 : index
    %swap3A_88 = arith.constant 0 : index
    %swap3A_89 = vector.load %arg16[%swap3A, %swap3A_88] : memref<1000x128xf32, #tpu.memory_space<vmem>>, vector<1000x128xf32>
    tpu.vector_store %arg16[%swap3A, %swap3A_88], %max3A_87 {strides = array<i32>} : memref<1000x128xf32, #tpu.memory_space<vmem>>, vector<1000x128xf32>,
    return
  }
  func.func @transform_0(%arg0: i32) -> (i32, i32, i32, i32) {
    %c0_i32 = arith.constant 0 : i32
    %c0_i32_0 = arith.constant 0 : i32
    %c0_i32_1 = arith.constant 0 : i32
    %c0_i32_2 = arith.constant 0 : i32
    return %c0_i32, %c0_i32_0, %arg0, %c0_i32_1 : i32, i32, i32, i32
  }
  func.func @transform_1(%arg0: i32) -> (i32, i32, i32, i32) {
    %c1_i32 = arith.constant 1 : i32
    %c0_i32 = arith.constant 0 : i32
    %c0_i32_0 = arith.constant 0 : i32
    %c0_i32_1 = arith.constant 0 : i32
    return %c1_i32, %c0_i32, %arg0, %c0_i32_0 : i32, i32, i32, i32
  }
  func.func @transform_2(%arg0: i32) -> (i32, i32, i32, i32) {
    %c0_i32 = arith.constant 0 : i32
    %c1_i32 = arith.constant 1 : i32
    %c0_i32_0 = arith.constant 0 : i32
    %c0_i32_1 = arith.constant 0 : i32
    return %c0_i32, %c1_i32, %arg0, %c0_i32_0 : i32, i32, i32, i32
  }
  func.func @transform_3(%arg0: i32) -> (i32, i32, i32, i32) {
    %c1_i32 = arith.constant 1 : i32
    %c1_i32_0 = arith.constant 1 : i32
    %c0_i32 = arith.constant 0 : i32
    %c0_i32_1 = arith.constant 0 : i32
    return %c1_i32, %c1_i32_0, %arg0, %c0_i32 : i32, i32, i32, i32
  }
  func.func @transform_4(%arg0: i32) -> (i32, i32, i32, i32) {
    %c0_i32 = arith.constant 0 : i32
    %c2_i32 = arith.constant 2 : i32
    %c0_i32_0 = arith.constant 0 : i32
    %c0_i32_1 = arith.constant 0 : i32
    return %c0_i32, %c2_i32, %arg0, %c0_i32_0 : i32, i32, i32, i32
  }
  func.func @transform_5(%arg0: i32) -> (i32, i32, i32, i32) {
    %c1_i32 = arith.constant 1 : i32
    %c2_i32 = arith.constant 2 : i32
    %c0_i32 = arith.constant 0 : i32
    %c0_i32_0 = arith.constant 0 : i32
    return %c1_i32, %c2_i32, %arg0, %c0_i32 : i32, i32, i32, i32
  }
  func.func @transform_6(%arg0: i32) -> (i32, i32) {
    %c0_i32 = arith.constant 0 : i32
    %c0_i32_0 = arith.constant 0 : i32
    return %arg0, %c0_i32 : i32, i32
  }
  func.func @transform_7(%arg0: i32) -> (i32, i32) {
    %c0_i32 = arith.constant 0 : i32
    %c0_i32_0 = arith.constant 0 : i32
    return %arg0, %c0_i32 : i32, i32
  }
  func.func @transform_8(%arg0: i32) -> (i32, i32) {
    %c0_i32 = arith.constant 0 : i32
    %c0_i32_0 = arith.constant 0 : i32
    return %arg0, %c0_i32 : i32, i32
  }
  func.func @transform_9(%arg0: i32) -> (i32, i32) {
    %c0_i32 = arith.constant 0 : i32
    %c0_i32_0 = arith.constant 0 : i32
    return %arg0, %c0_i32 : i32, i32
  }
  func.func @transform_10(%arg0: i32) -> (i32, i32) {
    %c0_i32 = arith.constant 0 : i32
    %c0_i32_0 = arith.constant 0 : i32
    return %arg0, %c0_i32 : i32, i32
  }
  func.func @transform_11(%arg0: i32) -> (i32, i32) {
    %c0_i32 = arith.constant 0 : i32
    %c0_i32_0 = arith.constant 0 : i32
    return %arg0, %c0_i32 : i32, i32
  }
  func.func @transform_12(%arg0: i32) -> (i32, i32) {
    %c0_i32 = arith.constant 0 : i32
    %c0_i32_0 = arith.constant 0 : i32
    %c0_i32_1 = arith.constant 0 : i32
    return %c0_i32, %c0_i32_0 : i32, i32
  }
  func.func @transform_13(%arg0: i32) -> (i32, i32) {
    %c0_i32 = arith.constant 0 : i32
    %c0_i32_0 = arith.constant 0 : i32
    %c0_i32_1 = arith.constant 0 : i32
    return %c0_i32, %c0_i32_0 : i32, i32
  }
  func.func @transform_14(%arg0: i32) -> (i32, i32) {
    %c0_i32 = arith.constant 0 : i32
    %c0_i32_0 = arith.constant 0 : i32
    %c0_i32_1 = arith.constant 0 : i32
    return %c0_i32, %c0_i32_0 : i32, i32
  }
  func.func @transform_15(%arg0: i32) -> (i32, i32) {
    %c0_i32 = arith.constant 0 : i32
    %c0_i32_0 = arith.constant 0 : i32
    return %arg0, %c0_i32 : i32, i32
  }
}

</mosaic_0001>

<sc_bundles>
// kernel: kernel.12.cloned.1.call-start
scs
__scs_entry_jumppad:
0x0: {  	(pc) =	sbr.rel $0x88, $3  }
0x1: {  	(tag) =	ssettag $0x0;
	lr =	simm.s32 $0x1  }
0x2: {  	[smem:$0x3F90] =	sst lr;
	_ =	strace $0xD0000000  }
0x3: {  	_ = 	snop  }
0x4: {  	_ = 	snop  }
0x5: {  	_ = 	snop  }
0x6: {  	_ = 	snop  }
0x7: {  	_ = 	snop  }
__scs_overlays_trampoline_lowered:
0x8: {  	[smem:$0x3F9F] =	sst s0  }
0x9: {  	[smem:$0x3FA0] =	sst s1  }
0xa: {  	[smem:$0x3FA1] =	sst s2  }
0xb: {  	[smem:$0x3FA2] =	sst s3  }
0xc: {  	[smem:$0x3FA3] =	sst s4  }
0xd: {  	[smem:$0x3FA4] =	sst s5  }
0xe: {  	[smem:$0x3FA5] =	sst s6  }
0xf: {  	[smem:$0x3FA6] =	sst s7  }
0x10: {  	[smem:$0x3FA7] =	sst s8  }
0x11: {  	[smem:$0x3FA8] =	sst s9;
	s0 =	simm.s32 @!p0 $0x0  }
0x12: {  	s1 =	sld [smem:$0x3F8E];
	s0 =	simm.s32 @p0 $0x1  }
0x13: {  	[smem:$0x3FA9] =	sst s0;
	s0 =	simm.s32 @!p1 $0x0  }
0x14: {  	s2 =	sld [smem:$0x3F8D];
	s0 =	simm.s32 @p1 $0x1  }
0x15: {  	[smem:$0x3FAA] =	sst s0;
	s0 =	simm.s32 @!p2 $0x0  }
0x16: {  	s3 =	sld [smem:$0x3FDB];
	s0 =	simm.s32 @p2 $0x1  }
0x17: {  	s4 =	simm.s32 $0x1BF5;
	[smem:$0x3FAC] =	sst s0  }
0x18: {  	s0 =	sld [smem:$0x3F8F];
	_ =	swait.ge [sflag:s4], $0x0  }
0x19: {  	s7 =	sld [smem:$0x3F90]  }
0x1a: {  	s8 =	sadd.s32 $0xFFFFE003, lr  }
0x1b: {  	s9 =	sadd.s32 $0xFFFFFEF7, lr;
	s5 =	simm.s32 $0xFFFFFFFF;
	p2 =	slt.u32 s8, $0xFFFFF086  }
0x1c: {  	p1 =	slt.u32 s9, $0xF7A;
	s5 =	simm.s32 @!p2 $0x0  }
0x1d: {  	s5 =	simm.s32 @p1 $0x1;
	p0 =	seq.s32 s7, s2  }
0x1e: {  	s7 =	smul.u32 @!p0 $0xF7A, s2;
	p2 =	seq.s32 @!p0 s5, $0x0  }
0x1f: {  	s9 =	smul.u32 $0xF7A, s1;
	s8 =	simm.s32 @!p0 $0x1BF5;
	p2 =	por !p2, p0  }
0x20: {  	[sflag:s8] =	ssyncset.s32 @!p0 $0xFFFFF086;
	s6 =	sadd.s32 @!p0 s3, s7;
	s7 =	simm.s32 @!p0 $0x108  }
0x21: {  	s3 =	sadd.s32 s3, s9;
	s6 =	sadd.s32 @!p0 $0x88, s6;
	s7 =	simm.s32 @p2 $0x1082  }
0x22: {  	[simem:s7], [sflag:s8] =	dma.local @!p0 [hbm:s6], $0xF7A  }
0x23: {  	s9 =	sor.u32 $0xD0000000, s2;
	s6 =	simm.s32 $0x108;
	_ =	swait.ge @!p0 [sflag:s8], $0x0  }
0x24: {  	s3 =	sadd.s32 $0x88, s3;
	s6 =	simm.s32 @!p1 $0x1082;
	[sflag:s4] =	ssyncset.s32 $0xFFFFF086  }
0x25: {  	[simem:s6], [sflag:s4] =	dma.local [hbm:s3], $0xF7A  }
0x26: {  	[smem:$0x3F90] =	sst s1;
	(tag) =	ssettag s2;
	_ =	strace s9  }
0x27: {  	s1 =	sld [smem:$0x3FA0]  }
0x28: {  	s2 =	sld [smem:$0x3FA1]  }
0x29: {  	s4 =	sld [smem:$0x3FA3]  }
0x2a: {  	p0 =	seq.s32 s5, $0x0;
	s5 =	sld [smem:$0x3FA4]  }
0x2b: {  	s6 =	sld [smem:$0x3FA5]  }
0x2c: {  	s7 =	sld [smem:$0x3FA6]  }
0x2d: {  	s3 =	simm.s32 $0x108;
	s8 =	sld [smem:$0x3FA7]  }
0x2e: {  	s3 =	simm.s32 @!p0 $0x1082;
	s9 =	sld [smem:$0x3FA8]  }
0x2f: {  	lr =	sadd.s32 s0, s3;
	s0 =	sld [smem:$0x3F9F]  }
0x30: {  	s3 =	sld [smem:$0x3FA2]  }
0x31: {  	[smem:$0x3FAB] =	sst s10  }
0x32: {  	s10 =	sld [smem:$0x3FA9];
	_ =	sdelay $0x3  }
0x33: {  	p0 =	seq.s32 s10, $0x1;
	s10 =	sld [smem:$0x3FAB];
	_ =	sdelay $0x3  }
0x34: {  	[smem:$0x3FAB] =	sst s10  }
0x35: {  	s10 =	sld [smem:$0x3FAA];
	_ =	sdelay $0x3  }
0x36: {  	p1 =	seq.s32 s10, $0x1;
	s10 =	sld [smem:$0x3FAB];
	_ =	sdelay $0x3  }
0x37: {  	[smem:$0x3FAB] =	sst s10  }
0x38: {  	s10 =	sld [smem:$0x3FAC]  }
0x39: {  	_ = 	snop;
	(pc) =	sbr.ind lr, $3  }
0x3a: {  	_ = 	snop  }
0x3b: {  	_ = 	snop  }
0x3c: {  	p2 =	seq.s32 s10, $0x1;
	s10 =	sld [smem:$0x3FAB]  }
0x3d: {  	_ =	shalt  }
0x3e: {  	_ =	shalt  }
0x3f: {  	_ =	shalt  }
0x40: {  	_ =	shalt  }
0x41: {  	_ =	shalt  }
0x42: {  	_ =	shalt  }
0x43: {  	_ =	shalt  }
0x44: {  	_ =	shalt  }
0x45: {  	_ =	shalt  }
0x46: {  	_ =	shalt  }
0x47: {  	_ =	shalt  }
0x48: {  	_ =	shalt  }
0x49: {  	_ =	shalt  }
0x4a: {  	_ =	shalt  }
0x4b: {  	_ =	shalt  }
0x4c: {  	_ =	shalt  }
0x4d: {  	_ =	shalt  }
0x4e: {  	_ =	shalt  }
0x4f: {  	_ =	shalt  }
0x50: {  	_ =	shalt  }
0x51: {  	_ =	shalt  }
0x52: {  	_ =	shalt  }
0x53: {  	_ =	shalt  }
0x54: {  	_ =	shalt  }
0x55: {  	_ =	shalt  }
0x56: {  	_ =	shalt  }
0x57: {  	_ =	shalt  }
0x58: {  	_ =	shalt  }
0x59: {  	_ =	shalt  }
0x5a: {  	_ =	shalt  }
0x5b: {  	_ =	shalt  }
0x5c: {  	_ =	shalt  }
0x5d: {  	_ =	shalt  }
0x5e: {  	_ =	shalt  }
0x5f: {  	_ =	shalt  }
0x60: {  	_ =	shalt  }
0x61: {  	_ =	shalt  }
0x62: {  	_ =	shalt  }
0x63: {  	_ =	shalt  }
0x64: {  	_ =	shalt  }
0x65: {  	_ =	shalt  }
0x66: {  	_ =	shalt  }
0x67: {  	_ =	shalt  }
0x68: {  	_ =	shalt  }
0x69: {  	_ =	shalt  }
0x6a: {  	_ =	shalt  }
0x6b: {  	_ =	shalt  }
0x6c: {  	_ =	shalt  }
0x6d: {  	_ =	shalt  }
0x6e: {  	_ =	shalt  }
0x6f: {  	_ =	shalt  }
0x70: {  	_ =	shalt  }
0x71: {  	_ =	shalt  }
0x72: {  	_ =	shalt  }
0x73: {  	_ =	shalt  }
0x74: {  	_ =	shalt  }
0x75: {  	_ =	shalt  }
0x76: {  	_ =	shalt  }
0x77: {  	_ =	shalt  }
0x78: {  	_ =	shalt  }
0x79: {  	_ =	shalt  }
0x7a: {  	_ =	shalt  }
0x7b: {  	_ =	shalt  }
0x7c: {  	_ =	shalt  }
0x7d: {  	_ =	shalt  }
0x7e: {  	_ =	shalt  }
0x7f: {  	_ =	shalt  }
0x80: {  	_ =	shalt  }
0x81: {  	_ =	shalt  }
0x82: {  	_ =	shalt  }
0x83: {  	_ =	shalt  }
0x84: {  	_ =	shalt  }
0x85: {  	_ =	shalt  }
0x86: {  	_ =	shalt  }
0x87: {  	_ =	shalt  }
.Lfunc_end0:
.L_simem_size_0:
called_computation.1_lowered:
.L_overlay_start_0:
0x88: {  	s2 =	sld [smem:$0x3FD9]  }
0x89: {  	s3 =	sld [smem:$0x3FFE];
	_ =	sdelay $0x1  }
0x8a: {  	s1 =	srdreg.scid  }
0x8b: {  	s0 =	sand.u32 $0x1, s1  }
0x8c: {  	s17 =	sshll.u32 s0, $0xA;
	s2 =	sadd.s32 s3, s2  }
0x8d: {  	s2 =	sadd.s32 s2, s17  }
0x8e: {  	[smem:$0x3FB7] =	sst s2  }
0x8f: {  	_ = 	snop  }
0x90: {  	s2 =	sld [smem:$0x3FD0];
	(tm) =	ssettm $0x1  }
0x91: {  	s18 =	sld [smem:$0x3FFB];
	_ =	sdelay $0x3  }
0x92: {  	_ =	strace s18  }
0x93: {  	s3 =	sld [smem:$0x3FFC];
	_ =	sdelay $0x3  }
0x94: {  	_ =	strace s3  }
0x95: {  	s3 =	sld [smem:$0x3FFD];
	_ =	sdelay $0x3  }
0x96: {  	_ =	strace s3  }
0x97: {  	_ =	strace $0x8FFFFFFF  }
0x98: {  	s19 =	sld [smem:$0x3FDB];
	_ =	sdelay $0x1  }
0x99: {  	s4 =	simm.s32 $_scs_section_size  }
0x9a: {  	s5 =	simm.s32 $_size__tile_overlayer_lowered;
	s6 =	simm.s32 $_tile_overlayer_lowered  }
0x9b: {  	s22 =	simm.s32 $0x1BFF;
	s21 =	sshll.u32 s6, $0x1;
	s3 =	sadd.s32 s4, s19  }
0x9c: {  	s7 =	simm.s32 $0x0;
	s20 =	sshll.u32 s5, $0x1;
	s5 =	sadd.s32 s21, s3  }
0x9d: {  	[timem:s7], [sflag:s22] =	dma.local [hbm:s5], s20  }
0x9e: {  	_ =	swait.ge [sflag:s22], s20  }
0x9f: {  	s4 =	ssub.s32 $0x0, s20;
	[sflag:s22] =	ssyncset.done $0x0  }
0xa0: {  	[sflag:s22] =	ssyncadd.s32 s4;
	_ =	sdelay $0x1  }
0xa1: {  	s23 =	simm.s32 $0x1B8B  }
0xa2: {  	_ =	swait.ge [sflag:s23], $0x1  }
0xa3: {  	[sflag:s23] =	ssyncset.done $0x0  }
0xa4: {  	s25 =	simm.s32 $0x1B8E;
	s24 =	sld [smem:$0x3FFE];
	[sflag:s23] =	ssyncadd.s32 $0xFFFFFFFF  }
0xa5: {  	s26 =	simm.s32 $execute0_lowered;
	[smem:$0x3FD2] =	sst s25  }
0xa6: {  	s5 =	sshll.u32 s26, $0x1;
	_ =	strace $0x80000049;
	[dreg:$0x1] =	wrdreg $0xFFFFFFFF  }
0xa7: {  	s28 =	simm.s32 $_size_execute0_lowered;
	s3 =	sadd.s32 s3, s5;
	[dreg:$0x0] =	wrdreg $0x0  }
0xa8: {  	s5 =	sshll.u32 s28, $0x1;
	[dreg:$0x2] =	wrdreg s3  }
0xa9: {  	[dreg:$0x3] =	wrdreg s5  }
0xaa: {  	[dreg:$0x4] =	wrdreg $0xC0  }
0xab: {  	_ =	task [dreg:s7], $0x5FFFF  }
0xac: {  	[dreg:$0x1] =	wrdreg $0xFFFFFFFF  }
0xad: {  	[dreg:$0x0] =	wrdreg $0x60  }
0xae: {  	[dreg:$0x2] =	wrdreg s24  }
0xaf: {  	[dreg:$0x3] =	wrdreg s2  }
0xb0: {  	[dreg:$0x4] =	wrdreg $0x0  }
0xb1: {  	[dreg:$0x5] =	wrdreg $0x9  }
0xb2: {  	_ =	task.clear_ibuf [dreg:s7], $0x6FFFF;
	_ =	strace $0x90000049  }
0xb3: {  	s29 =	simm.s32 $0x9;
	_ =	strace $0x8000004B  }
0xb4: {  	_ =	swait.ge [sflag:s29], $0x1  }
0xb5: {  	[sflag:s29] =	ssyncadd.s32 $0xFFFFFFFF  }
0xb6: {  	_ =	strace $0x9000004B  }
0xb7: {  	_ =	sfence  }
0xb8: {  	s30 =	sld [smem:$0x0];
	_ =	sdelay $0x2  }
0xb9: {  	s31 =	sshll.u32 s1, $0xD;
	s1 =	sshrl.u32 s1, $0x2  }
0xba: {  	s3 =	sand.u32 $0x4000, s31;
	s1 =	sadd.s32 s1, s30  }
0xbb: {  	s0 =	sor.u32 s3, s0;
	s1 =	sshll.u32 s1, $0x11  }
0xbc: {  	s0 =	sor.u32 s1, s0  }
0xbd: {  	s0 =	sadd.s32 $0x8F2B, s0  }
0xbe: {  	[sflag:s0] =	ssyncadd.remote.s32 $0x1  }
0xbf: {  	_ =	sfence.sel $0xFFFF  }
0xc0: {  	[dreg:$0x0] =	wrdreg $0xFFFFFFFF;
	(pc) =	sbr.abs _section_cstart, $3  }
0xc1: {  	[dreg:$0x1] =	wrdreg $0xFFFFFFFF  }
0xc2: {  	_ =	task.clear_ibuf [dreg:s7], $0x2FFFF;
	_ =	strace $0x9FFFFFFF  }
0xc3: {  	(tm) =	ssettm $0x7FFFFFFF  }
tec
execute0_lowered:
.L_overlay_start_1:
0x0: {  	(tag) =	ssettag $0x1  }
0x1: {  	s0 =	rddreg [dreg:$0x0]  }
0x2: {  	s1 =	srdreg.scid;
	s2 =	rddreg [dreg:$0x1]  }
0x3: {  	s19 =	stileid.u32;
	s3 =	rddreg [dreg:$0x2]  }
0x4: {  	s1 =	sand.u32 $0x1, s1;
	s4 =	sshll.u32 s19, $0x1;
	s10 =	smul.u32 $0x13C00, s19  }
0x5: {  	s6 =	sadd.s32 $0x67800, s0;
	s7 =	sadd.s32 $0xDF200, s0;
	s12 =	sadd.s32 $0x18600, s0  }
0x6: {  	s13 =	sadd.s32 $0xE600, s0;
	s15 =	sadd.s32 $0x4600, s0;
	s22 =	sshll.u32 s19, $0xE  }
0x7: {  	s23 =	sadd.s32 $0x18610, s0;
	s24 =	sadd.s32 $0xE610, s0;
	s28 =	smul.u32 $0xA00, s19  }
0x8: {  	p0 =	seq.s32 s19, $0xF;
	s5 =	sor.u32 s1, s4;
	s9 =	smul.u32 $0x3B4000, s1  }
0x9: {  	s4 =	simm.s32 $0x0;
	s21 =	ssub.s32 $0x2, s1;
	s30 =	smul.u32 $0x500, s1  }
0xa: {  	s8 =	smul.u32 $0x500, s5;
	[smem:$0x7FF] =	sst s4;
	s5 =	sadd.s32 $0x40600, s0  }
0xb: {  	s14 =	sshrl.u32 s21, $0x1;
	_ =	strace $0x8000004A;
	s9 =	sadd.s32 s10, s9  }
0xc: {  	s10 =	ssub.s32 s21, s14;
	s14 =	sadd.s32 s22, s3;
	s11 =	sadd.s32 s8, s0  }
0xd: {  	s9 =	sshrl.u32 s9, $0x3;
	s16 =	sadd.s32 s12, s8;
	[dreg:$0xd] =	wrdreg s14  }
0xe: {  	s17 =	sadd.s32 s13, s8;
	s18 =	sor.u32 $0x10, s8;
	[dreg:$0x4] =	wrdreg s16  }
0xf: {  	s20 =	sadd.s32 s8, s23;
	s25 =	sadd.s32 s8, s24;
	[dreg:$0x5] =	wrdreg s17  }
0x10: {  	s31 =	sadd.s32 s15, s8;
	s9 =	sadd.s32 s9, s0;
	[dreg:$0x6] =	wrdreg s20  }
0x11: {  	s0 =	sadd.s32 $0x4610, s0;
	s16 =	sadd.s32 s18, s23;
	[dreg:$0x8] =	wrdreg s25  }
0x12: {  	s26 =	sadd.s32 s18, s24;
	[dreg:$0xc] =	wrdreg s31;
	s20 =	sadd.s32 $0x22600, s11  }
0x13: {  	s21 =	sadd.s32 $0x2C600, s11;
	s11 =	sadd.s32 $0x36600, s11;
	[dreg:$0x7] =	wrdreg s16  }
0x14: {  	s25 =	smax.u32 s10, $0x1;
	s31 =	sadd.s32 $0x100000, s14;
	[dreg:$0x9] =	wrdreg s26  }
0x15: {  	s10 =	simm.s32 $0x1BC00;
	s29 =	sadd.s32 s18, s0;
	[dreg:$0xe] =	wrdreg s20  }
0x16: {  	s0 =	sadd.s32 s8, s0;
	s8 =	sadd.s32 s28, s12;
	[dreg:$0xf] =	wrdreg s21  }
0x17: {  	s12 =	sadd.s32 s28, s13;
	s13 =	sadd.s32 s28, s15;
	[dreg:$0x10] =	wrdreg s11  }
0x18: {  	s15 =	smul.u32 $0x4F000, s19;
	s16 =	sshll.u32 s19, $0x6;
	[dreg:$0x15] =	wrdreg s25  }
0x19: {  	s23 =	sadd.s32 $0x12D600, s9;
	s24 =	sadd.s32 $0x154E00, s9;
	[dreg:$0x1c] =	wrdreg s31  }
0x1a: {  	s9 =	sadd.s32 $0x17C600, s9;
	s28 =	sadd.s32 $0x40000, s14;
	[dreg:$0xa] =	wrdreg s29  }
0x1b: {  	s11 =	simm.s32 $0x1E400;
	s19 =	simm.s32 $0x17C00;
	[dreg:$0xb] =	wrdreg s0  }
0x1c: {  	s20 =	simm.s32 $0x2;
	s21 =	simm.s32 $0x3;
	[dreg:$0x12] =	wrdreg s23  }
0x1d: {  	s1 =	sadd.s32 s30, s8;
	s8 =	sadd.s32 s30, s12;
	[dreg:$0x13] =	wrdreg s24  }
0x1e: {  	s0 =	sadd.s32 s30, s13;
	s18 =	sor.u32 $0x1C05, s16;
	[dreg:$0x14] =	wrdreg s9  }
0x1f: {  	[dreg:$0x19] =	wrdreg s28;
	s29 =	sadd.s32 $0x80000, s14;
	s30 =	sadd.s32 $0xC0000, s14  }
0x20: {  	s9 =	simm.s32 $0x5;
	s12 =	simm.s32 $0x80;
	s13 =	simm.s32 $0x13C00  }
0x21: {  	s14 =	simm.s32 $0x1;
	s16 =	simm.s32 $0x1BC80;
	[dreg:$0x1a] =	wrdreg s29  }
.Ltmp0:
0x22: {  	s1 =	sadd.s32 $0x40, s1;
	[dreg:$0x1b] =	wrdreg s30;
	(pc) =	sbr.rel .LBB2_1-.Ltmp0, $4  }
0x23: {  	s23 =	simm.s32 $0x4;
	s26 =	sadd.s32 $0x40, s8;
	[dreg:$0x16] =	wrdreg s1  }
0x24: {  	s17 =	sshrl.u32 s15, $0x2;
	s0 =	sadd.s32 $0x40, s0;
	[dreg:$0x17] =	wrdreg s26  }
0x25: {  	s24 =	simm.s32 $0x0;
	s22 =	sadd.s32 s17, s3;
	[dreg:$0x18] =	wrdreg s0  }
0x26: {  	s15 =	simm.s32 $0x1E480;
	[dreg:$0x11] =	wrdreg s22;
	s22 =	simm.s32 $0x1BD00  }
.LBB2_10:
0x27: {  	_ =	swait.ge [sflag:s23], $0x4000  }
0x28: {  	[sflag:s23] =	ssyncset.done $0x0  }
0x29: {  	[sflag:s23] =	ssyncadd.s32 $0xFFFFC000  }
0x2a: {  	[bflag:$0x0] =	sbarrier.arrive $0xFFFF  }
0x2b: {  	s0 =	rddreg [dreg:$0x14]  }
0x2c: {  	[hbm:s0], [sflag:s18] =	dma.local [spmem:s1], $0x2780  }
0x2d: {  	_ =	swait.ge [sflag:s9], $0x2780  }
0x2e: {  	s24 =	sadd.s32 $0x1, s24;
	s31 =	rddreg [dreg:$0x15]  }
0x2f: {  	p1 =	sne.s32 s24, s31  }
.Ltmp1:
0x30: {  	_ = 	snop;
	(pc) =	sbr.rel @!p1 .LBB2_11-.Ltmp1, $3  }
0x31: {  	_ =	sdelay $0x1  }
0x32: {  	[sflag:s9] =	ssyncset.done $0x0  }
0x33: {  	[sflag:s9] =	ssyncadd.s32 $0xFFFFD880  }
.LBB2_1:
0x34: {  	s0 =	rddreg [dreg:$0xd]  }
0x35: {  	s25 =	sshrl.u32 s0, $0x3  }
0x36: {  	[spmem:s25], [sflag:s18] =	dma.local [hbm:s2], $0x800  }
0x37: {  	_ =	swait.ge [sflag:s9], $0x800  }
0x38: {  	[sflag:s9] =	ssyncset.done $0x0;
	s26 =	rddreg [dreg:$0x19]  }
0x39: {  	[sflag:s9] =	ssyncadd.s32 $0xFFFFF800;
	s26 =	sshrl.u32 s26, $0x3  }
0x3a: {  	[spmem:s26], [sflag:s18] =	dma.local [hbm:s2], $0x800  }
0x3b: {  	_ =	swait.ge [sflag:s9], $0x800  }
0x3c: {  	[sflag:s9] =	ssyncset.done $0x0;
	s1 =	rddreg [dreg:$0x1a]  }
0x3d: {  	[sflag:s9] =	ssyncadd.s32 $0xFFFFF800;
	s28 =	sshrl.u32 s1, $0x3  }
0x3e: {  	[spmem:s28], [sflag:s18] =	dma.local [hbm:s2], $0x800  }
0x3f: {  	_ =	swait.ge [sflag:s9], $0x800  }
0x40: {  	[sflag:s9] =	ssyncset.done $0x0;
	s8 =	rddreg [dreg:$0x1b]  }
0x41: {  	[sflag:s9] =	ssyncadd.s32 $0xFFFFF800;
	s31 =	sshrl.u32 s8, $0x3  }
0x42: {  	[spmem:s31], [sflag:s18] =	dma.local [hbm:s2], $0x800  }
0x43: {  	_ =	swait.ge [sflag:s9], $0x800  }
0x44: {  	[sflag:s9] =	ssyncset.done $0x0;
	s0 =	rddreg [dreg:$0x1c]  }
0x45: {  	[sflag:s9] =	ssyncadd.s32 $0xFFFFF800;
	s29 =	sshrl.u32 @!p0 s0, $0x3;
	s0 =	simm.s32 @!p0 $0x5  }
0x46: {  	[spmem:s29], [sflag:s18] =	dma.local @!p0 [hbm:s2], $0x800  }
0x47: {  	_ =	swait.ge @!p0 [sflag:s0], $0x800  }
0x48: {  	[sflag:s0] =	ssyncset.done @!p0 $0x0  }
0x49: {  	[sflag:s0] =	ssyncadd.s32 @!p0 $0xFFFFF800  }
0x4a: {  	[bflag:$0x0] =	sbarrier.arrive $0xFFFF  }
0x4b: {  	s17 =	rddreg [dreg:$0xe]  }
0x4c: {  	[tilespmem:s10], [sflag:$0x5] =	stream.linear.gather [hbm4b:s17+s4], $0x2800, $0x38;
	[tilespmem:$0x1E500] =	vst v63  }
0x4d: {  	_ =	swait.ge [sflag:s9], $0x2800  }
0x4e: {  	[sflag:s9] =	ssyncset.done $0x0  }
0x4f: {  	s1 =	rddreg [dreg:$0x4];
	[sflag:s9] =	ssyncadd.s32 $0xFFFFD800  }
0x50: {  	[tilespmem:s11], [sflag:$0x5] =	stream.linear.gather [hbm4b:s1+s4], $0x80, $0x38;
	[tilespmem:$0x1E500] =	vst v63  }
0x51: {  	_ =	swait.ge [sflag:s9], $0x80  }
0x52: {  	[sflag:s9] =	ssyncset.done $0x0  }
0x53: {  	[sflag:s9] =	ssyncadd.s32 $0xFFFFFF80  }
0x54: {  	[tilespmem:s13], [sflag:$0x1] =	stream.indirect.gather [hbm4b:s5+s12], $0x80, s10, s12, $0xb8;
	[tilespmem:$0x1E500] =	vst v63  }
0x55: {  	_ =	swait.ge [sflag:s14], $0x4000  }
0x56: {  	[sflag:s14] =	ssyncset.done $0x0  }
0x57: {  	[sflag:s14] =	ssyncadd.s32 $0xFFFFC000  }
0x58: {  	[spmem:s3] =	stream.indirect.scatter.add.f32 [tilespmem:s13], [sflag:$0x3], $0x80, s11, s12, $0xb8;
	[tilespmem:$0x1E500] =	vst v63  }
0x59: {  	s8 =	rddreg [dreg:$0x6]  }
0x5a: {  	[tilespmem:s15], [sflag:$0x5] =	stream.linear.gather [hbm4b:s8+s4], $0x80, $0x38;
	[tilespmem:$0x1E500] =	vst v63  }
0x5b: {  	_ =	swait.ge [sflag:s9], $0x80  }
0x5c: {  	[sflag:s9] =	ssyncset.done $0x0  }
0x5d: {  	[sflag:s9] =	ssyncadd.s32 $0xFFFFFF80  }
0x5e: {  	[tilespmem:s19], [sflag:$0x2] =	stream.indirect.gather [hbm4b:s5+s12], $0x80, s16, s12, $0xb8;
	[tilespmem:$0x1E500] =	vst v63  }
0x5f: {  	_ =	swait.ge [sflag:s20], $0x4000  }
0x60: {  	[sflag:s20] =	ssyncset.done $0x0  }
0x61: {  	[sflag:s20] =	ssyncadd.s32 $0xFFFFC000  }
0x62: {  	_ =	swait.ge [sflag:s21], $0x4000  }
0x63: {  	[sflag:s21] =	ssyncset.done $0x0  }
0x64: {  	[sflag:s21] =	ssyncadd.s32 $0xFFFFC000  }
0x65: {  	[spmem:s3] =	stream.indirect.scatter.add.f32 [tilespmem:s19], [sflag:$0x4], $0x80, s15, s12, $0xb8;
	[tilespmem:$0x1E500] =	vst v63  }
0x66: {  	s17 =	rddreg [dreg:$0x7]  }
0x67: {  	[tilespmem:s11], [sflag:$0x5] =	stream.linear.gather [hbm4b:s17+s4], $0x80, $0x38;
	[tilespmem:$0x1E500] =	vst v63  }
0x68: {  	_ =	swait.ge [sflag:s9], $0x80  }
0x69: {  	[sflag:s9] =	ssyncset.done $0x0  }
0x6a: {  	s30 =	simm.s32 $0x0;
	s1 =	rddreg [dreg:$0x16];
	[sflag:s9] =	ssyncadd.s32 $0xFFFFFF80  }
0x6b: {  	[tilespmem:s13], [sflag:$0x1] =	stream.indirect.gather [hbm4b:s5+s12], $0x80, s22, s12, $0xb8;
	[tilespmem:$0x1E500] =	vst v63  }
.LBB2_2:
0x6c: {  	_ =	swait.ge [sflag:s14], $0x4000  }
0x6d: {  	[sflag:s14] =	ssyncset.done $0x0  }
0x6e: {  	[sflag:s14] =	ssyncadd.s32 $0xFFFFC000  }
0x6f: {  	_ =	swait.ge [sflag:s23], $0x4000  }
0x70: {  	[sflag:s23] =	ssyncset.done $0x0  }
0x71: {  	[sflag:s23] =	ssyncadd.s32 $0xFFFFC000  }
0x72: {  	[spmem:s3] =	stream.indirect.scatter.add.f32 [tilespmem:s13], [sflag:$0x3], $0x80, s11, s12, $0xb8;
	[tilespmem:$0x1E500] =	vst v63  }
0x73: {  	s0 =	sadd.s32 $0xFFFFFFF0, s1  }
0x74: {  	[tilespmem:s15], [sflag:$0x5] =	stream.linear.gather [hbm4b:s0+s4], $0x80, $0x38;
	[tilespmem:$0x1E500] =	vst v63  }
0x75: {  	_ =	swait.ge [sflag:s9], $0x80  }
0x76: {  	s0 =	sshra.s32 s30, $0x2;
	[sflag:s9] =	ssyncset.done $0x0  }
0x77: {  	s8 =	sadd.s32 $0x1BD80, s0;
	[sflag:s9] =	ssyncadd.s32 $0xFFFFFF80  }
0x78: {  	[tilespmem:s19], [sflag:$0x2] =	stream.indirect.gather [hbm4b:s5+s12], $0x80, s8, s12, $0xb8;
	[tilespmem:$0x1E500] =	vst v63  }
0x79: {  	_ =	swait.ge [sflag:s20], $0x4000  }
0x7a: {  	p1 =	seq.s32 s30, $0x9800;
	[sflag:s20] =	ssyncset.done $0x0  }
.Ltmp2:
0x7b: {  	[sflag:s20] =	ssyncadd.s32 $0xFFFFC000;
	(pc) =	sbr.rel @p1 .LBB2_4-.Ltmp2, $4  }
0x7c: {  	_ =	swait.ge [sflag:s21], $0x4000  }
0x7d: {  	[sflag:s21] =	ssyncset.done $0x0  }
0x7e: {  	[sflag:s21] =	ssyncadd.s32 $0xFFFFC000  }
0x7f: {  	[spmem:s3] =	stream.indirect.scatter.add.f32 [tilespmem:s19], [sflag:$0x4], $0x80, s15, s12, $0xb8;
	[tilespmem:$0x1E500] =	vst v63  }
0x80: {  	[tilespmem:s11], [sflag:$0x5] =	stream.linear.gather [hbm4b:s1+s4], $0x80, $0x38;
	[tilespmem:$0x1E500] =	vst v63  }
.Ltmp3:
0x81: {  	_ = 	snop;
	(pc) =	sbr.rel .LBB2_2-.Ltmp3, $4  }
0x82: {  	_ =	swait.ge [sflag:s9], $0x80  }
0x83: {  	s0 =	sadd.s32 $0x1BE00, s0;
	[sflag:s9] =	ssyncset.done $0x0  }
0x84: {  	s30 =	sadd.s32 $0x400, s30;
	s1 =	sadd.s32 $0x20, s1;
	[sflag:s9] =	ssyncadd.s32 $0xFFFFFF80  }
0x85: {  	[tilespmem:s13], [sflag:$0x1] =	stream.indirect.gather [hbm4b:s5+s12], $0x80, s0, s12, $0xb8;
	[tilespmem:$0x1E500] =	vst v63  }
.LBB2_4:
0x86: {  	_ =	swait.ge [sflag:s23], $0x4000  }
0x87: {  	[sflag:s23] =	ssyncset.done $0x0  }
0x88: {  	[sflag:s23] =	ssyncadd.s32 $0xFFFFC000  }
0x89: {  	[bflag:$0x0] =	sbarrier.arrive $0xFFFF  }
0x8a: {  	s0 =	rddreg [dreg:$0x11]  }
0x8b: {  	s17 =	rddreg [dreg:$0x12];
	s1 =	sshrl.u32 s0, $0x3  }
0x8c: {  	[hbm:s17], [sflag:s18] =	dma.local [spmem:s1], $0x2780  }
0x8d: {  	_ =	swait.ge [sflag:s9], $0x2780  }
0x8e: {  	[sflag:s9] =	ssyncset.done $0x0  }
0x8f: {  	[sflag:s9] =	ssyncadd.s32 $0xFFFFD880  }
0x90: {  	[bflag:$0x0] =	sbarrier.arrive $0xFFFF  }
0x91: {  	[spmem:s25], [sflag:s18] =	dma.local [hbm:s2], $0x800  }
0x92: {  	_ =	swait.ge [sflag:s9], $0x800  }
0x93: {  	[sflag:s9] =	ssyncset.done $0x0  }
0x94: {  	[sflag:s9] =	ssyncadd.s32 $0xFFFFF800  }
0x95: {  	[spmem:s26], [sflag:s18] =	dma.local [hbm:s2], $0x800  }
0x96: {  	_ =	swait.ge [sflag:s9], $0x800  }
0x97: {  	[sflag:s9] =	ssyncset.done $0x0  }
0x98: {  	[sflag:s9] =	ssyncadd.s32 $0xFFFFF800  }
0x99: {  	[spmem:s28], [sflag:s18] =	dma.local [hbm:s2], $0x800  }
0x9a: {  	_ =	swait.ge [sflag:s9], $0x800  }
0x9b: {  	[sflag:s9] =	ssyncset.done $0x0  }
0x9c: {  	[sflag:s9] =	ssyncadd.s32 $0xFFFFF800  }
0x9d: {  	[spmem:s31], [sflag:s18] =	dma.local [hbm:s2], $0x800  }
0x9e: {  	_ =	swait.ge [sflag:s9], $0x800  }
0x9f: {  	[sflag:s9] =	ssyncset.done $0x0  }
0xa0: {  	s0 =	simm.s32 @!p0 $0x5;
	[sflag:s9] =	ssyncadd.s32 $0xFFFFF800  }
0xa1: {  	[spmem:s29], [sflag:s18] =	dma.local @!p0 [hbm:s2], $0x800  }
0xa2: {  	_ =	swait.ge @!p0 [sflag:s0], $0x800  }
0xa3: {  	[sflag:s0] =	ssyncset.done @!p0 $0x0  }
0xa4: {  	[sflag:s0] =	ssyncadd.s32 @!p0 $0xFFFFF800  }
0xa5: {  	[bflag:$0x0] =	sbarrier.arrive $0xFFFF  }
0xa6: {  	s30 =	simm.s32 $0x0;
	s8 =	rddreg [dreg:$0xf]  }
0xa7: {  	[tilespmem:s10], [sflag:$0x5] =	stream.linear.gather [hbm4b:s8+s30], $0x2800, $0x38;
	[tilespmem:$0x1E500] =	vst v63  }
0xa8: {  	_ =	swait.ge [sflag:s9], $0x2800  }
0xa9: {  	[sflag:s9] =	ssyncset.done $0x0  }
0xaa: {  	s17 =	rddreg [dreg:$0x5];
	[sflag:s9] =	ssyncadd.s32 $0xFFFFD800  }
0xab: {  	[tilespmem:s11], [sflag:$0x5] =	stream.linear.gather [hbm4b:s17+s30], $0x80, $0x38;
	[tilespmem:$0x1E500] =	vst v63  }
0xac: {  	_ =	swait.ge [sflag:s9], $0x80  }
0xad: {  	[sflag:s9] =	ssyncset.done $0x0  }
0xae: {  	[sflag:s9] =	ssyncadd.s32 $0xFFFFFF80  }
0xaf: {  	[tilespmem:s13], [sflag:$0x1] =	stream.indirect.gather [hbm4b:s6+s12], $0x80, s10, s12, $0xb8;
	[tilespmem:$0x1E500] =	vst v63  }
0xb0: {  	_ =	swait.ge [sflag:s14], $0x4000  }
0xb1: {  	[sflag:s14] =	ssyncset.done $0x0  }
0xb2: {  	[sflag:s14] =	ssyncadd.s32 $0xFFFFC000  }
0xb3: {  	[spmem:s3] =	stream.indirect.scatter.add.f32 [tilespmem:s13], [sflag:$0x3], $0x80, s11, s12, $0xb8;
	[tilespmem:$0x1E500] =	vst v63  }
0xb4: {  	s8 =	rddreg [dreg:$0x8]  }
0xb5: {  	[tilespmem:s15], [sflag:$0x5] =	stream.linear.gather [hbm4b:s8+s30], $0x80, $0x38;
	[tilespmem:$0x1E500] =	vst v63  }
0xb6: {  	_ =	swait.ge [sflag:s9], $0x80  }
0xb7: {  	[sflag:s9] =	ssyncset.done $0x0  }
0xb8: {  	[sflag:s9] =	ssyncadd.s32 $0xFFFFFF80  }
0xb9: {  	[tilespmem:s19], [sflag:$0x2] =	stream.indirect.gather [hbm4b:s6+s12], $0x80, s16, s12, $0xb8;
	[tilespmem:$0x1E500] =	vst v63  }
0xba: {  	_ =	swait.ge [sflag:s20], $0x4000  }
0xbb: {  	[sflag:s20] =	ssyncset.done $0x0  }
0xbc: {  	[sflag:s20] =	ssyncadd.s32 $0xFFFFC000  }
0xbd: {  	_ =	swait.ge [sflag:s21], $0x4000  }
0xbe: {  	[sflag:s21] =	ssyncset.done $0x0  }
0xbf: {  	[sflag:s21] =	ssyncadd.s32 $0xFFFFC000  }
0xc0: {  	[spmem:s3] =	stream.indirect.scatter.add.f32 [tilespmem:s19], [sflag:$0x4], $0x80, s15, s12, $0xb8;
	[tilespmem:$0x1E500] =	vst v63  }
0xc1: {  	s17 =	rddreg [dreg:$0x9]  }
0xc2: {  	[tilespmem:s11], [sflag:$0x5] =	stream.linear.gather [hbm4b:s17+s30], $0x80, $0x38;
	[tilespmem:$0x1E500] =	vst v63  }
0xc3: {  	_ =	swait.ge [sflag:s9], $0x80  }
0xc4: {  	[sflag:s9] =	ssyncset.done $0x0  }
0xc5: {  	s0 =	rddreg [dreg:$0x17];
	[sflag:s9] =	ssyncadd.s32 $0xFFFFFF80  }
0xc6: {  	[tilespmem:s13], [sflag:$0x1] =	stream.indirect.gather [hbm4b:s6+s12], $0x80, s22, s12, $0xb8;
	[tilespmem:$0x1E500] =	vst v63  }
.LBB2_5:
0xc7: {  	_ =	swait.ge [sflag:s14], $0x4000  }
0xc8: {  	[sflag:s14] =	ssyncset.done $0x0  }
0xc9: {  	[sflag:s14] =	ssyncadd.s32 $0xFFFFC000  }
0xca: {  	_ =	swait.ge [sflag:s23], $0x4000  }
0xcb: {  	[sflag:s23] =	ssyncset.done $0x0  }
0xcc: {  	[sflag:s23] =	ssyncadd.s32 $0xFFFFC000  }
0xcd: {  	[spmem:s3] =	stream.indirect.scatter.add.f32 [tilespmem:s13], [sflag:$0x3], $0x80, s11, s12, $0xb8;
	[tilespmem:$0x1E500] =	vst v63  }
0xce: {  	s8 =	sadd.s32 $0xFFFFFFF0, s0  }
0xcf: {  	[tilespmem:s15], [sflag:$0x5] =	stream.linear.gather [hbm4b:s8+s4], $0x80, $0x38;
	[tilespmem:$0x1E500] =	vst v63  }
0xd0: {  	_ =	swait.ge [sflag:s9], $0x80  }
0xd1: {  	s8 =	sshra.s32 s30, $0x2;
	[sflag:s9] =	ssyncset.done $0x0  }
0xd2: {  	s17 =	sadd.s32 $0x1BD80, s8;
	[sflag:s9] =	ssyncadd.s32 $0xFFFFFF80  }
0xd3: {  	[tilespmem:s19], [sflag:$0x2] =	stream.indirect.gather [hbm4b:s6+s12], $0x80, s17, s12, $0xb8;
	[tilespmem:$0x1E500] =	vst v63  }
0xd4: {  	_ =	swait.ge [sflag:s20], $0x4000  }
0xd5: {  	p1 =	seq.s32 s30, $0x9800;
	[sflag:s20] =	ssyncset.done $0x0  }
.Ltmp4:
0xd6: {  	[sflag:s20] =	ssyncadd.s32 $0xFFFFC000;
	(pc) =	sbr.rel @p1 .LBB2_7-.Ltmp4, $4  }
0xd7: {  	_ =	swait.ge [sflag:s21], $0x4000  }
0xd8: {  	[sflag:s21] =	ssyncset.done $0x0  }
0xd9: {  	[sflag:s21] =	ssyncadd.s32 $0xFFFFC000  }
0xda: {  	[spmem:s3] =	stream.indirect.scatter.add.f32 [tilespmem:s19], [sflag:$0x4], $0x80, s15, s12, $0xb8;
	[tilespmem:$0x1E500] =	vst v63  }
0xdb: {  	[tilespmem:s11], [sflag:$0x5] =	stream.linear.gather [hbm4b:s0+s4], $0x80, $0x38;
	[tilespmem:$0x1E500] =	vst v63  }
.Ltmp5:
0xdc: {  	_ = 	snop;
	(pc) =	sbr.rel .LBB2_5-.Ltmp5, $4  }
0xdd: {  	_ =	swait.ge [sflag:s9], $0x80  }
0xde: {  	s8 =	sadd.s32 $0x1BE00, s8;
	[sflag:s9] =	ssyncset.done $0x0  }
0xdf: {  	s30 =	sadd.s32 $0x400, s30;
	s0 =	sadd.s32 $0x20, s0;
	[sflag:s9] =	ssyncadd.s32 $0xFFFFFF80  }
0xe0: {  	[tilespmem:s13], [sflag:$0x1] =	stream.indirect.gather [hbm4b:s6+s12], $0x80, s8, s12, $0xb8;
	[tilespmem:$0x1E500] =	vst v63  }
.LBB2_7:
0xe1: {  	_ =	swait.ge [sflag:s23], $0x4000  }
0xe2: {  	[sflag:s23] =	ssyncset.done $0x0  }
0xe3: {  	[sflag:s23] =	ssyncadd.s32 $0xFFFFC000  }
0xe4: {  	[bflag:$0x0] =	sbarrier.arrive $0xFFFF  }
0xe5: {  	s0 =	rddreg [dreg:$0x13]  }
0xe6: {  	[hbm:s0], [sflag:s18] =	dma.local [spmem:s1], $0x2780  }
0xe7: {  	_ =	swait.ge [sflag:s9], $0x2780  }
0xe8: {  	[sflag:s9] =	ssyncset.done $0x0  }
0xe9: {  	[sflag:s9] =	ssyncadd.s32 $0xFFFFD880  }
0xea: {  	[bflag:$0x0] =	sbarrier.arrive $0xFFFF  }
0xeb: {  	[spmem:s25], [sflag:s18] =	dma.local [hbm:s2], $0x800  }
0xec: {  	_ =	swait.ge [sflag:s9], $0x800  }
0xed: {  	[sflag:s9] =	ssyncset.done $0x0  }
0xee: {  	[sflag:s9] =	ssyncadd.s32 $0xFFFFF800  }
0xef: {  	[spmem:s26], [sflag:s18] =	dma.local [hbm:s2], $0x800  }
0xf0: {  	_ =	swait.ge [sflag:s9], $0x800  }
0xf1: {  	[sflag:s9] =	ssyncset.done $0x0  }
0xf2: {  	[sflag:s9] =	ssyncadd.s32 $0xFFFFF800  }
0xf3: {  	[spmem:s28], [sflag:s18] =	dma.local [hbm:s2], $0x800  }
0xf4: {  	_ =	swait.ge [sflag:s9], $0x800  }
0xf5: {  	[sflag:s9] =	ssyncset.done $0x0  }
0xf6: {  	[sflag:s9] =	ssyncadd.s32 $0xFFFFF800  }
0xf7: {  	[spmem:s31], [sflag:s18] =	dma.local [hbm:s2], $0x800  }
0xf8: {  	_ =	swait.ge [sflag:s9], $0x800  }
0xf9: {  	[sflag:s9] =	ssyncset.done $0x0  }
0xfa: {  	s0 =	simm.s32 @!p0 $0x5;
	[sflag:s9] =	ssyncadd.s32 $0xFFFFF800  }
0xfb: {  	[spmem:s29], [sflag:s18] =	dma.local @!p0 [hbm:s2], $0x800  }
0xfc: {  	_ =	swait.ge @!p0 [sflag:s0], $0x800  }
0xfd: {  	[sflag:s0] =	ssyncset.done @!p0 $0x0  }
0xfe: {  	[sflag:s0] =	ssyncadd.s32 @!p0 $0xFFFFF800  }
0xff: {  	[bflag:$0x0] =	sbarrier.arrive $0xFFFF  }
0x100: {  	s25 =	simm.s32 $0x0;
	s28 =	rddreg [dreg:$0x10]  }
0x101: {  	[tilespmem:s10], [sflag:$0x5] =	stream.linear.gather [hbm4b:s28+s25], $0x2800, $0x38;
	[tilespmem:$0x1E500] =	vst v63  }
0x102: {  	_ =	swait.ge [sflag:s9], $0x2800  }
0x103: {  	[sflag:s9] =	ssyncset.done $0x0  }
0x104: {  	s29 =	rddreg [dreg:$0xc];
	[sflag:s9] =	ssyncadd.s32 $0xFFFFD800  }
0x105: {  	[tilespmem:s11], [sflag:$0x5] =	stream.linear.gather [hbm4b:s29+s25], $0x80, $0x38;
	[tilespmem:$0x1E500] =	vst v63  }
0x106: {  	_ =	swait.ge [sflag:s9], $0x80  }
0x107: {  	[sflag:s9] =	ssyncset.done $0x0  }
0x108: {  	[sflag:s9] =	ssyncadd.s32 $0xFFFFFF80  }
0x109: {  	[tilespmem:s13], [sflag:$0x1] =	stream.indirect.gather [hbm4b:s7+s12], $0x80, s10, s12, $0xb8;
	[tilespmem:$0x1E500] =	vst v63  }
0x10a: {  	_ =	swait.ge [sflag:s14], $0x4000  }
0x10b: {  	[sflag:s14] =	ssyncset.done $0x0  }
0x10c: {  	[sflag:s14] =	ssyncadd.s32 $0xFFFFC000  }
0x10d: {  	[spmem:s3] =	stream.indirect.scatter.add.f32 [tilespmem:s13], [sflag:$0x3], $0x80, s11, s12, $0xb8;
	[tilespmem:$0x1E500] =	vst v63  }
0x10e: {  	s30 =	rddreg [dreg:$0xb]  }
0x10f: {  	[tilespmem:s15], [sflag:$0x5] =	stream.linear.gather [hbm4b:s30+s25], $0x80, $0x38;
	[tilespmem:$0x1E500] =	vst v63  }
0x110: {  	_ =	swait.ge [sflag:s9], $0x80  }
0x111: {  	[sflag:s9] =	ssyncset.done $0x0  }
0x112: {  	[sflag:s9] =	ssyncadd.s32 $0xFFFFFF80  }
0x113: {  	[tilespmem:s19], [sflag:$0x2] =	stream.indirect.gather [hbm4b:s7+s12], $0x80, s16, s12, $0xb8;
	[tilespmem:$0x1E500] =	vst v63  }
0x114: {  	_ =	swait.ge [sflag:s20], $0x4000  }
0x115: {  	[sflag:s20] =	ssyncset.done $0x0  }
0x116: {  	[sflag:s20] =	ssyncadd.s32 $0xFFFFC000  }
0x117: {  	_ =	swait.ge [sflag:s21], $0x4000  }
0x118: {  	[sflag:s21] =	ssyncset.done $0x0  }
0x119: {  	[sflag:s21] =	ssyncadd.s32 $0xFFFFC000  }
0x11a: {  	[spmem:s3] =	stream.indirect.scatter.add.f32 [tilespmem:s19], [sflag:$0x4], $0x80, s15, s12, $0xb8;
	[tilespmem:$0x1E500] =	vst v63  }
0x11b: {  	s31 =	rddreg [dreg:$0xa]  }
0x11c: {  	[tilespmem:s11], [sflag:$0x5] =	stream.linear.gather [hbm4b:s31+s25], $0x80, $0x38;
	[tilespmem:$0x1E500] =	vst v63  }
0x11d: {  	_ =	swait.ge [sflag:s9], $0x80  }
0x11e: {  	[sflag:s9] =	ssyncset.done $0x0  }
0x11f: {  	s0 =	rddreg [dreg:$0x18];
	[sflag:s9] =	ssyncadd.s32 $0xFFFFFF80  }
0x120: {  	[tilespmem:s13], [sflag:$0x1] =	stream.indirect.gather [hbm4b:s7+s12], $0x80, s22, s12, $0xb8;
	[tilespmem:$0x1E500] =	vst v63  }
.LBB2_8:
0x121: {  	_ =	swait.ge [sflag:s14], $0x4000  }
0x122: {  	[sflag:s14] =	ssyncset.done $0x0  }
0x123: {  	[sflag:s14] =	ssyncadd.s32 $0xFFFFC000  }
0x124: {  	_ =	swait.ge [sflag:s23], $0x4000  }
0x125: {  	[sflag:s23] =	ssyncset.done $0x0  }
0x126: {  	[sflag:s23] =	ssyncadd.s32 $0xFFFFC000  }
0x127: {  	[spmem:s3] =	stream.indirect.scatter.add.f32 [tilespmem:s13], [sflag:$0x3], $0x80, s11, s12, $0xb8;
	[tilespmem:$0x1E500] =	vst v63  }
0x128: {  	s8 =	sadd.s32 $0xFFFFFFF0, s0  }
0x129: {  	[tilespmem:s15], [sflag:$0x5] =	stream.linear.gather [hbm4b:s8+s4], $0x80, $0x38;
	[tilespmem:$0x1E500] =	vst v63  }
0x12a: {  	_ =	swait.ge [sflag:s9], $0x80  }
0x12b: {  	s8 =	sshra.s32 s25, $0x2;
	[sflag:s9] =	ssyncset.done $0x0  }
0x12c: {  	s17 =	sadd.s32 $0x1BD80, s8;
	[sflag:s9] =	ssyncadd.s32 $0xFFFFFF80  }
0x12d: {  	[tilespmem:s19], [sflag:$0x2] =	stream.indirect.gather [hbm4b:s7+s12], $0x80, s17, s12, $0xb8;
	[tilespmem:$0x1E500] =	vst v63  }
0x12e: {  	_ =	swait.ge [sflag:s20], $0x4000  }
0x12f: {  	p1 =	seq.s32 s25, $0x9800;
	[sflag:s20] =	ssyncset.done $0x0  }
.Ltmp6:
0x130: {  	[sflag:s20] =	ssyncadd.s32 $0xFFFFC000;
	(pc) =	sbr.rel @p1 .LBB2_10-.Ltmp6, $4  }
0x131: {  	_ =	swait.ge [sflag:s21], $0x4000  }
0x132: {  	[sflag:s21] =	ssyncset.done $0x0  }
0x133: {  	[sflag:s21] =	ssyncadd.s32 $0xFFFFC000  }
0x134: {  	[spmem:s3] =	stream.indirect.scatter.add.f32 [tilespmem:s19], [sflag:$0x4], $0x80, s15, s12, $0xb8;
	[tilespmem:$0x1E500] =	vst v63  }
0x135: {  	[tilespmem:s11], [sflag:$0x5] =	stream.linear.gather [hbm4b:s0+s4], $0x80, $0x38;
	[tilespmem:$0x1E500] =	vst v63  }
.Ltmp7:
0x136: {  	_ = 	snop;
	(pc) =	sbr.rel .LBB2_8-.Ltmp7, $4  }
0x137: {  	_ =	swait.ge [sflag:s9], $0x80  }
0x138: {  	s8 =	sadd.s32 $0x1BE00, s8;
	[sflag:s9] =	ssyncset.done $0x0  }
0x139: {  	s25 =	sadd.s32 $0x400, s25;
	s0 =	sadd.s32 $0x20, s0;
	[sflag:s9] =	ssyncadd.s32 $0xFFFFFF80  }
0x13a: {  	[tilespmem:s13], [sflag:$0x1] =	stream.indirect.gather [hbm4b:s7+s12], $0x80, s8, s12, $0xb8;
	[tilespmem:$0x1E500] =	vst v63  }
.LBB2_11:
0x13b: {  	_ =	sfence.sel $0x180000  }
0x13c: {  	[bflag:$0x0] =	sbarrier.arrive $0xFFFF  }
0x13d: {  	_ =	strace $0x9000004A  }
0x13e: {  	s0 =	stileid.u32;
	[bflag:$0x2] =	sbarrier.arrive $0xFFFF  }
0x13f: {  	p0 =	sne.s32 s0, $0x0;
	s0 =	rddreg [dreg:$0x3]  }
0x140: {  	s0 =	sadd.s32 @!p0 $0x100000, s0  }
0x141: {  	[sflag:s0] =	ssyncadd.tile.s32 @!p0 $0x1;
	_ =	shalt  }
.Lfunc_end2:
_tile_overlayer_lowered:
.L_overlay_start_2:
0x142: {  	(tag) =	ssettag $0x2  }
0x143: {  	s0 =	rddreg [dreg:$0x0];
	s2 =	stileid.u32  }
0x144: {  	s1 =	rddreg [dreg:$0x1];
	p0 =	sne.s32 s2, $0x0  }
0x145: {  	s3 =	rddreg [dreg:$0x2];
	[bflag:$0x3] =	sbarrier.arrive $0xFFFF;
	s2 =	simm.s32 @!p0 $0x1C05  }
0x146: {  	[timem:s3], [sflag:s2] =	dma.local @!p0 [hbm:s0], s1  }
0x147: {  	s0 =	simm.s32 @!p0 $0x5  }
0x148: {  	_ =	swait.ge @!p0 [sflag:s0], s1  }
0x149: {  	s1 =	ssub.s32 @!p0 $0x0, s1;
	[sflag:s0] =	ssyncset.done @!p0 $0x0  }
0x14a: {  	[sflag:s0] =	ssyncadd.s32 @!p0 s1  }
0x14b: {  	[bflag:$0x3] =	sbarrier.arrive $0xFFFF  }
0x14c: {  	_ =	shalt  }

// kernel: kernel.15.cloned.1.call-start
scs
__scs_entry_jumppad:
0x0: {  	(pc) =	sbr.rel $0x88, $3  }
0x1: {  	(tag) =	ssettag $0x0;
	lr =	simm.s32 $0x1  }
0x2: {  	[smem:$0x3F90] =	sst lr;
	_ =	strace $0xD0000000  }
0x3: {  	_ = 	snop  }
0x4: {  	_ = 	snop  }
0x5: {  	_ = 	snop  }
0x6: {  	_ = 	snop  }
0x7: {  	_ = 	snop  }
__scs_overlays_trampoline_lowered:
0x8: {  	[smem:$0x3F9F] =	sst s0  }
0x9: {  	[smem:$0x3FA0] =	sst s1  }
0xa: {  	[smem:$0x3FA1] =	sst s2  }
0xb: {  	[smem:$0x3FA2] =	sst s3  }
0xc: {  	[smem:$0x3FA3] =	sst s4  }
0xd: {  	[smem:$0x3FA4] =	sst s5  }
0xe: {  	[smem:$0x3FA5] =	sst s6  }
0xf: {  	[smem:$0x3FA6] =	sst s7  }
0x10: {  	[smem:$0x3FA7] =	sst s8  }
0x11: {  	[smem:$0x3FA8] =	sst s9;
	s0 =	simm.s32 @!p0 $0x0  }
0x12: {  	s1 =	sld [smem:$0x3F8E];
	s0 =	simm.s32 @p0 $0x1  }
0x13: {  	[smem:$0x3FA9] =	sst s0;
	s0 =	simm.s32 @!p1 $0x0  }
0x14: {  	s2 =	sld [smem:$0x3F8D];
	s0 =	simm.s32 @p1 $0x1  }
0x15: {  	[smem:$0x3FAA] =	sst s0;
	s0 =	simm.s32 @!p2 $0x0  }
0x16: {  	s3 =	sld [smem:$0x3FDB];
	s0 =	simm.s32 @p2 $0x1  }
0x17: {  	s4 =	simm.s32 $0x1BF5;
	[smem:$0x3FAC] =	sst s0  }
0x18: {  	s0 =	sld [smem:$0x3F8F];
	_ =	swait.ge [sflag:s4], $0x0  }
0x19: {  	s7 =	sld [smem:$0x3F90]  }
0x1a: {  	s8 =	sadd.s32 $0xFFFFE003, lr  }
0x1b: {  	s9 =	sadd.s32 $0xFFFFFEF7, lr;
	s5 =	simm.s32 $0xFFFFFFFF;
	p2 =	slt.u32 s8, $0xFFFFF086  }
0x1c: {  	p1 =	slt.u32 s9, $0xF7A;
	s5 =	simm.s32 @!p2 $0x0  }
0x1d: {  	s5 =	simm.s32 @p1 $0x1;
	p0 =	seq.s32 s7, s2  }
0x1e: {  	s7 =	smul.u32 @!p0 $0xF7A, s2;
	p2 =	seq.s32 @!p0 s5, $0x0  }
0x1f: {  	s9 =	smul.u32 $0xF7A, s1;
	s8 =	simm.s32 @!p0 $0x1BF5;
	p2 =	por !p2, p0  }
0x20: {  	[sflag:s8] =	ssyncset.s32 @!p0 $0xFFFFF086;
	s6 =	sadd.s32 @!p0 s3, s7;
	s7 =	simm.s32 @!p0 $0x108  }
0x21: {  	s3 =	sadd.s32 s3, s9;
	s6 =	sadd.s32 @!p0 $0x88, s6;
	s7 =	simm.s32 @p2 $0x1082  }
0x22: {  	[simem:s7], [sflag:s8] =	dma.local @!p0 [hbm:s6], $0xF7A  }
0x23: {  	s9 =	sor.u32 $0xD0000000, s2;
	s6 =	simm.s32 $0x108;
	_ =	swait.ge @!p0 [sflag:s8], $0x0  }
0x24: {  	s3 =	sadd.s32 $0x88, s3;
	s6 =	simm.s32 @!p1 $0x1082;
	[sflag:s4] =	ssyncset.s32 $0xFFFFF086  }
0x25: {  	[simem:s6], [sflag:s4] =	dma.local [hbm:s3], $0xF7A  }
0x26: {  	[smem:$0x3F90] =	sst s1;
	(tag) =	ssettag s2;
	_ =	strace s9  }
0x27: {  	s1 =	sld [smem:$0x3FA0]  }
0x28: {  	s2 =	sld [smem:$0x3FA1]  }
0x29: {  	s4 =	sld [smem:$0x3FA3]  }
0x2a: {  	p0 =	seq.s32 s5, $0x0;
	s5 =	sld [smem:$0x3FA4]  }
0x2b: {  	s6 =	sld [smem:$0x3FA5]  }
0x2c: {  	s7 =	sld [smem:$0x3FA6]  }
0x2d: {  	s3 =	simm.s32 $0x108;
	s8 =	sld [smem:$0x3FA7]  }
0x2e: {  	s3 =	simm.s32 @!p0 $0x1082;
	s9 =	sld [smem:$0x3FA8]  }
0x2f: {  	lr =	sadd.s32 s0, s3;
	s0 =	sld [smem:$0x3F9F]  }
0x30: {  	s3 =	sld [smem:$0x3FA2]  }
0x31: {  	[smem:$0x3FAB] =	sst s10  }
0x32: {  	s10 =	sld [smem:$0x3FA9];
	_ =	sdelay $0x3  }
0x33: {  	p0 =	seq.s32 s10, $0x1;
	s10 =	sld [smem:$0x3FAB];
	_ =	sdelay $0x3  }
0x34: {  	[smem:$0x3FAB] =	sst s10  }
0x35: {  	s10 =	sld [smem:$0x3FAA];
	_ =	sdelay $0x3  }
0x36: {  	p1 =	seq.s32 s10, $0x1;
	s10 =	sld [smem:$0x3FAB];
	_ =	sdelay $0x3  }
0x37: {  	[smem:$0x3FAB] =	sst s10  }
0x38: {  	s10 =	sld [smem:$0x3FAC]  }
0x39: {  	_ = 	snop;
	(pc) =	sbr.ind lr, $3  }
0x3a: {  	_ = 	snop  }
0x3b: {  	_ = 	snop  }
0x3c: {  	p2 =	seq.s32 s10, $0x1;
	s10 =	sld [smem:$0x3FAB]  }
0x3d: {  	_ =	shalt  }
0x3e: {  	_ =	shalt  }
0x3f: {  	_ =	shalt  }
0x40: {  	_ =	shalt  }
0x41: {  	_ =	shalt  }
0x42: {  	_ =	shalt  }
0x43: {  	_ =	shalt  }
0x44: {  	_ =	shalt  }
0x45: {  	_ =	shalt  }
0x46: {  	_ =	shalt  }
0x47: {  	_ =	shalt  }
0x48: {  	_ =	shalt  }
0x49: {  	_ =	shalt  }
0x4a: {  	_ =	shalt  }
0x4b: {  	_ =	shalt  }
0x4c: {  	_ =	shalt  }
0x4d: {  	_ =	shalt  }
0x4e: {  	_ =	shalt  }
0x4f: {  	_ =	shalt  }
0x50: {  	_ =	shalt  }
0x51: {  	_ =	shalt  }
0x52: {  	_ =	shalt  }
0x53: {  	_ =	shalt  }
0x54: {  	_ =	shalt  }
0x55: {  	_ =	shalt  }
0x56: {  	_ =	shalt  }
0x57: {  	_ =	shalt  }
0x58: {  	_ =	shalt  }
0x59: {  	_ =	shalt  }
0x5a: {  	_ =	shalt  }
0x5b: {  	_ =	shalt  }
0x5c: {  	_ =	shalt  }
0x5d: {  	_ =	shalt  }
0x5e: {  	_ =	shalt  }
0x5f: {  	_ =	shalt  }
0x60: {  	_ =	shalt  }
0x61: {  	_ =	shalt  }
0x62: {  	_ =	shalt  }
0x63: {  	_ =	shalt  }
0x64: {  	_ =	shalt  }
0x65: {  	_ =	shalt  }
0x66: {  	_ =	shalt  }
0x67: {  	_ =	shalt  }
0x68: {  	_ =	shalt  }
0x69: {  	_ =	shalt  }
0x6a: {  	_ =	shalt  }
0x6b: {  	_ =	shalt  }
0x6c: {  	_ =	shalt  }
0x6d: {  	_ =	shalt  }
0x6e: {  	_ =	shalt  }
0x6f: {  	_ =	shalt  }
0x70: {  	_ =	shalt  }
0x71: {  	_ =	shalt  }
0x72: {  	_ =	shalt  }
0x73: {  	_ =	shalt  }
0x74: {  	_ =	shalt  }
0x75: {  	_ =	shalt  }
0x76: {  	_ =	shalt  }
0x77: {  	_ =	shalt  }
0x78: {  	_ =	shalt  }
0x79: {  	_ =	shalt  }
0x7a: {  	_ =	shalt  }
0x7b: {  	_ =	shalt  }
0x7c: {  	_ =	shalt  }
0x7d: {  	_ =	shalt  }
0x7e: {  	_ =	shalt  }
0x7f: {  	_ =	shalt  }
0x80: {  	_ =	shalt  }
0x81: {  	_ =	shalt  }
0x82: {  	_ =	shalt  }
0x83: {  	_ =	shalt  }
0x84: {  	_ =	shalt  }
0x85: {  	_ =	shalt  }
0x86: {  	_ =	shalt  }
0x87: {  	_ =	shalt  }
.Lfunc_end0:
.L_simem_size_0:
called_computation.2_lowered:
.L_overlay_start_0:
0x88: {  	s2 =	sld [smem:$0x3FD9]  }
0x89: {  	s3 =	sld [smem:$0x3FFE];
	_ =	sdelay $0x1  }
0x8a: {  	s1 =	srdreg.scid  }
0x8b: {  	s0 =	sand.u32 $0x1, s1  }
0x8c: {  	s17 =	sshll.u32 s0, $0xA;
	s2 =	sadd.s32 s3, s2  }
0x8d: {  	s2 =	sadd.s32 s2, s17  }
0x8e: {  	[smem:$0x3FB7] =	sst s2  }
0x8f: {  	_ = 	snop  }
0x90: {  	s2 =	sld [smem:$0x3FD0];
	(tm) =	ssettm $0x1  }
0x91: {  	s18 =	sld [smem:$0x3FFB];
	_ =	sdelay $0x3  }
0x92: {  	_ =	strace s18  }
0x93: {  	s3 =	sld [smem:$0x3FFC];
	_ =	sdelay $0x3  }
0x94: {  	_ =	strace s3  }
0x95: {  	s3 =	sld [smem:$0x3FFD];
	_ =	sdelay $0x3  }
0x96: {  	_ =	strace s3  }
0x97: {  	_ =	strace $0x8FFFFFFF  }
0x98: {  	s19 =	sld [smem:$0x3FDB];
	_ =	sdelay $0x1  }
0x99: {  	s4 =	simm.s32 $_scs_section_size  }
0x9a: {  	s5 =	simm.s32 $_size__tile_overlayer_lowered;
	s6 =	simm.s32 $_tile_overlayer_lowered  }
0x9b: {  	s22 =	simm.s32 $0x1BFF;
	s21 =	sshll.u32 s6, $0x1;
	s3 =	sadd.s32 s4, s19  }
0x9c: {  	s7 =	simm.s32 $0x0;
	s20 =	sshll.u32 s5, $0x1;
	s5 =	sadd.s32 s21, s3  }
0x9d: {  	[timem:s7], [sflag:s22] =	dma.local [hbm:s5], s20  }
0x9e: {  	_ =	swait.ge [sflag:s22], s20  }
0x9f: {  	s4 =	ssub.s32 $0x0, s20;
	[sflag:s22] =	ssyncset.done $0x0  }
0xa0: {  	[sflag:s22] =	ssyncadd.s32 s4;
	_ =	sdelay $0x1  }
0xa1: {  	s23 =	simm.s32 $0x1B8B  }
0xa2: {  	_ =	swait.ge [sflag:s23], $0x1  }
0xa3: {  	[sflag:s23] =	ssyncset.done $0x0  }
0xa4: {  	s25 =	simm.s32 $0x1B8E;
	s24 =	sld [smem:$0x3FFE];
	[sflag:s23] =	ssyncadd.s32 $0xFFFFFFFF  }
0xa5: {  	s26 =	simm.s32 $execute0_lowered;
	[smem:$0x3FD2] =	sst s25  }
0xa6: {  	s5 =	sshll.u32 s26, $0x1;
	_ =	strace $0x8000004C;
	[dreg:$0x1] =	wrdreg $0xFFFFFFFF  }
0xa7: {  	s28 =	simm.s32 $_size_execute0_lowered;
	s3 =	sadd.s32 s3, s5;
	[dreg:$0x0] =	wrdreg $0x0  }
0xa8: {  	s5 =	sshll.u32 s28, $0x1;
	[dreg:$0x2] =	wrdreg s3  }
0xa9: {  	[dreg:$0x3] =	wrdreg s5  }
0xaa: {  	[dreg:$0x4] =	wrdreg $0xC0  }
0xab: {  	_ =	task [dreg:s7], $0x5FFFF  }
0xac: {  	[dreg:$0x1] =	wrdreg $0xFFFFFFFF  }
0xad: {  	[dreg:$0x0] =	wrdreg $0x60  }
0xae: {  	[dreg:$0x2] =	wrdreg s24  }
0xaf: {  	[dreg:$0x3] =	wrdreg s2  }
0xb0: {  	[dreg:$0x4] =	wrdreg $0x0  }
0xb1: {  	[dreg:$0x5] =	wrdreg $0x9  }
0xb2: {  	_ =	task.clear_ibuf [dreg:s7], $0x6FFFF;
	_ =	strace $0x9000004C  }
0xb3: {  	s29 =	simm.s32 $0x9;
	_ =	strace $0x8000004E  }
0xb4: {  	_ =	swait.ge [sflag:s29], $0x1  }
0xb5: {  	[sflag:s29] =	ssyncadd.s32 $0xFFFFFFFF  }
0xb6: {  	_ =	strace $0x9000004E  }
0xb7: {  	_ =	sfence  }
0xb8: {  	s30 =	sld [smem:$0x0];
	_ =	sdelay $0x2  }
0xb9: {  	s31 =	sshll.u32 s1, $0xD;
	s1 =	sshrl.u32 s1, $0x2  }
0xba: {  	s3 =	sand.u32 $0x4000, s31;
	s1 =	sadd.s32 s1, s30  }
0xbb: {  	s0 =	sor.u32 s3, s0;
	s1 =	sshll.u32 s1, $0x11  }
0xbc: {  	s0 =	sor.u32 s1, s0  }
0xbd: {  	s0 =	sadd.s32 $0x8F2B, s0  }
0xbe: {  	[sflag:s0] =	ssyncadd.remote.s32 $0x1  }
0xbf: {  	_ =	sfence.sel $0xFFFF  }
0xc0: {  	[dreg:$0x0] =	wrdreg $0xFFFFFFFF;
	(pc) =	sbr.abs _section_cstart, $3  }
0xc1: {  	[dreg:$0x1] =	wrdreg $0xFFFFFFFF  }
0xc2: {  	_ =	task.clear_ibuf [dreg:s7], $0x2FFFF;
	_ =	strace $0x9FFFFFFF  }
0xc3: {  	(tm) =	ssettm $0x7FFFFFFF  }
tec
execute0_lowered:
.L_overlay_start_1:
0x0: {  	(tag) =	ssettag $0x1  }
0x1: {  	s0 =	rddreg [dreg:$0x0]  }
0x2: {  	s1 =	srdreg.scid;
	s2 =	rddreg [dreg:$0x1]  }
0x3: {  	s19 =	stileid.u32;
	s3 =	rddreg [dreg:$0x2]  }
0x4: {  	s1 =	sand.u32 $0x1, s1;
	s4 =	sshll.u32 s19, $0x1;
	s10 =	smul.u32 $0x13C00, s19  }
0x5: {  	s6 =	sadd.s32 $0x40600, s0;
	s7 =	sadd.s32 $0x67800, s0;
	s12 =	sadd.s32 $0x18600, s0  }
0x6: {  	s13 =	sadd.s32 $0xE600, s0;
	s15 =	sadd.s32 $0x4600, s0;
	s22 =	sshll.u32 s19, $0xE  }
0x7: {  	s23 =	sadd.s32 $0x18610, s0;
	s24 =	sadd.s32 $0xE610, s0;
	s28 =	smul.u32 $0xA00, s19  }
0x8: {  	p0 =	seq.s32 s19, $0xF;
	s5 =	sor.u32 s1, s4;
	s9 =	smul.u32 $0x3B4000, s1  }
0x9: {  	s4 =	simm.s32 $0x0;
	s21 =	ssub.s32 $0x2, s1;
	s30 =	smul.u32 $0x500, s1  }
0xa: {  	s8 =	smul.u32 $0x500, s5;
	[smem:$0x7FF] =	sst s4;
	s5 =	sadd.s32 $0xDF200, s0  }
0xb: {  	s14 =	sshrl.u32 s21, $0x1;
	_ =	strace $0x8000004D;
	s9 =	sadd.s32 s10, s9  }
0xc: {  	s10 =	ssub.s32 s21, s14;
	s14 =	sadd.s32 s22, s3;
	s11 =	sadd.s32 s8, s0  }
0xd: {  	s9 =	sshrl.u32 s9, $0x3;
	s16 =	sadd.s32 s12, s8;
	[dreg:$0xd] =	wrdreg s14  }
0xe: {  	s17 =	sadd.s32 s13, s8;
	s18 =	sor.u32 $0x10, s8;
	[dreg:$0x4] =	wrdreg s16  }
0xf: {  	s20 =	sadd.s32 s8, s23;
	s25 =	sadd.s32 s8, s24;
	[dreg:$0x5] =	wrdreg s17  }
0x10: {  	s31 =	sadd.s32 s15, s8;
	s9 =	sadd.s32 s9, s0;
	[dreg:$0x6] =	wrdreg s20  }
0x11: {  	s0 =	sadd.s32 $0x4610, s0;
	s16 =	sadd.s32 s18, s23;
	[dreg:$0x8] =	wrdreg s25  }
0x12: {  	s26 =	sadd.s32 s18, s24;
	[dreg:$0xc] =	wrdreg s31;
	s20 =	sadd.s32 $0x22600, s11  }
0x13: {  	s21 =	sadd.s32 $0x2C600, s11;
	s11 =	sadd.s32 $0x36600, s11;
	[dreg:$0x7] =	wrdreg s16  }
0x14: {  	s25 =	smax.u32 s10, $0x1;
	s31 =	sadd.s32 $0x100000, s14;
	[dreg:$0x9] =	wrdreg s26  }
0x15: {  	s10 =	simm.s32 $0x1BC00;
	s29 =	sadd.s32 s18, s0;
	[dreg:$0xe] =	wrdreg s20  }
0x16: {  	s0 =	sadd.s32 s8, s0;
	s8 =	sadd.s32 s28, s12;
	[dreg:$0xf] =	wrdreg s21  }
0x17: {  	s12 =	sadd.s32 s28, s13;
	s13 =	sadd.s32 s28, s15;
	[dreg:$0x10] =	wrdreg s11  }
0x18: {  	s15 =	smul.u32 $0x4F000, s19;
	s16 =	sshll.u32 s19, $0x6;
	[dreg:$0x15] =	wrdreg s25  }
0x19: {  	s23 =	sadd.s32 $0x12D600, s9;
	s24 =	sadd.s32 $0x154E00, s9;
	[dreg:$0x1c] =	wrdreg s31  }
0x1a: {  	s9 =	sadd.s32 $0x17C600, s9;
	s28 =	sadd.s32 $0x40000, s14;
	[dreg:$0xa] =	wrdreg s29  }
0x1b: {  	s11 =	simm.s32 $0x1E400;
	s19 =	simm.s32 $0x17C00;
	[dreg:$0xb] =	wrdreg s0  }
0x1c: {  	s20 =	simm.s32 $0x2;
	s21 =	simm.s32 $0x3;
	[dreg:$0x12] =	wrdreg s23  }
0x1d: {  	s1 =	sadd.s32 s30, s8;
	s8 =	sadd.s32 s30, s12;
	[dreg:$0x13] =	wrdreg s24  }
0x1e: {  	s0 =	sadd.s32 s30, s13;
	s18 =	sor.u32 $0x1C05, s16;
	[dreg:$0x14] =	wrdreg s9  }
0x1f: {  	[dreg:$0x19] =	wrdreg s28;
	s29 =	sadd.s32 $0x80000, s14;
	s30 =	sadd.s32 $0xC0000, s14  }
0x20: {  	s9 =	simm.s32 $0x5;
	s12 =	simm.s32 $0x80;
	s13 =	simm.s32 $0x13C00  }
0x21: {  	s14 =	simm.s32 $0x1;
	s16 =	simm.s32 $0x1BC80;
	[dreg:$0x1a] =	wrdreg s29  }
.Ltmp0:
0x22: {  	s1 =	sadd.s32 $0x40, s1;
	[dreg:$0x1b] =	wrdreg s30;
	(pc) =	sbr.rel .LBB2_1-.Ltmp0, $4  }
0x23: {  	s23 =	simm.s32 $0x4;
	s26 =	sadd.s32 $0x40, s8;
	[dreg:$0x16] =	wrdreg s1  }
0x24: {  	s17 =	sshrl.u32 s15, $0x2;
	s0 =	sadd.s32 $0x40, s0;
	[dreg:$0x17] =	wrdreg s26  }
0x25: {  	s24 =	simm.s32 $0x0;
	s22 =	sadd.s32 s17, s3;
	[dreg:$0x18] =	wrdreg s0  }
0x26: {  	s15 =	simm.s32 $0x1E480;
	[dreg:$0x11] =	wrdreg s22;
	s22 =	simm.s32 $0x1BD00  }
.LBB2_10:
0x27: {  	_ =	swait.ge [sflag:s23], $0x4000  }
0x28: {  	[sflag:s23] =	ssyncset.done $0x0  }
0x29: {  	[sflag:s23] =	ssyncadd.s32 $0xFFFFC000  }
0x2a: {  	[bflag:$0x0] =	sbarrier.arrive $0xFFFF  }
0x2b: {  	s0 =	rddreg [dreg:$0x14]  }
0x2c: {  	[hbm:s0], [sflag:s18] =	dma.local [spmem:s1], $0x2780  }
0x2d: {  	_ =	swait.ge [sflag:s9], $0x2780  }
0x2e: {  	s24 =	sadd.s32 $0x1, s24;
	s31 =	rddreg [dreg:$0x15]  }
0x2f: {  	p1 =	sne.s32 s24, s31  }
.Ltmp1:
0x30: {  	_ = 	snop;
	(pc) =	sbr.rel @!p1 .LBB2_11-.Ltmp1, $3  }
0x31: {  	_ =	sdelay $0x1  }
0x32: {  	[sflag:s9] =	ssyncset.done $0x0  }
0x33: {  	[sflag:s9] =	ssyncadd.s32 $0xFFFFD880  }
.LBB2_1:
0x34: {  	s0 =	rddreg [dreg:$0xd]  }
0x35: {  	s25 =	sshrl.u32 s0, $0x3  }
0x36: {  	[spmem:s25], [sflag:s18] =	dma.local [hbm:s2], $0x800  }
0x37: {  	_ =	swait.ge [sflag:s9], $0x800  }
0x38: {  	[sflag:s9] =	ssyncset.done $0x0;
	s26 =	rddreg [dreg:$0x19]  }
0x39: {  	[sflag:s9] =	ssyncadd.s32 $0xFFFFF800;
	s26 =	sshrl.u32 s26, $0x3  }
0x3a: {  	[spmem:s26], [sflag:s18] =	dma.local [hbm:s2], $0x800  }
0x3b: {  	_ =	swait.ge [sflag:s9], $0x800  }
0x3c: {  	[sflag:s9] =	ssyncset.done $0x0;
	s1 =	rddreg [dreg:$0x1a]  }
0x3d: {  	[sflag:s9] =	ssyncadd.s32 $0xFFFFF800;
	s28 =	sshrl.u32 s1, $0x3  }
0x3e: {  	[spmem:s28], [sflag:s18] =	dma.local [hbm:s2], $0x800  }
0x3f: {  	_ =	swait.ge [sflag:s9], $0x800  }
0x40: {  	[sflag:s9] =	ssyncset.done $0x0;
	s8 =	rddreg [dreg:$0x1b]  }
0x41: {  	[sflag:s9] =	ssyncadd.s32 $0xFFFFF800;
	s31 =	sshrl.u32 s8, $0x3  }
0x42: {  	[spmem:s31], [sflag:s18] =	dma.local [hbm:s2], $0x800  }
0x43: {  	_ =	swait.ge [sflag:s9], $0x800  }
0x44: {  	[sflag:s9] =	ssyncset.done $0x0;
	s0 =	rddreg [dreg:$0x1c]  }
0x45: {  	[sflag:s9] =	ssyncadd.s32 $0xFFFFF800;
	s29 =	sshrl.u32 @!p0 s0, $0x3;
	s0 =	simm.s32 @!p0 $0x5  }
0x46: {  	[spmem:s29], [sflag:s18] =	dma.local @!p0 [hbm:s2], $0x800  }
0x47: {  	_ =	swait.ge @!p0 [sflag:s0], $0x800  }
0x48: {  	[sflag:s0] =	ssyncset.done @!p0 $0x0  }
0x49: {  	[sflag:s0] =	ssyncadd.s32 @!p0 $0xFFFFF800  }
0x4a: {  	[bflag:$0x0] =	sbarrier.arrive $0xFFFF  }
0x4b: {  	s17 =	rddreg [dreg:$0xe]  }
0x4c: {  	[tilespmem:s10], [sflag:$0x5] =	stream.linear.gather [hbm4b:s17+s4], $0x2800, $0x38;
	[tilespmem:$0x1E500] =	vst v63  }
0x4d: {  	_ =	swait.ge [sflag:s9], $0x2800  }
0x4e: {  	[sflag:s9] =	ssyncset.done $0x0  }
0x4f: {  	s1 =	rddreg [dreg:$0x4];
	[sflag:s9] =	ssyncadd.s32 $0xFFFFD800  }
0x50: {  	[tilespmem:s11], [sflag:$0x5] =	stream.linear.gather [hbm4b:s1+s4], $0x80, $0x38;
	[tilespmem:$0x1E500] =	vst v63  }
0x51: {  	_ =	swait.ge [sflag:s9], $0x80  }
0x52: {  	[sflag:s9] =	ssyncset.done $0x0  }
0x53: {  	[sflag:s9] =	ssyncadd.s32 $0xFFFFFF80  }
0x54: {  	[tilespmem:s13], [sflag:$0x1] =	stream.indirect.gather [hbm4b:s5+s12], $0x80, s10, s12, $0xb8;
	[tilespmem:$0x1E500] =	vst v63  }
0x55: {  	_ =	swait.ge [sflag:s14], $0x4000  }
0x56: {  	[sflag:s14] =	ssyncset.done $0x0  }
0x57: {  	[sflag:s14] =	ssyncadd.s32 $0xFFFFC000  }
0x58: {  	[spmem:s3] =	stream.indirect.scatter.add.f32 [tilespmem:s13], [sflag:$0x3], $0x80, s11, s12, $0xb8;
	[tilespmem:$0x1E500] =	vst v63  }
0x59: {  	s8 =	rddreg [dreg:$0x6]  }
0x5a: {  	[tilespmem:s15], [sflag:$0x5] =	stream.linear.gather [hbm4b:s8+s4], $0x80, $0x38;
	[tilespmem:$0x1E500] =	vst v63  }
0x5b: {  	_ =	swait.ge [sflag:s9], $0x80  }
0x5c: {  	[sflag:s9] =	ssyncset.done $0x0  }
0x5d: {  	[sflag:s9] =	ssyncadd.s32 $0xFFFFFF80  }
0x5e: {  	[tilespmem:s19], [sflag:$0x2] =	stream.indirect.gather [hbm4b:s5+s12], $0x80, s16, s12, $0xb8;
	[tilespmem:$0x1E500] =	vst v63  }
0x5f: {  	_ =	swait.ge [sflag:s20], $0x4000  }
0x60: {  	[sflag:s20] =	ssyncset.done $0x0  }
0x61: {  	[sflag:s20] =	ssyncadd.s32 $0xFFFFC000  }
0x62: {  	_ =	swait.ge [sflag:s21], $0x4000  }
0x63: {  	[sflag:s21] =	ssyncset.done $0x0  }
0x64: {  	[sflag:s21] =	ssyncadd.s32 $0xFFFFC000  }
0x65: {  	[spmem:s3] =	stream.indirect.scatter.add.f32 [tilespmem:s19], [sflag:$0x4], $0x80, s15, s12, $0xb8;
	[tilespmem:$0x1E500] =	vst v63  }
0x66: {  	s17 =	rddreg [dreg:$0x7]  }
0x67: {  	[tilespmem:s11], [sflag:$0x5] =	stream.linear.gather [hbm4b:s17+s4], $0x80, $0x38;
	[tilespmem:$0x1E500] =	vst v63  }
0x68: {  	_ =	swait.ge [sflag:s9], $0x80  }
0x69: {  	[sflag:s9] =	ssyncset.done $0x0  }
0x6a: {  	s30 =	simm.s32 $0x0;
	s1 =	rddreg [dreg:$0x16];
	[sflag:s9] =	ssyncadd.s32 $0xFFFFFF80  }
0x6b: {  	[tilespmem:s13], [sflag:$0x1] =	stream.indirect.gather [hbm4b:s5+s12], $0x80, s22, s12, $0xb8;
	[tilespmem:$0x1E500] =	vst v63  }
.LBB2_2:
0x6c: {  	_ =	swait.ge [sflag:s14], $0x4000  }
0x6d: {  	[sflag:s14] =	ssyncset.done $0x0  }
0x6e: {  	[sflag:s14] =	ssyncadd.s32 $0xFFFFC000  }
0x6f: {  	_ =	swait.ge [sflag:s23], $0x4000  }
0x70: {  	[sflag:s23] =	ssyncset.done $0x0  }
0x71: {  	[sflag:s23] =	ssyncadd.s32 $0xFFFFC000  }
0x72: {  	[spmem:s3] =	stream.indirect.scatter.add.f32 [tilespmem:s13], [sflag:$0x3], $0x80, s11, s12, $0xb8;
	[tilespmem:$0x1E500] =	vst v63  }
0x73: {  	s0 =	sadd.s32 $0xFFFFFFF0, s1  }
0x74: {  	[tilespmem:s15], [sflag:$0x5] =	stream.linear.gather [hbm4b:s0+s4], $0x80, $0x38;
	[tilespmem:$0x1E500] =	vst v63  }
0x75: {  	_ =	swait.ge [sflag:s9], $0x80  }
0x76: {  	s0 =	sshra.s32 s30, $0x2;
	[sflag:s9] =	ssyncset.done $0x0  }
0x77: {  	s8 =	sadd.s32 $0x1BD80, s0;
	[sflag:s9] =	ssyncadd.s32 $0xFFFFFF80  }
0x78: {  	[tilespmem:s19], [sflag:$0x2] =	stream.indirect.gather [hbm4b:s5+s12], $0x80, s8, s12, $0xb8;
	[tilespmem:$0x1E500] =	vst v63  }
0x79: {  	_ =	swait.ge [sflag:s20], $0x4000  }
0x7a: {  	p1 =	seq.s32 s30, $0x9800;
	[sflag:s20] =	ssyncset.done $0x0  }
.Ltmp2:
0x7b: {  	[sflag:s20] =	ssyncadd.s32 $0xFFFFC000;
	(pc) =	sbr.rel @p1 .LBB2_4-.Ltmp2, $4  }
0x7c: {  	_ =	swait.ge [sflag:s21], $0x4000  }
0x7d: {  	[sflag:s21] =	ssyncset.done $0x0  }
0x7e: {  	[sflag:s21] =	ssyncadd.s32 $0xFFFFC000  }
0x7f: {  	[spmem:s3] =	stream.indirect.scatter.add.f32 [tilespmem:s19], [sflag:$0x4], $0x80, s15, s12, $0xb8;
	[tilespmem:$0x1E500] =	vst v63  }
0x80: {  	[tilespmem:s11], [sflag:$0x5] =	stream.linear.gather [hbm4b:s1+s4], $0x80, $0x38;
	[tilespmem:$0x1E500] =	vst v63  }
.Ltmp3:
0x81: {  	_ = 	snop;
	(pc) =	sbr.rel .LBB2_2-.Ltmp3, $4  }
0x82: {  	_ =	swait.ge [sflag:s9], $0x80  }
0x83: {  	s0 =	sadd.s32 $0x1BE00, s0;
	[sflag:s9] =	ssyncset.done $0x0  }
0x84: {  	s30 =	sadd.s32 $0x400, s30;
	s1 =	sadd.s32 $0x20, s1;
	[sflag:s9] =	ssyncadd.s32 $0xFFFFFF80  }
0x85: {  	[tilespmem:s13], [sflag:$0x1] =	stream.indirect.gather [hbm4b:s5+s12], $0x80, s0, s12, $0xb8;
	[tilespmem:$0x1E500] =	vst v63  }
.LBB2_4:
0x86: {  	_ =	swait.ge [sflag:s23], $0x4000  }
0x87: {  	[sflag:s23] =	ssyncset.done $0x0  }
0x88: {  	[sflag:s23] =	ssyncadd.s32 $0xFFFFC000  }
0x89: {  	[bflag:$0x0] =	sbarrier.arrive $0xFFFF  }
0x8a: {  	s0 =	rddreg [dreg:$0x11]  }
0x8b: {  	s17 =	rddreg [dreg:$0x12];
	s1 =	sshrl.u32 s0, $0x3  }
0x8c: {  	[hbm:s17], [sflag:s18] =	dma.local [spmem:s1], $0x2780  }
0x8d: {  	_ =	swait.ge [sflag:s9], $0x2780  }
0x8e: {  	[sflag:s9] =	ssyncset.done $0x0  }
0x8f: {  	[sflag:s9] =	ssyncadd.s32 $0xFFFFD880  }
0x90: {  	[bflag:$0x0] =	sbarrier.arrive $0xFFFF  }
0x91: {  	[spmem:s25], [sflag:s18] =	dma.local [hbm:s2], $0x800  }
0x92: {  	_ =	swait.ge [sflag:s9], $0x800  }
0x93: {  	[sflag:s9] =	ssyncset.done $0x0  }
0x94: {  	[sflag:s9] =	ssyncadd.s32 $0xFFFFF800  }
0x95: {  	[spmem:s26], [sflag:s18] =	dma.local [hbm:s2], $0x800  }
0x96: {  	_ =	swait.ge [sflag:s9], $0x800  }
0x97: {  	[sflag:s9] =	ssyncset.done $0x0  }
0x98: {  	[sflag:s9] =	ssyncadd.s32 $0xFFFFF800  }
0x99: {  	[spmem:s28], [sflag:s18] =	dma.local [hbm:s2], $0x800  }
0x9a: {  	_ =	swait.ge [sflag:s9], $0x800  }
0x9b: {  	[sflag:s9] =	ssyncset.done $0x0  }
0x9c: {  	[sflag:s9] =	ssyncadd.s32 $0xFFFFF800  }
0x9d: {  	[spmem:s31], [sflag:s18] =	dma.local [hbm:s2], $0x800  }
0x9e: {  	_ =	swait.ge [sflag:s9], $0x800  }
0x9f: {  	[sflag:s9] =	ssyncset.done $0x0  }
0xa0: {  	s0 =	simm.s32 @!p0 $0x5;
	[sflag:s9] =	ssyncadd.s32 $0xFFFFF800  }
0xa1: {  	[spmem:s29], [sflag:s18] =	dma.local @!p0 [hbm:s2], $0x800  }
0xa2: {  	_ =	swait.ge @!p0 [sflag:s0], $0x800  }
0xa3: {  	[sflag:s0] =	ssyncset.done @!p0 $0x0  }
0xa4: {  	[sflag:s0] =	ssyncadd.s32 @!p0 $0xFFFFF800  }
0xa5: {  	[bflag:$0x0] =	sbarrier.arrive $0xFFFF  }
0xa6: {  	s30 =	simm.s32 $0x0;
	s8 =	rddreg [dreg:$0xf]  }
0xa7: {  	[tilespmem:s10], [sflag:$0x5] =	stream.linear.gather [hbm4b:s8+s30], $0x2800, $0x38;
	[tilespmem:$0x1E500] =	vst v63  }
0xa8: {  	_ =	swait.ge [sflag:s9], $0x2800  }
0xa9: {  	[sflag:s9] =	ssyncset.done $0x0  }
0xaa: {  	s17 =	rddreg [dreg:$0x5];
	[sflag:s9] =	ssyncadd.s32 $0xFFFFD800  }
0xab: {  	[tilespmem:s11], [sflag:$0x5] =	stream.linear.gather [hbm4b:s17+s30], $0x80, $0x38;
	[tilespmem:$0x1E500] =	vst v63  }
0xac: {  	_ =	swait.ge [sflag:s9], $0x80  }
0xad: {  	[sflag:s9] =	ssyncset.done $0x0  }
0xae: {  	[sflag:s9] =	ssyncadd.s32 $0xFFFFFF80  }
0xaf: {  	[tilespmem:s13], [sflag:$0x1] =	stream.indirect.gather [hbm4b:s6+s12], $0x80, s10, s12, $0xb8;
	[tilespmem:$0x1E500] =	vst v63  }
0xb0: {  	_ =	swait.ge [sflag:s14], $0x4000  }
0xb1: {  	[sflag:s14] =	ssyncset.done $0x0  }
0xb2: {  	[sflag:s14] =	ssyncadd.s32 $0xFFFFC000  }
0xb3: {  	[spmem:s3] =	stream.indirect.scatter.add.f32 [tilespmem:s13], [sflag:$0x3], $0x80, s11, s12, $0xb8;
	[tilespmem:$0x1E500] =	vst v63  }
0xb4: {  	s8 =	rddreg [dreg:$0x8]  }
0xb5: {  	[tilespmem:s15], [sflag:$0x5] =	stream.linear.gather [hbm4b:s8+s30], $0x80, $0x38;
	[tilespmem:$0x1E500] =	vst v63  }
0xb6: {  	_ =	swait.ge [sflag:s9], $0x80  }
0xb7: {  	[sflag:s9] =	ssyncset.done $0x0  }
0xb8: {  	[sflag:s9] =	ssyncadd.s32 $0xFFFFFF80  }
0xb9: {  	[tilespmem:s19], [sflag:$0x2] =	stream.indirect.gather [hbm4b:s6+s12], $0x80, s16, s12, $0xb8;
	[tilespmem:$0x1E500] =	vst v63  }
0xba: {  	_ =	swait.ge [sflag:s20], $0x4000  }
0xbb: {  	[sflag:s20] =	ssyncset.done $0x0  }
0xbc: {  	[sflag:s20] =	ssyncadd.s32 $0xFFFFC000  }
0xbd: {  	_ =	swait.ge [sflag:s21], $0x4000  }
0xbe: {  	[sflag:s21] =	ssyncset.done $0x0  }
0xbf: {  	[sflag:s21] =	ssyncadd.s32 $0xFFFFC000  }
0xc0: {  	[spmem:s3] =	stream.indirect.scatter.add.f32 [tilespmem:s19], [sflag:$0x4], $0x80, s15, s12, $0xb8;
	[tilespmem:$0x1E500] =	vst v63  }
0xc1: {  	s17 =	rddreg [dreg:$0x9]  }
0xc2: {  	[tilespmem:s11], [sflag:$0x5] =	stream.linear.gather [hbm4b:s17+s30], $0x80, $0x38;
	[tilespmem:$0x1E500] =	vst v63  }
0xc3: {  	_ =	swait.ge [sflag:s9], $0x80  }
0xc4: {  	[sflag:s9] =	ssyncset.done $0x0  }
0xc5: {  	s0 =	rddreg [dreg:$0x17];
	[sflag:s9] =	ssyncadd.s32 $0xFFFFFF80  }
0xc6: {  	[tilespmem:s13], [sflag:$0x1] =	stream.indirect.gather [hbm4b:s6+s12], $0x80, s22, s12, $0xb8;
	[tilespmem:$0x1E500] =	vst v63  }
.LBB2_5:
0xc7: {  	_ =	swait.ge [sflag:s14], $0x4000  }
0xc8: {  	[sflag:s14] =	ssyncset.done $0x0  }
0xc9: {  	[sflag:s14] =	ssyncadd.s32 $0xFFFFC000  }
0xca: {  	_ =	swait.ge [sflag:s23], $0x4000  }
0xcb: {  	[sflag:s23] =	ssyncset.done $0x0  }
0xcc: {  	[sflag:s23] =	ssyncadd.s32 $0xFFFFC000  }
0xcd: {  	[spmem:s3] =	stream.indirect.scatter.add.f32 [tilespmem:s13], [sflag:$0x3], $0x80, s11, s12, $0xb8;
	[tilespmem:$0x1E500] =	vst v63  }
0xce: {  	s8 =	sadd.s32 $0xFFFFFFF0, s0  }
0xcf: {  	[tilespmem:s15], [sflag:$0x5] =	stream.linear.gather [hbm4b:s8+s4], $0x80, $0x38;
	[tilespmem:$0x1E500] =	vst v63  }
0xd0: {  	_ =	swait.ge [sflag:s9], $0x80  }
0xd1: {  	s8 =	sshra.s32 s30, $0x2;
	[sflag:s9] =	ssyncset.done $0x0  }
0xd2: {  	s17 =	sadd.s32 $0x1BD80, s8;
	[sflag:s9] =	ssyncadd.s32 $0xFFFFFF80  }
0xd3: {  	[tilespmem:s19], [sflag:$0x2] =	stream.indirect.gather [hbm4b:s6+s12], $0x80, s17, s12, $0xb8;
	[tilespmem:$0x1E500] =	vst v63  }
0xd4: {  	_ =	swait.ge [sflag:s20], $0x4000  }
0xd5: {  	p1 =	seq.s32 s30, $0x9800;
	[sflag:s20] =	ssyncset.done $0x0  }
.Ltmp4:
0xd6: {  	[sflag:s20] =	ssyncadd.s32 $0xFFFFC000;
	(pc) =	sbr.rel @p1 .LBB2_7-.Ltmp4, $4  }
0xd7: {  	_ =	swait.ge [sflag:s21], $0x4000  }
0xd8: {  	[sflag:s21] =	ssyncset.done $0x0  }
0xd9: {  	[sflag:s21] =	ssyncadd.s32 $0xFFFFC000  }
0xda: {  	[spmem:s3] =	stream.indirect.scatter.add.f32 [tilespmem:s19], [sflag:$0x4], $0x80, s15, s12, $0xb8;
	[tilespmem:$0x1E500] =	vst v63  }
0xdb: {  	[tilespmem:s11], [sflag:$0x5] =	stream.linear.gather [hbm4b:s0+s4], $0x80, $0x38;
	[tilespmem:$0x1E500] =	vst v63  }
.Ltmp5:
0xdc: {  	_ = 	snop;
	(pc) =	sbr.rel .LBB2_5-.Ltmp5, $4  }
0xdd: {  	_ =	swait.ge [sflag:s9], $0x80  }
0xde: {  	s8 =	sadd.s32 $0x1BE00, s8;
	[sflag:s9] =	ssyncset.done $0x0  }
0xdf: {  	s30 =	sadd.s32 $0x400, s30;
	s0 =	sadd.s32 $0x20, s0;
	[sflag:s9] =	ssyncadd.s32 $0xFFFFFF80  }
0xe0: {  	[tilespmem:s13], [sflag:$0x1] =	stream.indirect.gather [hbm4b:s6+s12], $0x80, s8, s12, $0xb8;
	[tilespmem:$0x1E500] =	vst v63  }
.LBB2_7:
0xe1: {  	_ =	swait.ge [sflag:s23], $0x4000  }
0xe2: {  	[sflag:s23] =	ssyncset.done $0x0  }
0xe3: {  	[sflag:s23] =	ssyncadd.s32 $0xFFFFC000  }
0xe4: {  	[bflag:$0x0] =	sbarrier.arrive $0xFFFF  }
0xe5: {  	s0 =	rddreg [dreg:$0x13]  }
0xe6: {  	[hbm:s0], [sflag:s18] =	dma.local [spmem:s1], $0x2780  }
0xe7: {  	_ =	swait.ge [sflag:s9], $0x2780  }
0xe8: {  	[sflag:s9] =	ssyncset.done $0x0  }
0xe9: {  	[sflag:s9] =	ssyncadd.s32 $0xFFFFD880  }
0xea: {  	[bflag:$0x0] =	sbarrier.arrive $0xFFFF  }
0xeb: {  	[spmem:s25], [sflag:s18] =	dma.local [hbm:s2], $0x800  }
0xec: {  	_ =	swait.ge [sflag:s9], $0x800  }
0xed: {  	[sflag:s9] =	ssyncset.done $0x0  }
0xee: {  	[sflag:s9] =	ssyncadd.s32 $0xFFFFF800  }
0xef: {  	[spmem:s26], [sflag:s18] =	dma.local [hbm:s2], $0x800  }
0xf0: {  	_ =	swait.ge [sflag:s9], $0x800  }
0xf1: {  	[sflag:s9] =	ssyncset.done $0x0  }
0xf2: {  	[sflag:s9] =	ssyncadd.s32 $0xFFFFF800  }
0xf3: {  	[spmem:s28], [sflag:s18] =	dma.local [hbm:s2], $0x800  }
0xf4: {  	_ =	swait.ge [sflag:s9], $0x800  }
0xf5: {  	[sflag:s9] =	ssyncset.done $0x0  }
0xf6: {  	[sflag:s9] =	ssyncadd.s32 $0xFFFFF800  }
0xf7: {  	[spmem:s31], [sflag:s18] =	dma.local [hbm:s2], $0x800  }
0xf8: {  	_ =	swait.ge [sflag:s9], $0x800  }
0xf9: {  	[sflag:s9] =	ssyncset.done $0x0  }
0xfa: {  	s0 =	simm.s32 @!p0 $0x5;
	[sflag:s9] =	ssyncadd.s32 $0xFFFFF800  }
0xfb: {  	[spmem:s29], [sflag:s18] =	dma.local @!p0 [hbm:s2], $0x800  }
0xfc: {  	_ =	swait.ge @!p0 [sflag:s0], $0x800  }
0xfd: {  	[sflag:s0] =	ssyncset.done @!p0 $0x0  }
0xfe: {  	[sflag:s0] =	ssyncadd.s32 @!p0 $0xFFFFF800  }
0xff: {  	[bflag:$0x0] =	sbarrier.arrive $0xFFFF  }
0x100: {  	s25 =	simm.s32 $0x0;
	s28 =	rddreg [dreg:$0x10]  }
0x101: {  	[tilespmem:s10], [sflag:$0x5] =	stream.linear.gather [hbm4b:s28+s25], $0x2800, $0x38;
	[tilespmem:$0x1E500] =	vst v63  }
0x102: {  	_ =	swait.ge [sflag:s9], $0x2800  }
0x103: {  	[sflag:s9] =	ssyncset.done $0x0  }
0x104: {  	s29 =	rddreg [dreg:$0xc];
	[sflag:s9] =	ssyncadd.s32 $0xFFFFD800  }
0x105: {  	[tilespmem:s11], [sflag:$0x5] =	stream.linear.gather [hbm4b:s29+s25], $0x80, $0x38;
	[tilespmem:$0x1E500] =	vst v63  }
0x106: {  	_ =	swait.ge [sflag:s9], $0x80  }
0x107: {  	[sflag:s9] =	ssyncset.done $0x0  }
0x108: {  	[sflag:s9] =	ssyncadd.s32 $0xFFFFFF80  }
0x109: {  	[tilespmem:s13], [sflag:$0x1] =	stream.indirect.gather [hbm4b:s7+s12], $0x80, s10, s12, $0xb8;
	[tilespmem:$0x1E500] =	vst v63  }
0x10a: {  	_ =	swait.ge [sflag:s14], $0x4000  }
0x10b: {  	[sflag:s14] =	ssyncset.done $0x0  }
0x10c: {  	[sflag:s14] =	ssyncadd.s32 $0xFFFFC000  }
0x10d: {  	[spmem:s3] =	stream.indirect.scatter.add.f32 [tilespmem:s13], [sflag:$0x3], $0x80, s11, s12, $0xb8;
	[tilespmem:$0x1E500] =	vst v63  }
0x10e: {  	s30 =	rddreg [dreg:$0xb]  }
0x10f: {  	[tilespmem:s15], [sflag:$0x5] =	stream.linear.gather [hbm4b:s30+s25], $0x80, $0x38;
	[tilespmem:$0x1E500] =	vst v63  }
0x110: {  	_ =	swait.ge [sflag:s9], $0x80  }
0x111: {  	[sflag:s9] =	ssyncset.done $0x0  }
0x112: {  	[sflag:s9] =	ssyncadd.s32 $0xFFFFFF80  }
0x113: {  	[tilespmem:s19], [sflag:$0x2] =	stream.indirect.gather [hbm4b:s7+s12], $0x80, s16, s12, $0xb8;
	[tilespmem:$0x1E500] =	vst v63  }
0x114: {  	_ =	swait.ge [sflag:s20], $0x4000  }
0x115: {  	[sflag:s20] =	ssyncset.done $0x0  }
0x116: {  	[sflag:s20] =	ssyncadd.s32 $0xFFFFC000  }
0x117: {  	_ =	swait.ge [sflag:s21], $0x4000  }
0x118: {  	[sflag:s21] =	ssyncset.done $0x0  }
0x119: {  	[sflag:s21] =	ssyncadd.s32 $0xFFFFC000  }
0x11a: {  	[spmem:s3] =	stream.indirect.scatter.add.f32 [tilespmem:s19], [sflag:$0x4], $0x80, s15, s12, $0xb8;
	[tilespmem:$0x1E500] =	vst v63  }
0x11b: {  	s31 =	rddreg [dreg:$0xa]  }
0x11c: {  	[tilespmem:s11], [sflag:$0x5] =	stream.linear.gather [hbm4b:s31+s25], $0x80, $0x38;
	[tilespmem:$0x1E500] =	vst v63  }
0x11d: {  	_ =	swait.ge [sflag:s9], $0x80  }
0x11e: {  	[sflag:s9] =	ssyncset.done $0x0  }
0x11f: {  	s0 =	rddreg [dreg:$0x18];
	[sflag:s9] =	ssyncadd.s32 $0xFFFFFF80  }
0x120: {  	[tilespmem:s13], [sflag:$0x1] =	stream.indirect.gather [hbm4b:s7+s12], $0x80, s22, s12, $0xb8;
	[tilespmem:$0x1E500] =	vst v63  }
.LBB2_8:
0x121: {  	_ =	swait.ge [sflag:s14], $0x4000  }
0x122: {  	[sflag:s14] =	ssyncset.done $0x0  }
0x123: {  	[sflag:s14] =	ssyncadd.s32 $0xFFFFC000  }
0x124: {  	_ =	swait.ge [sflag:s23], $0x4000  }
0x125: {  	[sflag:s23] =	ssyncset.done $0x0  }
0x126: {  	[sflag:s23] =	ssyncadd.s32 $0xFFFFC000  }
0x127: {  	[spmem:s3] =	stream.indirect.scatter.add.f32 [tilespmem:s13], [sflag:$0x3], $0x80, s11, s12, $0xb8;
	[tilespmem:$0x1E500] =	vst v63  }
0x128: {  	s8 =	sadd.s32 $0xFFFFFFF0, s0  }
0x129: {  	[tilespmem:s15], [sflag:$0x5] =	stream.linear.gather [hbm4b:s8+s4], $0x80, $0x38;
	[tilespmem:$0x1E500] =	vst v63  }
0x12a: {  	_ =	swait.ge [sflag:s9], $0x80  }
0x12b: {  	s8 =	sshra.s32 s25, $0x2;
	[sflag:s9] =	ssyncset.done $0x0  }
0x12c: {  	s17 =	sadd.s32 $0x1BD80, s8;
	[sflag:s9] =	ssyncadd.s32 $0xFFFFFF80  }
0x12d: {  	[tilespmem:s19], [sflag:$0x2] =	stream.indirect.gather [hbm4b:s7+s12], $0x80, s17, s12, $0xb8;
	[tilespmem:$0x1E500] =	vst v63  }
0x12e: {  	_ =	swait.ge [sflag:s20], $0x4000  }
0x12f: {  	p1 =	seq.s32 s25, $0x9800;
	[sflag:s20] =	ssyncset.done $0x0  }
.Ltmp6:
0x130: {  	[sflag:s20] =	ssyncadd.s32 $0xFFFFC000;
	(pc) =	sbr.rel @p1 .LBB2_10-.Ltmp6, $4  }
0x131: {  	_ =	swait.ge [sflag:s21], $0x4000  }
0x132: {  	[sflag:s21] =	ssyncset.done $0x0  }
0x133: {  	[sflag:s21] =	ssyncadd.s32 $0xFFFFC000  }
0x134: {  	[spmem:s3] =	stream.indirect.scatter.add.f32 [tilespmem:s19], [sflag:$0x4], $0x80, s15, s12, $0xb8;
	[tilespmem:$0x1E500] =	vst v63  }
0x135: {  	[tilespmem:s11], [sflag:$0x5] =	stream.linear.gather [hbm4b:s0+s4], $0x80, $0x38;
	[tilespmem:$0x1E500] =	vst v63  }
.Ltmp7:
0x136: {  	_ = 	snop;
	(pc) =	sbr.rel .LBB2_8-.Ltmp7, $4  }
0x137: {  	_ =	swait.ge [sflag:s9], $0x80  }
0x138: {  	s8 =	sadd.s32 $0x1BE00, s8;
	[sflag:s9] =	ssyncset.done $0x0  }
0x139: {  	s25 =	sadd.s32 $0x400, s25;
	s0 =	sadd.s32 $0x20, s0;
	[sflag:s9] =	ssyncadd.s32 $0xFFFFFF80  }
0x13a: {  	[tilespmem:s13], [sflag:$0x1] =	stream.indirect.gather [hbm4b:s7+s12], $0x80, s8, s12, $0xb8;
	[tilespmem:$0x1E500] =	vst v63  }
.LBB2_11:
0x13b: {  	_ =	sfence.sel $0x180000  }
0x13c: {  	[bflag:$0x0] =	sbarrier.arrive $0xFFFF  }
0x13d: {  	_ =	strace $0x9000004D  }
0x13e: {  	s0 =	stileid.u32;
	[bflag:$0x2] =	sbarrier.arrive $0xFFFF  }
0x13f: {  	p0 =	sne.s32 s0, $0x0;
	s0 =	rddreg [dreg:$0x3]  }
0x140: {  	s0 =	sadd.s32 @!p0 $0x100000, s0  }
0x141: {  	[sflag:s0] =	ssyncadd.tile.s32 @!p0 $0x1;
	_ =	shalt  }
.Lfunc_end2:
_tile_overlayer_lowered:
.L_overlay_start_2:
0x142: {  	(tag) =	ssettag $0x2  }
0x143: {  	s0 =	rddreg [dreg:$0x0];
	s2 =	stileid.u32  }
0x144: {  	s1 =	rddreg [dreg:$0x1];
	p0 =	sne.s32 s2, $0x0  }
0x145: {  	s3 =	rddreg [dreg:$0x2];
	[bflag:$0x3] =	sbarrier.arrive $0xFFFF;
	s2 =	simm.s32 @!p0 $0x1C05  }
0x146: {  	[timem:s3], [sflag:s2] =	dma.local @!p0 [hbm:s0], s1  }
0x147: {  	s0 =	simm.s32 @!p0 $0x5  }
0x148: {  	_ =	swait.ge @!p0 [sflag:s0], s1  }
0x149: {  	s1 =	ssub.s32 @!p0 $0x0, s1;
	[sflag:s0] =	ssyncset.done @!p0 $0x0  }
0x14a: {  	[sflag:s0] =	ssyncadd.s32 @!p0 s1  }
0x14b: {  	[bflag:$0x3] =	sbarrier.arrive $0xFFFF  }
0x14c: {  	_ =	shalt  }

// kernel: kernel.18.cloned.1.call-start
scs
__scs_entry_jumppad:
0x0: {  	(pc) =	sbr.rel $0x88, $3  }
0x1: {  	(tag) =	ssettag $0x0;
	lr =	simm.s32 $0x1  }
0x2: {  	[smem:$0x3F90] =	sst lr;
	_ =	strace $0xD0000000  }
0x3: {  	_ = 	snop  }
0x4: {  	_ = 	snop  }
0x5: {  	_ = 	snop  }
0x6: {  	_ = 	snop  }
0x7: {  	_ = 	snop  }
__scs_overlays_trampoline_lowered:
0x8: {  	[smem:$0x3F9F] =	sst s0  }
0x9: {  	[smem:$0x3FA0] =	sst s1  }
0xa: {  	[smem:$0x3FA1] =	sst s2  }
0xb: {  	[smem:$0x3FA2] =	sst s3  }
0xc: {  	[smem:$0x3FA3] =	sst s4  }
0xd: {  	[smem:$0x3FA4] =	sst s5  }
0xe: {  	[smem:$0x3FA5] =	sst s6  }
0xf: {  	[smem:$0x3FA6] =	sst s7  }
0x10: {  	[smem:$0x3FA7] =	sst s8  }
0x11: {  	[smem:$0x3FA8] =	sst s9;
	s0 =	simm.s32 @!p0 $0x0  }
0x12: {  	s1 =	sld [smem:$0x3F8E];
	s0 =	simm.s32 @p0 $0x1  }
0x13: {  	[smem:$0x3FA9] =	sst s0;
	s0 =	simm.s32 @!p1 $0x0  }
0x14: {  	s2 =	sld [smem:$0x3F8D];
	s0 =	simm.s32 @p1 $0x1  }
0x15: {  	[smem:$0x3FAA] =	sst s0;
	s0 =	simm.s32 @!p2 $0x0  }
0x16: {  	s3 =	sld [smem:$0x3FDB];
	s0 =	simm.s32 @p2 $0x1  }
0x17: {  	s4 =	simm.s32 $0x1BF5;
	[smem:$0x3FAC] =	sst s0  }
0x18: {  	s0 =	sld [smem:$0x3F8F];
	_ =	swait.ge [sflag:s4], $0x0  }
0x19: {  	s7 =	sld [smem:$0x3F90]  }
0x1a: {  	s8 =	sadd.s32 $0xFFFFE003, lr  }
0x1b: {  	s9 =	sadd.s32 $0xFFFFFEF7, lr;
	s5 =	simm.s32 $0xFFFFFFFF;
	p2 =	slt.u32 s8, $0xFFFFF086  }
0x1c: {  	p1 =	slt.u32 s9, $0xF7A;
	s5 =	simm.s32 @!p2 $0x0  }
0x1d: {  	s5 =	simm.s32 @p1 $0x1;
	p0 =	seq.s32 s7, s2  }
0x1e: {  	s7 =	smul.u32 @!p0 $0xF7A, s2;
	p2 =	seq.s32 @!p0 s5, $0x0  }
0x1f: {  	s9 =	smul.u32 $0xF7A, s1;
	s8 =	simm.s32 @!p0 $0x1BF5;
	p2 =	por !p2, p0  }
0x20: {  	[sflag:s8] =	ssyncset.s32 @!p0 $0xFFFFF086;
	s6 =	sadd.s32 @!p0 s3, s7;
	s7 =	simm.s32 @!p0 $0x108  }
0x21: {  	s3 =	sadd.s32 s3, s9;
	s6 =	sadd.s32 @!p0 $0x88, s6;
	s7 =	simm.s32 @p2 $0x1082  }
0x22: {  	[simem:s7], [sflag:s8] =	dma.local @!p0 [hbm:s6], $0xF7A  }
0x23: {  	s9 =	sor.u32 $0xD0000000, s2;
	s6 =	simm.s32 $0x108;
	_ =	swait.ge @!p0 [sflag:s8], $0x0  }
0x24: {  	s3 =	sadd.s32 $0x88, s3;
	s6 =	simm.s32 @!p1 $0x1082;
	[sflag:s4] =	ssyncset.s32 $0xFFFFF086  }
0x25: {  	[simem:s6], [sflag:s4] =	dma.local [hbm:s3], $0xF7A  }
0x26: {  	[smem:$0x3F90] =	sst s1;
	(tag) =	ssettag s2;
	_ =	strace s9  }
0x27: {  	s1 =	sld [smem:$0x3FA0]  }
0x28: {  	s2 =	sld [smem:$0x3FA1]  }
0x29: {  	s4 =	sld [smem:$0x3FA3]  }
0x2a: {  	p0 =	seq.s32 s5, $0x0;
	s5 =	sld [smem:$0x3FA4]  }
0x2b: {  	s6 =	sld [smem:$0x3FA5]  }
0x2c: {  	s7 =	sld [smem:$0x3FA6]  }
0x2d: {  	s3 =	simm.s32 $0x108;
	s8 =	sld [smem:$0x3FA7]  }
0x2e: {  	s3 =	simm.s32 @!p0 $0x1082;
	s9 =	sld [smem:$0x3FA8]  }
0x2f: {  	lr =	sadd.s32 s0, s3;
	s0 =	sld [smem:$0x3F9F]  }
0x30: {  	s3 =	sld [smem:$0x3FA2]  }
0x31: {  	[smem:$0x3FAB] =	sst s10  }
0x32: {  	s10 =	sld [smem:$0x3FA9];
	_ =	sdelay $0x3  }
0x33: {  	p0 =	seq.s32 s10, $0x1;
	s10 =	sld [smem:$0x3FAB];
	_ =	sdelay $0x3  }
0x34: {  	[smem:$0x3FAB] =	sst s10  }
0x35: {  	s10 =	sld [smem:$0x3FAA];
	_ =	sdelay $0x3  }
0x36: {  	p1 =	seq.s32 s10, $0x1;
	s10 =	sld [smem:$0x3FAB];
	_ =	sdelay $0x3  }
0x37: {  	[smem:$0x3FAB] =	sst s10  }
0x38: {  	s10 =	sld [smem:$0x3FAC]  }
0x39: {  	_ = 	snop;
	(pc) =	sbr.ind lr, $3  }
0x3a: {  	_ = 	snop  }
0x3b: {  	_ = 	snop  }
0x3c: {  	p2 =	seq.s32 s10, $0x1;
	s10 =	sld [smem:$0x3FAB]  }
0x3d: {  	_ =	shalt  }
0x3e: {  	_ =	shalt  }
0x3f: {  	_ =	shalt  }
0x40: {  	_ =	shalt  }
0x41: {  	_ =	shalt  }
0x42: {  	_ =	shalt  }
0x43: {  	_ =	shalt  }
0x44: {  	_ =	shalt  }
0x45: {  	_ =	shalt  }
0x46: {  	_ =	shalt  }
0x47: {  	_ =	shalt  }
0x48: {  	_ =	shalt  }
0x49: {  	_ =	shalt  }
0x4a: {  	_ =	shalt  }
0x4b: {  	_ =	shalt  }
0x4c: {  	_ =	shalt  }
0x4d: {  	_ =	shalt  }
0x4e: {  	_ =	shalt  }
0x4f: {  	_ =	shalt  }
0x50: {  	_ =	shalt  }
0x51: {  	_ =	shalt  }
0x52: {  	_ =	shalt  }
0x53: {  	_ =	shalt  }
0x54: {  	_ =	shalt  }
0x55: {  	_ =	shalt  }
0x56: {  	_ =	shalt  }
0x57: {  	_ =	shalt  }
0x58: {  	_ =	shalt  }
0x59: {  	_ =	shalt  }
0x5a: {  	_ =	shalt  }
0x5b: {  	_ =	shalt  }
0x5c: {  	_ =	shalt  }
0x5d: {  	_ =	shalt  }
0x5e: {  	_ =	shalt  }
0x5f: {  	_ =	shalt  }
0x60: {  	_ =	shalt  }
0x61: {  	_ =	shalt  }
0x62: {  	_ =	shalt  }
0x63: {  	_ =	shalt  }
0x64: {  	_ =	shalt  }
0x65: {  	_ =	shalt  }
0x66: {  	_ =	shalt  }
0x67: {  	_ =	shalt  }
0x68: {  	_ =	shalt  }
0x69: {  	_ =	shalt  }
0x6a: {  	_ =	shalt  }
0x6b: {  	_ =	shalt  }
0x6c: {  	_ =	shalt  }
0x6d: {  	_ =	shalt  }
0x6e: {  	_ =	shalt  }
0x6f: {  	_ =	shalt  }
0x70: {  	_ =	shalt  }
0x71: {  	_ =	shalt  }
0x72: {  	_ =	shalt  }
0x73: {  	_ =	shalt  }
0x74: {  	_ =	shalt  }
0x75: {  	_ =	shalt  }
0x76: {  	_ =	shalt  }
0x77: {  	_ =	shalt  }
0x78: {  	_ =	shalt  }
0x79: {  	_ =	shalt  }
0x7a: {  	_ =	shalt  }
0x7b: {  	_ =	shalt  }
0x7c: {  	_ =	shalt  }
0x7d: {  	_ =	shalt  }
0x7e: {  	_ =	shalt  }
0x7f: {  	_ =	shalt  }
0x80: {  	_ =	shalt  }
0x81: {  	_ =	shalt  }
0x82: {  	_ =	shalt  }
0x83: {  	_ =	shalt  }
0x84: {  	_ =	shalt  }
0x85: {  	_ =	shalt  }
0x86: {  	_ =	shalt  }
0x87: {  	_ =	shalt  }
.Lfunc_end0:
.L_simem_size_0:
called_computation.3_lowered:
.L_overlay_start_0:
0x88: {  	s2 =	sld [smem:$0x3FD9]  }
0x89: {  	s3 =	sld [smem:$0x3FFE];
	_ =	sdelay $0x1  }
0x8a: {  	s1 =	srdreg.scid  }
0x8b: {  	s0 =	sand.u32 $0x1, s1  }
0x8c: {  	s17 =	sshll.u32 s0, $0xA;
	s2 =	sadd.s32 s3, s2  }
0x8d: {  	s2 =	sadd.s32 s2, s17  }
0x8e: {  	[smem:$0x3FB7] =	sst s2  }
0x8f: {  	_ = 	snop  }
0x90: {  	s2 =	sld [smem:$0x3FC5]  }
0x91: {  	s18 =	sld [smem:$0x3FD0];
	(tm) =	ssettm $0x1  }
0x92: {  	s4 =	sld [smem:$0x3FFB];
	_ =	sdelay $0x3  }
0x93: {  	_ =	strace s4  }
0x94: {  	s4 =	sld [smem:$0x3FFC];
	_ =	sdelay $0x3  }
0x95: {  	_ =	strace s4  }
0x96: {  	s4 =	sld [smem:$0x3FFD];
	_ =	sdelay $0x3  }
0x97: {  	_ =	strace s4  }
0x98: {  	_ =	strace $0x8FFFFFFF  }
0x99: {  	s19 =	sld [smem:$0x3FDB];
	_ =	sdelay $0x1  }
0x9a: {  	s5 =	simm.s32 $_scs_section_size  }
0x9b: {  	s6 =	simm.s32 $_size__tile_overlayer_lowered;
	s7 =	simm.s32 $_tile_overlayer_lowered  }
0x9c: {  	s22 =	simm.s32 $0x1BFF;
	s21 =	sshll.u32 s7, $0x1;
	s4 =	sadd.s32 s5, s19  }
0x9d: {  	s8 =	simm.s32 $0x0;
	s20 =	sshll.u32 s6, $0x1;
	s6 =	sadd.s32 s21, s4  }
0x9e: {  	[timem:s8], [sflag:s22] =	dma.local [hbm:s6], s20  }
0x9f: {  	_ =	swait.ge [sflag:s22], s20  }
0xa0: {  	s5 =	ssub.s32 $0x0, s20;
	[sflag:s22] =	ssyncset.done $0x0  }
0xa1: {  	[sflag:s22] =	ssyncadd.s32 s5;
	_ =	sdelay $0x1  }
0xa2: {  	s23 =	simm.s32 $0x1B8B  }
0xa3: {  	_ =	swait.ge [sflag:s23], $0x1  }
0xa4: {  	[sflag:s23] =	ssyncset.done $0x0  }
0xa5: {  	s25 =	simm.s32 $0x1B8E;
	s24 =	sld [smem:$0x3FFE];
	[sflag:s23] =	ssyncadd.s32 $0xFFFFFFFF  }
0xa6: {  	s26 =	simm.s32 $execute0_lowered;
	[smem:$0x3FD2] =	sst s25  }
0xa7: {  	s6 =	sshll.u32 s26, $0x1;
	_ =	strace $0x8000004F;
	[dreg:$0x1] =	wrdreg $0xFFFFFFFF  }
0xa8: {  	s28 =	simm.s32 $_size_execute0_lowered;
	s4 =	sadd.s32 s4, s6;
	[dreg:$0x0] =	wrdreg $0x0  }
0xa9: {  	s6 =	sshll.u32 s28, $0x1;
	[dreg:$0x2] =	wrdreg s4  }
0xaa: {  	[dreg:$0x3] =	wrdreg s6  }
0xab: {  	[dreg:$0x4] =	wrdreg $0xC0  }
0xac: {  	_ =	task [dreg:s8], $0x5FFFF  }
0xad: {  	[dreg:$0x1] =	wrdreg $0xFFFFFFFF  }
0xae: {  	[dreg:$0x0] =	wrdreg $0x60  }
0xaf: {  	[dreg:$0x2] =	wrdreg s24  }
0xb0: {  	[dreg:$0x3] =	wrdreg s2  }
0xb1: {  	[dreg:$0x4] =	wrdreg s18  }
0xb2: {  	[dreg:$0x5] =	wrdreg $0x9  }
0xb3: {  	_ =	task.clear_ibuf [dreg:s8], $0x6FFFF;
	_ =	strace $0x9000004F  }
0xb4: {  	s29 =	simm.s32 $0x9;
	_ =	strace $0x80000051  }
0xb5: {  	_ =	swait.ge [sflag:s29], $0x1  }
0xb6: {  	[sflag:s29] =	ssyncadd.s32 $0xFFFFFFFF  }
0xb7: {  	_ =	strace $0x90000051  }
0xb8: {  	_ =	sfence  }
0xb9: {  	s30 =	sld [smem:$0x0];
	_ =	sdelay $0x2  }
0xba: {  	s31 =	sshll.u32 s1, $0xD;
	s1 =	sshrl.u32 s1, $0x2  }
0xbb: {  	s3 =	sand.u32 $0x4000, s31;
	s1 =	sadd.s32 s1, s30  }
0xbc: {  	s0 =	sor.u32 s3, s0;
	s1 =	sshll.u32 s1, $0x11  }
0xbd: {  	s0 =	sor.u32 s1, s0  }
0xbe: {  	s0 =	sadd.s32 $0x8F2B, s0  }
0xbf: {  	[sflag:s0] =	ssyncadd.remote.s32 $0x1  }
0xc0: {  	_ =	sfence.sel $0xFFFF  }
0xc1: {  	[dreg:$0x0] =	wrdreg $0xFFFFFFFF;
	(pc) =	sbr.abs _section_cstart, $3  }
0xc2: {  	[dreg:$0x1] =	wrdreg $0xFFFFFFFF  }
0xc3: {  	_ =	task.clear_ibuf [dreg:s8], $0x2FFFF;
	_ =	strace $0x9FFFFFFF  }
0xc4: {  	(tm) =	ssettm $0x7FFFFFFF  }
0xc5: {  	_ =	shalt  }
tec
execute0_lowered:
.L_overlay_start_1:
0x0: {  	(tag) =	ssettag $0x1  }
0x1: {  	s5 =	rddreg [dreg:$0x0]  }
0x2: {  	s1 =	srdreg.scid;
	s3 =	rddreg [dreg:$0x1]  }
0x3: {  	s0 =	stileid.u32;
	s9 =	rddreg [dreg:$0x2];
	s6 =	sand.u32 $0x1, s1  }
0x4: {  	s2 =	simm.s32 $0x0;
	s4 =	sshll.u32 s0, $0x6;
	s7 =	sshll.u32 s6, $0x5  }
0x5: {  	s8 =	simm.s32 $0x1;
	[smem:$0x7FF] =	sst s2;
	s10 =	sor.u32 s7, s4  }
0x6: {  	s1 =	rddreg [dreg:$0x3];
	_ =	strace $0x80000050;
	s4 =	sshrl.u32 s10, $0x3  }
0x7: {  	s11 =	ssub.s32 $0x2, s6;
	s4 =	sadd.s32 s3, s4;
	s3 =	simm.s32 $0x2  }
0x8: {  	[tilespmem:s2], [sflag:$0x2] =	stream.linear.gather [hbm4b:s4+s2], $0x20, $0x38;
	[tilespmem:$0x1080] =	vst v63  }
0x9: {  	s5 =	sadd.s32 $0x4600, s5;
	s12 =	sshrl.u32 s11, $0x1;
	_ =	swait.ge [sflag:s3], $0x20  }
0xa: {  	s6 =	simm.s32 $0x20;
	s11 =	ssub.s32 s11, s12;
	[sflag:s3] =	ssyncset.done $0x0  }
0xb: {  	s7 =	simm.s32 $0x80;
	s31 =	smax.u32 s11, $0x1;
	[sflag:s3] =	ssyncadd.s32 $0xFFFFFFE0  }
0xc: {  	[tilespmem:s7], [sflag:$0x1] =	stream.indirect.gather [hbm4b:s5+s6], $0x80, s2, s6, $0xb8;
	[tilespmem:$0x1080] =	vst v63  }
0xd: {  	p0 =	sne.s32 s31, $0x1;
	_ =	swait.ge [sflag:s8], $0x1000  }
.Ltmp0:
0xe: {  	s10 =	sshll.u32 s10, $0x4;
	[sflag:s8] =	ssyncset.done $0x0;
	(pc) =	sbr.rel @!p0 .LBB2_2-.Ltmp0, $4  }
0xf: {  	s9 =	sadd.s32 s9, s10;
	[sflag:s8] =	ssyncadd.s32 $0xFFFFF000  }
0x10: {  	[hbm4b:s9+s2] =	stream.linear.scatter [tilespmem:s7], [sflag:$0x2], $0x1000, $0x38;
	[tilespmem:$0x1080] =	vst v63  }
0x11: {  	_ =	swait.ge [sflag:s3], $0x1000  }
0x12: {  	s10 =	sadd.s32 $0xFFFFFFFF, s31;
	[sflag:s3] =	ssyncset.done $0x0  }
.LBB2_1:
0x13: {  	p0 =	sne.s32 s10, $0x1;
	s10 =	sadd.s32 $0xFFFFFFFF, s10;
	[sflag:s3] =	ssyncadd.s32 $0xFFFFF000  }
0x14: {  	[tilespmem:s2], [sflag:$0x2] =	stream.linear.gather [hbm4b:s4+s2], $0x20, $0x38;
	[tilespmem:$0x1080] =	vst v63  }
0x15: {  	_ =	swait.ge [sflag:s3], $0x20  }
0x16: {  	[sflag:s3] =	ssyncset.done $0x0  }
0x17: {  	[sflag:s3] =	ssyncadd.s32 $0xFFFFFFE0  }
0x18: {  	[tilespmem:s7], [sflag:$0x1] =	stream.indirect.gather [hbm4b:s5+s6], $0x80, s2, s6, $0xb8;
	[tilespmem:$0x1080] =	vst v63  }
0x19: {  	_ =	swait.ge [sflag:s8], $0x1000  }
.Ltmp1:
0x1a: {  	[sflag:s8] =	ssyncset.done $0x0;
	(pc) =	sbr.rel @p0 .LBB2_1-.Ltmp1, $4  }
0x1b: {  	[sflag:s8] =	ssyncadd.s32 $0xFFFFF000  }
0x1c: {  	[hbm4b:s9+s2] =	stream.linear.scatter [tilespmem:s7], [sflag:$0x2], $0x1000, $0x38;
	[tilespmem:$0x1080] =	vst v63  }
0x1d: {  	_ =	swait.ge [sflag:s3], $0x1000  }
0x1e: {  	[sflag:s3] =	ssyncset.done $0x0  }
.LBB2_2:
0x1f: {  	[sflag:s3] =	ssyncadd.s32 $0xFFFFF000  }
0x20: {  	_ =	sfence.sel $0x180000  }
0x21: {  	[bflag:$0x0] =	sbarrier.arrive $0xFFFF  }
0x22: {  	p0 =	sne.s32 s0, $0x0;
	_ =	strace $0x90000050  }
0x23: {  	s0 =	sadd.s32 @!p0 $0x100000, s1;
	[bflag:$0x2] =	sbarrier.arrive $0xFFFF  }
0x24: {  	[sflag:s0] =	ssyncadd.tile.s32 @!p0 $0x1;
	_ =	shalt  }
.Lfunc_end2:
_tile_overlayer_lowered:
.L_overlay_start_2:
0x25: {  	(tag) =	ssettag $0x2  }
0x26: {  	s0 =	rddreg [dreg:$0x0];
	s2 =	stileid.u32  }
0x27: {  	s1 =	rddreg [dreg:$0x1];
	p0 =	sne.s32 s2, $0x0  }
0x28: {  	s3 =	rddreg [dreg:$0x2];
	[bflag:$0x3] =	sbarrier.arrive $0xFFFF;
	s2 =	simm.s32 @!p0 $0x1C02  }
0x29: {  	[timem:s3], [sflag:s2] =	dma.local @!p0 [hbm:s0], s1  }
0x2a: {  	s0 =	simm.s32 @!p0 $0x2  }
0x2b: {  	_ =	swait.ge @!p0 [sflag:s0], s1  }
0x2c: {  	s1 =	ssub.s32 @!p0 $0x0, s1;
	[sflag:s0] =	ssyncset.done @!p0 $0x0  }
0x2d: {  	[sflag:s0] =	ssyncadd.s32 @!p0 s1  }
0x2e: {  	[bflag:$0x3] =	sbarrier.arrive $0xFFFF  }
0x2f: {  	_ =	shalt  }

// kernel: kernel.9.cloned.1.call-start
scs
__scs_entry_jumppad:
0x0: {  	(pc) =	sbr.rel $0x88, $3  }
0x1: {  	(tag) =	ssettag $0x0;
	lr =	simm.s32 $0x1  }
0x2: {  	[smem:$0x3F90] =	sst lr;
	_ =	strace $0xD0000000  }
0x3: {  	_ = 	snop  }
0x4: {  	_ = 	snop  }
0x5: {  	_ = 	snop  }
0x6: {  	_ = 	snop  }
0x7: {  	_ = 	snop  }
__scs_overlays_trampoline_lowered:
0x8: {  	[smem:$0x3F9F] =	sst s0  }
0x9: {  	[smem:$0x3FA0] =	sst s1  }
0xa: {  	[smem:$0x3FA1] =	sst s2  }
0xb: {  	[smem:$0x3FA2] =	sst s3  }
0xc: {  	[smem:$0x3FA3] =	sst s4  }
0xd: {  	[smem:$0x3FA4] =	sst s5  }
0xe: {  	[smem:$0x3FA5] =	sst s6  }
0xf: {  	[smem:$0x3FA6] =	sst s7  }
0x10: {  	[smem:$0x3FA7] =	sst s8  }
0x11: {  	[smem:$0x3FA8] =	sst s9;
	s0 =	simm.s32 @!p0 $0x0  }
0x12: {  	s1 =	sld [smem:$0x3F8E];
	s0 =	simm.s32 @p0 $0x1  }
0x13: {  	[smem:$0x3FA9] =	sst s0;
	s0 =	simm.s32 @!p1 $0x0  }
0x14: {  	s2 =	sld [smem:$0x3F8D];
	s0 =	simm.s32 @p1 $0x1  }
0x15: {  	[smem:$0x3FAA] =	sst s0;
	s0 =	simm.s32 @!p2 $0x0  }
0x16: {  	s3 =	sld [smem:$0x3FDB];
	s0 =	simm.s32 @p2 $0x1  }
0x17: {  	s4 =	simm.s32 $0x1BF5;
	[smem:$0x3FAC] =	sst s0  }
0x18: {  	s0 =	sld [smem:$0x3F8F];
	_ =	swait.ge [sflag:s4], $0x0  }
0x19: {  	s7 =	sld [smem:$0x3F90]  }
0x1a: {  	s8 =	sadd.s32 $0xFFFFE003, lr  }
0x1b: {  	s9 =	sadd.s32 $0xFFFFFEF7, lr;
	s5 =	simm.s32 $0xFFFFFFFF;
	p2 =	slt.u32 s8, $0xFFFFF086  }
0x1c: {  	p1 =	slt.u32 s9, $0xF7A;
	s5 =	simm.s32 @!p2 $0x0  }
0x1d: {  	s5 =	simm.s32 @p1 $0x1;
	p0 =	seq.s32 s7, s2  }
0x1e: {  	s7 =	smul.u32 @!p0 $0xF7A, s2;
	p2 =	seq.s32 @!p0 s5, $0x0  }
0x1f: {  	s9 =	smul.u32 $0xF7A, s1;
	s8 =	simm.s32 @!p0 $0x1BF5;
	p2 =	por !p2, p0  }
0x20: {  	[sflag:s8] =	ssyncset.s32 @!p0 $0xFFFFF086;
	s6 =	sadd.s32 @!p0 s3, s7;
	s7 =	simm.s32 @!p0 $0x108  }
0x21: {  	s3 =	sadd.s32 s3, s9;
	s6 =	sadd.s32 @!p0 $0x88, s6;
	s7 =	simm.s32 @p2 $0x1082  }
0x22: {  	[simem:s7], [sflag:s8] =	dma.local @!p0 [hbm:s6], $0xF7A  }
0x23: {  	s9 =	sor.u32 $0xD0000000, s2;
	s6 =	simm.s32 $0x108;
	_ =	swait.ge @!p0 [sflag:s8], $0x0  }
0x24: {  	s3 =	sadd.s32 $0x88, s3;
	s6 =	simm.s32 @!p1 $0x1082;
	[sflag:s4] =	ssyncset.s32 $0xFFFFF086  }
0x25: {  	[simem:s6], [sflag:s4] =	dma.local [hbm:s3], $0xF7A  }
0x26: {  	[smem:$0x3F90] =	sst s1;
	(tag) =	ssettag s2;
	_ =	strace s9  }
0x27: {  	s1 =	sld [smem:$0x3FA0]  }
0x28: {  	s2 =	sld [smem:$0x3FA1]  }
0x29: {  	s4 =	sld [smem:$0x3FA3]  }
0x2a: {  	p0 =	seq.s32 s5, $0x0;
	s5 =	sld [smem:$0x3FA4]  }
0x2b: {  	s6 =	sld [smem:$0x3FA5]  }
0x2c: {  	s7 =	sld [smem:$0x3FA6]  }
0x2d: {  	s3 =	simm.s32 $0x108;
	s8 =	sld [smem:$0x3FA7]  }
0x2e: {  	s3 =	simm.s32 @!p0 $0x1082;
	s9 =	sld [smem:$0x3FA8]  }
0x2f: {  	lr =	sadd.s32 s0, s3;
	s0 =	sld [smem:$0x3F9F]  }
0x30: {  	s3 =	sld [smem:$0x3FA2]  }
0x31: {  	[smem:$0x3FAB] =	sst s10  }
0x32: {  	s10 =	sld [smem:$0x3FA9];
	_ =	sdelay $0x3  }
0x33: {  	p0 =	seq.s32 s10, $0x1;
	s10 =	sld [smem:$0x3FAB];
	_ =	sdelay $0x3  }
0x34: {  	[smem:$0x3FAB] =	sst s10  }
0x35: {  	s10 =	sld [smem:$0x3FAA];
	_ =	sdelay $0x3  }
0x36: {  	p1 =	seq.s32 s10, $0x1;
	s10 =	sld [smem:$0x3FAB];
	_ =	sdelay $0x3  }
0x37: {  	[smem:$0x3FAB] =	sst s10  }
0x38: {  	s10 =	sld [smem:$0x3FAC]  }
0x39: {  	_ = 	snop;
	(pc) =	sbr.ind lr, $3  }
0x3a: {  	_ = 	snop  }
0x3b: {  	_ = 	snop  }
0x3c: {  	p2 =	seq.s32 s10, $0x1;
	s10 =	sld [smem:$0x3FAB]  }
0x3d: {  	_ =	shalt  }
0x3e: {  	_ =	shalt  }
0x3f: {  	_ =	shalt  }
0x40: {  	_ =	shalt  }
0x41: {  	_ =	shalt  }
0x42: {  	_ =	shalt  }
0x43: {  	_ =	shalt  }
0x44: {  	_ =	shalt  }
0x45: {  	_ =	shalt  }
0x46: {  	_ =	shalt  }
0x47: {  	_ =	shalt  }
0x48: {  	_ =	shalt  }
0x49: {  	_ =	shalt  }
0x4a: {  	_ =	shalt  }
0x4b: {  	_ =	shalt  }
0x4c: {  	_ =	shalt  }
0x4d: {  	_ =	shalt  }
0x4e: {  	_ =	shalt  }
0x4f: {  	_ =	shalt  }
0x50: {  	_ =	shalt  }
0x51: {  	_ =	shalt  }
0x52: {  	_ =	shalt  }
0x53: {  	_ =	shalt  }
0x54: {  	_ =	shalt  }
0x55: {  	_ =	shalt  }
0x56: {  	_ =	shalt  }
0x57: {  	_ =	shalt  }
0x58: {  	_ =	shalt  }
0x59: {  	_ =	shalt  }
0x5a: {  	_ =	shalt  }
0x5b: {  	_ =	shalt  }
0x5c: {  	_ =	shalt  }
0x5d: {  	_ =	shalt  }
0x5e: {  	_ =	shalt  }
0x5f: {  	_ =	shalt  }
0x60: {  	_ =	shalt  }
0x61: {  	_ =	shalt  }
0x62: {  	_ =	shalt  }
0x63: {  	_ =	shalt  }
0x64: {  	_ =	shalt  }
0x65: {  	_ =	shalt  }
0x66: {  	_ =	shalt  }
0x67: {  	_ =	shalt  }
0x68: {  	_ =	shalt  }
0x69: {  	_ =	shalt  }
0x6a: {  	_ =	shalt  }
0x6b: {  	_ =	shalt  }
0x6c: {  	_ =	shalt  }
0x6d: {  	_ =	shalt  }
0x6e: {  	_ =	shalt  }
0x6f: {  	_ =	shalt  }
0x70: {  	_ =	shalt  }
0x71: {  	_ =	shalt  }
0x72: {  	_ =	shalt  }
0x73: {  	_ =	shalt  }
0x74: {  	_ =	shalt  }
0x75: {  	_ =	shalt  }
0x76: {  	_ =	shalt  }
0x77: {  	_ =	shalt  }
0x78: {  	_ =	shalt  }
0x79: {  	_ =	shalt  }
0x7a: {  	_ =	shalt  }
0x7b: {  	_ =	shalt  }
0x7c: {  	_ =	shalt  }
0x7d: {  	_ =	shalt  }
0x7e: {  	_ =	shalt  }
0x7f: {  	_ =	shalt  }
0x80: {  	_ =	shalt  }
0x81: {  	_ =	shalt  }
0x82: {  	_ =	shalt  }
0x83: {  	_ =	shalt  }
0x84: {  	_ =	shalt  }
0x85: {  	_ =	shalt  }
0x86: {  	_ =	shalt  }
0x87: {  	_ =	shalt  }
.Lfunc_end0:
.L_simem_size_0:
called_computation_lowered:
.L_overlay_start_0:
0x88: {  	s2 =	sld [smem:$0x3FD9]  }
0x89: {  	s3 =	sld [smem:$0x3FFE];
	_ =	sdelay $0x1  }
0x8a: {  	s1 =	srdreg.scid  }
0x8b: {  	s0 =	sand.u32 $0x1, s1  }
0x8c: {  	s17 =	sshll.u32 s0, $0xA;
	s2 =	sadd.s32 s3, s2  }
0x8d: {  	s2 =	sadd.s32 s2, s17  }
0x8e: {  	[smem:$0x3FB7] =	sst s2  }
0x8f: {  	_ = 	snop  }
0x90: {  	s2 =	sld [smem:$0x3FD0];
	(tm) =	ssettm $0x1  }
0x91: {  	s18 =	sld [smem:$0x3FFB];
	_ =	sdelay $0x3  }
0x92: {  	_ =	strace s18  }
0x93: {  	s3 =	sld [smem:$0x3FFC];
	_ =	sdelay $0x3  }
0x94: {  	_ =	strace s3  }
0x95: {  	s3 =	sld [smem:$0x3FFD];
	_ =	sdelay $0x3  }
0x96: {  	_ =	strace s3  }
0x97: {  	_ =	strace $0x8FFFFFFF  }
0x98: {  	s19 =	sld [smem:$0x3FDB];
	_ =	sdelay $0x1  }
0x99: {  	s4 =	simm.s32 $_scs_section_size  }
0x9a: {  	s5 =	simm.s32 $_size__tile_overlayer_lowered;
	s6 =	simm.s32 $_tile_overlayer_lowered  }
0x9b: {  	s22 =	simm.s32 $0x1BFF;
	s21 =	sshll.u32 s6, $0x1;
	s3 =	sadd.s32 s4, s19  }
0x9c: {  	s7 =	simm.s32 $0x0;
	s20 =	sshll.u32 s5, $0x1;
	s5 =	sadd.s32 s21, s3  }
0x9d: {  	[timem:s7], [sflag:s22] =	dma.local [hbm:s5], s20  }
0x9e: {  	_ =	swait.ge [sflag:s22], s20  }
0x9f: {  	s4 =	ssub.s32 $0x0, s20;
	[sflag:s22] =	ssyncset.done $0x0  }
0xa0: {  	[sflag:s22] =	ssyncadd.s32 s4;
	_ =	sdelay $0x1  }
0xa1: {  	s23 =	simm.s32 $0x1B8B  }
0xa2: {  	_ =	swait.ge [sflag:s23], $0x1  }
0xa3: {  	[sflag:s23] =	ssyncset.done $0x0  }
0xa4: {  	s25 =	simm.s32 $0x1B8E;
	s24 =	sld [smem:$0x3FFE];
	[sflag:s23] =	ssyncadd.s32 $0xFFFFFFFF  }
0xa5: {  	s26 =	simm.s32 $execute0_lowered;
	[smem:$0x3FD2] =	sst s25  }
0xa6: {  	s5 =	sshll.u32 s26, $0x1;
	_ =	strace $0x80000046;
	[dreg:$0x1] =	wrdreg $0xFFFFFFFF  }
0xa7: {  	s28 =	simm.s32 $_size_execute0_lowered;
	s3 =	sadd.s32 s3, s5;
	[dreg:$0x0] =	wrdreg $0x0  }
0xa8: {  	s5 =	sshll.u32 s28, $0x1;
	[dreg:$0x2] =	wrdreg s3  }
0xa9: {  	[dreg:$0x3] =	wrdreg s5  }
0xaa: {  	[dreg:$0x4] =	wrdreg $0xC0  }
0xab: {  	_ =	task [dreg:s7], $0x5FFFF  }
0xac: {  	[dreg:$0x1] =	wrdreg $0xFFFFFFFF  }
0xad: {  	[dreg:$0x0] =	wrdreg $0x60  }
0xae: {  	[dreg:$0x2] =	wrdreg s24  }
0xaf: {  	[dreg:$0x3] =	wrdreg s2  }
0xb0: {  	[dreg:$0x4] =	wrdreg $0x0  }
0xb1: {  	[dreg:$0x5] =	wrdreg $0x9  }
0xb2: {  	_ =	task.clear_ibuf [dreg:s7], $0x6FFFF;
	_ =	strace $0x90000046  }
0xb3: {  	s29 =	simm.s32 $0x9;
	_ =	strace $0x80000048  }
0xb4: {  	_ =	swait.ge [sflag:s29], $0x1  }
0xb5: {  	[sflag:s29] =	ssyncadd.s32 $0xFFFFFFFF  }
0xb6: {  	_ =	strace $0x90000048  }
0xb7: {  	_ =	sfence  }
0xb8: {  	s30 =	sld [smem:$0x0];
	_ =	sdelay $0x2  }
0xb9: {  	s31 =	sshll.u32 s1, $0xD;
	s1 =	sshrl.u32 s1, $0x2  }
0xba: {  	s3 =	sand.u32 $0x4000, s31;
	s1 =	sadd.s32 s1, s30  }
0xbb: {  	s0 =	sor.u32 s3, s0;
	s1 =	sshll.u32 s1, $0x11  }
0xbc: {  	s0 =	sor.u32 s1, s0  }
0xbd: {  	s0 =	sadd.s32 $0x8F2B, s0  }
0xbe: {  	[sflag:s0] =	ssyncadd.remote.s32 $0x1  }
0xbf: {  	_ =	sfence.sel $0xFFFF  }
0xc0: {  	[dreg:$0x0] =	wrdreg $0xFFFFFFFF;
	(pc) =	sbr.abs _section_cstart, $3  }
0xc1: {  	[dreg:$0x1] =	wrdreg $0xFFFFFFFF  }
0xc2: {  	_ =	task.clear_ibuf [dreg:s7], $0x2FFFF;
	_ =	strace $0x9FFFFFFF  }
0xc3: {  	(tm) =	ssettm $0x7FFFFFFF  }
tec
execute0_lowered:
.L_overlay_start_1:
0x0: {  	(tag) =	ssettag $0x1  }
0x1: {  	s0 =	rddreg [dreg:$0x0]  }
0x2: {  	s1 =	rddreg [dreg:$0x1]  }
0x3: {  	s2 =	rddreg [dreg:$0x2]  }
0x4: {  	s3 =	simm.s32 $0x0;
	s4 =	srdreg.scid;
	s24 =	stileid.u32  }
0x5: {  	s30 =	simm.s32 $0x3;
	s31 =	simm.s32 $0x13C00;
	[smem:$0x7FF] =	sst s3  }
0x6: {  	s5 =	sadd.s32 $0x18600, s0;
	s4 =	sand.u32 $0x1, s4;
	s6 =	sadd.s32 $0xE600, s0  }
0x7: {  	s9 =	sadd.s32 $0x4600, s0;
	s8 =	sadd.s32 $0x41600, s0;
	s17 =	smul.u32 $0x13C00, s24  }
0x8: {  	s10 =	sadd.s32 $0x40E00, s0;
	s18 =	sadd.s32 $0x40600, s0;
	s19 =	sshll.u32 s24, $0x1  }
0x9: {  	s21 =	sshll.u32 s24, $0xE;
	s12 =	sshll.u32 s24, $0x6;
	s22 =	sadd.s32 $0x18610, s0  }
0xa: {  	s23 =	sadd.s32 $0xE610, s0;
	_ =	strace $0x80000047;
	[dreg:$0x4] =	wrdreg s8  }
0xb: {  	p0 =	seq.s32 s24, $0xF;
	s7 =	smul.u32 $0x13C000, s4;
	[dreg:$0x5] =	wrdreg s10  }
0xc: {  	[dreg:$0x6] =	wrdreg s18;
	s10 =	sor.u32 s4, s19;
	s18 =	smul.u32 $0xA00, s24  }
0xd: {  	s20 =	ssub.s32 $0x2, s4;
	s8 =	sadd.s32 s21, s2;
	s10 =	smul.u32 $0x500, s10  }
0xe: {  	s4 =	smul.u32 $0x500, s4;
	s11 =	sshrl.u32 s20, $0x1;
	s7 =	sadd.s32 s17, s7  }
0xf: {  	s11 =	ssub.s32 s20, s11;
	s7 =	sshrl.u32 s7, $0x3;
	s13 =	sadd.s32 s5, s10  }
0x10: {  	s14 =	sadd.s32 s6, s10;
	s15 =	sadd.s32 s10, s22;
	s25 =	sor.u32 $0x10, s10  }
0x11: {  	s26 =	sadd.s32 s10, s23;
	s17 =	sadd.s32 s9, s10;
	s5 =	sadd.s32 s18, s5  }
0x12: {  	s6 =	sadd.s32 s18, s6;
	s9 =	sadd.s32 s18, s9;
	[dreg:$0x7] =	wrdreg s13  }
0x13: {  	s18 =	sor.u32 $0x1C03, s12;
	s7 =	sadd.s32 s7, s0;
	[dreg:$0x8] =	wrdreg s14  }
0x14: {  	s0 =	sadd.s32 $0x4610, s0;
	[dreg:$0x9] =	wrdreg s15;
	s13 =	sadd.s32 s25, s22  }
0x15: {  	[dreg:$0xb] =	wrdreg s26;
	s14 =	sadd.s32 s25, s23;
	s19 =	sadd.s32 s4, s5  }
0x16: {  	s20 =	sadd.s32 s4, s6;
	s21 =	sadd.s32 s4, s9;
	s26 =	sadd.s32 $0xC0000, s8  }
0x17: {  	s5 =	sadd.s32 $0x100000, s8;
	s6 =	simm.s32 $0x4;
	s9 =	simm.s32 $0x2  }
0x18: {  	[dreg:$0xa] =	wrdreg s13;
	s15 =	sadd.s32 s25, s0;
	s16 =	sadd.s32 s10, s0  }
0x19: {  	s10 =	smul.u32 $0x4F000, s24;
	s13 =	sadd.s32 $0x40000, s8;
	s22 =	sadd.s32 $0x41E00, s7  }
.Ltmp0:
0x1a: {  	s25 =	sadd.s32 $0x80000, s8;
	s26 =	sshrl.u32 s26, $0x3;
	(pc) =	sbr.rel .LBB2_1-.Ltmp0, $4  }
0x1b: {  	s28 =	sshrl.u32 @!p0 s5, $0x3;
	s0 =	simm.s32 $0x17C00;
	s5 =	simm.s32 $0x17C80  }
0x1c: {  	s7 =	simm.s32 $0x1;
	s24 =	sshrl.u32 s13, $0x3;
	s23 =	sshrl.u32 s10, $0x2  }
0x1d: {  	s25 =	sshrl.u32 s25, $0x3;
	s10 =	simm.s32 $0x0;
	s4 =	sadd.s32 s23, s2  }
0x1e: {  	s23 =	smax.u32 s11, $0x1;
	s29 =	sshrl.u32 s4, $0x3;
	s4 =	simm.s32 $0x80  }
.LBB2_10:
0x1f: {  	_ =	swait.ge [sflag:s9], $0x4000  }
0x20: {  	s10 =	sadd.s32 $0x1, s10;
	[sflag:s9] =	ssyncset.done $0x0  }
0x21: {  	p1 =	sne.s32 s10, s23;
	[sflag:s9] =	ssyncadd.s32 $0xFFFFC000  }
.Ltmp1:
0x22: {  	[bflag:$0x0] =	sbarrier.arrive $0xFFFF;
	(pc) =	sbr.rel @!p1 .LBB2_11-.Ltmp1, $4  }
0x23: {  	[hbm:s22], [sflag:s18] =	dma.local [spmem:s29], $0x2780  }
0x24: {  	_ =	swait.ge [sflag:s30], $0x2780  }
0x25: {  	[sflag:s30] =	ssyncset.done $0x0  }
0x26: {  	[sflag:s30] =	ssyncadd.s32 $0xFFFFD880  }
.LBB2_1:
0x27: {  	s11 =	sshrl.u32 s8, $0x3  }
0x28: {  	[spmem:s11], [sflag:s18] =	dma.local [hbm:s1], $0x800  }
0x29: {  	_ =	swait.ge [sflag:s30], $0x800  }
0x2a: {  	[sflag:s30] =	ssyncset.done $0x0  }
0x2b: {  	[sflag:s30] =	ssyncadd.s32 $0xFFFFF800  }
0x2c: {  	[spmem:s24], [sflag:s18] =	dma.local [hbm:s1], $0x800  }
0x2d: {  	_ =	swait.ge [sflag:s30], $0x800  }
0x2e: {  	[sflag:s30] =	ssyncset.done $0x0  }
0x2f: {  	[sflag:s30] =	ssyncadd.s32 $0xFFFFF800  }
0x30: {  	[spmem:s25], [sflag:s18] =	dma.local [hbm:s1], $0x800  }
0x31: {  	_ =	swait.ge [sflag:s30], $0x800  }
0x32: {  	[sflag:s30] =	ssyncset.done $0x0  }
0x33: {  	[sflag:s30] =	ssyncadd.s32 $0xFFFFF800  }
0x34: {  	[spmem:s26], [sflag:s18] =	dma.local [hbm:s1], $0x800  }
0x35: {  	_ =	swait.ge [sflag:s30], $0x800  }
0x36: {  	[sflag:s30] =	ssyncset.done $0x0  }
0x37: {  	s11 =	simm.s32 @!p0 $0x3;
	[sflag:s30] =	ssyncadd.s32 $0xFFFFF800  }
0x38: {  	[spmem:s28], [sflag:s18] =	dma.local @!p0 [hbm:s1], $0x800  }
0x39: {  	_ =	swait.ge @!p0 [sflag:s11], $0x800  }
0x3a: {  	[sflag:s11] =	ssyncset.done @!p0 $0x0  }
0x3b: {  	[sflag:s11] =	ssyncadd.s32 @!p0 $0xFFFFF800  }
0x3c: {  	[bflag:$0x0] =	sbarrier.arrive $0xFFFF  }
0x3d: {  	s12 =	rddreg [dreg:$0x4]  }
0x3e: {  	[tilespmem:s31], [sflag:$0x3] =	stream.linear.gather [hbm4b:s12+s3], $0x4000, $0x38;
	[tilespmem:$0x17D00] =	vst v63  }
0x3f: {  	_ =	swait.ge [sflag:s30], $0x4000  }
0x40: {  	[sflag:s30] =	ssyncset.done $0x0  }
0x41: {  	s13 =	rddreg [dreg:$0x7];
	[sflag:s30] =	ssyncadd.s32 $0xFFFFC000  }
0x42: {  	[tilespmem:s0], [sflag:$0x3] =	stream.linear.gather [hbm4b:s13+s3], $0x80, $0x38;
	[tilespmem:$0x17D00] =	vst v63  }
0x43: {  	_ =	swait.ge [sflag:s30], $0x80  }
0x44: {  	[sflag:s30] =	ssyncset.done $0x0  }
0x45: {  	[sflag:s30] =	ssyncadd.s32 $0xFFFFFF80  }
0x46: {  	[spmem:s2] =	stream.indirect.scatter.add.f32 [tilespmem:s31], [sflag:$0x1], $0x80, s0, s4, $0xb8;
	[tilespmem:$0x17D00] =	vst v63  }
0x47: {  	s12 =	rddreg [dreg:$0x9]  }
0x48: {  	[tilespmem:s5], [sflag:$0x4] =	stream.linear.gather [hbm4b:s12+s3], $0x80, $0x38;
	[tilespmem:$0x17D00] =	vst v63  }
0x49: {  	_ =	swait.ge [sflag:s6], $0x80  }
0x4a: {  	[sflag:s6] =	ssyncset.done $0x0  }
0x4b: {  	[sflag:s6] =	ssyncadd.s32 $0xFFFFFF80  }
0x4c: {  	_ =	swait.ge [sflag:s7], $0x4000  }
0x4d: {  	[sflag:s7] =	ssyncset.done $0x0  }
0x4e: {  	[sflag:s7] =	ssyncadd.s32 $0xFFFFC000  }
0x4f: {  	[spmem:s2] =	stream.indirect.scatter.add.f32 [tilespmem:s31], [sflag:$0x2], $0x80, s5, s4, $0xb8;
	[tilespmem:$0x17D00] =	vst v63  }
0x50: {  	s13 =	rddreg [dreg:$0xa]  }
0x51: {  	[tilespmem:s0], [sflag:$0x3] =	stream.linear.gather [hbm4b:s13+s3], $0x80, $0x38;
	[tilespmem:$0x17D00] =	vst v63  }
0x52: {  	_ =	swait.ge [sflag:s30], $0x80  }
0x53: {  	[sflag:s30] =	ssyncset.done $0x0  }
0x54: {  	s11 =	simm.s32 $0xFFFFFB40;
	[sflag:s30] =	ssyncadd.s32 $0xFFFFFF80  }
.LBB2_2:
0x55: {  	_ =	swait.ge [sflag:s9], $0x4000  }
0x56: {  	[sflag:s9] =	ssyncset.done $0x0  }
0x57: {  	s12 =	sadd.s32 s11, s19;
	[sflag:s9] =	ssyncadd.s32 $0xFFFFC000  }
0x58: {  	[spmem:s2] =	stream.indirect.scatter.add.f32 [tilespmem:s31], [sflag:$0x1], $0x80, s0, s4, $0xb8;
	[tilespmem:$0x17D00] =	vst v63  }
0x59: {  	s13 =	sadd.s32 $0x4F0, s12  }
0x5a: {  	[tilespmem:s5], [sflag:$0x4] =	stream.linear.gather [hbm4b:s13+s3], $0x80, $0x38;
	[tilespmem:$0x17D00] =	vst v63  }
0x5b: {  	_ =	swait.ge [sflag:s6], $0x80  }
0x5c: {  	p1 =	seq.s32 s11, $0x0;
	[sflag:s6] =	ssyncset.done $0x0  }
.Ltmp2:
0x5d: {  	[sflag:s6] =	ssyncadd.s32 $0xFFFFFF80;
	(pc) =	sbr.rel @p1 .LBB2_4-.Ltmp2, $4  }
0x5e: {  	_ =	swait.ge [sflag:s7], $0x4000  }
0x5f: {  	[sflag:s7] =	ssyncset.done $0x0  }
0x60: {  	[sflag:s7] =	ssyncadd.s32 $0xFFFFC000  }
0x61: {  	[spmem:s2] =	stream.indirect.scatter.add.f32 [tilespmem:s31], [sflag:$0x2], $0x80, s5, s4, $0xb8;
	[tilespmem:$0x17D00] =	vst v63  }
.Ltmp3:
0x62: {  	s12 =	sadd.s32 $0x500, s12;
	(pc) =	sbr.rel .LBB2_2-.Ltmp3, $4  }
0x63: {  	[tilespmem:s0], [sflag:$0x3] =	stream.linear.gather [hbm4b:s12+s3], $0x80, $0x38;
	[tilespmem:$0x17D00] =	vst v63  }
0x64: {  	_ =	swait.ge [sflag:s30], $0x80  }
0x65: {  	[sflag:s30] =	ssyncset.done $0x0  }
0x66: {  	s11 =	sadd.s32 $0x20, s11;
	[sflag:s30] =	ssyncadd.s32 $0xFFFFFF80  }
.LBB2_4:
0x67: {  	_ =	swait.ge [sflag:s9], $0x4000  }
0x68: {  	[sflag:s9] =	ssyncset.done $0x0  }
0x69: {  	s11 =	rddreg [dreg:$0x5];
	[sflag:s9] =	ssyncadd.s32 $0xFFFFC000  }
0x6a: {  	[tilespmem:s31], [sflag:$0x3] =	stream.linear.gather [hbm4b:s11+s3], $0x4000, $0x38;
	[tilespmem:$0x17D00] =	vst v63  }
0x6b: {  	_ =	swait.ge [sflag:s30], $0x4000  }
0x6c: {  	[sflag:s30] =	ssyncset.done $0x0  }
0x6d: {  	s12 =	rddreg [dreg:$0x8];
	[sflag:s30] =	ssyncadd.s32 $0xFFFFC000  }
0x6e: {  	[tilespmem:s0], [sflag:$0x3] =	stream.linear.gather [hbm4b:s12+s3], $0x80, $0x38;
	[tilespmem:$0x17D00] =	vst v63  }
0x6f: {  	_ =	swait.ge [sflag:s30], $0x80  }
0x70: {  	[sflag:s30] =	ssyncset.done $0x0  }
0x71: {  	[sflag:s30] =	ssyncadd.s32 $0xFFFFFF80  }
0x72: {  	[spmem:s2] =	stream.indirect.scatter.add.f32 [tilespmem:s31], [sflag:$0x1], $0x80, s0, s4, $0xb8;
	[tilespmem:$0x17D00] =	vst v63  }
0x73: {  	s13 =	rddreg [dreg:$0xb]  }
0x74: {  	[tilespmem:s5], [sflag:$0x4] =	stream.linear.gather [hbm4b:s13+s3], $0x80, $0x38;
	[tilespmem:$0x17D00] =	vst v63  }
0x75: {  	_ =	swait.ge [sflag:s6], $0x80  }
0x76: {  	[sflag:s6] =	ssyncset.done $0x0  }
0x77: {  	[sflag:s6] =	ssyncadd.s32 $0xFFFFFF80  }
0x78: {  	_ =	swait.ge [sflag:s7], $0x4000  }
0x79: {  	[sflag:s7] =	ssyncset.done $0x0  }
0x7a: {  	[sflag:s7] =	ssyncadd.s32 $0xFFFFC000  }
0x7b: {  	[spmem:s2] =	stream.indirect.scatter.add.f32 [tilespmem:s31], [sflag:$0x2], $0x80, s5, s4, $0xb8;
	[tilespmem:$0x17D00] =	vst v63  }
0x7c: {  	_ = 	snop  }
0x7d: {  	[tilespmem:s0], [sflag:$0x3] =	stream.linear.gather [hbm4b:s14+s3], $0x80, $0x38;
	[tilespmem:$0x17D00] =	vst v63  }
0x7e: {  	_ =	swait.ge [sflag:s30], $0x80  }
0x7f: {  	[sflag:s30] =	ssyncset.done $0x0  }
0x80: {  	s11 =	simm.s32 $0xFFFFFB40;
	[sflag:s30] =	ssyncadd.s32 $0xFFFFFF80  }
.LBB2_5:
0x81: {  	_ =	swait.ge [sflag:s9], $0x4000  }
0x82: {  	[sflag:s9] =	ssyncset.done $0x0  }
0x83: {  	s12 =	sadd.s32 s11, s20;
	[sflag:s9] =	ssyncadd.s32 $0xFFFFC000  }
0x84: {  	[spmem:s2] =	stream.indirect.scatter.add.f32 [tilespmem:s31], [sflag:$0x1], $0x80, s0, s4, $0xb8;
	[tilespmem:$0x17D00] =	vst v63  }
0x85: {  	s13 =	sadd.s32 $0x4F0, s12  }
0x86: {  	[tilespmem:s5], [sflag:$0x4] =	stream.linear.gather [hbm4b:s13+s3], $0x80, $0x38;
	[tilespmem:$0x17D00] =	vst v63  }
0x87: {  	_ =	swait.ge [sflag:s6], $0x80  }
0x88: {  	p1 =	seq.s32 s11, $0x0;
	[sflag:s6] =	ssyncset.done $0x0  }
.Ltmp4:
0x89: {  	[sflag:s6] =	ssyncadd.s32 $0xFFFFFF80;
	(pc) =	sbr.rel @p1 .LBB2_7-.Ltmp4, $4  }
0x8a: {  	_ =	swait.ge [sflag:s7], $0x4000  }
0x8b: {  	[sflag:s7] =	ssyncset.done $0x0  }
0x8c: {  	[sflag:s7] =	ssyncadd.s32 $0xFFFFC000  }
0x8d: {  	[spmem:s2] =	stream.indirect.scatter.add.f32 [tilespmem:s31], [sflag:$0x2], $0x80, s5, s4, $0xb8;
	[tilespmem:$0x17D00] =	vst v63  }
.Ltmp5:
0x8e: {  	s12 =	sadd.s32 $0x500, s12;
	(pc) =	sbr.rel .LBB2_5-.Ltmp5, $4  }
0x8f: {  	[tilespmem:s0], [sflag:$0x3] =	stream.linear.gather [hbm4b:s12+s3], $0x80, $0x38;
	[tilespmem:$0x17D00] =	vst v63  }
0x90: {  	_ =	swait.ge [sflag:s30], $0x80  }
0x91: {  	[sflag:s30] =	ssyncset.done $0x0  }
0x92: {  	s11 =	sadd.s32 $0x20, s11;
	[sflag:s30] =	ssyncadd.s32 $0xFFFFFF80  }
.LBB2_7:
0x93: {  	_ =	swait.ge [sflag:s9], $0x4000  }
0x94: {  	[sflag:s9] =	ssyncset.done $0x0  }
0x95: {  	s11 =	rddreg [dreg:$0x6];
	[sflag:s9] =	ssyncadd.s32 $0xFFFFC000  }
0x96: {  	[tilespmem:s31], [sflag:$0x3] =	stream.linear.gather [hbm4b:s11+s3], $0x4000, $0x38;
	[tilespmem:$0x17D00] =	vst v63  }
0x97: {  	_ =	swait.ge [sflag:s30], $0x4000  }
0x98: {  	[sflag:s30] =	ssyncset.done $0x0  }
0x99: {  	[sflag:s30] =	ssyncadd.s32 $0xFFFFC000  }
0x9a: {  	[tilespmem:s0], [sflag:$0x3] =	stream.linear.gather [hbm4b:s17+s3], $0x80, $0x38;
	[tilespmem:$0x17D00] =	vst v63  }
0x9b: {  	_ =	swait.ge [sflag:s30], $0x80  }
0x9c: {  	[sflag:s30] =	ssyncset.done $0x0  }
0x9d: {  	[sflag:s30] =	ssyncadd.s32 $0xFFFFFF80  }
0x9e: {  	[spmem:s2] =	stream.indirect.scatter.add.f32 [tilespmem:s31], [sflag:$0x1], $0x80, s0, s4, $0xb8;
	[tilespmem:$0x17D00] =	vst v63  }
0x9f: {  	_ = 	snop  }
0xa0: {  	[tilespmem:s5], [sflag:$0x4] =	stream.linear.gather [hbm4b:s16+s3], $0x80, $0x38;
	[tilespmem:$0x17D00] =	vst v63  }
0xa1: {  	_ =	swait.ge [sflag:s6], $0x80  }
0xa2: {  	[sflag:s6] =	ssyncset.done $0x0  }
0xa3: {  	[sflag:s6] =	ssyncadd.s32 $0xFFFFFF80  }
0xa4: {  	_ =	swait.ge [sflag:s7], $0x4000  }
0xa5: {  	[sflag:s7] =	ssyncset.done $0x0  }
0xa6: {  	[sflag:s7] =	ssyncadd.s32 $0xFFFFC000  }
0xa7: {  	[spmem:s2] =	stream.indirect.scatter.add.f32 [tilespmem:s31], [sflag:$0x2], $0x80, s5, s4, $0xb8;
	[tilespmem:$0x17D00] =	vst v63  }
0xa8: {  	_ = 	snop  }
0xa9: {  	[tilespmem:s0], [sflag:$0x3] =	stream.linear.gather [hbm4b:s15+s3], $0x80, $0x38;
	[tilespmem:$0x17D00] =	vst v63  }
0xaa: {  	_ =	swait.ge [sflag:s30], $0x80  }
0xab: {  	[sflag:s30] =	ssyncset.done $0x0  }
0xac: {  	s11 =	simm.s32 $0xFFFFFB40;
	[sflag:s30] =	ssyncadd.s32 $0xFFFFFF80  }
.LBB2_8:
0xad: {  	_ =	swait.ge [sflag:s9], $0x4000  }
0xae: {  	[sflag:s9] =	ssyncset.done $0x0  }
0xaf: {  	s12 =	sadd.s32 s11, s21;
	[sflag:s9] =	ssyncadd.s32 $0xFFFFC000  }
0xb0: {  	[spmem:s2] =	stream.indirect.scatter.add.f32 [tilespmem:s31], [sflag:$0x1], $0x80, s0, s4, $0xb8;
	[tilespmem:$0x17D00] =	vst v63  }
0xb1: {  	s13 =	sadd.s32 $0x4F0, s12  }
0xb2: {  	[tilespmem:s5], [sflag:$0x4] =	stream.linear.gather [hbm4b:s13+s3], $0x80, $0x38;
	[tilespmem:$0x17D00] =	vst v63  }
0xb3: {  	_ =	swait.ge [sflag:s6], $0x80  }
0xb4: {  	p1 =	seq.s32 s11, $0x0;
	[sflag:s6] =	ssyncset.done $0x0  }
.Ltmp6:
0xb5: {  	[sflag:s6] =	ssyncadd.s32 $0xFFFFFF80;
	(pc) =	sbr.rel @p1 .LBB2_10-.Ltmp6, $4  }
0xb6: {  	_ =	swait.ge [sflag:s7], $0x4000  }
0xb7: {  	[sflag:s7] =	ssyncset.done $0x0  }
0xb8: {  	[sflag:s7] =	ssyncadd.s32 $0xFFFFC000  }
0xb9: {  	[spmem:s2] =	stream.indirect.scatter.add.f32 [tilespmem:s31], [sflag:$0x2], $0x80, s5, s4, $0xb8;
	[tilespmem:$0x17D00] =	vst v63  }
.Ltmp7:
0xba: {  	s12 =	sadd.s32 $0x500, s12;
	(pc) =	sbr.rel .LBB2_8-.Ltmp7, $4  }
0xbb: {  	[tilespmem:s0], [sflag:$0x3] =	stream.linear.gather [hbm4b:s12+s3], $0x80, $0x38;
	[tilespmem:$0x17D00] =	vst v63  }
0xbc: {  	_ =	swait.ge [sflag:s30], $0x80  }
0xbd: {  	[sflag:s30] =	ssyncset.done $0x0  }
0xbe: {  	s11 =	sadd.s32 $0x20, s11;
	[sflag:s30] =	ssyncadd.s32 $0xFFFFFF80  }
.LBB2_11:
0xbf: {  	_ =	sfence.sel $0x180000  }
0xc0: {  	[bflag:$0x0] =	sbarrier.arrive $0xFFFF  }
0xc1: {  	_ =	strace $0x90000047  }
0xc2: {  	s0 =	stileid.u32;
	[bflag:$0x2] =	sbarrier.arrive $0xFFFF  }
0xc3: {  	p0 =	sne.s32 s0, $0x0;
	s0 =	rddreg [dreg:$0x3]  }
0xc4: {  	s0 =	sadd.s32 @!p0 $0x100000, s0  }
0xc5: {  	[sflag:s0] =	ssyncadd.tile.s32 @!p0 $0x1;
	_ =	shalt  }
.Lfunc_end2:
_tile_overlayer_lowered:
.L_overlay_start_2:
0xc6: {  	(tag) =	ssettag $0x2  }
0xc7: {  	s0 =	rddreg [dreg:$0x0];
	s2 =	stileid.u32  }
0xc8: {  	s1 =	rddreg [dreg:$0x1];
	p0 =	sne.s32 s2, $0x0  }
0xc9: {  	s3 =	rddreg [dreg:$0x2];
	[bflag:$0x3] =	sbarrier.arrive $0xFFFF;
	s2 =	simm.s32 @!p0 $0x1C03  }
0xca: {  	[timem:s3], [sflag:s2] =	dma.local @!p0 [hbm:s0], s1  }
0xcb: {  	s0 =	simm.s32 @!p0 $0x3  }
0xcc: {  	_ =	swait.ge @!p0 [sflag:s0], s1  }
0xcd: {  	s1 =	ssub.s32 @!p0 $0x0, s1;
	[sflag:s0] =	ssyncset.done @!p0 $0x0  }
0xce: {  	[sflag:s0] =	ssyncadd.s32 @!p0 s1  }
0xcf: {  	[bflag:$0x3] =	sbarrier.arrive $0xFFFF  }
0xd0: {  	_ =	shalt  }

</sc_bundles>
